<compile_context>
chip_gen: v7x
topology: tpu7x:2x2x1
jax: 0.10.2.dev20260603
libtpu: 0.0.44.dev20260713+nightly
codegen_flags: <defaults>
</compile_context>

<pallas_src>
import functools
import jax
import jax.numpy as jnp
from jax import lax
from jax.experimental import pallas as pl
from jax.experimental.pallas import tpu as pltpu
from jax.experimental.pallas import tpu_sc as plsc

N = 10000
E = 320000
D = 128

NC = 2
NS = 16
NW = NC * NS

CH = 128
NCHUNK = 80
EP = NW * NCHUNK * CH
NBUF = 2
N_PAD = 10112
ROWS_PER_TILE = N_PAD // NS
DUMP_SIZES = (128, 128, 128, 128, 120)
NSLOP = N_PAD - N

_mesh = plsc.VectorSubcoreMesh(core_axis_name="c", subcore_axis_name="s",
                               num_cores=NC, num_subcores=NS)


@functools.partial(
    pl.kernel,
    out_type=jax.ShapeDtypeStruct((NC * N_PAD,), jnp.float32),
    mesh=_mesh,
    scratch_types=[
        pltpu.VMEM_SHARED((N_PAD,), jnp.float32),
        pltpu.VMEM((NCHUNK, CH), jnp.int32),
        pltpu.VMEM((CH,), jnp.float32),
        pltpu.VMEM((ROWS_PER_TILE,), jnp.float32),
        pltpu.SemaphoreType.DMA,
    ],
)
def _sc_degree(dstc_hbm, ones_hbm, zvec_hbm, deg_out, acc_sh, slab_v, ones_v,
               zbuf_v, sem):
    c = lax.axis_index("c")
    s = lax.axis_index("s")
    wid = c * NS + s
    pltpu.sync_copy(zvec_hbm, zbuf_v)
    pltpu.sync_copy(zbuf_v, acc_sh.at[pl.ds(s * ROWS_PER_TILE, ROWS_PER_TILE)])
    pltpu.sync_copy(ones_hbm, ones_v)
    pltpu.sync_copy(dstc_hbm.at[pl.ds(wid * NCHUNK, NCHUNK)], slab_v)
    plsc.subcore_barrier()

    def body(j, carry):
        pltpu.async_copy(ones_v, acc_sh.at[slab_v.at[j]], sem, add=True)
        return carry

    lax.fori_loop(0, NCHUNK, body, 0)

    def drain(j, carry):
        pltpu.make_async_copy(ones_v, acc_sh.at[slab_v.at[0]], sem).wait()
        return carry

    lax.fori_loop(0, NCHUNK, drain, 0)
    plsc.subcore_barrier()
    r0 = s * ROWS_PER_TILE
    pltpu.sync_copy(acc_sh.at[pl.ds(r0, ROWS_PER_TILE)], zbuf_v)
    pltpu.sync_copy(zbuf_v, deg_out.at[pl.ds(c * N_PAD + r0, ROWS_PER_TILE)])


def _unpack_chunk(slab_v, j, src_v, dst_v):
    for i in range(CH // 16):
        v = slab_v[j, pl.ds(i * 16, 16)]
        src_v[pl.ds(i * 16, 16)] = lax.bitwise_and(v, 0xFFFF)
        dst_v[pl.ds(i * 16, 16)] = lax.shift_right_logical(v, 16)


@functools.partial(
    pl.kernel,
    out_type=jax.ShapeDtypeStruct((NC, N_PAD, D), jnp.float32),
    mesh=_mesh,
    scratch_types=[
        pltpu.VMEM_SHARED((N_PAD, D), jnp.float32),
        pltpu.VMEM((NCHUNK, CH), jnp.int32),
        [pltpu.VMEM((CH, D), jnp.float32) for _ in range(NBUF)],
        [pltpu.VMEM((CH,), jnp.int32) for _ in range(2 * NBUF)],
        [pltpu.VMEM((CH,), jnp.int32) for _ in range(2 * NBUF)],
        [pltpu.SemaphoreType.DMA for _ in range(NBUF)],
        [pltpu.SemaphoreType.DMA for _ in range(NBUF)],
    ],
)
def _sc_aggregate(xws_hbm, sdt_hbm, zrows_hbm, agg_out, acc_sh, slab_v,
                  rows_vs, srcs_vs, dsts_vs, gsems, wsems):
    c = lax.axis_index("c")
    s = lax.axis_index("s")
    wid = c * NS + s
    pltpu.sync_copy(zrows_hbm, rows_vs[0])
    r0 = s * ROWS_PER_TILE
    for k, sz in enumerate(DUMP_SIZES):
        pltpu.async_copy(rows_vs[0].at[pl.ds(0, sz), :],
                         acc_sh.at[pl.ds(r0 + 128 * k, sz), :], wsems[0])
    pltpu.sync_copy(sdt_hbm.at[pl.ds(wid * NCHUNK, NCHUNK)], slab_v)
    for k, sz in enumerate(DUMP_SIZES):
        pltpu.make_async_copy(rows_vs[0].at[pl.ds(0, sz), :],
                              acc_sh.at[pl.ds(r0 + 128 * k, sz), :],
                              wsems[0]).wait()
    plsc.subcore_barrier()

    for b in range(NBUF):
        _unpack_chunk(slab_v, b, srcs_vs[2 * b], dsts_vs[2 * b])
        pltpu.async_copy(xws_hbm.at[srcs_vs[2 * b]], rows_vs[b], gsems[b])
    for b in range(NBUF):
        _unpack_chunk(slab_v, NBUF + b, srcs_vs[2 * b + 1], dsts_vs[2 * b + 1])

    def grp(g, carry):
        for half in range(2):
            for b in range(NBUF):
                j = g * 2 * NBUF + half * NBUF + b
                pltpu.make_async_copy(
                    xws_hbm.at[srcs_vs[2 * b + half]], rows_vs[b],
                    gsems[b]).wait()
                pltpu.sync_copy(rows_vs[b], acc_sh.at[dsts_vs[2 * b + half]],
                                add=True)

                @pl.when(j + NBUF < NCHUNK)
                def _():
                    pltpu.async_copy(
                        xws_hbm.at[srcs_vs[2 * b + 1 - half]], rows_vs[b],
                        gsems[b])

                @pl.when(j + 2 * NBUF < NCHUNK)
                def _():
                    _unpack_chunk(slab_v, j + 2 * NBUF, srcs_vs[2 * b + half],
                                  dsts_vs[2 * b + half])
        return carry

    lax.fori_loop(0, NCHUNK // (2 * NBUF), grp, 0)
    plsc.subcore_barrier()
    for k, sz in enumerate(DUMP_SIZES):
        b = k % NBUF
        if k >= NBUF:
            szp = DUMP_SIZES[k - NBUF]
            pltpu.make_async_copy(
                rows_vs[b].at[pl.ds(0, szp), :],
                agg_out.at[c, pl.ds(r0 + 128 * (k - NBUF), szp), :],
                wsems[b]).wait()
        pltpu.sync_copy(acc_sh.at[pl.ds(r0 + 128 * k, sz), :],
                        rows_vs[b].at[pl.ds(0, sz), :])
        pltpu.async_copy(rows_vs[b].at[pl.ds(0, sz), :],
                         agg_out.at[c, pl.ds(r0 + 128 * k, sz), :], wsems[b])
    for k in range(len(DUMP_SIZES) - NBUF, len(DUMP_SIZES)):
        b = k % NBUF
        sz = DUMP_SIZES[k]
        pltpu.make_async_copy(rows_vs[b].at[pl.ds(0, sz), :],
                              agg_out.at[c, pl.ds(r0 + 128 * k, sz), :],
                              wsems[b]).wait()


def _tc_pack_body(ei_ref, sdt_ref, dstc_ref):
    src3 = ei_ref[0, :].reshape(E // CH, CH)
    dst3 = ei_ref[1, :].reshape(E // CH, CH)
    sdt_ref[:E // CH, :] = src3 | lax.shift_left(dst3, 16)
    dstc_ref[:E // CH, :] = dst3
    nsl = EP // CH - E // CH
    row = lax.broadcasted_iota(jnp.int32, (nsl, CH), 0)
    col = lax.broadcasted_iota(jnp.int32, (nsl, CH), 1)
    slop = N + lax.rem(row * CH + col, NSLOP)
    sdt_ref[E // CH:, :] = slop | lax.shift_left(slop, 16)
    dstc_ref[E // CH:, :] = slop



def _tc_pre_body(degp_ref, t_ref, z_ref, wt1_ref, bt1_ref, wt2_ref, bt2_ref,
                 wenc_ref, xws1_ref, dinv_ref, temb_ref):
    deg = degp_ref[0, :] + degp_ref[1, :] + 1.0
    dinv_all = lax.rsqrt(deg)
    dinv = dinv_all[:N].reshape(N, 1)
    dinv_ref[...] = dinv
    t_in = t_ref[...].astype(jnp.float32)
    h = t_in * wt1_ref[...] + bt1_ref[...]
    h = 0.5 * h * (1.0 + lax.erf(h * 0.7071067811865476))
    temb_ref[...] = jnp.dot(h, wt2_ref[...],
                            preferred_element_type=jnp.float32) + bt2_ref[...]
    xw1 = jnp.dot(z_ref[...], wenc_ref[...],
                  preferred_element_type=jnp.float32)
    xws1_ref[:N, :] = xw1 * dinv
    xws1_ref[N:, :] = jnp.zeros((N_PAD - N, D), jnp.float32)


def _tc_mid_body(p_ref, xws1_ref, dinv_ref, temb_ref, benc_ref, wdec_ref,
                 xws2_ref):
    dinv = dinv_ref[...]
    agg = p_ref[0, :N, :] + p_ref[1, :N, :] + xws1_ref[:N, :]
    pre = dinv * agg + benc_ref[...] + temb_ref[...]
    h1 = jnp.where(pre > 0, pre, jnp.exp(jnp.minimum(pre, 0.0)) - 1.0)
    xw2 = jnp.dot(h1, wdec_ref[...], preferred_element_type=jnp.float32)
    xws2_ref[:N, :] = xw2 * dinv
    xws2_ref[N:, :] = jnp.zeros((N_PAD - N, D), jnp.float32)


def _tc_post_body(q_ref, xws2_ref, dinv_ref, bdec_ref, out_ref):
    agg = q_ref[0, :N, :] + q_ref[1, :N, :] + xws2_ref[:N, :]
    out_ref[...] = dinv_ref[...] * agg + bdec_ref[...]


def kernel(z, edge_index, t, W_t1, b_t1, W_t2, b_t2, W_enc, b_enc, W_dec,
           b_dec):
    ei = (edge_index if edge_index.dtype == jnp.int32
          else edge_index.astype(jnp.int32))
    sdt, dstc = pl.pallas_call(
        _tc_pack_body,
        out_shape=(
            jax.ShapeDtypeStruct((EP // CH, CH), jnp.int32),
            jax.ShapeDtypeStruct((EP // CH, CH), jnp.int32),
        ),
    )(ei)

    ones_ch = jnp.ones((CH,), jnp.float32)
    zvec = jnp.zeros((ROWS_PER_TILE,), jnp.float32)
    zrows = jnp.zeros((CH, D), jnp.float32)

    degp = _sc_degree(dstc, ones_ch, zvec).reshape(NC, N_PAD)

    xws1, dinv, temb = pl.pallas_call(
        _tc_pre_body,
        out_shape=(
            jax.ShapeDtypeStruct((N_PAD, D), jnp.float32),
            jax.ShapeDtypeStruct((N, 1), jnp.float32),
            jax.ShapeDtypeStruct((N, D), jnp.float32),
        ),
    )(degp, t.astype(jnp.int32).reshape(N, 1), z, W_t1, b_t1.reshape(1, D),
      W_t2, b_t2.reshape(1, D), W_enc)

    p = _sc_aggregate(xws1, sdt, zrows)

    xws2 = pl.pallas_call(
        _tc_mid_body,
        out_shape=jax.ShapeDtypeStruct((N_PAD, D), jnp.float32),
    )(p, xws1, dinv, temb, b_enc.reshape(1, D), W_dec)

    q = _sc_aggregate(xws2, sdt, zrows)

    out = pl.pallas_call(
        _tc_post_body,
        out_shape=jax.ShapeDtypeStruct((N, D), jnp.float32),
    )(q, xws2, dinv, b_dec.reshape(1, D))
    return out

# --- scband reference (transcript-rebuilt; emitter-appended) ---
"""Pipeline reference for scband-denoise-net-52759378264425 (READ-ONLY COPY).

The authoritative reference and input builder live on the scoring server;
editing this copy changes nothing except your own understanding.
"""

import jax, jax.numpy as jnp
import numpy as np

N = 10000
E = 320000
D = 128


def _glorot(key, shape):
    fan_in, fan_out = shape[0], shape[1]
    lim = float(np.sqrt(6.0 / (fan_in + fan_out)))
    return jax.random.uniform(key, shape, minval=-lim, maxval=lim, dtype=jnp.float32)


def setup_inputs(seed: int = 0) -> dict:
    key = jax.random.key(seed)
    ks = jax.random.split(key, 8)
    z = jax.random.normal(ks[0], (N, D), dtype=jnp.float32)
    edge_index = jax.random.randint(ks[1], (2, E), 0, N, dtype=jnp.int64)
    t = jax.random.randint(ks[2], (N,), 0, 1000, dtype=jnp.int64)
    # time_emb MLP params: Linear(1, D) -> GELU -> Linear(D, D)
    W_t1 = _glorot(ks[3], (1, D))
    b_t1 = jnp.zeros((D,), dtype=jnp.float32)
    W_t2 = _glorot(ks[4], (D, D))
    b_t2 = jnp.zeros((D,), dtype=jnp.float32)
    # GCNConv weights (stored as [in, out], applied as x @ W)
    W_enc = _glorot(ks[5], (D, D))
    b_enc = jnp.zeros((D,), dtype=jnp.float32)
    W_dec = _glorot(ks[6], (D, D))
    b_dec = jnp.zeros((D,), dtype=jnp.float32)
    return {"z": z, "edge_index": edge_index, "t": t,
            "W_t1": W_t1, "b_t1": b_t1, "W_t2": W_t2, "b_t2": b_t2,
            "W_enc": W_enc, "b_enc": b_enc, "W_dec": W_dec, "b_dec": b_dec}


def gcn_conv(x, edge_index, W, b):
    # PyG GCNConv: add self-loops, symmetric normalization, linear, scatter-add, bias
    n = x.shape[0]
    loop = jnp.arange(n, dtype=edge_index.dtype)
    src = jnp.concatenate([edge_index[0], loop])
    dst = jnp.concatenate([edge_index[1], loop])
    xw = x @ W
    ones = jnp.ones(src.shape[0], dtype=x.dtype)
    deg = jnp.zeros((n,), dtype=x.dtype).at[dst].add(ones)
    dinv = jnp.where(deg > 0, 1.0 / jnp.sqrt(deg), 0.0)
    norm = dinv[src] * dinv[dst]
    msg = xw[src] * norm[:, None]
    out = jnp.zeros_like(xw).at[dst].add(msg)
    return out + b


def reference(z, edge_index, t, W_t1, b_t1, W_t2, b_t2, W_enc, b_enc, W_dec, b_dec):
    t_in = t.astype(jnp.float32).reshape(-1, 1)
    h = t_in @ W_t1 + b_t1
    h = jax.nn.gelu(h, approximate=False)
    t_emb = h @ W_t2 + b_t2
    h1 = jax.nn.elu(gcn_conv(z, edge_index, W_enc, b_enc) + t_emb)
    noise_pred = gcn_conv(h1, edge_index, W_dec, b_dec)
    return noise_pred

if __name__ == "__main__":
    import jax
    _d = setup_inputs()
    print(jax.jit(kernel)(*tuple(_d.values())))

</pallas_src>

<mosaic_0001>
#map = affine_map<(d0, d1) -> (0, 0)>
#map1 = affine_map<(d0, d1) -> (0)>
module attributes {stable_mosaic.version = 14 : i64} {
  func.func @_sc_degree(%arg0: i32, %arg1: i32, %arg2: memref<2560x128xi32, #tpu.memory_space<hbm>>, %arg3: memref<128xf32, #tpu.memory_space<hbm>>, %arg4: memref<632xf32, #tpu.memory_space<hbm>>, %arg5: memref<20224xf32, #tpu.memory_space<hbm>>, %arg6: memref<10112xf32, #tpu.memory_space<vmem_shared>>, %arg7: memref<80x128xi32, #tpu.memory_space<vmem>>, %arg8: memref<128xf32, #tpu.memory_space<vmem>>, %arg9: memref<632xf32, #tpu.memory_space<vmem>>, %arg10: memref<!tpu.dma_semaphore, #tpu.memory_space<semaphore_mem>>) attributes {dimension_semantics = [#tpu.dimension_semantics<core_parallel>, #tpu.dimension_semantics<subcore_parallel>], iteration_bounds = array<i64: 2, 16>, scalar_prefetch = 0 : i64, scratch_operands = 5 : i64, tpu.core_type = #tpu.core_type<sc_vector_subcore>, window_params = [{transform_indices = #map}, {transform_indices = #map1}, {transform_indices = #map1}, {transform_indices = #map1}]} {
    %mul3A = arith.constant 16 : i32
    %mul3A_0 = arith.muli %arg0, %mul3A : i32
    %add3A = arith.addi %mul3A_0, %arg1 : i32
    "tpu.region"() ({
      %run_scoped3A = tpu.sem_alloc : memref<!tpu.dma_semaphore, #tpu.memory_space<semaphore_mem>>
      tpu.enqueue_dma source(%arg4 : memref<632xf32, #tpu.memory_space<hbm>>) target(%arg9 : memref<632xf32, #tpu.memory_space<vmem>>) target_semaphore(%run_scoped3A : memref<!tpu.dma_semaphore, #tpu.memory_space<semaphore_mem>>)
      tpu.wait_dma2 semaphore(%run_scoped3A : memref<!tpu.dma_semaphore, #tpu.memory_space<semaphore_mem>>) src(%arg4 : memref<632xf32, #tpu.memory_space<hbm>>) dst(%arg9 : memref<632xf32, #tpu.memory_space<vmem>>)
      tpu.yield
    }) : () -> ()
    %mul3A_1 = arith.constant 632 : i32
    %mul3A_2 = arith.muli %arg1, %mul3A_1 : i32
    "tpu.region"() ({
      %run_scoped3A = tpu.sem_alloc : memref<!tpu.dma_semaphore, #tpu.memory_space<semaphore_mem>>
      %dma_start3A = tpu.memref_slice %arg6[%mul3A_2] : memref<10112xf32, #tpu.memory_space<vmem_shared>> -> memref<632xf32, #tpu.memory_space<vmem_shared>>
      %dma_start3A_22 = tpu.memref_slice %arg6[%mul3A_2] : memref<10112xf32, #tpu.memory_space<vmem_shared>> -> memref<632xf32, #tpu.memory_space<vmem_shared>>
      tpu.enqueue_dma source(%arg9 : memref<632xf32, #tpu.memory_space<vmem>>) target(%dma_start3A_22 : memref<632xf32, #tpu.memory_space<vmem_shared>>) target_semaphore(%run_scoped3A : memref<!tpu.dma_semaphore, #tpu.memory_space<semaphore_mem>>)
      %dma_wait3A = tpu.memref_slice %arg6[%mul3A_2] : memref<10112xf32, #tpu.memory_space<vmem_shared>> -> memref<632xf32, #tpu.memory_space<vmem_shared>>
      %dma_wait3A_23 = tpu.memref_slice %arg6[%mul3A_2] : memref<10112xf32, #tpu.memory_space<vmem_shared>> -> memref<632xf32, #tpu.memory_space<vmem_shared>>
      tpu.wait_dma2 semaphore(%run_scoped3A : memref<!tpu.dma_semaphore, #tpu.memory_space<semaphore_mem>>) src(%arg9 : memref<632xf32, #tpu.memory_space<vmem>>) dst(%dma_wait3A_23 : memref<632xf32, #tpu.memory_space<vmem_shared>>)
      tpu.yield
    }) : () -> ()
    "tpu.region"() ({
      %run_scoped3A = tpu.sem_alloc : memref<!tpu.dma_semaphore, #tpu.memory_space<semaphore_mem>>
      tpu.enqueue_dma source(%arg3 : memref<128xf32, #tpu.memory_space<hbm>>) target(%arg8 : memref<128xf32, #tpu.memory_space<vmem>>) target_semaphore(%run_scoped3A : memref<!tpu.dma_semaphore, #tpu.memory_space<semaphore_mem>>)
      tpu.wait_dma2 semaphore(%run_scoped3A : memref<!tpu.dma_semaphore, #tpu.memory_space<semaphore_mem>>) src(%arg3 : memref<128xf32, #tpu.memory_space<hbm>>) dst(%arg8 : memref<128xf32, #tpu.memory_space<vmem>>)
      tpu.yield
    }) : () -> ()
    %mul3A_3 = arith.constant 80 : i32
    %mul3A_4 = arith.muli %add3A, %mul3A_3 : i32
    "tpu.region"() ({
      %run_scoped3A = tpu.sem_alloc : memref<!tpu.dma_semaphore, #tpu.memory_space<semaphore_mem>>
      %dma_start3A = arith.constant 0 : i32
      %dma_start3A_22 = tpu.memref_slice %arg2[%mul3A_4, %dma_start3A] : memref<2560x128xi32, #tpu.memory_space<hbm>> -> memref<80x128xi32, #tpu.memory_space<hbm>>
      %dma_start3A_23 = arith.constant 0 : i32
      %dma_start3A_24 = tpu.memref_slice %arg2[%mul3A_4, %dma_start3A_23] : memref<2560x128xi32, #tpu.memory_space<hbm>> -> memref<80x128xi32, #tpu.memory_space<hbm>>
      tpu.enqueue_dma source(%dma_start3A_24 : memref<80x128xi32, #tpu.memory_space<hbm>>) target(%arg7 : memref<80x128xi32, #tpu.memory_space<vmem>>) target_semaphore(%run_scoped3A : memref<!tpu.dma_semaphore, #tpu.memory_space<semaphore_mem>>)
      %dma_wait3A = arith.constant 0 : i32
      %dma_wait3A_25 = tpu.memref_slice %arg2[%mul3A_4, %dma_wait3A] : memref<2560x128xi32, #tpu.memory_space<hbm>> -> memref<80x128xi32, #tpu.memory_space<hbm>>
      %dma_wait3A_26 = arith.constant 0 : i32
      %dma_wait3A_27 = tpu.memref_slice %arg2[%mul3A_4, %dma_wait3A_26] : memref<2560x128xi32, #tpu.memory_space<hbm>> -> memref<80x128xi32, #tpu.memory_space<hbm>>
      tpu.wait_dma2 semaphore(%run_scoped3A : memref<!tpu.dma_semaphore, #tpu.memory_space<semaphore_mem>>) src(%dma_wait3A_27 : memref<80x128xi32, #tpu.memory_space<hbm>>) dst(%arg7 : memref<80x128xi32, #tpu.memory_space<vmem>>)
      tpu.yield
    }) : () -> ()
    %barrier3A = arith.constant 0 : index
    tpu.barrier barrier_id(%barrier3A)
    %scan3A = arith.constant 0 : i32
    %scan3A_5 = arith.constant 0 : i32
    %scan3A_6 = arith.constant 80 : i32
    %scan3A_7 = arith.addi %scan3A_5, %scan3A_6 : i32
    %scan3A_8 = arith.constant 1 : i32
    scf.for %scan3A_22 = %scan3A_5 to %scan3A_7 step %scan3A_8  : i32 {
      %dma_start3A = arith.constant 0 : i32
      %dma_start3A_23 = tpu.memref_slice %arg7[%scan3A_22, %dma_start3A] : memref<80x128xi32, #tpu.memory_space<vmem>> -> memref<1x128xi32, #tpu.memory_space<vmem>>
      %dma_start3A_24 = tpu.memref_squeeze %dma_start3A_23 : memref<1x128xi32, #tpu.memory_space<vmem>> -> memref<128xi32, #tpu.memory_space<vmem>>
      %dma_start3A_25 = arith.constant 0 : i32
      %dma_start3A_26 = tpu.memref_slice %arg6[%dma_start3A_25] : memref<10112xf32, #tpu.memory_space<vmem_shared>> -> memref<10112xf32, #tpu.memory_space<vmem_shared>>
      tpu.enqueue_indirect_dma source(%arg8 : memref<128xf32, #tpu.memory_space<vmem>>) target(%dma_start3A_26 : memref<10112xf32, #tpu.memory_space<vmem_shared>>) offsets(%dma_start3A_24 : memref<128xi32, #tpu.memory_space<vmem>>) semaphore(%arg10 : memref<!tpu.dma_semaphore, #tpu.memory_space<semaphore_mem>>) {add = true}
    }
    %scan3A_9 = arith.constant 80 : i32
    %scan3A_10 = arith.constant 0 : i32
    %scan3A_11 = arith.constant 0 : i32
    %scan3A_12 = arith.constant 80 : i32
    %scan3A_13 = arith.addi %scan3A_11, %scan3A_12 : i32
    %scan3A_14 = arith.constant 1 : i32
    scf.for %scan3A_22 = %scan3A_11 to %scan3A_13 step %scan3A_14  : i32 {
      %dma_wait3A = arith.constant 0 : i32
      %dma_wait3A_23 = arith.constant 0 : i32
      %dma_wait3A_24 = tpu.memref_slice %arg7[%dma_wait3A, %dma_wait3A_23] : memref<80x128xi32, #tpu.memory_space<vmem>> -> memref<1x128xi32, #tpu.memory_space<vmem>>
      %dma_wait3A_25 = tpu.memref_squeeze %dma_wait3A_24 : memref<1x128xi32, #tpu.memory_space<vmem>> -> memref<128xi32, #tpu.memory_space<vmem>>
      %dma_wait3A_26 = arith.constant 0 : i32
      %dma_wait3A_27 = tpu.memref_slice %arg6[%dma_wait3A_26] : memref<10112xf32, #tpu.memory_space<vmem_shared>> -> memref<10112xf32, #tpu.memory_space<vmem_shared>>
      tpu.wait_indirect_dma semaphore(%arg10 : memref<!tpu.dma_semaphore, #tpu.memory_space<semaphore_mem>>) src(%arg8 : memref<128xf32, #tpu.memory_space<vmem>>) dst(%dma_wait3A_27 : memref<10112xf32, #tpu.memory_space<vmem_shared>>)
    }
    %scan3A_15 = arith.constant 80 : i32
    %barrier3A_16 = arith.constant 0 : index
    tpu.barrier barrier_id(%barrier3A_16)
    %mul3A_17 = arith.constant 632 : i32
    %mul3A_18 = arith.muli %arg1, %mul3A_17 : i32
    "tpu.region"() ({
      %run_scoped3A = tpu.sem_alloc : memref<!tpu.dma_semaphore, #tpu.memory_space<semaphore_mem>>
      %dma_start3A = tpu.memref_slice %arg6[%mul3A_18] : memref<10112xf32, #tpu.memory_space<vmem_shared>> -> memref<632xf32, #tpu.memory_space<vmem_shared>>
      %dma_start3A_22 = tpu.memref_slice %arg6[%mul3A_18] : memref<10112xf32, #tpu.memory_space<vmem_shared>> -> memref<632xf32, #tpu.memory_space<vmem_shared>>
      tpu.enqueue_dma source(%dma_start3A_22 : memref<632xf32, #tpu.memory_space<vmem_shared>>) target(%arg9 : memref<632xf32, #tpu.memory_space<vmem>>) target_semaphore(%run_scoped3A : memref<!tpu.dma_semaphore, #tpu.memory_space<semaphore_mem>>)
      %dma_wait3A = tpu.memref_slice %arg6[%mul3A_18] : memref<10112xf32, #tpu.memory_space<vmem_shared>> -> memref<632xf32, #tpu.memory_space<vmem_shared>>
      %dma_wait3A_23 = tpu.memref_slice %arg6[%mul3A_18] : memref<10112xf32, #tpu.memory_space<vmem_shared>> -> memref<632xf32, #tpu.memory_space<vmem_shared>>
      tpu.wait_dma2 semaphore(%run_scoped3A : memref<!tpu.dma_semaphore, #tpu.memory_space<semaphore_mem>>) src(%dma_wait3A_23 : memref<632xf32, #tpu.memory_space<vmem_shared>>) dst(%arg9 : memref<632xf32, #tpu.memory_space<vmem>>)
      tpu.yield
    }) : () -> ()
    %mul3A_19 = arith.constant 10112 : i32
    %mul3A_20 = arith.muli %arg0, %mul3A_19 : i32
    %add3A_21 = arith.addi %mul3A_20, %mul3A_18 : i32
    "tpu.region"() ({
      %run_scoped3A = tpu.sem_alloc : memref<!tpu.dma_semaphore, #tpu.memory_space<semaphore_mem>>
      %dma_start3A = tpu.memref_slice %arg5[%add3A_21] : memref<20224xf32, #tpu.memory_space<hbm>> -> memref<632xf32, #tpu.memory_space<hbm>>
      %dma_start3A_22 = tpu.memref_slice %arg5[%add3A_21] : memref<20224xf32, #tpu.memory_space<hbm>> -> memref<632xf32, #tpu.memory_space<hbm>>
      tpu.enqueue_dma source(%arg9 : memref<632xf32, #tpu.memory_space<vmem>>) target(%dma_start3A_22 : memref<632xf32, #tpu.memory_space<hbm>>) target_semaphore(%run_scoped3A : memref<!tpu.dma_semaphore, #tpu.memory_space<semaphore_mem>>)
      %dma_wait3A = tpu.memref_slice %arg5[%add3A_21] : memref<20224xf32, #tpu.memory_space<hbm>> -> memref<632xf32, #tpu.memory_space<hbm>>
      %dma_wait3A_23 = tpu.memref_slice %arg5[%add3A_21] : memref<20224xf32, #tpu.memory_space<hbm>> -> memref<632xf32, #tpu.memory_space<hbm>>
      tpu.wait_dma2 semaphore(%run_scoped3A : memref<!tpu.dma_semaphore, #tpu.memory_space<semaphore_mem>>) src(%arg9 : memref<632xf32, #tpu.memory_space<vmem>>) dst(%dma_wait3A_23 : memref<632xf32, #tpu.memory_space<hbm>>)
      tpu.yield
    }) : () -> ()
    return
  }
}

#map = affine_map<(d0, d1) -> (0, 0)>
#map1 = affine_map<(d0, d1) -> (0, 0, 0)>
module attributes {stable_mosaic.version = 14 : i64} {
  func.func @_sc_aggregate(%arg0: i32, %arg1: i32, %arg2: memref<10112x128xf32, #tpu.memory_space<hbm>>, %arg3: memref<2560x128xi32, #tpu.memory_space<hbm>>, %arg4: memref<128x128xf32, #tpu.memory_space<hbm>>, %arg5: memref<2x10112x128xf32, #tpu.memory_space<hbm>>, %arg6: memref<10112x128xf32, #tpu.memory_space<vmem_shared>>, %arg7: memref<80x128xi32, #tpu.memory_space<vmem>>, %arg8: memref<128x128xf32, #tpu.memory_space<vmem>>, %arg9: memref<128x128xf32, #tpu.memory_space<vmem>>, %arg10: memref<128xi32, #tpu.memory_space<vmem>>, %arg11: memref<128xi32, #tpu.memory_space<vmem>>, %arg12: memref<128xi32, #tpu.memory_space<vmem>>, %arg13: memref<128xi32, #tpu.memory_space<vmem>>, %arg14: memref<128xi32, #tpu.memory_space<vmem>>, %arg15: memref<128xi32, #tpu.memory_space<vmem>>, %arg16: memref<128xi32, #tpu.memory_space<vmem>>, %arg17: memref<128xi32, #tpu.memory_space<vmem>>, %arg18: memref<!tpu.dma_semaphore, #tpu.memory_space<semaphore_mem>>, %arg19: memref<!tpu.dma_semaphore, #tpu.memory_space<semaphore_mem>>, %arg20: memref<!tpu.dma_semaphore, #tpu.memory_space<semaphore_mem>>, %arg21: memref<!tpu.dma_semaphore, #tpu.memory_space<semaphore_mem>>) attributes {dimension_semantics = [#tpu.dimension_semantics<core_parallel>, #tpu.dimension_semantics<subcore_parallel>], iteration_bounds = array<i64: 2, 16>, scalar_prefetch = 0 : i64, scratch_operands = 16 : i64, tpu.core_type = #tpu.core_type<sc_vector_subcore>, window_params = [{transform_indices = #map}, {transform_indices = #map}, {transform_indices = #map}, {transform_indices = #map1}]} {
    %mul3A = arith.constant 16 : i32
    %mul3A_0 = arith.muli %arg0, %mul3A : i32
    %add3A = arith.addi %mul3A_0, %arg1 : i32
    "tpu.region"() ({
      %run_scoped3A = tpu.sem_alloc : memref<!tpu.dma_semaphore, #tpu.memory_space<semaphore_mem>>
      tpu.enqueue_dma source(%arg4 : memref<128x128xf32, #tpu.memory_space<hbm>>) target(%arg8 : memref<128x128xf32, #tpu.memory_space<vmem>>) target_semaphore(%run_scoped3A : memref<!tpu.dma_semaphore, #tpu.memory_space<semaphore_mem>>)
      tpu.wait_dma2 semaphore(%run_scoped3A : memref<!tpu.dma_semaphore, #tpu.memory_space<semaphore_mem>>) src(%arg4 : memref<128x128xf32, #tpu.memory_space<hbm>>) dst(%arg8 : memref<128x128xf32, #tpu.memory_space<vmem>>)
      tpu.yield
    }) : () -> ()
    %mul3A_1 = arith.constant 632 : i32
    %mul3A_2 = arith.muli %arg1, %mul3A_1 : i32
    %add3A_3 = arith.constant 0 : i32
    %add3A_4 = arith.addi %mul3A_2, %add3A_3 : i32
    %dma_start3A = arith.constant 0 : i32
    %dma_start3A_5 = arith.constant 0 : i32
    %dma_start3A_6 = tpu.memref_slice %arg8[%dma_start3A, %dma_start3A_5] : memref<128x128xf32, #tpu.memory_space<vmem>> -> memref<128x128xf32, #tpu.memory_space<vmem>>
    %dma_start3A_7 = arith.constant 0 : i32
    %dma_start3A_8 = tpu.memref_slice %arg6[%add3A_4, %dma_start3A_7] : memref<10112x128xf32, #tpu.memory_space<vmem_shared>> -> memref<128x128xf32, #tpu.memory_space<vmem_shared>>
    %dma_start3A_9 = arith.constant 0 : i32
    %dma_start3A_10 = tpu.memref_slice %arg6[%add3A_4, %dma_start3A_9] : memref<10112x128xf32, #tpu.memory_space<vmem_shared>> -> memref<128x128xf32, #tpu.memory_space<vmem_shared>>
    %dma_start3A_11 = arith.constant 0 : i32
    %dma_start3A_12 = arith.constant 0 : i32
    %dma_start3A_13 = tpu.memref_slice %arg8[%dma_start3A_11, %dma_start3A_12] : memref<128x128xf32, #tpu.memory_space<vmem>> -> memref<128x128xf32, #tpu.memory_space<vmem>>
    tpu.enqueue_dma source(%dma_start3A_13 : memref<128x128xf32, #tpu.memory_space<vmem>>) target(%dma_start3A_10 : memref<128x128xf32, #tpu.memory_space<vmem_shared>>) target_semaphore(%arg20 : memref<!tpu.dma_semaphore, #tpu.memory_space<semaphore_mem>>)
    %add3A_14 = arith.constant 128 : i32
    %add3A_15 = arith.addi %mul3A_2, %add3A_14 : i32
    %dma_start3A_16 = arith.constant 0 : i32
    %dma_start3A_17 = arith.constant 0 : i32
    %dma_start3A_18 = tpu.memref_slice %arg8[%dma_start3A_16, %dma_start3A_17] : memref<128x128xf32, #tpu.memory_space<vmem>> -> memref<128x128xf32, #tpu.memory_space<vmem>>
    %dma_start3A_19 = arith.constant 0 : i32
    %dma_start3A_20 = tpu.memref_slice %arg6[%add3A_15, %dma_start3A_19] : memref<10112x128xf32, #tpu.memory_space<vmem_shared>> -> memref<128x128xf32, #tpu.memory_space<vmem_shared>>
    %dma_start3A_21 = arith.constant 0 : i32
    %dma_start3A_22 = tpu.memref_slice %arg6[%add3A_15, %dma_start3A_21] : memref<10112x128xf32, #tpu.memory_space<vmem_shared>> -> memref<128x128xf32, #tpu.memory_space<vmem_shared>>
    %dma_start3A_23 = arith.constant 0 : i32
    %dma_start3A_24 = arith.constant 0 : i32
    %dma_start3A_25 = tpu.memref_slice %arg8[%dma_start3A_23, %dma_start3A_24] : memref<128x128xf32, #tpu.memory_space<vmem>> -> memref<128x128xf32, #tpu.memory_space<vmem>>
    tpu.enqueue_dma source(%dma_start3A_25 : memref<128x128xf32, #tpu.memory_space<vmem>>) target(%dma_start3A_22 : memref<128x128xf32, #tpu.memory_space<vmem_shared>>) target_semaphore(%arg20 : memref<!tpu.dma_semaphore, #tpu.memory_space<semaphore_mem>>)
    %add3A_26 = arith.constant 256 : i32
    %add3A_27 = arith.addi %mul3A_2, %add3A_26 : i32
    %dma_start3A_28 = arith.constant 0 : i32
    %dma_start3A_29 = arith.constant 0 : i32
    %dma_start3A_30 = tpu.memref_slice %arg8[%dma_start3A_28, %dma_start3A_29] : memref<128x128xf32, #tpu.memory_space<vmem>> -> memref<128x128xf32, #tpu.memory_space<vmem>>
    %dma_start3A_31 = arith.constant 0 : i32
    %dma_start3A_32 = tpu.memref_slice %arg6[%add3A_27, %dma_start3A_31] : memref<10112x128xf32, #tpu.memory_space<vmem_shared>> -> memref<128x128xf32, #tpu.memory_space<vmem_shared>>
    %dma_start3A_33 = arith.constant 0 : i32
    %dma_start3A_34 = tpu.memref_slice %arg6[%add3A_27, %dma_start3A_33] : memref<10112x128xf32, #tpu.memory_space<vmem_shared>> -> memref<128x128xf32, #tpu.memory_space<vmem_shared>>
    %dma_start3A_35 = arith.constant 0 : i32
    %dma_start3A_36 = arith.constant 0 : i32
    %dma_start3A_37 = tpu.memref_slice %arg8[%dma_start3A_35, %dma_start3A_36] : memref<128x128xf32, #tpu.memory_space<vmem>> -> memref<128x128xf32, #tpu.memory_space<vmem>>
    tpu.enqueue_dma source(%dma_start3A_37 : memref<128x128xf32, #tpu.memory_space<vmem>>) target(%dma_start3A_34 : memref<128x128xf32, #tpu.memory_space<vmem_shared>>) target_semaphore(%arg20 : memref<!tpu.dma_semaphore, #tpu.memory_space<semaphore_mem>>)
    %add3A_38 = arith.constant 384 : i32
    %add3A_39 = arith.addi %mul3A_2, %add3A_38 : i32
    %dma_start3A_40 = arith.constant 0 : i32
    %dma_start3A_41 = arith.constant 0 : i32
    %dma_start3A_42 = tpu.memref_slice %arg8[%dma_start3A_40, %dma_start3A_41] : memref<128x128xf32, #tpu.memory_space<vmem>> -> memref<128x128xf32, #tpu.memory_space<vmem>>
    %dma_start3A_43 = arith.constant 0 : i32
    %dma_start3A_44 = tpu.memref_slice %arg6[%add3A_39, %dma_start3A_43] : memref<10112x128xf32, #tpu.memory_space<vmem_shared>> -> memref<128x128xf32, #tpu.memory_space<vmem_shared>>
    %dma_start3A_45 = arith.constant 0 : i32
    %dma_start3A_46 = tpu.memref_slice %arg6[%add3A_39, %dma_start3A_45] : memref<10112x128xf32, #tpu.memory_space<vmem_shared>> -> memref<128x128xf32, #tpu.memory_space<vmem_shared>>
    %dma_start3A_47 = arith.constant 0 : i32
    %dma_start3A_48 = arith.constant 0 : i32
    %dma_start3A_49 = tpu.memref_slice %arg8[%dma_start3A_47, %dma_start3A_48] : memref<128x128xf32, #tpu.memory_space<vmem>> -> memref<128x128xf32, #tpu.memory_space<vmem>>
    tpu.enqueue_dma source(%dma_start3A_49 : memref<128x128xf32, #tpu.memory_space<vmem>>) target(%dma_start3A_46 : memref<128x128xf32, #tpu.memory_space<vmem_shared>>) target_semaphore(%arg20 : memref<!tpu.dma_semaphore, #tpu.memory_space<semaphore_mem>>)
    %add3A_50 = arith.constant 512 : i32
    %add3A_51 = arith.addi %mul3A_2, %add3A_50 : i32
    %dma_start3A_52 = arith.constant 0 : i32
    %dma_start3A_53 = arith.constant 0 : i32
    %dma_start3A_54 = tpu.memref_slice %arg8[%dma_start3A_52, %dma_start3A_53] : memref<128x128xf32, #tpu.memory_space<vmem>> -> memref<120x128xf32, #tpu.memory_space<vmem>>
    %dma_start3A_55 = arith.constant 0 : i32
    %dma_start3A_56 = tpu.memref_slice %arg6[%add3A_51, %dma_start3A_55] : memref<10112x128xf32, #tpu.memory_space<vmem_shared>> -> memref<120x128xf32, #tpu.memory_space<vmem_shared>>
    %dma_start3A_57 = arith.constant 0 : i32
    %dma_start3A_58 = tpu.memref_slice %arg6[%add3A_51, %dma_start3A_57] : memref<10112x128xf32, #tpu.memory_space<vmem_shared>> -> memref<120x128xf32, #tpu.memory_space<vmem_shared>>
    %dma_start3A_59 = arith.constant 0 : i32
    %dma_start3A_60 = arith.constant 0 : i32
    %dma_start3A_61 = tpu.memref_slice %arg8[%dma_start3A_59, %dma_start3A_60] : memref<128x128xf32, #tpu.memory_space<vmem>> -> memref<120x128xf32, #tpu.memory_space<vmem>>
    tpu.enqueue_dma source(%dma_start3A_61 : memref<120x128xf32, #tpu.memory_space<vmem>>) target(%dma_start3A_58 : memref<120x128xf32, #tpu.memory_space<vmem_shared>>) target_semaphore(%arg20 : memref<!tpu.dma_semaphore, #tpu.memory_space<semaphore_mem>>)
    %mul3A_62 = arith.constant 80 : i32
    %mul3A_63 = arith.muli %add3A, %mul3A_62 : i32
    "tpu.region"() ({
      %run_scoped3A = tpu.sem_alloc : memref<!tpu.dma_semaphore, #tpu.memory_space<semaphore_mem>>
      %dma_start3A_889 = arith.constant 0 : i32
      %dma_start3A_890 = tpu.memref_slice %arg3[%mul3A_63, %dma_start3A_889] : memref<2560x128xi32, #tpu.memory_space<hbm>> -> memref<80x128xi32, #tpu.memory_space<hbm>>
      %dma_start3A_891 = arith.constant 0 : i32
      %dma_start3A_892 = tpu.memref_slice %arg3[%mul3A_63, %dma_start3A_891] : memref<2560x128xi32, #tpu.memory_space<hbm>> -> memref<80x128xi32, #tpu.memory_space<hbm>>
      tpu.enqueue_dma source(%dma_start3A_892 : memref<80x128xi32, #tpu.memory_space<hbm>>) target(%arg7 : memref<80x128xi32, #tpu.memory_space<vmem>>) target_semaphore(%run_scoped3A : memref<!tpu.dma_semaphore, #tpu.memory_space<semaphore_mem>>)
      %dma_wait3A_893 = arith.constant 0 : i32
      %dma_wait3A_894 = tpu.memref_slice %arg3[%mul3A_63, %dma_wait3A_893] : memref<2560x128xi32, #tpu.memory_space<hbm>> -> memref<80x128xi32, #tpu.memory_space<hbm>>
      %dma_wait3A_895 = arith.constant 0 : i32
      %dma_wait3A_896 = tpu.memref_slice %arg3[%mul3A_63, %dma_wait3A_895] : memref<2560x128xi32, #tpu.memory_space<hbm>> -> memref<80x128xi32, #tpu.memory_space<hbm>>
      tpu.wait_dma2 semaphore(%run_scoped3A : memref<!tpu.dma_semaphore, #tpu.memory_space<semaphore_mem>>) src(%dma_wait3A_896 : memref<80x128xi32, #tpu.memory_space<hbm>>) dst(%arg7 : memref<80x128xi32, #tpu.memory_space<vmem>>)
      tpu.yield
    }) : () -> ()
    %add3A_64 = arith.constant 0 : i32
    %add3A_65 = arith.addi %mul3A_2, %add3A_64 : i32
    %dma_wait3A = arith.constant 0 : i32
    %dma_wait3A_66 = arith.constant 0 : i32
    %dma_wait3A_67 = tpu.memref_slice %arg8[%dma_wait3A, %dma_wait3A_66] : memref<128x128xf32, #tpu.memory_space<vmem>> -> memref<128x128xf32, #tpu.memory_space<vmem>>
    %dma_wait3A_68 = arith.constant 0 : i32
    %dma_wait3A_69 = tpu.memref_slice %arg6[%add3A_65, %dma_wait3A_68] : memref<10112x128xf32, #tpu.memory_space<vmem_shared>> -> memref<128x128xf32, #tpu.memory_space<vmem_shared>>
    %dma_wait3A_70 = arith.constant 0 : i32
    %dma_wait3A_71 = tpu.memref_slice %arg6[%add3A_65, %dma_wait3A_70] : memref<10112x128xf32, #tpu.memory_space<vmem_shared>> -> memref<128x128xf32, #tpu.memory_space<vmem_shared>>
    %dma_wait3A_72 = arith.constant 0 : i32
    %dma_wait3A_73 = arith.constant 0 : i32
    %dma_wait3A_74 = tpu.memref_slice %arg8[%dma_wait3A_72, %dma_wait3A_73] : memref<128x128xf32, #tpu.memory_space<vmem>> -> memref<128x128xf32, #tpu.memory_space<vmem>>
    tpu.wait_dma2 semaphore(%arg20 : memref<!tpu.dma_semaphore, #tpu.memory_space<semaphore_mem>>) src(%dma_wait3A_74 : memref<128x128xf32, #tpu.memory_space<vmem>>) dst(%dma_wait3A_71 : memref<128x128xf32, #tpu.memory_space<vmem_shared>>)
    %add3A_75 = arith.constant 128 : i32
    %add3A_76 = arith.addi %mul3A_2, %add3A_75 : i32
    %dma_wait3A_77 = arith.constant 0 : i32
    %dma_wait3A_78 = arith.constant 0 : i32
    %dma_wait3A_79 = tpu.memref_slice %arg8[%dma_wait3A_77, %dma_wait3A_78] : memref<128x128xf32, #tpu.memory_space<vmem>> -> memref<128x128xf32, #tpu.memory_space<vmem>>
    %dma_wait3A_80 = arith.constant 0 : i32
    %dma_wait3A_81 = tpu.memref_slice %arg6[%add3A_76, %dma_wait3A_80] : memref<10112x128xf32, #tpu.memory_space<vmem_shared>> -> memref<128x128xf32, #tpu.memory_space<vmem_shared>>
    %dma_wait3A_82 = arith.constant 0 : i32
    %dma_wait3A_83 = tpu.memref_slice %arg6[%add3A_76, %dma_wait3A_82] : memref<10112x128xf32, #tpu.memory_space<vmem_shared>> -> memref<128x128xf32, #tpu.memory_space<vmem_shared>>
    %dma_wait3A_84 = arith.constant 0 : i32
    %dma_wait3A_85 = arith.constant 0 : i32
    %dma_wait3A_86 = tpu.memref_slice %arg8[%dma_wait3A_84, %dma_wait3A_85] : memref<128x128xf32, #tpu.memory_space<vmem>> -> memref<128x128xf32, #tpu.memory_space<vmem>>
    tpu.wait_dma2 semaphore(%arg20 : memref<!tpu.dma_semaphore, #tpu.memory_space<semaphore_mem>>) src(%dma_wait3A_86 : memref<128x128xf32, #tpu.memory_space<vmem>>) dst(%dma_wait3A_83 : memref<128x128xf32, #tpu.memory_space<vmem_shared>>)
    %add3A_87 = arith.constant 256 : i32
    %add3A_88 = arith.addi %mul3A_2, %add3A_87 : i32
    %dma_wait3A_89 = arith.constant 0 : i32
    %dma_wait3A_90 = arith.constant 0 : i32
    %dma_wait3A_91 = tpu.memref_slice %arg8[%dma_wait3A_89, %dma_wait3A_90] : memref<128x128xf32, #tpu.memory_space<vmem>> -> memref<128x128xf32, #tpu.memory_space<vmem>>
    %dma_wait3A_92 = arith.constant 0 : i32
    %dma_wait3A_93 = tpu.memref_slice %arg6[%add3A_88, %dma_wait3A_92] : memref<10112x128xf32, #tpu.memory_space<vmem_shared>> -> memref<128x128xf32, #tpu.memory_space<vmem_shared>>
    %dma_wait3A_94 = arith.constant 0 : i32
    %dma_wait3A_95 = tpu.memref_slice %arg6[%add3A_88, %dma_wait3A_94] : memref<10112x128xf32, #tpu.memory_space<vmem_shared>> -> memref<128x128xf32, #tpu.memory_space<vmem_shared>>
    %dma_wait3A_96 = arith.constant 0 : i32
    %dma_wait3A_97 = arith.constant 0 : i32
    %dma_wait3A_98 = tpu.memref_slice %arg8[%dma_wait3A_96, %dma_wait3A_97] : memref<128x128xf32, #tpu.memory_space<vmem>> -> memref<128x128xf32, #tpu.memory_space<vmem>>
    tpu.wait_dma2 semaphore(%arg20 : memref<!tpu.dma_semaphore, #tpu.memory_space<semaphore_mem>>) src(%dma_wait3A_98 : memref<128x128xf32, #tpu.memory_space<vmem>>) dst(%dma_wait3A_95 : memref<128x128xf32, #tpu.memory_space<vmem_shared>>)
    %add3A_99 = arith.constant 384 : i32
    %add3A_100 = arith.addi %mul3A_2, %add3A_99 : i32
    %dma_wait3A_101 = arith.constant 0 : i32
    %dma_wait3A_102 = arith.constant 0 : i32
    %dma_wait3A_103 = tpu.memref_slice %arg8[%dma_wait3A_101, %dma_wait3A_102] : memref<128x128xf32, #tpu.memory_space<vmem>> -> memref<128x128xf32, #tpu.memory_space<vmem>>
    %dma_wait3A_104 = arith.constant 0 : i32
    %dma_wait3A_105 = tpu.memref_slice %arg6[%add3A_100, %dma_wait3A_104] : memref<10112x128xf32, #tpu.memory_space<vmem_shared>> -> memref<128x128xf32, #tpu.memory_space<vmem_shared>>
    %dma_wait3A_106 = arith.constant 0 : i32
    %dma_wait3A_107 = tpu.memref_slice %arg6[%add3A_100, %dma_wait3A_106] : memref<10112x128xf32, #tpu.memory_space<vmem_shared>> -> memref<128x128xf32, #tpu.memory_space<vmem_shared>>
    %dma_wait3A_108 = arith.constant 0 : i32
    %dma_wait3A_109 = arith.constant 0 : i32
    %dma_wait3A_110 = tpu.memref_slice %arg8[%dma_wait3A_108, %dma_wait3A_109] : memref<128x128xf32, #tpu.memory_space<vmem>> -> memref<128x128xf32, #tpu.memory_space<vmem>>
    tpu.wait_dma2 semaphore(%arg20 : memref<!tpu.dma_semaphore, #tpu.memory_space<semaphore_mem>>) src(%dma_wait3A_110 : memref<128x128xf32, #tpu.memory_space<vmem>>) dst(%dma_wait3A_107 : memref<128x128xf32, #tpu.memory_space<vmem_shared>>)
    %add3A_111 = arith.constant 512 : i32
    %add3A_112 = arith.addi %mul3A_2, %add3A_111 : i32
    %dma_wait3A_113 = arith.constant 0 : i32
    %dma_wait3A_114 = arith.constant 0 : i32
    %dma_wait3A_115 = tpu.memref_slice %arg8[%dma_wait3A_113, %dma_wait3A_114] : memref<128x128xf32, #tpu.memory_space<vmem>> -> memref<120x128xf32, #tpu.memory_space<vmem>>
    %dma_wait3A_116 = arith.constant 0 : i32
    %dma_wait3A_117 = tpu.memref_slice %arg6[%add3A_112, %dma_wait3A_116] : memref<10112x128xf32, #tpu.memory_space<vmem_shared>> -> memref<120x128xf32, #tpu.memory_space<vmem_shared>>
    %dma_wait3A_118 = arith.constant 0 : i32
    %dma_wait3A_119 = tpu.memref_slice %arg6[%add3A_112, %dma_wait3A_118] : memref<10112x128xf32, #tpu.memory_space<vmem_shared>> -> memref<120x128xf32, #tpu.memory_space<vmem_shared>>
    %dma_wait3A_120 = arith.constant 0 : i32
    %dma_wait3A_121 = arith.constant 0 : i32
    %dma_wait3A_122 = tpu.memref_slice %arg8[%dma_wait3A_120, %dma_wait3A_121] : memref<128x128xf32, #tpu.memory_space<vmem>> -> memref<120x128xf32, #tpu.memory_space<vmem>>
    tpu.wait_dma2 semaphore(%arg20 : memref<!tpu.dma_semaphore, #tpu.memory_space<semaphore_mem>>) src(%dma_wait3A_122 : memref<120x128xf32, #tpu.memory_space<vmem>>) dst(%dma_wait3A_119 : memref<120x128xf32, #tpu.memory_space<vmem_shared>>)
    %barrier3A = arith.constant 0 : index
    tpu.barrier barrier_id(%barrier3A)
    %get3A = arith.constant 0 : i32
    %get3A_123 = arith.index_cast %get3A : i32 to index
    %get3A_124 = arith.constant 0 : index
    %get3A_125 = tpu.vector_load %arg7[%get3A_123, %get3A_124] {strides = array<i32>} : memref<80x128xi32, #tpu.memory_space<vmem>>, vector<1x16xi32>,
    %get3A_126 = vector.shape_cast %get3A_125 : vector<1x16xi32> to vector<16xi32>
    %and3A = arith.constant 65535 : i32
    %and3A_127 = vector.broadcast %and3A : i32 to vector<16xi32>
    %and3A_128 = arith.andi %get3A_126, %and3A_127 : vector<16xi32>
    %swap3A = arith.constant 0 : index
    %swap3A_129 = tpu.vector_load %arg10[%swap3A] {strides = array<i32>} : memref<128xi32, #tpu.memory_space<vmem>>, vector<16xi32>,
    %swap3A_130 = vector.shape_cast %swap3A_129 : vector<16xi32> to vector<16xi32>
    %swap3A_131 = vector.shape_cast %and3A_128 : vector<16xi32> to vector<16xi32>
    tpu.vector_store %arg10[%swap3A], %swap3A_131 {strides = array<i32>} : memref<128xi32, #tpu.memory_space<vmem>>, vector<16xi32>,
    %shift_right_logical3A = arith.constant 16 : i32
    %shift_right_logical3A_132 = vector.broadcast %shift_right_logical3A : i32 to vector<16xi32>
    %shift_right_logical3A_133 = arith.shrui %get3A_126, %shift_right_logical3A_132 : vector<16xi32>
    %swap3A_134 = arith.constant 0 : index
    %swap3A_135 = tpu.vector_load %arg14[%swap3A_134] {strides = array<i32>} : memref<128xi32, #tpu.memory_space<vmem>>, vector<16xi32>,
    %swap3A_136 = vector.shape_cast %swap3A_135 : vector<16xi32> to vector<16xi32>
    %swap3A_137 = vector.shape_cast %shift_right_logical3A_133 : vector<16xi32> to vector<16xi32>
    tpu.vector_store %arg14[%swap3A_134], %swap3A_137 {strides = array<i32>} : memref<128xi32, #tpu.memory_space<vmem>>, vector<16xi32>,
    %get3A_138 = arith.constant 0 : i32
    %get3A_139 = arith.index_cast %get3A_138 : i32 to index
    %get3A_140 = arith.constant 16 : index
    %get3A_141 = tpu.vector_load %arg7[%get3A_139, %get3A_140] {strides = array<i32>} : memref<80x128xi32, #tpu.memory_space<vmem>>, vector<1x16xi32>,
    %get3A_142 = vector.shape_cast %get3A_141 : vector<1x16xi32> to vector<16xi32>
    %and3A_143 = arith.constant 65535 : i32
    %and3A_144 = vector.broadcast %and3A_143 : i32 to vector<16xi32>
    %and3A_145 = arith.andi %get3A_142, %and3A_144 : vector<16xi32>
    %swap3A_146 = arith.constant 16 : index
    %swap3A_147 = tpu.vector_load %arg10[%swap3A_146] {strides = array<i32>} : memref<128xi32, #tpu.memory_space<vmem>>, vector<16xi32>,
    %swap3A_148 = vector.shape_cast %swap3A_147 : vector<16xi32> to vector<16xi32>
    %swap3A_149 = vector.shape_cast %and3A_145 : vector<16xi32> to vector<16xi32>
    tpu.vector_store %arg10[%swap3A_146], %swap3A_149 {strides = array<i32>} : memref<128xi32, #tpu.memory_space<vmem>>, vector<16xi32>,
    %shift_right_logical3A_150 = arith.constant 16 : i32
    %shift_right_logical3A_151 = vector.broadcast %shift_right_logical3A_150 : i32 to vector<16xi32>
    %shift_right_logical3A_152 = arith.shrui %get3A_142, %shift_right_logical3A_151 : vector<16xi32>
    %swap3A_153 = arith.constant 16 : index
    %swap3A_154 = tpu.vector_load %arg14[%swap3A_153] {strides = array<i32>} : memref<128xi32, #tpu.memory_space<vmem>>, vector<16xi32>,
    %swap3A_155 = vector.shape_cast %swap3A_154 : vector<16xi32> to vector<16xi32>
    %swap3A_156 = vector.shape_cast %shift_right_logical3A_152 : vector<16xi32> to vector<16xi32>
    tpu.vector_store %arg14[%swap3A_153], %swap3A_156 {strides = array<i32>} : memref<128xi32, #tpu.memory_space<vmem>>, vector<16xi32>,
    %get3A_157 = arith.constant 0 : i32
    %get3A_158 = arith.index_cast %get3A_157 : i32 to index
    %get3A_159 = arith.constant 32 : index
    %get3A_160 = tpu.vector_load %arg7[%get3A_158, %get3A_159] {strides = array<i32>} : memref<80x128xi32, #tpu.memory_space<vmem>>, vector<1x16xi32>,
    %get3A_161 = vector.shape_cast %get3A_160 : vector<1x16xi32> to vector<16xi32>
    %and3A_162 = arith.constant 65535 : i32
    %and3A_163 = vector.broadcast %and3A_162 : i32 to vector<16xi32>
    %and3A_164 = arith.andi %get3A_161, %and3A_163 : vector<16xi32>
    %swap3A_165 = arith.constant 32 : index
    %swap3A_166 = tpu.vector_load %arg10[%swap3A_165] {strides = array<i32>} : memref<128xi32, #tpu.memory_space<vmem>>, vector<16xi32>,
    %swap3A_167 = vector.shape_cast %swap3A_166 : vector<16xi32> to vector<16xi32>
    %swap3A_168 = vector.shape_cast %and3A_164 : vector<16xi32> to vector<16xi32>
    tpu.vector_store %arg10[%swap3A_165], %swap3A_168 {strides = array<i32>} : memref<128xi32, #tpu.memory_space<vmem>>, vector<16xi32>,
    %shift_right_logical3A_169 = arith.constant 16 : i32
    %shift_right_logical3A_170 = vector.broadcast %shift_right_logical3A_169 : i32 to vector<16xi32>
    %shift_right_logical3A_171 = arith.shrui %get3A_161, %shift_right_logical3A_170 : vector<16xi32>
    %swap3A_172 = arith.constant 32 : index
    %swap3A_173 = tpu.vector_load %arg14[%swap3A_172] {strides = array<i32>} : memref<128xi32, #tpu.memory_space<vmem>>, vector<16xi32>,
    %swap3A_174 = vector.shape_cast %swap3A_173 : vector<16xi32> to vector<16xi32>
    %swap3A_175 = vector.shape_cast %shift_right_logical3A_171 : vector<16xi32> to vector<16xi32>
    tpu.vector_store %arg14[%swap3A_172], %swap3A_175 {strides = array<i32>} : memref<128xi32, #tpu.memory_space<vmem>>, vector<16xi32>,
    %get3A_176 = arith.constant 0 : i32
    %get3A_177 = arith.index_cast %get3A_176 : i32 to index
    %get3A_178 = arith.constant 48 : index
    %get3A_179 = tpu.vector_load %arg7[%get3A_177, %get3A_178] {strides = array<i32>} : memref<80x128xi32, #tpu.memory_space<vmem>>, vector<1x16xi32>,
    %get3A_180 = vector.shape_cast %get3A_179 : vector<1x16xi32> to vector<16xi32>
    %and3A_181 = arith.constant 65535 : i32
    %and3A_182 = vector.broadcast %and3A_181 : i32 to vector<16xi32>
    %and3A_183 = arith.andi %get3A_180, %and3A_182 : vector<16xi32>
    %swap3A_184 = arith.constant 48 : index
    %swap3A_185 = tpu.vector_load %arg10[%swap3A_184] {strides = array<i32>} : memref<128xi32, #tpu.memory_space<vmem>>, vector<16xi32>,
    %swap3A_186 = vector.shape_cast %swap3A_185 : vector<16xi32> to vector<16xi32>
    %swap3A_187 = vector.shape_cast %and3A_183 : vector<16xi32> to vector<16xi32>
    tpu.vector_store %arg10[%swap3A_184], %swap3A_187 {strides = array<i32>} : memref<128xi32, #tpu.memory_space<vmem>>, vector<16xi32>,
    %shift_right_logical3A_188 = arith.constant 16 : i32
    %shift_right_logical3A_189 = vector.broadcast %shift_right_logical3A_188 : i32 to vector<16xi32>
    %shift_right_logical3A_190 = arith.shrui %get3A_180, %shift_right_logical3A_189 : vector<16xi32>
    %swap3A_191 = arith.constant 48 : index
    %swap3A_192 = tpu.vector_load %arg14[%swap3A_191] {strides = array<i32>} : memref<128xi32, #tpu.memory_space<vmem>>, vector<16xi32>,
    %swap3A_193 = vector.shape_cast %swap3A_192 : vector<16xi32> to vector<16xi32>
    %swap3A_194 = vector.shape_cast %shift_right_logical3A_190 : vector<16xi32> to vector<16xi32>
    tpu.vector_store %arg14[%swap3A_191], %swap3A_194 {strides = array<i32>} : memref<128xi32, #tpu.memory_space<vmem>>, vector<16xi32>,
    %get3A_195 = arith.constant 0 : i32
    %get3A_196 = arith.index_cast %get3A_195 : i32 to index
    %get3A_197 = arith.constant 64 : index
    %get3A_198 = tpu.vector_load %arg7[%get3A_196, %get3A_197] {strides = array<i32>} : memref<80x128xi32, #tpu.memory_space<vmem>>, vector<1x16xi32>,
    %get3A_199 = vector.shape_cast %get3A_198 : vector<1x16xi32> to vector<16xi32>
    %and3A_200 = arith.constant 65535 : i32
    %and3A_201 = vector.broadcast %and3A_200 : i32 to vector<16xi32>
    %and3A_202 = arith.andi %get3A_199, %and3A_201 : vector<16xi32>
    %swap3A_203 = arith.constant 64 : index
    %swap3A_204 = tpu.vector_load %arg10[%swap3A_203] {strides = array<i32>} : memref<128xi32, #tpu.memory_space<vmem>>, vector<16xi32>,
    %swap3A_205 = vector.shape_cast %swap3A_204 : vector<16xi32> to vector<16xi32>
    %swap3A_206 = vector.shape_cast %and3A_202 : vector<16xi32> to vector<16xi32>
    tpu.vector_store %arg10[%swap3A_203], %swap3A_206 {strides = array<i32>} : memref<128xi32, #tpu.memory_space<vmem>>, vector<16xi32>,
    %shift_right_logical3A_207 = arith.constant 16 : i32
    %shift_right_logical3A_208 = vector.broadcast %shift_right_logical3A_207 : i32 to vector<16xi32>
    %shift_right_logical3A_209 = arith.shrui %get3A_199, %shift_right_logical3A_208 : vector<16xi32>
    %swap3A_210 = arith.constant 64 : index
    %swap3A_211 = tpu.vector_load %arg14[%swap3A_210] {strides = array<i32>} : memref<128xi32, #tpu.memory_space<vmem>>, vector<16xi32>,
    %swap3A_212 = vector.shape_cast %swap3A_211 : vector<16xi32> to vector<16xi32>
    %swap3A_213 = vector.shape_cast %shift_right_logical3A_209 : vector<16xi32> to vector<16xi32>
    tpu.vector_store %arg14[%swap3A_210], %swap3A_213 {strides = array<i32>} : memref<128xi32, #tpu.memory_space<vmem>>, vector<16xi32>,
    %get3A_214 = arith.constant 0 : i32
    %get3A_215 = arith.index_cast %get3A_214 : i32 to index
    %get3A_216 = arith.constant 80 : index
    %get3A_217 = tpu.vector_load %arg7[%get3A_215, %get3A_216] {strides = array<i32>} : memref<80x128xi32, #tpu.memory_space<vmem>>, vector<1x16xi32>,
    %get3A_218 = vector.shape_cast %get3A_217 : vector<1x16xi32> to vector<16xi32>
    %and3A_219 = arith.constant 65535 : i32
    %and3A_220 = vector.broadcast %and3A_219 : i32 to vector<16xi32>
    %and3A_221 = arith.andi %get3A_218, %and3A_220 : vector<16xi32>
    %swap3A_222 = arith.constant 80 : index
    %swap3A_223 = tpu.vector_load %arg10[%swap3A_222] {strides = array<i32>} : memref<128xi32, #tpu.memory_space<vmem>>, vector<16xi32>,
    %swap3A_224 = vector.shape_cast %swap3A_223 : vector<16xi32> to vector<16xi32>
    %swap3A_225 = vector.shape_cast %and3A_221 : vector<16xi32> to vector<16xi32>
    tpu.vector_store %arg10[%swap3A_222], %swap3A_225 {strides = array<i32>} : memref<128xi32, #tpu.memory_space<vmem>>, vector<16xi32>,
    %shift_right_logical3A_226 = arith.constant 16 : i32
    %shift_right_logical3A_227 = vector.broadcast %shift_right_logical3A_226 : i32 to vector<16xi32>
    %shift_right_logical3A_228 = arith.shrui %get3A_218, %shift_right_logical3A_227 : vector<16xi32>
    %swap3A_229 = arith.constant 80 : index
    %swap3A_230 = tpu.vector_load %arg14[%swap3A_229] {strides = array<i32>} : memref<128xi32, #tpu.memory_space<vmem>>, vector<16xi32>,
    %swap3A_231 = vector.shape_cast %swap3A_230 : vector<16xi32> to vector<16xi32>
    %swap3A_232 = vector.shape_cast %shift_right_logical3A_228 : vector<16xi32> to vector<16xi32>
    tpu.vector_store %arg14[%swap3A_229], %swap3A_232 {strides = array<i32>} : memref<128xi32, #tpu.memory_space<vmem>>, vector<16xi32>,
    %get3A_233 = arith.constant 0 : i32
    %get3A_234 = arith.index_cast %get3A_233 : i32 to index
    %get3A_235 = arith.constant 96 : index
    %get3A_236 = tpu.vector_load %arg7[%get3A_234, %get3A_235] {strides = array<i32>} : memref<80x128xi32, #tpu.memory_space<vmem>>, vector<1x16xi32>,
    %get3A_237 = vector.shape_cast %get3A_236 : vector<1x16xi32> to vector<16xi32>
    %and3A_238 = arith.constant 65535 : i32
    %and3A_239 = vector.broadcast %and3A_238 : i32 to vector<16xi32>
    %and3A_240 = arith.andi %get3A_237, %and3A_239 : vector<16xi32>
    %swap3A_241 = arith.constant 96 : index
    %swap3A_242 = tpu.vector_load %arg10[%swap3A_241] {strides = array<i32>} : memref<128xi32, #tpu.memory_space<vmem>>, vector<16xi32>,
    %swap3A_243 = vector.shape_cast %swap3A_242 : vector<16xi32> to vector<16xi32>
    %swap3A_244 = vector.shape_cast %and3A_240 : vector<16xi32> to vector<16xi32>
    tpu.vector_store %arg10[%swap3A_241], %swap3A_244 {strides = array<i32>} : memref<128xi32, #tpu.memory_space<vmem>>, vector<16xi32>,
    %shift_right_logical3A_245 = arith.constant 16 : i32
    %shift_right_logical3A_246 = vector.broadcast %shift_right_logical3A_245 : i32 to vector<16xi32>
    %shift_right_logical3A_247 = arith.shrui %get3A_237, %shift_right_logical3A_246 : vector<16xi32>
    %swap3A_248 = arith.constant 96 : index
    %swap3A_249 = tpu.vector_load %arg14[%swap3A_248] {strides = array<i32>} : memref<128xi32, #tpu.memory_space<vmem>>, vector<16xi32>,
    %swap3A_250 = vector.shape_cast %swap3A_249 : vector<16xi32> to vector<16xi32>
    %swap3A_251 = vector.shape_cast %shift_right_logical3A_247 : vector<16xi32> to vector<16xi32>
    tpu.vector_store %arg14[%swap3A_248], %swap3A_251 {strides = array<i32>} : memref<128xi32, #tpu.memory_space<vmem>>, vector<16xi32>,
    %get3A_252 = arith.constant 0 : i32
    %get3A_253 = arith.index_cast %get3A_252 : i32 to index
    %get3A_254 = arith.constant 112 : index
    %get3A_255 = tpu.vector_load %arg7[%get3A_253, %get3A_254] {strides = array<i32>} : memref<80x128xi32, #tpu.memory_space<vmem>>, vector<1x16xi32>,
    %get3A_256 = vector.shape_cast %get3A_255 : vector<1x16xi32> to vector<16xi32>
    %and3A_257 = arith.constant 65535 : i32
    %and3A_258 = vector.broadcast %and3A_257 : i32 to vector<16xi32>
    %and3A_259 = arith.andi %get3A_256, %and3A_258 : vector<16xi32>
    %swap3A_260 = arith.constant 112 : index
    %swap3A_261 = tpu.vector_load %arg10[%swap3A_260] {strides = array<i32>} : memref<128xi32, #tpu.memory_space<vmem>>, vector<16xi32>,
    %swap3A_262 = vector.shape_cast %swap3A_261 : vector<16xi32> to vector<16xi32>
    %swap3A_263 = vector.shape_cast %and3A_259 : vector<16xi32> to vector<16xi32>
    tpu.vector_store %arg10[%swap3A_260], %swap3A_263 {strides = array<i32>} : memref<128xi32, #tpu.memory_space<vmem>>, vector<16xi32>,
    %shift_right_logical3A_264 = arith.constant 16 : i32
    %shift_right_logical3A_265 = vector.broadcast %shift_right_logical3A_264 : i32 to vector<16xi32>
    %shift_right_logical3A_266 = arith.shrui %get3A_256, %shift_right_logical3A_265 : vector<16xi32>
    %swap3A_267 = arith.constant 112 : index
    %swap3A_268 = tpu.vector_load %arg14[%swap3A_267] {strides = array<i32>} : memref<128xi32, #tpu.memory_space<vmem>>, vector<16xi32>,
    %swap3A_269 = vector.shape_cast %swap3A_268 : vector<16xi32> to vector<16xi32>
    %swap3A_270 = vector.shape_cast %shift_right_logical3A_266 : vector<16xi32> to vector<16xi32>
    tpu.vector_store %arg14[%swap3A_267], %swap3A_270 {strides = array<i32>} : memref<128xi32, #tpu.memory_space<vmem>>, vector<16xi32>,
    %dma_start3A_271 = arith.constant 0 : i32
    %dma_start3A_272 = arith.constant 0 : i32
    %dma_start3A_273 = tpu.memref_slice %arg2[%dma_start3A_271, %dma_start3A_272] : memref<10112x128xf32, #tpu.memory_space<hbm>> -> memref<10112x128xf32, #tpu.memory_space<hbm>>
    tpu.enqueue_indirect_dma source(%dma_start3A_273 : memref<10112x128xf32, #tpu.memory_space<hbm>>) target(%arg8 : memref<128x128xf32, #tpu.memory_space<vmem>>) offsets(%arg10 : memref<128xi32, #tpu.memory_space<vmem>>) semaphore(%arg18 : memref<!tpu.dma_semaphore, #tpu.memory_space<semaphore_mem>>)
    %get3A_274 = arith.constant 1 : i32
    %get3A_275 = arith.index_cast %get3A_274 : i32 to index
    %get3A_276 = arith.constant 0 : index
    %get3A_277 = tpu.vector_load %arg7[%get3A_275, %get3A_276] {strides = array<i32>} : memref<80x128xi32, #tpu.memory_space<vmem>>, vector<1x16xi32>,
    %get3A_278 = vector.shape_cast %get3A_277 : vector<1x16xi32> to vector<16xi32>
    %and3A_279 = arith.constant 65535 : i32
    %and3A_280 = vector.broadcast %and3A_279 : i32 to vector<16xi32>
    %and3A_281 = arith.andi %get3A_278, %and3A_280 : vector<16xi32>
    %swap3A_282 = arith.constant 0 : index
    %swap3A_283 = tpu.vector_load %arg12[%swap3A_282] {strides = array<i32>} : memref<128xi32, #tpu.memory_space<vmem>>, vector<16xi32>,
    %swap3A_284 = vector.shape_cast %swap3A_283 : vector<16xi32> to vector<16xi32>
    %swap3A_285 = vector.shape_cast %and3A_281 : vector<16xi32> to vector<16xi32>
    tpu.vector_store %arg12[%swap3A_282], %swap3A_285 {strides = array<i32>} : memref<128xi32, #tpu.memory_space<vmem>>, vector<16xi32>,
    %shift_right_logical3A_286 = arith.constant 16 : i32
    %shift_right_logical3A_287 = vector.broadcast %shift_right_logical3A_286 : i32 to vector<16xi32>
    %shift_right_logical3A_288 = arith.shrui %get3A_278, %shift_right_logical3A_287 : vector<16xi32>
    %swap3A_289 = arith.constant 0 : index
    %swap3A_290 = tpu.vector_load %arg16[%swap3A_289] {strides = array<i32>} : memref<128xi32, #tpu.memory_space<vmem>>, vector<16xi32>,
    %swap3A_291 = vector.shape_cast %swap3A_290 : vector<16xi32> to vector<16xi32>
    %swap3A_292 = vector.shape_cast %shift_right_logical3A_288 : vector<16xi32> to vector<16xi32>
    tpu.vector_store %arg16[%swap3A_289], %swap3A_292 {strides = array<i32>} : memref<128xi32, #tpu.memory_space<vmem>>, vector<16xi32>,
    %get3A_293 = arith.constant 1 : i32
    %get3A_294 = arith.index_cast %get3A_293 : i32 to index
    %get3A_295 = arith.constant 16 : index
    %get3A_296 = tpu.vector_load %arg7[%get3A_294, %get3A_295] {strides = array<i32>} : memref<80x128xi32, #tpu.memory_space<vmem>>, vector<1x16xi32>,
    %get3A_297 = vector.shape_cast %get3A_296 : vector<1x16xi32> to vector<16xi32>
    %and3A_298 = arith.constant 65535 : i32
    %and3A_299 = vector.broadcast %and3A_298 : i32 to vector<16xi32>
    %and3A_300 = arith.andi %get3A_297, %and3A_299 : vector<16xi32>
    %swap3A_301 = arith.constant 16 : index
    %swap3A_302 = tpu.vector_load %arg12[%swap3A_301] {strides = array<i32>} : memref<128xi32, #tpu.memory_space<vmem>>, vector<16xi32>,
    %swap3A_303 = vector.shape_cast %swap3A_302 : vector<16xi32> to vector<16xi32>
    %swap3A_304 = vector.shape_cast %and3A_300 : vector<16xi32> to vector<16xi32>
    tpu.vector_store %arg12[%swap3A_301], %swap3A_304 {strides = array<i32>} : memref<128xi32, #tpu.memory_space<vmem>>, vector<16xi32>,
    %shift_right_logical3A_305 = arith.constant 16 : i32
    %shift_right_logical3A_306 = vector.broadcast %shift_right_logical3A_305 : i32 to vector<16xi32>
    %shift_right_logical3A_307 = arith.shrui %get3A_297, %shift_right_logical3A_306 : vector<16xi32>
    %swap3A_308 = arith.constant 16 : index
    %swap3A_309 = tpu.vector_load %arg16[%swap3A_308] {strides = array<i32>} : memref<128xi32, #tpu.memory_space<vmem>>, vector<16xi32>,
    %swap3A_310 = vector.shape_cast %swap3A_309 : vector<16xi32> to vector<16xi32>
    %swap3A_311 = vector.shape_cast %shift_right_logical3A_307 : vector<16xi32> to vector<16xi32>
    tpu.vector_store %arg16[%swap3A_308], %swap3A_311 {strides = array<i32>} : memref<128xi32, #tpu.memory_space<vmem>>, vector<16xi32>,
    %get3A_312 = arith.constant 1 : i32
    %get3A_313 = arith.index_cast %get3A_312 : i32 to index
    %get3A_314 = arith.constant 32 : index
    %get3A_315 = tpu.vector_load %arg7[%get3A_313, %get3A_314] {strides = array<i32>} : memref<80x128xi32, #tpu.memory_space<vmem>>, vector<1x16xi32>,
    %get3A_316 = vector.shape_cast %get3A_315 : vector<1x16xi32> to vector<16xi32>
    %and3A_317 = arith.constant 65535 : i32
    %and3A_318 = vector.broadcast %and3A_317 : i32 to vector<16xi32>
    %and3A_319 = arith.andi %get3A_316, %and3A_318 : vector<16xi32>
    %swap3A_320 = arith.constant 32 : index
    %swap3A_321 = tpu.vector_load %arg12[%swap3A_320] {strides = array<i32>} : memref<128xi32, #tpu.memory_space<vmem>>, vector<16xi32>,
    %swap3A_322 = vector.shape_cast %swap3A_321 : vector<16xi32> to vector<16xi32>
    %swap3A_323 = vector.shape_cast %and3A_319 : vector<16xi32> to vector<16xi32>
    tpu.vector_store %arg12[%swap3A_320], %swap3A_323 {strides = array<i32>} : memref<128xi32, #tpu.memory_space<vmem>>, vector<16xi32>,
    %shift_right_logical3A_324 = arith.constant 16 : i32
    %shift_right_logical3A_325 = vector.broadcast %shift_right_logical3A_324 : i32 to vector<16xi32>
    %shift_right_logical3A_326 = arith.shrui %get3A_316, %shift_right_logical3A_325 : vector<16xi32>
    %swap3A_327 = arith.constant 32 : index
    %swap3A_328 = tpu.vector_load %arg16[%swap3A_327] {strides = array<i32>} : memref<128xi32, #tpu.memory_space<vmem>>, vector<16xi32>,
    %swap3A_329 = vector.shape_cast %swap3A_328 : vector<16xi32> to vector<16xi32>
    %swap3A_330 = vector.shape_cast %shift_right_logical3A_326 : vector<16xi32> to vector<16xi32>
    tpu.vector_store %arg16[%swap3A_327], %swap3A_330 {strides = array<i32>} : memref<128xi32, #tpu.memory_space<vmem>>, vector<16xi32>,
    %get3A_331 = arith.constant 1 : i32
    %get3A_332 = arith.index_cast %get3A_331 : i32 to index
    %get3A_333 = arith.constant 48 : index
    %get3A_334 = tpu.vector_load %arg7[%get3A_332, %get3A_333] {strides = array<i32>} : memref<80x128xi32, #tpu.memory_space<vmem>>, vector<1x16xi32>,
    %get3A_335 = vector.shape_cast %get3A_334 : vector<1x16xi32> to vector<16xi32>
    %and3A_336 = arith.constant 65535 : i32
    %and3A_337 = vector.broadcast %and3A_336 : i32 to vector<16xi32>
    %and3A_338 = arith.andi %get3A_335, %and3A_337 : vector<16xi32>
    %swap3A_339 = arith.constant 48 : index
    %swap3A_340 = tpu.vector_load %arg12[%swap3A_339] {strides = array<i32>} : memref<128xi32, #tpu.memory_space<vmem>>, vector<16xi32>,
    %swap3A_341 = vector.shape_cast %swap3A_340 : vector<16xi32> to vector<16xi32>
    %swap3A_342 = vector.shape_cast %and3A_338 : vector<16xi32> to vector<16xi32>
    tpu.vector_store %arg12[%swap3A_339], %swap3A_342 {strides = array<i32>} : memref<128xi32, #tpu.memory_space<vmem>>, vector<16xi32>,
    %shift_right_logical3A_343 = arith.constant 16 : i32
    %shift_right_logical3A_344 = vector.broadcast %shift_right_logical3A_343 : i32 to vector<16xi32>
    %shift_right_logical3A_345 = arith.shrui %get3A_335, %shift_right_logical3A_344 : vector<16xi32>
    %swap3A_346 = arith.constant 48 : index
    %swap3A_347 = tpu.vector_load %arg16[%swap3A_346] {strides = array<i32>} : memref<128xi32, #tpu.memory_space<vmem>>, vector<16xi32>,
    %swap3A_348 = vector.shape_cast %swap3A_347 : vector<16xi32> to vector<16xi32>
    %swap3A_349 = vector.shape_cast %shift_right_logical3A_345 : vector<16xi32> to vector<16xi32>
    tpu.vector_store %arg16[%swap3A_346], %swap3A_349 {strides = array<i32>} : memref<128xi32, #tpu.memory_space<vmem>>, vector<16xi32>,
    %get3A_350 = arith.constant 1 : i32
    %get3A_351 = arith.index_cast %get3A_350 : i32 to index
    %get3A_352 = arith.constant 64 : index
    %get3A_353 = tpu.vector_load %arg7[%get3A_351, %get3A_352] {strides = array<i32>} : memref<80x128xi32, #tpu.memory_space<vmem>>, vector<1x16xi32>,
    %get3A_354 = vector.shape_cast %get3A_353 : vector<1x16xi32> to vector<16xi32>
    %and3A_355 = arith.constant 65535 : i32
    %and3A_356 = vector.broadcast %and3A_355 : i32 to vector<16xi32>
    %and3A_357 = arith.andi %get3A_354, %and3A_356 : vector<16xi32>
    %swap3A_358 = arith.constant 64 : index
    %swap3A_359 = tpu.vector_load %arg12[%swap3A_358] {strides = array<i32>} : memref<128xi32, #tpu.memory_space<vmem>>, vector<16xi32>,
    %swap3A_360 = vector.shape_cast %swap3A_359 : vector<16xi32> to vector<16xi32>
    %swap3A_361 = vector.shape_cast %and3A_357 : vector<16xi32> to vector<16xi32>
    tpu.vector_store %arg12[%swap3A_358], %swap3A_361 {strides = array<i32>} : memref<128xi32, #tpu.memory_space<vmem>>, vector<16xi32>,
    %shift_right_logical3A_362 = arith.constant 16 : i32
    %shift_right_logical3A_363 = vector.broadcast %shift_right_logical3A_362 : i32 to vector<16xi32>
    %shift_right_logical3A_364 = arith.shrui %get3A_354, %shift_right_logical3A_363 : vector<16xi32>
    %swap3A_365 = arith.constant 64 : index
    %swap3A_366 = tpu.vector_load %arg16[%swap3A_365] {strides = array<i32>} : memref<128xi32, #tpu.memory_space<vmem>>, vector<16xi32>,
    %swap3A_367 = vector.shape_cast %swap3A_366 : vector<16xi32> to vector<16xi32>
    %swap3A_368 = vector.shape_cast %shift_right_logical3A_364 : vector<16xi32> to vector<16xi32>
    tpu.vector_store %arg16[%swap3A_365], %swap3A_368 {strides = array<i32>} : memref<128xi32, #tpu.memory_space<vmem>>, vector<16xi32>,
    %get3A_369 = arith.constant 1 : i32
    %get3A_370 = arith.index_cast %get3A_369 : i32 to index
    %get3A_371 = arith.constant 80 : index
    %get3A_372 = tpu.vector_load %arg7[%get3A_370, %get3A_371] {strides = array<i32>} : memref<80x128xi32, #tpu.memory_space<vmem>>, vector<1x16xi32>,
    %get3A_373 = vector.shape_cast %get3A_372 : vector<1x16xi32> to vector<16xi32>
    %and3A_374 = arith.constant 65535 : i32
    %and3A_375 = vector.broadcast %and3A_374 : i32 to vector<16xi32>
    %and3A_376 = arith.andi %get3A_373, %and3A_375 : vector<16xi32>
    %swap3A_377 = arith.constant 80 : index
    %swap3A_378 = tpu.vector_load %arg12[%swap3A_377] {strides = array<i32>} : memref<128xi32, #tpu.memory_space<vmem>>, vector<16xi32>,
    %swap3A_379 = vector.shape_cast %swap3A_378 : vector<16xi32> to vector<16xi32>
    %swap3A_380 = vector.shape_cast %and3A_376 : vector<16xi32> to vector<16xi32>
    tpu.vector_store %arg12[%swap3A_377], %swap3A_380 {strides = array<i32>} : memref<128xi32, #tpu.memory_space<vmem>>, vector<16xi32>,
    %shift_right_logical3A_381 = arith.constant 16 : i32
    %shift_right_logical3A_382 = vector.broadcast %shift_right_logical3A_381 : i32 to vector<16xi32>
    %shift_right_logical3A_383 = arith.shrui %get3A_373, %shift_right_logical3A_382 : vector<16xi32>
    %swap3A_384 = arith.constant 80 : index
    %swap3A_385 = tpu.vector_load %arg16[%swap3A_384] {strides = array<i32>} : memref<128xi32, #tpu.memory_space<vmem>>, vector<16xi32>,
    %swap3A_386 = vector.shape_cast %swap3A_385 : vector<16xi32> to vector<16xi32>
    %swap3A_387 = vector.shape_cast %shift_right_logical3A_383 : vector<16xi32> to vector<16xi32>
    tpu.vector_store %arg16[%swap3A_384], %swap3A_387 {strides = array<i32>} : memref<128xi32, #tpu.memory_space<vmem>>, vector<16xi32>,
    %get3A_388 = arith.constant 1 : i32
    %get3A_389 = arith.index_cast %get3A_388 : i32 to index
    %get3A_390 = arith.constant 96 : index
    %get3A_391 = tpu.vector_load %arg7[%get3A_389, %get3A_390] {strides = array<i32>} : memref<80x128xi32, #tpu.memory_space<vmem>>, vector<1x16xi32>,
    %get3A_392 = vector.shape_cast %get3A_391 : vector<1x16xi32> to vector<16xi32>
    %and3A_393 = arith.constant 65535 : i32
    %and3A_394 = vector.broadcast %and3A_393 : i32 to vector<16xi32>
    %and3A_395 = arith.andi %get3A_392, %and3A_394 : vector<16xi32>
    %swap3A_396 = arith.constant 96 : index
    %swap3A_397 = tpu.vector_load %arg12[%swap3A_396] {strides = array<i32>} : memref<128xi32, #tpu.memory_space<vmem>>, vector<16xi32>,
    %swap3A_398 = vector.shape_cast %swap3A_397 : vector<16xi32> to vector<16xi32>
    %swap3A_399 = vector.shape_cast %and3A_395 : vector<16xi32> to vector<16xi32>
    tpu.vector_store %arg12[%swap3A_396], %swap3A_399 {strides = array<i32>} : memref<128xi32, #tpu.memory_space<vmem>>, vector<16xi32>,
    %shift_right_logical3A_400 = arith.constant 16 : i32
    %shift_right_logical3A_401 = vector.broadcast %shift_right_logical3A_400 : i32 to vector<16xi32>
    %shift_right_logical3A_402 = arith.shrui %get3A_392, %shift_right_logical3A_401 : vector<16xi32>
    %swap3A_403 = arith.constant 96 : index
    %swap3A_404 = tpu.vector_load %arg16[%swap3A_403] {strides = array<i32>} : memref<128xi32, #tpu.memory_space<vmem>>, vector<16xi32>,
    %swap3A_405 = vector.shape_cast %swap3A_404 : vector<16xi32> to vector<16xi32>
    %swap3A_406 = vector.shape_cast %shift_right_logical3A_402 : vector<16xi32> to vector<16xi32>
    tpu.vector_store %arg16[%swap3A_403], %swap3A_406 {strides = array<i32>} : memref<128xi32, #tpu.memory_space<vmem>>, vector<16xi32>,
    %get3A_407 = arith.constant 1 : i32
    %get3A_408 = arith.index_cast %get3A_407 : i32 to index
    %get3A_409 = arith.constant 112 : index
    %get3A_410 = tpu.vector_load %arg7[%get3A_408, %get3A_409] {strides = array<i32>} : memref<80x128xi32, #tpu.memory_space<vmem>>, vector<1x16xi32>,
    %get3A_411 = vector.shape_cast %get3A_410 : vector<1x16xi32> to vector<16xi32>
    %and3A_412 = arith.constant 65535 : i32
    %and3A_413 = vector.broadcast %and3A_412 : i32 to vector<16xi32>
    %and3A_414 = arith.andi %get3A_411, %and3A_413 : vector<16xi32>
    %swap3A_415 = arith.constant 112 : index
    %swap3A_416 = tpu.vector_load %arg12[%swap3A_415] {strides = array<i32>} : memref<128xi32, #tpu.memory_space<vmem>>, vector<16xi32>,
    %swap3A_417 = vector.shape_cast %swap3A_416 : vector<16xi32> to vector<16xi32>
    %swap3A_418 = vector.shape_cast %and3A_414 : vector<16xi32> to vector<16xi32>
    tpu.vector_store %arg12[%swap3A_415], %swap3A_418 {strides = array<i32>} : memref<128xi32, #tpu.memory_space<vmem>>, vector<16xi32>,
    %shift_right_logical3A_419 = arith.constant 16 : i32
    %shift_right_logical3A_420 = vector.broadcast %shift_right_logical3A_419 : i32 to vector<16xi32>
    %shift_right_logical3A_421 = arith.shrui %get3A_411, %shift_right_logical3A_420 : vector<16xi32>
    %swap3A_422 = arith.constant 112 : index
    %swap3A_423 = tpu.vector_load %arg16[%swap3A_422] {strides = array<i32>} : memref<128xi32, #tpu.memory_space<vmem>>, vector<16xi32>,
    %swap3A_424 = vector.shape_cast %swap3A_423 : vector<16xi32> to vector<16xi32>
    %swap3A_425 = vector.shape_cast %shift_right_logical3A_421 : vector<16xi32> to vector<16xi32>
    tpu.vector_store %arg16[%swap3A_422], %swap3A_425 {strides = array<i32>} : memref<128xi32, #tpu.memory_space<vmem>>, vector<16xi32>,
    %dma_start3A_426 = arith.constant 0 : i32
    %dma_start3A_427 = arith.constant 0 : i32
    %dma_start3A_428 = tpu.memref_slice %arg2[%dma_start3A_426, %dma_start3A_427] : memref<10112x128xf32, #tpu.memory_space<hbm>> -> memref<10112x128xf32, #tpu.memory_space<hbm>>
    tpu.enqueue_indirect_dma source(%dma_start3A_428 : memref<10112x128xf32, #tpu.memory_space<hbm>>) target(%arg9 : memref<128x128xf32, #tpu.memory_space<vmem>>) offsets(%arg12 : memref<128xi32, #tpu.memory_space<vmem>>) semaphore(%arg19 : memref<!tpu.dma_semaphore, #tpu.memory_space<semaphore_mem>>)
    %get3A_429 = arith.constant 2 : i32
    %get3A_430 = arith.index_cast %get3A_429 : i32 to index
    %get3A_431 = arith.constant 0 : index
    %get3A_432 = tpu.vector_load %arg7[%get3A_430, %get3A_431] {strides = array<i32>} : memref<80x128xi32, #tpu.memory_space<vmem>>, vector<1x16xi32>,
    %get3A_433 = vector.shape_cast %get3A_432 : vector<1x16xi32> to vector<16xi32>
    %and3A_434 = arith.constant 65535 : i32
    %and3A_435 = vector.broadcast %and3A_434 : i32 to vector<16xi32>
    %and3A_436 = arith.andi %get3A_433, %and3A_435 : vector<16xi32>
    %swap3A_437 = arith.constant 0 : index
    %swap3A_438 = tpu.vector_load %arg11[%swap3A_437] {strides = array<i32>} : memref<128xi32, #tpu.memory_space<vmem>>, vector<16xi32>,
    %swap3A_439 = vector.shape_cast %swap3A_438 : vector<16xi32> to vector<16xi32>
    %swap3A_440 = vector.shape_cast %and3A_436 : vector<16xi32> to vector<16xi32>
    tpu.vector_store %arg11[%swap3A_437], %swap3A_440 {strides = array<i32>} : memref<128xi32, #tpu.memory_space<vmem>>, vector<16xi32>,
    %shift_right_logical3A_441 = arith.constant 16 : i32
    %shift_right_logical3A_442 = vector.broadcast %shift_right_logical3A_441 : i32 to vector<16xi32>
    %shift_right_logical3A_443 = arith.shrui %get3A_433, %shift_right_logical3A_442 : vector<16xi32>
    %swap3A_444 = arith.constant 0 : index
    %swap3A_445 = tpu.vector_load %arg15[%swap3A_444] {strides = array<i32>} : memref<128xi32, #tpu.memory_space<vmem>>, vector<16xi32>,
    %swap3A_446 = vector.shape_cast %swap3A_445 : vector<16xi32> to vector<16xi32>
    %swap3A_447 = vector.shape_cast %shift_right_logical3A_443 : vector<16xi32> to vector<16xi32>
    tpu.vector_store %arg15[%swap3A_444], %swap3A_447 {strides = array<i32>} : memref<128xi32, #tpu.memory_space<vmem>>, vector<16xi32>,
    %get3A_448 = arith.constant 2 : i32
    %get3A_449 = arith.index_cast %get3A_448 : i32 to index
    %get3A_450 = arith.constant 16 : index
    %get3A_451 = tpu.vector_load %arg7[%get3A_449, %get3A_450] {strides = array<i32>} : memref<80x128xi32, #tpu.memory_space<vmem>>, vector<1x16xi32>,
    %get3A_452 = vector.shape_cast %get3A_451 : vector<1x16xi32> to vector<16xi32>
    %and3A_453 = arith.constant 65535 : i32
    %and3A_454 = vector.broadcast %and3A_453 : i32 to vector<16xi32>
    %and3A_455 = arith.andi %get3A_452, %and3A_454 : vector<16xi32>
    %swap3A_456 = arith.constant 16 : index
    %swap3A_457 = tpu.vector_load %arg11[%swap3A_456] {strides = array<i32>} : memref<128xi32, #tpu.memory_space<vmem>>, vector<16xi32>,
    %swap3A_458 = vector.shape_cast %swap3A_457 : vector<16xi32> to vector<16xi32>
    %swap3A_459 = vector.shape_cast %and3A_455 : vector<16xi32> to vector<16xi32>
    tpu.vector_store %arg11[%swap3A_456], %swap3A_459 {strides = array<i32>} : memref<128xi32, #tpu.memory_space<vmem>>, vector<16xi32>,
    %shift_right_logical3A_460 = arith.constant 16 : i32
    %shift_right_logical3A_461 = vector.broadcast %shift_right_logical3A_460 : i32 to vector<16xi32>
    %shift_right_logical3A_462 = arith.shrui %get3A_452, %shift_right_logical3A_461 : vector<16xi32>
    %swap3A_463 = arith.constant 16 : index
    %swap3A_464 = tpu.vector_load %arg15[%swap3A_463] {strides = array<i32>} : memref<128xi32, #tpu.memory_space<vmem>>, vector<16xi32>,
    %swap3A_465 = vector.shape_cast %swap3A_464 : vector<16xi32> to vector<16xi32>
    %swap3A_466 = vector.shape_cast %shift_right_logical3A_462 : vector<16xi32> to vector<16xi32>
    tpu.vector_store %arg15[%swap3A_463], %swap3A_466 {strides = array<i32>} : memref<128xi32, #tpu.memory_space<vmem>>, vector<16xi32>,
    %get3A_467 = arith.constant 2 : i32
    %get3A_468 = arith.index_cast %get3A_467 : i32 to index
    %get3A_469 = arith.constant 32 : index
    %get3A_470 = tpu.vector_load %arg7[%get3A_468, %get3A_469] {strides = array<i32>} : memref<80x128xi32, #tpu.memory_space<vmem>>, vector<1x16xi32>,
    %get3A_471 = vector.shape_cast %get3A_470 : vector<1x16xi32> to vector<16xi32>
    %and3A_472 = arith.constant 65535 : i32
    %and3A_473 = vector.broadcast %and3A_472 : i32 to vector<16xi32>
    %and3A_474 = arith.andi %get3A_471, %and3A_473 : vector<16xi32>
    %swap3A_475 = arith.constant 32 : index
    %swap3A_476 = tpu.vector_load %arg11[%swap3A_475] {strides = array<i32>} : memref<128xi32, #tpu.memory_space<vmem>>, vector<16xi32>,
    %swap3A_477 = vector.shape_cast %swap3A_476 : vector<16xi32> to vector<16xi32>
    %swap3A_478 = vector.shape_cast %and3A_474 : vector<16xi32> to vector<16xi32>
    tpu.vector_store %arg11[%swap3A_475], %swap3A_478 {strides = array<i32>} : memref<128xi32, #tpu.memory_space<vmem>>, vector<16xi32>,
    %shift_right_logical3A_479 = arith.constant 16 : i32
    %shift_right_logical3A_480 = vector.broadcast %shift_right_logical3A_479 : i32 to vector<16xi32>
    %shift_right_logical3A_481 = arith.shrui %get3A_471, %shift_right_logical3A_480 : vector<16xi32>
    %swap3A_482 = arith.constant 32 : index
    %swap3A_483 = tpu.vector_load %arg15[%swap3A_482] {strides = array<i32>} : memref<128xi32, #tpu.memory_space<vmem>>, vector<16xi32>,
    %swap3A_484 = vector.shape_cast %swap3A_483 : vector<16xi32> to vector<16xi32>
    %swap3A_485 = vector.shape_cast %shift_right_logical3A_481 : vector<16xi32> to vector<16xi32>
    tpu.vector_store %arg15[%swap3A_482], %swap3A_485 {strides = array<i32>} : memref<128xi32, #tpu.memory_space<vmem>>, vector<16xi32>,
    %get3A_486 = arith.constant 2 : i32
    %get3A_487 = arith.index_cast %get3A_486 : i32 to index
    %get3A_488 = arith.constant 48 : index
    %get3A_489 = tpu.vector_load %arg7[%get3A_487, %get3A_488] {strides = array<i32>} : memref<80x128xi32, #tpu.memory_space<vmem>>, vector<1x16xi32>,
    %get3A_490 = vector.shape_cast %get3A_489 : vector<1x16xi32> to vector<16xi32>
    %and3A_491 = arith.constant 65535 : i32
    %and3A_492 = vector.broadcast %and3A_491 : i32 to vector<16xi32>
    %and3A_493 = arith.andi %get3A_490, %and3A_492 : vector<16xi32>
    %swap3A_494 = arith.constant 48 : index
    %swap3A_495 = tpu.vector_load %arg11[%swap3A_494] {strides = array<i32>} : memref<128xi32, #tpu.memory_space<vmem>>, vector<16xi32>,
    %swap3A_496 = vector.shape_cast %swap3A_495 : vector<16xi32> to vector<16xi32>
    %swap3A_497 = vector.shape_cast %and3A_493 : vector<16xi32> to vector<16xi32>
    tpu.vector_store %arg11[%swap3A_494], %swap3A_497 {strides = array<i32>} : memref<128xi32, #tpu.memory_space<vmem>>, vector<16xi32>,
    %shift_right_logical3A_498 = arith.constant 16 : i32
    %shift_right_logical3A_499 = vector.broadcast %shift_right_logical3A_498 : i32 to vector<16xi32>
    %shift_right_logical3A_500 = arith.shrui %get3A_490, %shift_right_logical3A_499 : vector<16xi32>
    %swap3A_501 = arith.constant 48 : index
    %swap3A_502 = tpu.vector_load %arg15[%swap3A_501] {strides = array<i32>} : memref<128xi32, #tpu.memory_space<vmem>>, vector<16xi32>,
    %swap3A_503 = vector.shape_cast %swap3A_502 : vector<16xi32> to vector<16xi32>
    %swap3A_504 = vector.shape_cast %shift_right_logical3A_500 : vector<16xi32> to vector<16xi32>
    tpu.vector_store %arg15[%swap3A_501], %swap3A_504 {strides = array<i32>} : memref<128xi32, #tpu.memory_space<vmem>>, vector<16xi32>,
    %get3A_505 = arith.constant 2 : i32
    %get3A_506 = arith.index_cast %get3A_505 : i32 to index
    %get3A_507 = arith.constant 64 : index
    %get3A_508 = tpu.vector_load %arg7[%get3A_506, %get3A_507] {strides = array<i32>} : memref<80x128xi32, #tpu.memory_space<vmem>>, vector<1x16xi32>,
    %get3A_509 = vector.shape_cast %get3A_508 : vector<1x16xi32> to vector<16xi32>
    %and3A_510 = arith.constant 65535 : i32
    %and3A_511 = vector.broadcast %and3A_510 : i32 to vector<16xi32>
    %and3A_512 = arith.andi %get3A_509, %and3A_511 : vector<16xi32>
    %swap3A_513 = arith.constant 64 : index
    %swap3A_514 = tpu.vector_load %arg11[%swap3A_513] {strides = array<i32>} : memref<128xi32, #tpu.memory_space<vmem>>, vector<16xi32>,
    %swap3A_515 = vector.shape_cast %swap3A_514 : vector<16xi32> to vector<16xi32>
    %swap3A_516 = vector.shape_cast %and3A_512 : vector<16xi32> to vector<16xi32>
    tpu.vector_store %arg11[%swap3A_513], %swap3A_516 {strides = array<i32>} : memref<128xi32, #tpu.memory_space<vmem>>, vector<16xi32>,
    %shift_right_logical3A_517 = arith.constant 16 : i32
    %shift_right_logical3A_518 = vector.broadcast %shift_right_logical3A_517 : i32 to vector<16xi32>
    %shift_right_logical3A_519 = arith.shrui %get3A_509, %shift_right_logical3A_518 : vector<16xi32>
    %swap3A_520 = arith.constant 64 : index
    %swap3A_521 = tpu.vector_load %arg15[%swap3A_520] {strides = array<i32>} : memref<128xi32, #tpu.memory_space<vmem>>, vector<16xi32>,
    %swap3A_522 = vector.shape_cast %swap3A_521 : vector<16xi32> to vector<16xi32>
    %swap3A_523 = vector.shape_cast %shift_right_logical3A_519 : vector<16xi32> to vector<16xi32>
    tpu.vector_store %arg15[%swap3A_520], %swap3A_523 {strides = array<i32>} : memref<128xi32, #tpu.memory_space<vmem>>, vector<16xi32>,
    %get3A_524 = arith.constant 2 : i32
    %get3A_525 = arith.index_cast %get3A_524 : i32 to index
    %get3A_526 = arith.constant 80 : index
    %get3A_527 = tpu.vector_load %arg7[%get3A_525, %get3A_526] {strides = array<i32>} : memref<80x128xi32, #tpu.memory_space<vmem>>, vector<1x16xi32>,
    %get3A_528 = vector.shape_cast %get3A_527 : vector<1x16xi32> to vector<16xi32>
    %and3A_529 = arith.constant 65535 : i32
    %and3A_530 = vector.broadcast %and3A_529 : i32 to vector<16xi32>
    %and3A_531 = arith.andi %get3A_528, %and3A_530 : vector<16xi32>
    %swap3A_532 = arith.constant 80 : index
    %swap3A_533 = tpu.vector_load %arg11[%swap3A_532] {strides = array<i32>} : memref<128xi32, #tpu.memory_space<vmem>>, vector<16xi32>,
    %swap3A_534 = vector.shape_cast %swap3A_533 : vector<16xi32> to vector<16xi32>
    %swap3A_535 = vector.shape_cast %and3A_531 : vector<16xi32> to vector<16xi32>
    tpu.vector_store %arg11[%swap3A_532], %swap3A_535 {strides = array<i32>} : memref<128xi32, #tpu.memory_space<vmem>>, vector<16xi32>,
    %shift_right_logical3A_536 = arith.constant 16 : i32
    %shift_right_logical3A_537 = vector.broadcast %shift_right_logical3A_536 : i32 to vector<16xi32>
    %shift_right_logical3A_538 = arith.shrui %get3A_528, %shift_right_logical3A_537 : vector<16xi32>
    %swap3A_539 = arith.constant 80 : index
    %swap3A_540 = tpu.vector_load %arg15[%swap3A_539] {strides = array<i32>} : memref<128xi32, #tpu.memory_space<vmem>>, vector<16xi32>,
    %swap3A_541 = vector.shape_cast %swap3A_540 : vector<16xi32> to vector<16xi32>
    %swap3A_542 = vector.shape_cast %shift_right_logical3A_538 : vector<16xi32> to vector<16xi32>
    tpu.vector_store %arg15[%swap3A_539], %swap3A_542 {strides = array<i32>} : memref<128xi32, #tpu.memory_space<vmem>>, vector<16xi32>,
    %get3A_543 = arith.constant 2 : i32
    %get3A_544 = arith.index_cast %get3A_543 : i32 to index
    %get3A_545 = arith.constant 96 : index
    %get3A_546 = tpu.vector_load %arg7[%get3A_544, %get3A_545] {strides = array<i32>} : memref<80x128xi32, #tpu.memory_space<vmem>>, vector<1x16xi32>,
    %get3A_547 = vector.shape_cast %get3A_546 : vector<1x16xi32> to vector<16xi32>
    %and3A_548 = arith.constant 65535 : i32
    %and3A_549 = vector.broadcast %and3A_548 : i32 to vector<16xi32>
    %and3A_550 = arith.andi %get3A_547, %and3A_549 : vector<16xi32>
    %swap3A_551 = arith.constant 96 : index
    %swap3A_552 = tpu.vector_load %arg11[%swap3A_551] {strides = array<i32>} : memref<128xi32, #tpu.memory_space<vmem>>, vector<16xi32>,
    %swap3A_553 = vector.shape_cast %swap3A_552 : vector<16xi32> to vector<16xi32>
    %swap3A_554 = vector.shape_cast %and3A_550 : vector<16xi32> to vector<16xi32>
    tpu.vector_store %arg11[%swap3A_551], %swap3A_554 {strides = array<i32>} : memref<128xi32, #tpu.memory_space<vmem>>, vector<16xi32>,
    %shift_right_logical3A_555 = arith.constant 16 : i32
    %shift_right_logical3A_556 = vector.broadcast %shift_right_logical3A_555 : i32 to vector<16xi32>
    %shift_right_logical3A_557 = arith.shrui %get3A_547, %shift_right_logical3A_556 : vector<16xi32>
    %swap3A_558 = arith.constant 96 : index
    %swap3A_559 = tpu.vector_load %arg15[%swap3A_558] {strides = array<i32>} : memref<128xi32, #tpu.memory_space<vmem>>, vector<16xi32>,
    %swap3A_560 = vector.shape_cast %swap3A_559 : vector<16xi32> to vector<16xi32>
    %swap3A_561 = vector.shape_cast %shift_right_logical3A_557 : vector<16xi32> to vector<16xi32>
    tpu.vector_store %arg15[%swap3A_558], %swap3A_561 {strides = array<i32>} : memref<128xi32, #tpu.memory_space<vmem>>, vector<16xi32>,
    %get3A_562 = arith.constant 2 : i32
    %get3A_563 = arith.index_cast %get3A_562 : i32 to index
    %get3A_564 = arith.constant 112 : index
    %get3A_565 = tpu.vector_load %arg7[%get3A_563, %get3A_564] {strides = array<i32>} : memref<80x128xi32, #tpu.memory_space<vmem>>, vector<1x16xi32>,
    %get3A_566 = vector.shape_cast %get3A_565 : vector<1x16xi32> to vector<16xi32>
    %and3A_567 = arith.constant 65535 : i32
    %and3A_568 = vector.broadcast %and3A_567 : i32 to vector<16xi32>
    %and3A_569 = arith.andi %get3A_566, %and3A_568 : vector<16xi32>
    %swap3A_570 = arith.constant 112 : index
    %swap3A_571 = tpu.vector_load %arg11[%swap3A_570] {strides = array<i32>} : memref<128xi32, #tpu.memory_space<vmem>>, vector<16xi32>,
    %swap3A_572 = vector.shape_cast %swap3A_571 : vector<16xi32> to vector<16xi32>
    %swap3A_573 = vector.shape_cast %and3A_569 : vector<16xi32> to vector<16xi32>
    tpu.vector_store %arg11[%swap3A_570], %swap3A_573 {strides = array<i32>} : memref<128xi32, #tpu.memory_space<vmem>>, vector<16xi32>,
    %shift_right_logical3A_574 = arith.constant 16 : i32
    %shift_right_logical3A_575 = vector.broadcast %shift_right_logical3A_574 : i32 to vector<16xi32>
    %shift_right_logical3A_576 = arith.shrui %get3A_566, %shift_right_logical3A_575 : vector<16xi32>
    %swap3A_577 = arith.constant 112 : index
    %swap3A_578 = tpu.vector_load %arg15[%swap3A_577] {strides = array<i32>} : memref<128xi32, #tpu.memory_space<vmem>>, vector<16xi32>,
    %swap3A_579 = vector.shape_cast %swap3A_578 : vector<16xi32> to vector<16xi32>
    %swap3A_580 = vector.shape_cast %shift_right_logical3A_576 : vector<16xi32> to vector<16xi32>
    tpu.vector_store %arg15[%swap3A_577], %swap3A_580 {strides = array<i32>} : memref<128xi32, #tpu.memory_space<vmem>>, vector<16xi32>,
    %get3A_581 = arith.constant 3 : i32
    %get3A_582 = arith.index_cast %get3A_581 : i32 to index
    %get3A_583 = arith.constant 0 : index
    %get3A_584 = tpu.vector_load %arg7[%get3A_582, %get3A_583] {strides = array<i32>} : memref<80x128xi32, #tpu.memory_space<vmem>>, vector<1x16xi32>,
    %get3A_585 = vector.shape_cast %get3A_584 : vector<1x16xi32> to vector<16xi32>
    %and3A_586 = arith.constant 65535 : i32
    %and3A_587 = vector.broadcast %and3A_586 : i32 to vector<16xi32>
    %and3A_588 = arith.andi %get3A_585, %and3A_587 : vector<16xi32>
    %swap3A_589 = arith.constant 0 : index
    %swap3A_590 = tpu.vector_load %arg13[%swap3A_589] {strides = array<i32>} : memref<128xi32, #tpu.memory_space<vmem>>, vector<16xi32>,
    %swap3A_591 = vector.shape_cast %swap3A_590 : vector<16xi32> to vector<16xi32>
    %swap3A_592 = vector.shape_cast %and3A_588 : vector<16xi32> to vector<16xi32>
    tpu.vector_store %arg13[%swap3A_589], %swap3A_592 {strides = array<i32>} : memref<128xi32, #tpu.memory_space<vmem>>, vector<16xi32>,
    %shift_right_logical3A_593 = arith.constant 16 : i32
    %shift_right_logical3A_594 = vector.broadcast %shift_right_logical3A_593 : i32 to vector<16xi32>
    %shift_right_logical3A_595 = arith.shrui %get3A_585, %shift_right_logical3A_594 : vector<16xi32>
    %swap3A_596 = arith.constant 0 : index
    %swap3A_597 = tpu.vector_load %arg17[%swap3A_596] {strides = array<i32>} : memref<128xi32, #tpu.memory_space<vmem>>, vector<16xi32>,
    %swap3A_598 = vector.shape_cast %swap3A_597 : vector<16xi32> to vector<16xi32>
    %swap3A_599 = vector.shape_cast %shift_right_logical3A_595 : vector<16xi32> to vector<16xi32>
    tpu.vector_store %arg17[%swap3A_596], %swap3A_599 {strides = array<i32>} : memref<128xi32, #tpu.memory_space<vmem>>, vector<16xi32>,
    %get3A_600 = arith.constant 3 : i32
    %get3A_601 = arith.index_cast %get3A_600 : i32 to index
    %get3A_602 = arith.constant 16 : index
    %get3A_603 = tpu.vector_load %arg7[%get3A_601, %get3A_602] {strides = array<i32>} : memref<80x128xi32, #tpu.memory_space<vmem>>, vector<1x16xi32>,
    %get3A_604 = vector.shape_cast %get3A_603 : vector<1x16xi32> to vector<16xi32>
    %and3A_605 = arith.constant 65535 : i32
    %and3A_606 = vector.broadcast %and3A_605 : i32 to vector<16xi32>
    %and3A_607 = arith.andi %get3A_604, %and3A_606 : vector<16xi32>
    %swap3A_608 = arith.constant 16 : index
    %swap3A_609 = tpu.vector_load %arg13[%swap3A_608] {strides = array<i32>} : memref<128xi32, #tpu.memory_space<vmem>>, vector<16xi32>,
    %swap3A_610 = vector.shape_cast %swap3A_609 : vector<16xi32> to vector<16xi32>
    %swap3A_611 = vector.shape_cast %and3A_607 : vector<16xi32> to vector<16xi32>
    tpu.vector_store %arg13[%swap3A_608], %swap3A_611 {strides = array<i32>} : memref<128xi32, #tpu.memory_space<vmem>>, vector<16xi32>,
    %shift_right_logical3A_612 = arith.constant 16 : i32
    %shift_right_logical3A_613 = vector.broadcast %shift_right_logical3A_612 : i32 to vector<16xi32>
    %shift_right_logical3A_614 = arith.shrui %get3A_604, %shift_right_logical3A_613 : vector<16xi32>
    %swap3A_615 = arith.constant 16 : index
    %swap3A_616 = tpu.vector_load %arg17[%swap3A_615] {strides = array<i32>} : memref<128xi32, #tpu.memory_space<vmem>>, vector<16xi32>,
    %swap3A_617 = vector.shape_cast %swap3A_616 : vector<16xi32> to vector<16xi32>
    %swap3A_618 = vector.shape_cast %shift_right_logical3A_614 : vector<16xi32> to vector<16xi32>
    tpu.vector_store %arg17[%swap3A_615], %swap3A_618 {strides = array<i32>} : memref<128xi32, #tpu.memory_space<vmem>>, vector<16xi32>,
    %get3A_619 = arith.constant 3 : i32
    %get3A_620 = arith.index_cast %get3A_619 : i32 to index
    %get3A_621 = arith.constant 32 : index
    %get3A_622 = tpu.vector_load %arg7[%get3A_620, %get3A_621] {strides = array<i32>} : memref<80x128xi32, #tpu.memory_space<vmem>>, vector<1x16xi32>,
    %get3A_623 = vector.shape_cast %get3A_622 : vector<1x16xi32> to vector<16xi32>
    %and3A_624 = arith.constant 65535 : i32
    %and3A_625 = vector.broadcast %and3A_624 : i32 to vector<16xi32>
    %and3A_626 = arith.andi %get3A_623, %and3A_625 : vector<16xi32>
    %swap3A_627 = arith.constant 32 : index
    %swap3A_628 = tpu.vector_load %arg13[%swap3A_627] {strides = array<i32>} : memref<128xi32, #tpu.memory_space<vmem>>, vector<16xi32>,
    %swap3A_629 = vector.shape_cast %swap3A_628 : vector<16xi32> to vector<16xi32>
    %swap3A_630 = vector.shape_cast %and3A_626 : vector<16xi32> to vector<16xi32>
    tpu.vector_store %arg13[%swap3A_627], %swap3A_630 {strides = array<i32>} : memref<128xi32, #tpu.memory_space<vmem>>, vector<16xi32>,
    %shift_right_logical3A_631 = arith.constant 16 : i32
    %shift_right_logical3A_632 = vector.broadcast %shift_right_logical3A_631 : i32 to vector<16xi32>
    %shift_right_logical3A_633 = arith.shrui %get3A_623, %shift_right_logical3A_632 : vector<16xi32>
    %swap3A_634 = arith.constant 32 : index
    %swap3A_635 = tpu.vector_load %arg17[%swap3A_634] {strides = array<i32>} : memref<128xi32, #tpu.memory_space<vmem>>, vector<16xi32>,
    %swap3A_636 = vector.shape_cast %swap3A_635 : vector<16xi32> to vector<16xi32>
    %swap3A_637 = vector.shape_cast %shift_right_logical3A_633 : vector<16xi32> to vector<16xi32>
    tpu.vector_store %arg17[%swap3A_634], %swap3A_637 {strides = array<i32>} : memref<128xi32, #tpu.memory_space<vmem>>, vector<16xi32>,
    %get3A_638 = arith.constant 3 : i32
    %get3A_639 = arith.index_cast %get3A_638 : i32 to index
    %get3A_640 = arith.constant 48 : index
    %get3A_641 = tpu.vector_load %arg7[%get3A_639, %get3A_640] {strides = array<i32>} : memref<80x128xi32, #tpu.memory_space<vmem>>, vector<1x16xi32>,
    %get3A_642 = vector.shape_cast %get3A_641 : vector<1x16xi32> to vector<16xi32>
    %and3A_643 = arith.constant 65535 : i32
    %and3A_644 = vector.broadcast %and3A_643 : i32 to vector<16xi32>
    %and3A_645 = arith.andi %get3A_642, %and3A_644 : vector<16xi32>
    %swap3A_646 = arith.constant 48 : index
    %swap3A_647 = tpu.vector_load %arg13[%swap3A_646] {strides = array<i32>} : memref<128xi32, #tpu.memory_space<vmem>>, vector<16xi32>,
    %swap3A_648 = vector.shape_cast %swap3A_647 : vector<16xi32> to vector<16xi32>
    %swap3A_649 = vector.shape_cast %and3A_645 : vector<16xi32> to vector<16xi32>
    tpu.vector_store %arg13[%swap3A_646], %swap3A_649 {strides = array<i32>} : memref<128xi32, #tpu.memory_space<vmem>>, vector<16xi32>,
    %shift_right_logical3A_650 = arith.constant 16 : i32
    %shift_right_logical3A_651 = vector.broadcast %shift_right_logical3A_650 : i32 to vector<16xi32>
    %shift_right_logical3A_652 = arith.shrui %get3A_642, %shift_right_logical3A_651 : vector<16xi32>
    %swap3A_653 = arith.constant 48 : index
    %swap3A_654 = tpu.vector_load %arg17[%swap3A_653] {strides = array<i32>} : memref<128xi32, #tpu.memory_space<vmem>>, vector<16xi32>,
    %swap3A_655 = vector.shape_cast %swap3A_654 : vector<16xi32> to vector<16xi32>
    %swap3A_656 = vector.shape_cast %shift_right_logical3A_652 : vector<16xi32> to vector<16xi32>
    tpu.vector_store %arg17[%swap3A_653], %swap3A_656 {strides = array<i32>} : memref<128xi32, #tpu.memory_space<vmem>>, vector<16xi32>,
    %get3A_657 = arith.constant 3 : i32
    %get3A_658 = arith.index_cast %get3A_657 : i32 to index
    %get3A_659 = arith.constant 64 : index
    %get3A_660 = tpu.vector_load %arg7[%get3A_658, %get3A_659] {strides = array<i32>} : memref<80x128xi32, #tpu.memory_space<vmem>>, vector<1x16xi32>,
    %get3A_661 = vector.shape_cast %get3A_660 : vector<1x16xi32> to vector<16xi32>
    %and3A_662 = arith.constant 65535 : i32
    %and3A_663 = vector.broadcast %and3A_662 : i32 to vector<16xi32>
    %and3A_664 = arith.andi %get3A_661, %and3A_663 : vector<16xi32>
    %swap3A_665 = arith.constant 64 : index
    %swap3A_666 = tpu.vector_load %arg13[%swap3A_665] {strides = array<i32>} : memref<128xi32, #tpu.memory_space<vmem>>, vector<16xi32>,
    %swap3A_667 = vector.shape_cast %swap3A_666 : vector<16xi32> to vector<16xi32>
    %swap3A_668 = vector.shape_cast %and3A_664 : vector<16xi32> to vector<16xi32>
    tpu.vector_store %arg13[%swap3A_665], %swap3A_668 {strides = array<i32>} : memref<128xi32, #tpu.memory_space<vmem>>, vector<16xi32>,
    %shift_right_logical3A_669 = arith.constant 16 : i32
    %shift_right_logical3A_670 = vector.broadcast %shift_right_logical3A_669 : i32 to vector<16xi32>
    %shift_right_logical3A_671 = arith.shrui %get3A_661, %shift_right_logical3A_670 : vector<16xi32>
    %swap3A_672 = arith.constant 64 : index
    %swap3A_673 = tpu.vector_load %arg17[%swap3A_672] {strides = array<i32>} : memref<128xi32, #tpu.memory_space<vmem>>, vector<16xi32>,
    %swap3A_674 = vector.shape_cast %swap3A_673 : vector<16xi32> to vector<16xi32>
    %swap3A_675 = vector.shape_cast %shift_right_logical3A_671 : vector<16xi32> to vector<16xi32>
    tpu.vector_store %arg17[%swap3A_672], %swap3A_675 {strides = array<i32>} : memref<128xi32, #tpu.memory_space<vmem>>, vector<16xi32>,
    %get3A_676 = arith.constant 3 : i32
    %get3A_677 = arith.index_cast %get3A_676 : i32 to index
    %get3A_678 = arith.constant 80 : index
    %get3A_679 = tpu.vector_load %arg7[%get3A_677, %get3A_678] {strides = array<i32>} : memref<80x128xi32, #tpu.memory_space<vmem>>, vector<1x16xi32>,
    %get3A_680 = vector.shape_cast %get3A_679 : vector<1x16xi32> to vector<16xi32>
    %and3A_681 = arith.constant 65535 : i32
    %and3A_682 = vector.broadcast %and3A_681 : i32 to vector<16xi32>
    %and3A_683 = arith.andi %get3A_680, %and3A_682 : vector<16xi32>
    %swap3A_684 = arith.constant 80 : index
    %swap3A_685 = tpu.vector_load %arg13[%swap3A_684] {strides = array<i32>} : memref<128xi32, #tpu.memory_space<vmem>>, vector<16xi32>,
    %swap3A_686 = vector.shape_cast %swap3A_685 : vector<16xi32> to vector<16xi32>
    %swap3A_687 = vector.shape_cast %and3A_683 : vector<16xi32> to vector<16xi32>
    tpu.vector_store %arg13[%swap3A_684], %swap3A_687 {strides = array<i32>} : memref<128xi32, #tpu.memory_space<vmem>>, vector<16xi32>,
    %shift_right_logical3A_688 = arith.constant 16 : i32
    %shift_right_logical3A_689 = vector.broadcast %shift_right_logical3A_688 : i32 to vector<16xi32>
    %shift_right_logical3A_690 = arith.shrui %get3A_680, %shift_right_logical3A_689 : vector<16xi32>
    %swap3A_691 = arith.constant 80 : index
    %swap3A_692 = tpu.vector_load %arg17[%swap3A_691] {strides = array<i32>} : memref<128xi32, #tpu.memory_space<vmem>>, vector<16xi32>,
    %swap3A_693 = vector.shape_cast %swap3A_692 : vector<16xi32> to vector<16xi32>
    %swap3A_694 = vector.shape_cast %shift_right_logical3A_690 : vector<16xi32> to vector<16xi32>
    tpu.vector_store %arg17[%swap3A_691], %swap3A_694 {strides = array<i32>} : memref<128xi32, #tpu.memory_space<vmem>>, vector<16xi32>,
    %get3A_695 = arith.constant 3 : i32
    %get3A_696 = arith.index_cast %get3A_695 : i32 to index
    %get3A_697 = arith.constant 96 : index
    %get3A_698 = tpu.vector_load %arg7[%get3A_696, %get3A_697] {strides = array<i32>} : memref<80x128xi32, #tpu.memory_space<vmem>>, vector<1x16xi32>,
    %get3A_699 = vector.shape_cast %get3A_698 : vector<1x16xi32> to vector<16xi32>
    %and3A_700 = arith.constant 65535 : i32
    %and3A_701 = vector.broadcast %and3A_700 : i32 to vector<16xi32>
    %and3A_702 = arith.andi %get3A_699, %and3A_701 : vector<16xi32>
    %swap3A_703 = arith.constant 96 : index
    %swap3A_704 = tpu.vector_load %arg13[%swap3A_703] {strides = array<i32>} : memref<128xi32, #tpu.memory_space<vmem>>, vector<16xi32>,
    %swap3A_705 = vector.shape_cast %swap3A_704 : vector<16xi32> to vector<16xi32>
    %swap3A_706 = vector.shape_cast %and3A_702 : vector<16xi32> to vector<16xi32>
    tpu.vector_store %arg13[%swap3A_703], %swap3A_706 {strides = array<i32>} : memref<128xi32, #tpu.memory_space<vmem>>, vector<16xi32>,
    %shift_right_logical3A_707 = arith.constant 16 : i32
    %shift_right_logical3A_708 = vector.broadcast %shift_right_logical3A_707 : i32 to vector<16xi32>
    %shift_right_logical3A_709 = arith.shrui %get3A_699, %shift_right_logical3A_708 : vector<16xi32>
    %swap3A_710 = arith.constant 96 : index
    %swap3A_711 = tpu.vector_load %arg17[%swap3A_710] {strides = array<i32>} : memref<128xi32, #tpu.memory_space<vmem>>, vector<16xi32>,
    %swap3A_712 = vector.shape_cast %swap3A_711 : vector<16xi32> to vector<16xi32>
    %swap3A_713 = vector.shape_cast %shift_right_logical3A_709 : vector<16xi32> to vector<16xi32>
    tpu.vector_store %arg17[%swap3A_710], %swap3A_713 {strides = array<i32>} : memref<128xi32, #tpu.memory_space<vmem>>, vector<16xi32>,
    %get3A_714 = arith.constant 3 : i32
    %get3A_715 = arith.index_cast %get3A_714 : i32 to index
    %get3A_716 = arith.constant 112 : index
    %get3A_717 = tpu.vector_load %arg7[%get3A_715, %get3A_716] {strides = array<i32>} : memref<80x128xi32, #tpu.memory_space<vmem>>, vector<1x16xi32>,
    %get3A_718 = vector.shape_cast %get3A_717 : vector<1x16xi32> to vector<16xi32>
    %and3A_719 = arith.constant 65535 : i32
    %and3A_720 = vector.broadcast %and3A_719 : i32 to vector<16xi32>
    %and3A_721 = arith.andi %get3A_718, %and3A_720 : vector<16xi32>
    %swap3A_722 = arith.constant 112 : index
    %swap3A_723 = tpu.vector_load %arg13[%swap3A_722] {strides = array<i32>} : memref<128xi32, #tpu.memory_space<vmem>>, vector<16xi32>,
    %swap3A_724 = vector.shape_cast %swap3A_723 : vector<16xi32> to vector<16xi32>
    %swap3A_725 = vector.shape_cast %and3A_721 : vector<16xi32> to vector<16xi32>
    tpu.vector_store %arg13[%swap3A_722], %swap3A_725 {strides = array<i32>} : memref<128xi32, #tpu.memory_space<vmem>>, vector<16xi32>,
    %shift_right_logical3A_726 = arith.constant 16 : i32
    %shift_right_logical3A_727 = vector.broadcast %shift_right_logical3A_726 : i32 to vector<16xi32>
    %shift_right_logical3A_728 = arith.shrui %get3A_718, %shift_right_logical3A_727 : vector<16xi32>
    %swap3A_729 = arith.constant 112 : index
    %swap3A_730 = tpu.vector_load %arg17[%swap3A_729] {strides = array<i32>} : memref<128xi32, #tpu.memory_space<vmem>>, vector<16xi32>,
    %swap3A_731 = vector.shape_cast %swap3A_730 : vector<16xi32> to vector<16xi32>
    %swap3A_732 = vector.shape_cast %shift_right_logical3A_728 : vector<16xi32> to vector<16xi32>
    tpu.vector_store %arg17[%swap3A_729], %swap3A_732 {strides = array<i32>} : memref<128xi32, #tpu.memory_space<vmem>>, vector<16xi32>,
    %scan3A = arith.constant 0 : i32
    %scan3A_733 = arith.constant 0 : i32
    %scan3A_734 = arith.constant 20 : i32
    %scan3A_735 = arith.addi %scan3A_733, %scan3A_734 : i32
    %scan3A_736 = arith.constant 1 : i32
    scf.for %scan3A_889 = %scan3A_733 to %scan3A_735 step %scan3A_736  : i32 {
      %mul3A_890 = arith.constant 2 : i32
      %mul3A_891 = arith.muli %scan3A_889, %mul3A_890 : i32
      %mul3A_892 = arith.constant 2 : i32
      %mul3A_893 = arith.muli %mul3A_891, %mul3A_892 : i32
      %add3A_894 = arith.constant 0 : i32
      %add3A_895 = arith.addi %mul3A_893, %add3A_894 : i32
      %add3A_896 = arith.constant 0 : i32
      %add3A_897 = arith.addi %add3A_895, %add3A_896 : i32
      %dma_wait3A_898 = arith.constant 0 : i32
      %dma_wait3A_899 = arith.constant 0 : i32
      %dma_wait3A_900 = tpu.memref_slice %arg2[%dma_wait3A_898, %dma_wait3A_899] : memref<10112x128xf32, #tpu.memory_space<hbm>> -> memref<10112x128xf32, #tpu.memory_space<hbm>>
      tpu.wait_indirect_dma semaphore(%arg18 : memref<!tpu.dma_semaphore, #tpu.memory_space<semaphore_mem>>) src(%dma_wait3A_900 : memref<10112x128xf32, #tpu.memory_space<hbm>>) dst(%arg8 : memref<128x128xf32, #tpu.memory_space<vmem>>)
      "tpu.region"() ({
        %run_scoped3A = tpu.sem_alloc : memref<!tpu.dma_semaphore, #tpu.memory_space<semaphore_mem>>
        %dma_start3A_987 = arith.constant 0 : i32
        %dma_start3A_988 = arith.constant 0 : i32
        %dma_start3A_989 = tpu.memref_slice %arg6[%dma_start3A_987, %dma_start3A_988] : memref<10112x128xf32, #tpu.memory_space<vmem_shared>> -> memref<10112x128xf32, #tpu.memory_space<vmem_shared>>
        tpu.enqueue_indirect_dma source(%arg8 : memref<128x128xf32, #tpu.memory_space<vmem>>) target(%dma_start3A_989 : memref<10112x128xf32, #tpu.memory_space<vmem_shared>>) offsets(%arg14 : memref<128xi32, #tpu.memory_space<vmem>>) semaphore(%run_scoped3A : memref<!tpu.dma_semaphore, #tpu.memory_space<semaphore_mem>>) {add = true}
        %dma_wait3A_990 = arith.constant 0 : i32
        %dma_wait3A_991 = arith.constant 0 : i32
        %dma_wait3A_992 = tpu.memref_slice %arg6[%dma_wait3A_990, %dma_wait3A_991] : memref<10112x128xf32, #tpu.memory_space<vmem_shared>> -> memref<10112x128xf32, #tpu.memory_space<vmem_shared>>
        tpu.wait_indirect_dma semaphore(%run_scoped3A : memref<!tpu.dma_semaphore, #tpu.memory_space<semaphore_mem>>) src(%arg8 : memref<128x128xf32, #tpu.memory_space<vmem>>) dst(%dma_wait3A_992 : memref<10112x128xf32, #tpu.memory_space<vmem_shared>>)
        tpu.yield
      }) : () -> ()
      %add3A_901 = arith.constant 2 : i32
      %add3A_902 = arith.addi %add3A_897, %add3A_901 : i32
      %lt3A = arith.constant 80 : i32
      %lt3A_903 = arith.cmpi slt, %add3A_902, %lt3A : i32
      %convert_element_type3A = arith.extui %lt3A_903 : i1 to i32
      %cond3A = arith.constant 0 : i32
      %cond3A_904 = arith.cmpi ne, %convert_element_type3A, %cond3A : i32
      scf.if %cond3A_904 {
        %dma_start3A_987 = arith.constant 0 : i32
        %dma_start3A_988 = arith.constant 0 : i32
        %dma_start3A_989 = tpu.memref_slice %arg2[%dma_start3A_987, %dma_start3A_988] : memref<10112x128xf32, #tpu.memory_space<hbm>> -> memref<10112x128xf32, #tpu.memory_space<hbm>>
        tpu.enqueue_indirect_dma source(%dma_start3A_989 : memref<10112x128xf32, #tpu.memory_space<hbm>>) target(%arg8 : memref<128x128xf32, #tpu.memory_space<vmem>>) offsets(%arg11 : memref<128xi32, #tpu.memory_space<vmem>>) semaphore(%arg18 : memref<!tpu.dma_semaphore, #tpu.memory_space<semaphore_mem>>)
      } else {
      }
      %add3A_905 = arith.constant 4 : i32
      %add3A_906 = arith.addi %add3A_897, %add3A_905 : i32
      %lt3A_907 = arith.constant 80 : i32
      %lt3A_908 = arith.cmpi slt, %add3A_906, %lt3A_907 : i32
      %convert_element_type3A_909 = arith.extui %lt3A_908 : i1 to i32
      %cond3A_910 = arith.constant 0 : i32
      %cond3A_911 = arith.cmpi ne, %convert_element_type3A_909, %cond3A_910 : i32
      scf.if %cond3A_911 {
        %add3A_987 = arith.constant 4 : i32
        %add3A_988 = arith.addi %add3A_897, %add3A_987 : i32
        %get3A_989 = arith.index_cast %add3A_988 : i32 to index
        %get3A_990 = arith.constant 0 : index
        %get3A_991 = tpu.vector_load %arg7[%get3A_989, %get3A_990] {strides = array<i32>} : memref<80x128xi32, #tpu.memory_space<vmem>>, vector<1x16xi32>,
        %get3A_992 = vector.shape_cast %get3A_991 : vector<1x16xi32> to vector<16xi32>
        %and3A_993 = arith.constant 65535 : i32
        %and3A_994 = vector.broadcast %and3A_993 : i32 to vector<16xi32>
        %and3A_995 = arith.andi %get3A_992, %and3A_994 : vector<16xi32>
        %swap3A_996 = arith.constant 0 : index
        %swap3A_997 = tpu.vector_load %arg10[%swap3A_996] {strides = array<i32>} : memref<128xi32, #tpu.memory_space<vmem>>, vector<16xi32>,
        %swap3A_998 = vector.shape_cast %swap3A_997 : vector<16xi32> to vector<16xi32>
        %swap3A_999 = vector.shape_cast %and3A_995 : vector<16xi32> to vector<16xi32>
        tpu.vector_store %arg10[%swap3A_996], %swap3A_999 {strides = array<i32>} : memref<128xi32, #tpu.memory_space<vmem>>, vector<16xi32>,
        %shift_right_logical3A_1000 = arith.constant 16 : i32
        %shift_right_logical3A_1001 = vector.broadcast %shift_right_logical3A_1000 : i32 to vector<16xi32>
        %shift_right_logical3A_1002 = arith.shrui %get3A_992, %shift_right_logical3A_1001 : vector<16xi32>
        %swap3A_1003 = arith.constant 0 : index
        %swap3A_1004 = tpu.vector_load %arg14[%swap3A_1003] {strides = array<i32>} : memref<128xi32, #tpu.memory_space<vmem>>, vector<16xi32>,
        %swap3A_1005 = vector.shape_cast %swap3A_1004 : vector<16xi32> to vector<16xi32>
        %swap3A_1006 = vector.shape_cast %shift_right_logical3A_1002 : vector<16xi32> to vector<16xi32>
        tpu.vector_store %arg14[%swap3A_1003], %swap3A_1006 {strides = array<i32>} : memref<128xi32, #tpu.memory_space<vmem>>, vector<16xi32>,
        %get3A_1007 = arith.index_cast %add3A_988 : i32 to index
        %get3A_1008 = arith.constant 16 : index
        %get3A_1009 = tpu.vector_load %arg7[%get3A_1007, %get3A_1008] {strides = array<i32>} : memref<80x128xi32, #tpu.memory_space<vmem>>, vector<1x16xi32>,
        %get3A_1010 = vector.shape_cast %get3A_1009 : vector<1x16xi32> to vector<16xi32>
        %and3A_1011 = arith.constant 65535 : i32
        %and3A_1012 = vector.broadcast %and3A_1011 : i32 to vector<16xi32>
        %and3A_1013 = arith.andi %get3A_1010, %and3A_1012 : vector<16xi32>
        %swap3A_1014 = arith.constant 16 : index
        %swap3A_1015 = tpu.vector_load %arg10[%swap3A_1014] {strides = array<i32>} : memref<128xi32, #tpu.memory_space<vmem>>, vector<16xi32>,
        %swap3A_1016 = vector.shape_cast %swap3A_1015 : vector<16xi32> to vector<16xi32>
        %swap3A_1017 = vector.shape_cast %and3A_1013 : vector<16xi32> to vector<16xi32>
        tpu.vector_store %arg10[%swap3A_1014], %swap3A_1017 {strides = array<i32>} : memref<128xi32, #tpu.memory_space<vmem>>, vector<16xi32>,
        %shift_right_logical3A_1018 = arith.constant 16 : i32
        %shift_right_logical3A_1019 = vector.broadcast %shift_right_logical3A_1018 : i32 to vector<16xi32>
        %shift_right_logical3A_1020 = arith.shrui %get3A_1010, %shift_right_logical3A_1019 : vector<16xi32>
        %swap3A_1021 = arith.constant 16 : index
        %swap3A_1022 = tpu.vector_load %arg14[%swap3A_1021] {strides = array<i32>} : memref<128xi32, #tpu.memory_space<vmem>>, vector<16xi32>,
        %swap3A_1023 = vector.shape_cast %swap3A_1022 : vector<16xi32> to vector<16xi32>
        %swap3A_1024 = vector.shape_cast %shift_right_logical3A_1020 : vector<16xi32> to vector<16xi32>
        tpu.vector_store %arg14[%swap3A_1021], %swap3A_1024 {strides = array<i32>} : memref<128xi32, #tpu.memory_space<vmem>>, vector<16xi32>,
        %get3A_1025 = arith.index_cast %add3A_988 : i32 to index
        %get3A_1026 = arith.constant 32 : index
        %get3A_1027 = tpu.vector_load %arg7[%get3A_1025, %get3A_1026] {strides = array<i32>} : memref<80x128xi32, #tpu.memory_space<vmem>>, vector<1x16xi32>,
        %get3A_1028 = vector.shape_cast %get3A_1027 : vector<1x16xi32> to vector<16xi32>
        %and3A_1029 = arith.constant 65535 : i32
        %and3A_1030 = vector.broadcast %and3A_1029 : i32 to vector<16xi32>
        %and3A_1031 = arith.andi %get3A_1028, %and3A_1030 : vector<16xi32>
        %swap3A_1032 = arith.constant 32 : index
        %swap3A_1033 = tpu.vector_load %arg10[%swap3A_1032] {strides = array<i32>} : memref<128xi32, #tpu.memory_space<vmem>>, vector<16xi32>,
        %swap3A_1034 = vector.shape_cast %swap3A_1033 : vector<16xi32> to vector<16xi32>
        %swap3A_1035 = vector.shape_cast %and3A_1031 : vector<16xi32> to vector<16xi32>
        tpu.vector_store %arg10[%swap3A_1032], %swap3A_1035 {strides = array<i32>} : memref<128xi32, #tpu.memory_space<vmem>>, vector<16xi32>,
        %shift_right_logical3A_1036 = arith.constant 16 : i32
        %shift_right_logical3A_1037 = vector.broadcast %shift_right_logical3A_1036 : i32 to vector<16xi32>
        %shift_right_logical3A_1038 = arith.shrui %get3A_1028, %shift_right_logical3A_1037 : vector<16xi32>
        %swap3A_1039 = arith.constant 32 : index
        %swap3A_1040 = tpu.vector_load %arg14[%swap3A_1039] {strides = array<i32>} : memref<128xi32, #tpu.memory_space<vmem>>, vector<16xi32>,
        %swap3A_1041 = vector.shape_cast %swap3A_1040 : vector<16xi32> to vector<16xi32>
        %swap3A_1042 = vector.shape_cast %shift_right_logical3A_1038 : vector<16xi32> to vector<16xi32>
        tpu.vector_store %arg14[%swap3A_1039], %swap3A_1042 {strides = array<i32>} : memref<128xi32, #tpu.memory_space<vmem>>, vector<16xi32>,
        %get3A_1043 = arith.index_cast %add3A_988 : i32 to index
        %get3A_1044 = arith.constant 48 : index
        %get3A_1045 = tpu.vector_load %arg7[%get3A_1043, %get3A_1044] {strides = array<i32>} : memref<80x128xi32, #tpu.memory_space<vmem>>, vector<1x16xi32>,
        %get3A_1046 = vector.shape_cast %get3A_1045 : vector<1x16xi32> to vector<16xi32>
        %and3A_1047 = arith.constant 65535 : i32
        %and3A_1048 = vector.broadcast %and3A_1047 : i32 to vector<16xi32>
        %and3A_1049 = arith.andi %get3A_1046, %and3A_1048 : vector<16xi32>
        %swap3A_1050 = arith.constant 48 : index
        %swap3A_1051 = tpu.vector_load %arg10[%swap3A_1050] {strides = array<i32>} : memref<128xi32, #tpu.memory_space<vmem>>, vector<16xi32>,
        %swap3A_1052 = vector.shape_cast %swap3A_1051 : vector<16xi32> to vector<16xi32>
        %swap3A_1053 = vector.shape_cast %and3A_1049 : vector<16xi32> to vector<16xi32>
        tpu.vector_store %arg10[%swap3A_1050], %swap3A_1053 {strides = array<i32>} : memref<128xi32, #tpu.memory_space<vmem>>, vector<16xi32>,
        %shift_right_logical3A_1054 = arith.constant 16 : i32
        %shift_right_logical3A_1055 = vector.broadcast %shift_right_logical3A_1054 : i32 to vector<16xi32>
        %shift_right_logical3A_1056 = arith.shrui %get3A_1046, %shift_right_logical3A_1055 : vector<16xi32>
        %swap3A_1057 = arith.constant 48 : index
        %swap3A_1058 = tpu.vector_load %arg14[%swap3A_1057] {strides = array<i32>} : memref<128xi32, #tpu.memory_space<vmem>>, vector<16xi32>,
        %swap3A_1059 = vector.shape_cast %swap3A_1058 : vector<16xi32> to vector<16xi32>
        %swap3A_1060 = vector.shape_cast %shift_right_logical3A_1056 : vector<16xi32> to vector<16xi32>
        tpu.vector_store %arg14[%swap3A_1057], %swap3A_1060 {strides = array<i32>} : memref<128xi32, #tpu.memory_space<vmem>>, vector<16xi32>,
        %get3A_1061 = arith.index_cast %add3A_988 : i32 to index
        %get3A_1062 = arith.constant 64 : index
        %get3A_1063 = tpu.vector_load %arg7[%get3A_1061, %get3A_1062] {strides = array<i32>} : memref<80x128xi32, #tpu.memory_space<vmem>>, vector<1x16xi32>,
        %get3A_1064 = vector.shape_cast %get3A_1063 : vector<1x16xi32> to vector<16xi32>
        %and3A_1065 = arith.constant 65535 : i32
        %and3A_1066 = vector.broadcast %and3A_1065 : i32 to vector<16xi32>
        %and3A_1067 = arith.andi %get3A_1064, %and3A_1066 : vector<16xi32>
        %swap3A_1068 = arith.constant 64 : index
        %swap3A_1069 = tpu.vector_load %arg10[%swap3A_1068] {strides = array<i32>} : memref<128xi32, #tpu.memory_space<vmem>>, vector<16xi32>,
        %swap3A_1070 = vector.shape_cast %swap3A_1069 : vector<16xi32> to vector<16xi32>
        %swap3A_1071 = vector.shape_cast %and3A_1067 : vector<16xi32> to vector<16xi32>
        tpu.vector_store %arg10[%swap3A_1068], %swap3A_1071 {strides = array<i32>} : memref<128xi32, #tpu.memory_space<vmem>>, vector<16xi32>,
        %shift_right_logical3A_1072 = arith.constant 16 : i32
        %shift_right_logical3A_1073 = vector.broadcast %shift_right_logical3A_1072 : i32 to vector<16xi32>
        %shift_right_logical3A_1074 = arith.shrui %get3A_1064, %shift_right_logical3A_1073 : vector<16xi32>
        %swap3A_1075 = arith.constant 64 : index
        %swap3A_1076 = tpu.vector_load %arg14[%swap3A_1075] {strides = array<i32>} : memref<128xi32, #tpu.memory_space<vmem>>, vector<16xi32>,
        %swap3A_1077 = vector.shape_cast %swap3A_1076 : vector<16xi32> to vector<16xi32>
        %swap3A_1078 = vector.shape_cast %shift_right_logical3A_1074 : vector<16xi32> to vector<16xi32>
        tpu.vector_store %arg14[%swap3A_1075], %swap3A_1078 {strides = array<i32>} : memref<128xi32, #tpu.memory_space<vmem>>, vector<16xi32>,
        %get3A_1079 = arith.index_cast %add3A_988 : i32 to index
        %get3A_1080 = arith.constant 80 : index
        %get3A_1081 = tpu.vector_load %arg7[%get3A_1079, %get3A_1080] {strides = array<i32>} : memref<80x128xi32, #tpu.memory_space<vmem>>, vector<1x16xi32>,
        %get3A_1082 = vector.shape_cast %get3A_1081 : vector<1x16xi32> to vector<16xi32>
        %and3A_1083 = arith.constant 65535 : i32
        %and3A_1084 = vector.broadcast %and3A_1083 : i32 to vector<16xi32>
        %and3A_1085 = arith.andi %get3A_1082, %and3A_1084 : vector<16xi32>
        %swap3A_1086 = arith.constant 80 : index
        %swap3A_1087 = tpu.vector_load %arg10[%swap3A_1086] {strides = array<i32>} : memref<128xi32, #tpu.memory_space<vmem>>, vector<16xi32>,
        %swap3A_1088 = vector.shape_cast %swap3A_1087 : vector<16xi32> to vector<16xi32>
        %swap3A_1089 = vector.shape_cast %and3A_1085 : vector<16xi32> to vector<16xi32>
        tpu.vector_store %arg10[%swap3A_1086], %swap3A_1089 {strides = array<i32>} : memref<128xi32, #tpu.memory_space<vmem>>, vector<16xi32>,
        %shift_right_logical3A_1090 = arith.constant 16 : i32
        %shift_right_logical3A_1091 = vector.broadcast %shift_right_logical3A_1090 : i32 to vector<16xi32>
        %shift_right_logical3A_1092 = arith.shrui %get3A_1082, %shift_right_logical3A_1091 : vector<16xi32>
        %swap3A_1093 = arith.constant 80 : index
        %swap3A_1094 = tpu.vector_load %arg14[%swap3A_1093] {strides = array<i32>} : memref<128xi32, #tpu.memory_space<vmem>>, vector<16xi32>,
        %swap3A_1095 = vector.shape_cast %swap3A_1094 : vector<16xi32> to vector<16xi32>
        %swap3A_1096 = vector.shape_cast %shift_right_logical3A_1092 : vector<16xi32> to vector<16xi32>
        tpu.vector_store %arg14[%swap3A_1093], %swap3A_1096 {strides = array<i32>} : memref<128xi32, #tpu.memory_space<vmem>>, vector<16xi32>,
        %get3A_1097 = arith.index_cast %add3A_988 : i32 to index
        %get3A_1098 = arith.constant 96 : index
        %get3A_1099 = tpu.vector_load %arg7[%get3A_1097, %get3A_1098] {strides = array<i32>} : memref<80x128xi32, #tpu.memory_space<vmem>>, vector<1x16xi32>,
        %get3A_1100 = vector.shape_cast %get3A_1099 : vector<1x16xi32> to vector<16xi32>
        %and3A_1101 = arith.constant 65535 : i32
        %and3A_1102 = vector.broadcast %and3A_1101 : i32 to vector<16xi32>
        %and3A_1103 = arith.andi %get3A_1100, %and3A_1102 : vector<16xi32>
        %swap3A_1104 = arith.constant 96 : index
        %swap3A_1105 = tpu.vector_load %arg10[%swap3A_1104] {strides = array<i32>} : memref<128xi32, #tpu.memory_space<vmem>>, vector<16xi32>,
        %swap3A_1106 = vector.shape_cast %swap3A_1105 : vector<16xi32> to vector<16xi32>
        %swap3A_1107 = vector.shape_cast %and3A_1103 : vector<16xi32> to vector<16xi32>
        tpu.vector_store %arg10[%swap3A_1104], %swap3A_1107 {strides = array<i32>} : memref<128xi32, #tpu.memory_space<vmem>>, vector<16xi32>,
        %shift_right_logical3A_1108 = arith.constant 16 : i32
        %shift_right_logical3A_1109 = vector.broadcast %shift_right_logical3A_1108 : i32 to vector<16xi32>
        %shift_right_logical3A_1110 = arith.shrui %get3A_1100, %shift_right_logical3A_1109 : vector<16xi32>
        %swap3A_1111 = arith.constant 96 : index
        %swap3A_1112 = tpu.vector_load %arg14[%swap3A_1111] {strides = array<i32>} : memref<128xi32, #tpu.memory_space<vmem>>, vector<16xi32>,
        %swap3A_1113 = vector.shape_cast %swap3A_1112 : vector<16xi32> to vector<16xi32>
        %swap3A_1114 = vector.shape_cast %shift_right_logical3A_1110 : vector<16xi32> to vector<16xi32>
        tpu.vector_store %arg14[%swap3A_1111], %swap3A_1114 {strides = array<i32>} : memref<128xi32, #tpu.memory_space<vmem>>, vector<16xi32>,
        %get3A_1115 = arith.index_cast %add3A_988 : i32 to index
        %get3A_1116 = arith.constant 112 : index
        %get3A_1117 = tpu.vector_load %arg7[%get3A_1115, %get3A_1116] {strides = array<i32>} : memref<80x128xi32, #tpu.memory_space<vmem>>, vector<1x16xi32>,
        %get3A_1118 = vector.shape_cast %get3A_1117 : vector<1x16xi32> to vector<16xi32>
        %and3A_1119 = arith.constant 65535 : i32
        %and3A_1120 = vector.broadcast %and3A_1119 : i32 to vector<16xi32>
        %and3A_1121 = arith.andi %get3A_1118, %and3A_1120 : vector<16xi32>
        %swap3A_1122 = arith.constant 112 : index
        %swap3A_1123 = tpu.vector_load %arg10[%swap3A_1122] {strides = array<i32>} : memref<128xi32, #tpu.memory_space<vmem>>, vector<16xi32>,
        %swap3A_1124 = vector.shape_cast %swap3A_1123 : vector<16xi32> to vector<16xi32>
        %swap3A_1125 = vector.shape_cast %and3A_1121 : vector<16xi32> to vector<16xi32>
        tpu.vector_store %arg10[%swap3A_1122], %swap3A_1125 {strides = array<i32>} : memref<128xi32, #tpu.memory_space<vmem>>, vector<16xi32>,
        %shift_right_logical3A_1126 = arith.constant 16 : i32
        %shift_right_logical3A_1127 = vector.broadcast %shift_right_logical3A_1126 : i32 to vector<16xi32>
        %shift_right_logical3A_1128 = arith.shrui %get3A_1118, %shift_right_logical3A_1127 : vector<16xi32>
        %swap3A_1129 = arith.constant 112 : index
        %swap3A_1130 = tpu.vector_load %arg14[%swap3A_1129] {strides = array<i32>} : memref<128xi32, #tpu.memory_space<vmem>>, vector<16xi32>,
        %swap3A_1131 = vector.shape_cast %swap3A_1130 : vector<16xi32> to vector<16xi32>
        %swap3A_1132 = vector.shape_cast %shift_right_logical3A_1128 : vector<16xi32> to vector<16xi32>
        tpu.vector_store %arg14[%swap3A_1129], %swap3A_1132 {strides = array<i32>} : memref<128xi32, #tpu.memory_space<vmem>>, vector<16xi32>,
      } else {
      }
      %mul3A_912 = arith.constant 2 : i32
      %mul3A_913 = arith.muli %scan3A_889, %mul3A_912 : i32
      %mul3A_914 = arith.constant 2 : i32
      %mul3A_915 = arith.muli %mul3A_913, %mul3A_914 : i32
      %add3A_916 = arith.constant 0 : i32
      %add3A_917 = arith.addi %mul3A_915, %add3A_916 : i32
      %add3A_918 = arith.constant 1 : i32
      %add3A_919 = arith.addi %add3A_917, %add3A_918 : i32
      %dma_wait3A_920 = arith.constant 0 : i32
      %dma_wait3A_921 = arith.constant 0 : i32
      %dma_wait3A_922 = tpu.memref_slice %arg2[%dma_wait3A_920, %dma_wait3A_921] : memref<10112x128xf32, #tpu.memory_space<hbm>> -> memref<10112x128xf32, #tpu.memory_space<hbm>>
      tpu.wait_indirect_dma semaphore(%arg19 : memref<!tpu.dma_semaphore, #tpu.memory_space<semaphore_mem>>) src(%dma_wait3A_922 : memref<10112x128xf32, #tpu.memory_space<hbm>>) dst(%arg9 : memref<128x128xf32, #tpu.memory_space<vmem>>)
      "tpu.region"() ({
        %run_scoped3A = tpu.sem_alloc : memref<!tpu.dma_semaphore, #tpu.memory_space<semaphore_mem>>
        %dma_start3A_987 = arith.constant 0 : i32
        %dma_start3A_988 = arith.constant 0 : i32
        %dma_start3A_989 = tpu.memref_slice %arg6[%dma_start3A_987, %dma_start3A_988] : memref<10112x128xf32, #tpu.memory_space<vmem_shared>> -> memref<10112x128xf32, #tpu.memory_space<vmem_shared>>
        tpu.enqueue_indirect_dma source(%arg9 : memref<128x128xf32, #tpu.memory_space<vmem>>) target(%dma_start3A_989 : memref<10112x128xf32, #tpu.memory_space<vmem_shared>>) offsets(%arg16 : memref<128xi32, #tpu.memory_space<vmem>>) semaphore(%run_scoped3A : memref<!tpu.dma_semaphore, #tpu.memory_space<semaphore_mem>>) {add = true}
        %dma_wait3A_990 = arith.constant 0 : i32
        %dma_wait3A_991 = arith.constant 0 : i32
        %dma_wait3A_992 = tpu.memref_slice %arg6[%dma_wait3A_990, %dma_wait3A_991] : memref<10112x128xf32, #tpu.memory_space<vmem_shared>> -> memref<10112x128xf32, #tpu.memory_space<vmem_shared>>
        tpu.wait_indirect_dma semaphore(%run_scoped3A : memref<!tpu.dma_semaphore, #tpu.memory_space<semaphore_mem>>) src(%arg9 : memref<128x128xf32, #tpu.memory_space<vmem>>) dst(%dma_wait3A_992 : memref<10112x128xf32, #tpu.memory_space<vmem_shared>>)
        tpu.yield
      }) : () -> ()
      %add3A_923 = arith.constant 2 : i32
      %add3A_924 = arith.addi %add3A_919, %add3A_923 : i32
      %lt3A_925 = arith.constant 80 : i32
      %lt3A_926 = arith.cmpi slt, %add3A_924, %lt3A_925 : i32
      %convert_element_type3A_927 = arith.extui %lt3A_926 : i1 to i32
      %cond3A_928 = arith.constant 0 : i32
      %cond3A_929 = arith.cmpi ne, %convert_element_type3A_927, %cond3A_928 : i32
      scf.if %cond3A_929 {
        %dma_start3A_987 = arith.constant 0 : i32
        %dma_start3A_988 = arith.constant 0 : i32
        %dma_start3A_989 = tpu.memref_slice %arg2[%dma_start3A_987, %dma_start3A_988] : memref<10112x128xf32, #tpu.memory_space<hbm>> -> memref<10112x128xf32, #tpu.memory_space<hbm>>
        tpu.enqueue_indirect_dma source(%dma_start3A_989 : memref<10112x128xf32, #tpu.memory_space<hbm>>) target(%arg9 : memref<128x128xf32, #tpu.memory_space<vmem>>) offsets(%arg13 : memref<128xi32, #tpu.memory_space<vmem>>) semaphore(%arg19 : memref<!tpu.dma_semaphore, #tpu.memory_space<semaphore_mem>>)
      } else {
      }
      %add3A_930 = arith.constant 4 : i32
      %add3A_931 = arith.addi %add3A_919, %add3A_930 : i32
      %lt3A_932 = arith.constant 80 : i32
      %lt3A_933 = arith.cmpi slt, %add3A_931, %lt3A_932 : i32
      %convert_element_type3A_934 = arith.extui %lt3A_933 : i1 to i32
      %cond3A_935 = arith.constant 0 : i32
      %cond3A_936 = arith.cmpi ne, %convert_element_type3A_934, %cond3A_935 : i32
      scf.if %cond3A_936 {
        %add3A_987 = arith.constant 4 : i32
        %add3A_988 = arith.addi %add3A_919, %add3A_987 : i32
        %get3A_989 = arith.index_cast %add3A_988 : i32 to index
        %get3A_990 = arith.constant 0 : index
        %get3A_991 = tpu.vector_load %arg7[%get3A_989, %get3A_990] {strides = array<i32>} : memref<80x128xi32, #tpu.memory_space<vmem>>, vector<1x16xi32>,
        %get3A_992 = vector.shape_cast %get3A_991 : vector<1x16xi32> to vector<16xi32>
        %and3A_993 = arith.constant 65535 : i32
        %and3A_994 = vector.broadcast %and3A_993 : i32 to vector<16xi32>
        %and3A_995 = arith.andi %get3A_992, %and3A_994 : vector<16xi32>
        %swap3A_996 = arith.constant 0 : index
        %swap3A_997 = tpu.vector_load %arg12[%swap3A_996] {strides = array<i32>} : memref<128xi32, #tpu.memory_space<vmem>>, vector<16xi32>,
        %swap3A_998 = vector.shape_cast %swap3A_997 : vector<16xi32> to vector<16xi32>
        %swap3A_999 = vector.shape_cast %and3A_995 : vector<16xi32> to vector<16xi32>
        tpu.vector_store %arg12[%swap3A_996], %swap3A_999 {strides = array<i32>} : memref<128xi32, #tpu.memory_space<vmem>>, vector<16xi32>,
        %shift_right_logical3A_1000 = arith.constant 16 : i32
        %shift_right_logical3A_1001 = vector.broadcast %shift_right_logical3A_1000 : i32 to vector<16xi32>
        %shift_right_logical3A_1002 = arith.shrui %get3A_992, %shift_right_logical3A_1001 : vector<16xi32>
        %swap3A_1003 = arith.constant 0 : index
        %swap3A_1004 = tpu.vector_load %arg16[%swap3A_1003] {strides = array<i32>} : memref<128xi32, #tpu.memory_space<vmem>>, vector<16xi32>,
        %swap3A_1005 = vector.shape_cast %swap3A_1004 : vector<16xi32> to vector<16xi32>
        %swap3A_1006 = vector.shape_cast %shift_right_logical3A_1002 : vector<16xi32> to vector<16xi32>
        tpu.vector_store %arg16[%swap3A_1003], %swap3A_1006 {strides = array<i32>} : memref<128xi32, #tpu.memory_space<vmem>>, vector<16xi32>,
        %get3A_1007 = arith.index_cast %add3A_988 : i32 to index
        %get3A_1008 = arith.constant 16 : index
        %get3A_1009 = tpu.vector_load %arg7[%get3A_1007, %get3A_1008] {strides = array<i32>} : memref<80x128xi32, #tpu.memory_space<vmem>>, vector<1x16xi32>,
        %get3A_1010 = vector.shape_cast %get3A_1009 : vector<1x16xi32> to vector<16xi32>
        %and3A_1011 = arith.constant 65535 : i32
        %and3A_1012 = vector.broadcast %and3A_1011 : i32 to vector<16xi32>
        %and3A_1013 = arith.andi %get3A_1010, %and3A_1012 : vector<16xi32>
        %swap3A_1014 = arith.constant 16 : index
        %swap3A_1015 = tpu.vector_load %arg12[%swap3A_1014] {strides = array<i32>} : memref<128xi32, #tpu.memory_space<vmem>>, vector<16xi32>,
        %swap3A_1016 = vector.shape_cast %swap3A_1015 : vector<16xi32> to vector<16xi32>
        %swap3A_1017 = vector.shape_cast %and3A_1013 : vector<16xi32> to vector<16xi32>
        tpu.vector_store %arg12[%swap3A_1014], %swap3A_1017 {strides = array<i32>} : memref<128xi32, #tpu.memory_space<vmem>>, vector<16xi32>,
        %shift_right_logical3A_1018 = arith.constant 16 : i32
        %shift_right_logical3A_1019 = vector.broadcast %shift_right_logical3A_1018 : i32 to vector<16xi32>
        %shift_right_logical3A_1020 = arith.shrui %get3A_1010, %shift_right_logical3A_1019 : vector<16xi32>
        %swap3A_1021 = arith.constant 16 : index
        %swap3A_1022 = tpu.vector_load %arg16[%swap3A_1021] {strides = array<i32>} : memref<128xi32, #tpu.memory_space<vmem>>, vector<16xi32>,
        %swap3A_1023 = vector.shape_cast %swap3A_1022 : vector<16xi32> to vector<16xi32>
        %swap3A_1024 = vector.shape_cast %shift_right_logical3A_1020 : vector<16xi32> to vector<16xi32>
        tpu.vector_store %arg16[%swap3A_1021], %swap3A_1024 {strides = array<i32>} : memref<128xi32, #tpu.memory_space<vmem>>, vector<16xi32>,
        %get3A_1025 = arith.index_cast %add3A_988 : i32 to index
        %get3A_1026 = arith.constant 32 : index
        %get3A_1027 = tpu.vector_load %arg7[%get3A_1025, %get3A_1026] {strides = array<i32>} : memref<80x128xi32, #tpu.memory_space<vmem>>, vector<1x16xi32>,
        %get3A_1028 = vector.shape_cast %get3A_1027 : vector<1x16xi32> to vector<16xi32>
        %and3A_1029 = arith.constant 65535 : i32
        %and3A_1030 = vector.broadcast %and3A_1029 : i32 to vector<16xi32>
        %and3A_1031 = arith.andi %get3A_1028, %and3A_1030 : vector<16xi32>
        %swap3A_1032 = arith.constant 32 : index
        %swap3A_1033 = tpu.vector_load %arg12[%swap3A_1032] {strides = array<i32>} : memref<128xi32, #tpu.memory_space<vmem>>, vector<16xi32>,
        %swap3A_1034 = vector.shape_cast %swap3A_1033 : vector<16xi32> to vector<16xi32>
        %swap3A_1035 = vector.shape_cast %and3A_1031 : vector<16xi32> to vector<16xi32>
        tpu.vector_store %arg12[%swap3A_1032], %swap3A_1035 {strides = array<i32>} : memref<128xi32, #tpu.memory_space<vmem>>, vector<16xi32>,
        %shift_right_logical3A_1036 = arith.constant 16 : i32
        %shift_right_logical3A_1037 = vector.broadcast %shift_right_logical3A_1036 : i32 to vector<16xi32>
        %shift_right_logical3A_1038 = arith.shrui %get3A_1028, %shift_right_logical3A_1037 : vector<16xi32>
        %swap3A_1039 = arith.constant 32 : index
        %swap3A_1040 = tpu.vector_load %arg16[%swap3A_1039] {strides = array<i32>} : memref<128xi32, #tpu.memory_space<vmem>>, vector<16xi32>,
        %swap3A_1041 = vector.shape_cast %swap3A_1040 : vector<16xi32> to vector<16xi32>
        %swap3A_1042 = vector.shape_cast %shift_right_logical3A_1038 : vector<16xi32> to vector<16xi32>
        tpu.vector_store %arg16[%swap3A_1039], %swap3A_1042 {strides = array<i32>} : memref<128xi32, #tpu.memory_space<vmem>>, vector<16xi32>,
        %get3A_1043 = arith.index_cast %add3A_988 : i32 to index
        %get3A_1044 = arith.constant 48 : index
        %get3A_1045 = tpu.vector_load %arg7[%get3A_1043, %get3A_1044] {strides = array<i32>} : memref<80x128xi32, #tpu.memory_space<vmem>>, vector<1x16xi32>,
        %get3A_1046 = vector.shape_cast %get3A_1045 : vector<1x16xi32> to vector<16xi32>
        %and3A_1047 = arith.constant 65535 : i32
        %and3A_1048 = vector.broadcast %and3A_1047 : i32 to vector<16xi32>
        %and3A_1049 = arith.andi %get3A_1046, %and3A_1048 : vector<16xi32>
        %swap3A_1050 = arith.constant 48 : index
        %swap3A_1051 = tpu.vector_load %arg12[%swap3A_1050] {strides = array<i32>} : memref<128xi32, #tpu.memory_space<vmem>>, vector<16xi32>,
        %swap3A_1052 = vector.shape_cast %swap3A_1051 : vector<16xi32> to vector<16xi32>
        %swap3A_1053 = vector.shape_cast %and3A_1049 : vector<16xi32> to vector<16xi32>
        tpu.vector_store %arg12[%swap3A_1050], %swap3A_1053 {strides = array<i32>} : memref<128xi32, #tpu.memory_space<vmem>>, vector<16xi32>,
        %shift_right_logical3A_1054 = arith.constant 16 : i32
        %shift_right_logical3A_1055 = vector.broadcast %shift_right_logical3A_1054 : i32 to vector<16xi32>
        %shift_right_logical3A_1056 = arith.shrui %get3A_1046, %shift_right_logical3A_1055 : vector<16xi32>
        %swap3A_1057 = arith.constant 48 : index
        %swap3A_1058 = tpu.vector_load %arg16[%swap3A_1057] {strides = array<i32>} : memref<128xi32, #tpu.memory_space<vmem>>, vector<16xi32>,
        %swap3A_1059 = vector.shape_cast %swap3A_1058 : vector<16xi32> to vector<16xi32>
        %swap3A_1060 = vector.shape_cast %shift_right_logical3A_1056 : vector<16xi32> to vector<16xi32>
        tpu.vector_store %arg16[%swap3A_1057], %swap3A_1060 {strides = array<i32>} : memref<128xi32, #tpu.memory_space<vmem>>, vector<16xi32>,
        %get3A_1061 = arith.index_cast %add3A_988 : i32 to index
        %get3A_1062 = arith.constant 64 : index
        %get3A_1063 = tpu.vector_load %arg7[%get3A_1061, %get3A_1062] {strides = array<i32>} : memref<80x128xi32, #tpu.memory_space<vmem>>, vector<1x16xi32>,
        %get3A_1064 = vector.shape_cast %get3A_1063 : vector<1x16xi32> to vector<16xi32>
        %and3A_1065 = arith.constant 65535 : i32
        %and3A_1066 = vector.broadcast %and3A_1065 : i32 to vector<16xi32>
        %and3A_1067 = arith.andi %get3A_1064, %and3A_1066 : vector<16xi32>
        %swap3A_1068 = arith.constant 64 : index
        %swap3A_1069 = tpu.vector_load %arg12[%swap3A_1068] {strides = array<i32>} : memref<128xi32, #tpu.memory_space<vmem>>, vector<16xi32>,
        %swap3A_1070 = vector.shape_cast %swap3A_1069 : vector<16xi32> to vector<16xi32>
        %swap3A_1071 = vector.shape_cast %and3A_1067 : vector<16xi32> to vector<16xi32>
        tpu.vector_store %arg12[%swap3A_1068], %swap3A_1071 {strides = array<i32>} : memref<128xi32, #tpu.memory_space<vmem>>, vector<16xi32>,
        %shift_right_logical3A_1072 = arith.constant 16 : i32
        %shift_right_logical3A_1073 = vector.broadcast %shift_right_logical3A_1072 : i32 to vector<16xi32>
        %shift_right_logical3A_1074 = arith.shrui %get3A_1064, %shift_right_logical3A_1073 : vector<16xi32>
        %swap3A_1075 = arith.constant 64 : index
        %swap3A_1076 = tpu.vector_load %arg16[%swap3A_1075] {strides = array<i32>} : memref<128xi32, #tpu.memory_space<vmem>>, vector<16xi32>,
        %swap3A_1077 = vector.shape_cast %swap3A_1076 : vector<16xi32> to vector<16xi32>
        %swap3A_1078 = vector.shape_cast %shift_right_logical3A_1074 : vector<16xi32> to vector<16xi32>
        tpu.vector_store %arg16[%swap3A_1075], %swap3A_1078 {strides = array<i32>} : memref<128xi32, #tpu.memory_space<vmem>>, vector<16xi32>,
        %get3A_1079 = arith.index_cast %add3A_988 : i32 to index
        %get3A_1080 = arith.constant 80 : index
        %get3A_1081 = tpu.vector_load %arg7[%get3A_1079, %get3A_1080] {strides = array<i32>} : memref<80x128xi32, #tpu.memory_space<vmem>>, vector<1x16xi32>,
        %get3A_1082 = vector.shape_cast %get3A_1081 : vector<1x16xi32> to vector<16xi32>
        %and3A_1083 = arith.constant 65535 : i32
        %and3A_1084 = vector.broadcast %and3A_1083 : i32 to vector<16xi32>
        %and3A_1085 = arith.andi %get3A_1082, %and3A_1084 : vector<16xi32>
        %swap3A_1086 = arith.constant 80 : index
        %swap3A_1087 = tpu.vector_load %arg12[%swap3A_1086] {strides = array<i32>} : memref<128xi32, #tpu.memory_space<vmem>>, vector<16xi32>,
        %swap3A_1088 = vector.shape_cast %swap3A_1087 : vector<16xi32> to vector<16xi32>
        %swap3A_1089 = vector.shape_cast %and3A_1085 : vector<16xi32> to vector<16xi32>
        tpu.vector_store %arg12[%swap3A_1086], %swap3A_1089 {strides = array<i32>} : memref<128xi32, #tpu.memory_space<vmem>>, vector<16xi32>,
        %shift_right_logical3A_1090 = arith.constant 16 : i32
        %shift_right_logical3A_1091 = vector.broadcast %shift_right_logical3A_1090 : i32 to vector<16xi32>
        %shift_right_logical3A_1092 = arith.shrui %get3A_1082, %shift_right_logical3A_1091 : vector<16xi32>
        %swap3A_1093 = arith.constant 80 : index
        %swap3A_1094 = tpu.vector_load %arg16[%swap3A_1093] {strides = array<i32>} : memref<128xi32, #tpu.memory_space<vmem>>, vector<16xi32>,
        %swap3A_1095 = vector.shape_cast %swap3A_1094 : vector<16xi32> to vector<16xi32>
        %swap3A_1096 = vector.shape_cast %shift_right_logical3A_1092 : vector<16xi32> to vector<16xi32>
        tpu.vector_store %arg16[%swap3A_1093], %swap3A_1096 {strides = array<i32>} : memref<128xi32, #tpu.memory_space<vmem>>, vector<16xi32>,
        %get3A_1097 = arith.index_cast %add3A_988 : i32 to index
        %get3A_1098 = arith.constant 96 : index
        %get3A_1099 = tpu.vector_load %arg7[%get3A_1097, %get3A_1098] {strides = array<i32>} : memref<80x128xi32, #tpu.memory_space<vmem>>, vector<1x16xi32>,
        %get3A_1100 = vector.shape_cast %get3A_1099 : vector<1x16xi32> to vector<16xi32>
        %and3A_1101 = arith.constant 65535 : i32
        %and3A_1102 = vector.broadcast %and3A_1101 : i32 to vector<16xi32>
        %and3A_1103 = arith.andi %get3A_1100, %and3A_1102 : vector<16xi32>
        %swap3A_1104 = arith.constant 96 : index
        %swap3A_1105 = tpu.vector_load %arg12[%swap3A_1104] {strides = array<i32>} : memref<128xi32, #tpu.memory_space<vmem>>, vector<16xi32>,
        %swap3A_1106 = vector.shape_cast %swap3A_1105 : vector<16xi32> to vector<16xi32>
        %swap3A_1107 = vector.shape_cast %and3A_1103 : vector<16xi32> to vector<16xi32>
        tpu.vector_store %arg12[%swap3A_1104], %swap3A_1107 {strides = array<i32>} : memref<128xi32, #tpu.memory_space<vmem>>, vector<16xi32>,
        %shift_right_logical3A_1108 = arith.constant 16 : i32
        %shift_right_logical3A_1109 = vector.broadcast %shift_right_logical3A_1108 : i32 to vector<16xi32>
        %shift_right_logical3A_1110 = arith.shrui %get3A_1100, %shift_right_logical3A_1109 : vector<16xi32>
        %swap3A_1111 = arith.constant 96 : index
        %swap3A_1112 = tpu.vector_load %arg16[%swap3A_1111] {strides = array<i32>} : memref<128xi32, #tpu.memory_space<vmem>>, vector<16xi32>,
        %swap3A_1113 = vector.shape_cast %swap3A_1112 : vector<16xi32> to vector<16xi32>
        %swap3A_1114 = vector.shape_cast %shift_right_logical3A_1110 : vector<16xi32> to vector<16xi32>
        tpu.vector_store %arg16[%swap3A_1111], %swap3A_1114 {strides = array<i32>} : memref<128xi32, #tpu.memory_space<vmem>>, vector<16xi32>,
        %get3A_1115 = arith.index_cast %add3A_988 : i32 to index
        %get3A_1116 = arith.constant 112 : index
        %get3A_1117 = tpu.vector_load %arg7[%get3A_1115, %get3A_1116] {strides = array<i32>} : memref<80x128xi32, #tpu.memory_space<vmem>>, vector<1x16xi32>,
        %get3A_1118 = vector.shape_cast %get3A_1117 : vector<1x16xi32> to vector<16xi32>
        %and3A_1119 = arith.constant 65535 : i32
        %and3A_1120 = vector.broadcast %and3A_1119 : i32 to vector<16xi32>
        %and3A_1121 = arith.andi %get3A_1118, %and3A_1120 : vector<16xi32>
        %swap3A_1122 = arith.constant 112 : index
        %swap3A_1123 = tpu.vector_load %arg12[%swap3A_1122] {strides = array<i32>} : memref<128xi32, #tpu.memory_space<vmem>>, vector<16xi32>,
        %swap3A_1124 = vector.shape_cast %swap3A_1123 : vector<16xi32> to vector<16xi32>
        %swap3A_1125 = vector.shape_cast %and3A_1121 : vector<16xi32> to vector<16xi32>
        tpu.vector_store %arg12[%swap3A_1122], %swap3A_1125 {strides = array<i32>} : memref<128xi32, #tpu.memory_space<vmem>>, vector<16xi32>,
        %shift_right_logical3A_1126 = arith.constant 16 : i32
        %shift_right_logical3A_1127 = vector.broadcast %shift_right_logical3A_1126 : i32 to vector<16xi32>
        %shift_right_logical3A_1128 = arith.shrui %get3A_1118, %shift_right_logical3A_1127 : vector<16xi32>
        %swap3A_1129 = arith.constant 112 : index
        %swap3A_1130 = tpu.vector_load %arg16[%swap3A_1129] {strides = array<i32>} : memref<128xi32, #tpu.memory_space<vmem>>, vector<16xi32>,
        %swap3A_1131 = vector.shape_cast %swap3A_1130 : vector<16xi32> to vector<16xi32>
        %swap3A_1132 = vector.shape_cast %shift_right_logical3A_1128 : vector<16xi32> to vector<16xi32>
        tpu.vector_store %arg16[%swap3A_1129], %swap3A_1132 {strides = array<i32>} : memref<128xi32, #tpu.memory_space<vmem>>, vector<16xi32>,
      } else {
      }
      %mul3A_937 = arith.constant 2 : i32
      %mul3A_938 = arith.muli %scan3A_889, %mul3A_937 : i32
      %mul3A_939 = arith.constant 2 : i32
      %mul3A_940 = arith.muli %mul3A_938, %mul3A_939 : i32
      %add3A_941 = arith.constant 2 : i32
      %add3A_942 = arith.addi %mul3A_940, %add3A_941 : i32
      %add3A_943 = arith.constant 0 : i32
      %add3A_944 = arith.addi %add3A_942, %add3A_943 : i32
      %dma_wait3A_945 = arith.constant 0 : i32
      %dma_wait3A_946 = arith.constant 0 : i32
      %dma_wait3A_947 = tpu.memref_slice %arg2[%dma_wait3A_945, %dma_wait3A_946] : memref<10112x128xf32, #tpu.memory_space<hbm>> -> memref<10112x128xf32, #tpu.memory_space<hbm>>
      tpu.wait_indirect_dma semaphore(%arg18 : memref<!tpu.dma_semaphore, #tpu.memory_space<semaphore_mem>>) src(%dma_wait3A_947 : memref<10112x128xf32, #tpu.memory_space<hbm>>) dst(%arg8 : memref<128x128xf32, #tpu.memory_space<vmem>>)
      "tpu.region"() ({
        %run_scoped3A = tpu.sem_alloc : memref<!tpu.dma_semaphore, #tpu.memory_space<semaphore_mem>>
        %dma_start3A_987 = arith.constant 0 : i32
        %dma_start3A_988 = arith.constant 0 : i32
        %dma_start3A_989 = tpu.memref_slice %arg6[%dma_start3A_987, %dma_start3A_988] : memref<10112x128xf32, #tpu.memory_space<vmem_shared>> -> memref<10112x128xf32, #tpu.memory_space<vmem_shared>>
        tpu.enqueue_indirect_dma source(%arg8 : memref<128x128xf32, #tpu.memory_space<vmem>>) target(%dma_start3A_989 : memref<10112x128xf32, #tpu.memory_space<vmem_shared>>) offsets(%arg15 : memref<128xi32, #tpu.memory_space<vmem>>) semaphore(%run_scoped3A : memref<!tpu.dma_semaphore, #tpu.memory_space<semaphore_mem>>) {add = true}
        %dma_wait3A_990 = arith.constant 0 : i32
        %dma_wait3A_991 = arith.constant 0 : i32
        %dma_wait3A_992 = tpu.memref_slice %arg6[%dma_wait3A_990, %dma_wait3A_991] : memref<10112x128xf32, #tpu.memory_space<vmem_shared>> -> memref<10112x128xf32, #tpu.memory_space<vmem_shared>>
        tpu.wait_indirect_dma semaphore(%run_scoped3A : memref<!tpu.dma_semaphore, #tpu.memory_space<semaphore_mem>>) src(%arg8 : memref<128x128xf32, #tpu.memory_space<vmem>>) dst(%dma_wait3A_992 : memref<10112x128xf32, #tpu.memory_space<vmem_shared>>)
        tpu.yield
      }) : () -> ()
      %add3A_948 = arith.constant 2 : i32
      %add3A_949 = arith.addi %add3A_944, %add3A_948 : i32
      %lt3A_950 = arith.constant 80 : i32
      %lt3A_951 = arith.cmpi slt, %add3A_949, %lt3A_950 : i32
      %convert_element_type3A_952 = arith.extui %lt3A_951 : i1 to i32
      %cond3A_953 = arith.constant 0 : i32
      %cond3A_954 = arith.cmpi ne, %convert_element_type3A_952, %cond3A_953 : i32
      scf.if %cond3A_954 {
        %dma_start3A_987 = arith.constant 0 : i32
        %dma_start3A_988 = arith.constant 0 : i32
        %dma_start3A_989 = tpu.memref_slice %arg2[%dma_start3A_987, %dma_start3A_988] : memref<10112x128xf32, #tpu.memory_space<hbm>> -> memref<10112x128xf32, #tpu.memory_space<hbm>>
        tpu.enqueue_indirect_dma source(%dma_start3A_989 : memref<10112x128xf32, #tpu.memory_space<hbm>>) target(%arg8 : memref<128x128xf32, #tpu.memory_space<vmem>>) offsets(%arg10 : memref<128xi32, #tpu.memory_space<vmem>>) semaphore(%arg18 : memref<!tpu.dma_semaphore, #tpu.memory_space<semaphore_mem>>)
      } else {
      }
      %add3A_955 = arith.constant 4 : i32
      %add3A_956 = arith.addi %add3A_944, %add3A_955 : i32
      %lt3A_957 = arith.constant 80 : i32
      %lt3A_958 = arith.cmpi slt, %add3A_956, %lt3A_957 : i32
      %convert_element_type3A_959 = arith.extui %lt3A_958 : i1 to i32
      %cond3A_960 = arith.constant 0 : i32
      %cond3A_961 = arith.cmpi ne, %convert_element_type3A_959, %cond3A_960 : i32
      scf.if %cond3A_961 {
        %add3A_987 = arith.constant 4 : i32
        %add3A_988 = arith.addi %add3A_944, %add3A_987 : i32
        %get3A_989 = arith.index_cast %add3A_988 : i32 to index
        %get3A_990 = arith.constant 0 : index
        %get3A_991 = tpu.vector_load %arg7[%get3A_989, %get3A_990] {strides = array<i32>} : memref<80x128xi32, #tpu.memory_space<vmem>>, vector<1x16xi32>,
        %get3A_992 = vector.shape_cast %get3A_991 : vector<1x16xi32> to vector<16xi32>
        %and3A_993 = arith.constant 65535 : i32
        %and3A_994 = vector.broadcast %and3A_993 : i32 to vector<16xi32>
        %and3A_995 = arith.andi %get3A_992, %and3A_994 : vector<16xi32>
        %swap3A_996 = arith.constant 0 : index
        %swap3A_997 = tpu.vector_load %arg11[%swap3A_996] {strides = array<i32>} : memref<128xi32, #tpu.memory_space<vmem>>, vector<16xi32>,
        %swap3A_998 = vector.shape_cast %swap3A_997 : vector<16xi32> to vector<16xi32>
        %swap3A_999 = vector.shape_cast %and3A_995 : vector<16xi32> to vector<16xi32>
        tpu.vector_store %arg11[%swap3A_996], %swap3A_999 {strides = array<i32>} : memref<128xi32, #tpu.memory_space<vmem>>, vector<16xi32>,
        %shift_right_logical3A_1000 = arith.constant 16 : i32
        %shift_right_logical3A_1001 = vector.broadcast %shift_right_logical3A_1000 : i32 to vector<16xi32>
        %shift_right_logical3A_1002 = arith.shrui %get3A_992, %shift_right_logical3A_1001 : vector<16xi32>
        %swap3A_1003 = arith.constant 0 : index
        %swap3A_1004 = tpu.vector_load %arg15[%swap3A_1003] {strides = array<i32>} : memref<128xi32, #tpu.memory_space<vmem>>, vector<16xi32>,
        %swap3A_1005 = vector.shape_cast %swap3A_1004 : vector<16xi32> to vector<16xi32>
        %swap3A_1006 = vector.shape_cast %shift_right_logical3A_1002 : vector<16xi32> to vector<16xi32>
        tpu.vector_store %arg15[%swap3A_1003], %swap3A_1006 {strides = array<i32>} : memref<128xi32, #tpu.memory_space<vmem>>, vector<16xi32>,
        %get3A_1007 = arith.index_cast %add3A_988 : i32 to index
        %get3A_1008 = arith.constant 16 : index
        %get3A_1009 = tpu.vector_load %arg7[%get3A_1007, %get3A_1008] {strides = array<i32>} : memref<80x128xi32, #tpu.memory_space<vmem>>, vector<1x16xi32>,
        %get3A_1010 = vector.shape_cast %get3A_1009 : vector<1x16xi32> to vector<16xi32>
        %and3A_1011 = arith.constant 65535 : i32
        %and3A_1012 = vector.broadcast %and3A_1011 : i32 to vector<16xi32>
        %and3A_1013 = arith.andi %get3A_1010, %and3A_1012 : vector<16xi32>
        %swap3A_1014 = arith.constant 16 : index
        %swap3A_1015 = tpu.vector_load %arg11[%swap3A_1014] {strides = array<i32>} : memref<128xi32, #tpu.memory_space<vmem>>, vector<16xi32>,
        %swap3A_1016 = vector.shape_cast %swap3A_1015 : vector<16xi32> to vector<16xi32>
        %swap3A_1017 = vector.shape_cast %and3A_1013 : vector<16xi32> to vector<16xi32>
        tpu.vector_store %arg11[%swap3A_1014], %swap3A_1017 {strides = array<i32>} : memref<128xi32, #tpu.memory_space<vmem>>, vector<16xi32>,
        %shift_right_logical3A_1018 = arith.constant 16 : i32
        %shift_right_logical3A_1019 = vector.broadcast %shift_right_logical3A_1018 : i32 to vector<16xi32>
        %shift_right_logical3A_1020 = arith.shrui %get3A_1010, %shift_right_logical3A_1019 : vector<16xi32>
        %swap3A_1021 = arith.constant 16 : index
        %swap3A_1022 = tpu.vector_load %arg15[%swap3A_1021] {strides = array<i32>} : memref<128xi32, #tpu.memory_space<vmem>>, vector<16xi32>,
        %swap3A_1023 = vector.shape_cast %swap3A_1022 : vector<16xi32> to vector<16xi32>
        %swap3A_1024 = vector.shape_cast %shift_right_logical3A_1020 : vector<16xi32> to vector<16xi32>
        tpu.vector_store %arg15[%swap3A_1021], %swap3A_1024 {strides = array<i32>} : memref<128xi32, #tpu.memory_space<vmem>>, vector<16xi32>,
        %get3A_1025 = arith.index_cast %add3A_988 : i32 to index
        %get3A_1026 = arith.constant 32 : index
        %get3A_1027 = tpu.vector_load %arg7[%get3A_1025, %get3A_1026] {strides = array<i32>} : memref<80x128xi32, #tpu.memory_space<vmem>>, vector<1x16xi32>,
        %get3A_1028 = vector.shape_cast %get3A_1027 : vector<1x16xi32> to vector<16xi32>
        %and3A_1029 = arith.constant 65535 : i32
        %and3A_1030 = vector.broadcast %and3A_1029 : i32 to vector<16xi32>
        %and3A_1031 = arith.andi %get3A_1028, %and3A_1030 : vector<16xi32>
        %swap3A_1032 = arith.constant 32 : index
        %swap3A_1033 = tpu.vector_load %arg11[%swap3A_1032] {strides = array<i32>} : memref<128xi32, #tpu.memory_space<vmem>>, vector<16xi32>,
        %swap3A_1034 = vector.shape_cast %swap3A_1033 : vector<16xi32> to vector<16xi32>
        %swap3A_1035 = vector.shape_cast %and3A_1031 : vector<16xi32> to vector<16xi32>
        tpu.vector_store %arg11[%swap3A_1032], %swap3A_1035 {strides = array<i32>} : memref<128xi32, #tpu.memory_space<vmem>>, vector<16xi32>,
        %shift_right_logical3A_1036 = arith.constant 16 : i32
        %shift_right_logical3A_1037 = vector.broadcast %shift_right_logical3A_1036 : i32 to vector<16xi32>
        %shift_right_logical3A_1038 = arith.shrui %get3A_1028, %shift_right_logical3A_1037 : vector<16xi32>
        %swap3A_1039 = arith.constant 32 : index
        %swap3A_1040 = tpu.vector_load %arg15[%swap3A_1039] {strides = array<i32>} : memref<128xi32, #tpu.memory_space<vmem>>, vector<16xi32>,
        %swap3A_1041 = vector.shape_cast %swap3A_1040 : vector<16xi32> to vector<16xi32>
        %swap3A_1042 = vector.shape_cast %shift_right_logical3A_1038 : vector<16xi32> to vector<16xi32>
        tpu.vector_store %arg15[%swap3A_1039], %swap3A_1042 {strides = array<i32>} : memref<128xi32, #tpu.memory_space<vmem>>, vector<16xi32>,
        %get3A_1043 = arith.index_cast %add3A_988 : i32 to index
        %get3A_1044 = arith.constant 48 : index
        %get3A_1045 = tpu.vector_load %arg7[%get3A_1043, %get3A_1044] {strides = array<i32>} : memref<80x128xi32, #tpu.memory_space<vmem>>, vector<1x16xi32>,
        %get3A_1046 = vector.shape_cast %get3A_1045 : vector<1x16xi32> to vector<16xi32>
        %and3A_1047 = arith.constant 65535 : i32
        %and3A_1048 = vector.broadcast %and3A_1047 : i32 to vector<16xi32>
        %and3A_1049 = arith.andi %get3A_1046, %and3A_1048 : vector<16xi32>
        %swap3A_1050 = arith.constant 48 : index
        %swap3A_1051 = tpu.vector_load %arg11[%swap3A_1050] {strides = array<i32>} : memref<128xi32, #tpu.memory_space<vmem>>, vector<16xi32>,
        %swap3A_1052 = vector.shape_cast %swap3A_1051 : vector<16xi32> to vector<16xi32>
        %swap3A_1053 = vector.shape_cast %and3A_1049 : vector<16xi32> to vector<16xi32>
        tpu.vector_store %arg11[%swap3A_1050], %swap3A_1053 {strides = array<i32>} : memref<128xi32, #tpu.memory_space<vmem>>, vector<16xi32>,
        %shift_right_logical3A_1054 = arith.constant 16 : i32
        %shift_right_logical3A_1055 = vector.broadcast %shift_right_logical3A_1054 : i32 to vector<16xi32>
        %shift_right_logical3A_1056 = arith.shrui %get3A_1046, %shift_right_logical3A_1055 : vector<16xi32>
        %swap3A_1057 = arith.constant 48 : index
        %swap3A_1058 = tpu.vector_load %arg15[%swap3A_1057] {strides = array<i32>} : memref<128xi32, #tpu.memory_space<vmem>>, vector<16xi32>,
        %swap3A_1059 = vector.shape_cast %swap3A_1058 : vector<16xi32> to vector<16xi32>
        %swap3A_1060 = vector.shape_cast %shift_right_logical3A_1056 : vector<16xi32> to vector<16xi32>
        tpu.vector_store %arg15[%swap3A_1057], %swap3A_1060 {strides = array<i32>} : memref<128xi32, #tpu.memory_space<vmem>>, vector<16xi32>,
        %get3A_1061 = arith.index_cast %add3A_988 : i32 to index
        %get3A_1062 = arith.constant 64 : index
        %get3A_1063 = tpu.vector_load %arg7[%get3A_1061, %get3A_1062] {strides = array<i32>} : memref<80x128xi32, #tpu.memory_space<vmem>>, vector<1x16xi32>,
        %get3A_1064 = vector.shape_cast %get3A_1063 : vector<1x16xi32> to vector<16xi32>
        %and3A_1065 = arith.constant 65535 : i32
        %and3A_1066 = vector.broadcast %and3A_1065 : i32 to vector<16xi32>
        %and3A_1067 = arith.andi %get3A_1064, %and3A_1066 : vector<16xi32>
        %swap3A_1068 = arith.constant 64 : index
        %swap3A_1069 = tpu.vector_load %arg11[%swap3A_1068] {strides = array<i32>} : memref<128xi32, #tpu.memory_space<vmem>>, vector<16xi32>,
        %swap3A_1070 = vector.shape_cast %swap3A_1069 : vector<16xi32> to vector<16xi32>
        %swap3A_1071 = vector.shape_cast %and3A_1067 : vector<16xi32> to vector<16xi32>
        tpu.vector_store %arg11[%swap3A_1068], %swap3A_1071 {strides = array<i32>} : memref<128xi32, #tpu.memory_space<vmem>>, vector<16xi32>,
        %shift_right_logical3A_1072 = arith.constant 16 : i32
        %shift_right_logical3A_1073 = vector.broadcast %shift_right_logical3A_1072 : i32 to vector<16xi32>
        %shift_right_logical3A_1074 = arith.shrui %get3A_1064, %shift_right_logical3A_1073 : vector<16xi32>
        %swap3A_1075 = arith.constant 64 : index
        %swap3A_1076 = tpu.vector_load %arg15[%swap3A_1075] {strides = array<i32>} : memref<128xi32, #tpu.memory_space<vmem>>, vector<16xi32>,
        %swap3A_1077 = vector.shape_cast %swap3A_1076 : vector<16xi32> to vector<16xi32>
        %swap3A_1078 = vector.shape_cast %shift_right_logical3A_1074 : vector<16xi32> to vector<16xi32>
        tpu.vector_store %arg15[%swap3A_1075], %swap3A_1078 {strides = array<i32>} : memref<128xi32, #tpu.memory_space<vmem>>, vector<16xi32>,
        %get3A_1079 = arith.index_cast %add3A_988 : i32 to index
        %get3A_1080 = arith.constant 80 : index
        %get3A_1081 = tpu.vector_load %arg7[%get3A_1079, %get3A_1080] {strides = array<i32>} : memref<80x128xi32, #tpu.memory_space<vmem>>, vector<1x16xi32>,
        %get3A_1082 = vector.shape_cast %get3A_1081 : vector<1x16xi32> to vector<16xi32>
        %and3A_1083 = arith.constant 65535 : i32
        %and3A_1084 = vector.broadcast %and3A_1083 : i32 to vector<16xi32>
        %and3A_1085 = arith.andi %get3A_1082, %and3A_1084 : vector<16xi32>
        %swap3A_1086 = arith.constant 80 : index
        %swap3A_1087 = tpu.vector_load %arg11[%swap3A_1086] {strides = array<i32>} : memref<128xi32, #tpu.memory_space<vmem>>, vector<16xi32>,
        %swap3A_1088 = vector.shape_cast %swap3A_1087 : vector<16xi32> to vector<16xi32>
        %swap3A_1089 = vector.shape_cast %and3A_1085 : vector<16xi32> to vector<16xi32>
        tpu.vector_store %arg11[%swap3A_1086], %swap3A_1089 {strides = array<i32>} : memref<128xi32, #tpu.memory_space<vmem>>, vector<16xi32>,
        %shift_right_logical3A_1090 = arith.constant 16 : i32
        %shift_right_logical3A_1091 = vector.broadcast %shift_right_logical3A_1090 : i32 to vector<16xi32>
        %shift_right_logical3A_1092 = arith.shrui %get3A_1082, %shift_right_logical3A_1091 : vector<16xi32>
        %swap3A_1093 = arith.constant 80 : index
        %swap3A_1094 = tpu.vector_load %arg15[%swap3A_1093] {strides = array<i32>} : memref<128xi32, #tpu.memory_space<vmem>>, vector<16xi32>,
        %swap3A_1095 = vector.shape_cast %swap3A_1094 : vector<16xi32> to vector<16xi32>
        %swap3A_1096 = vector.shape_cast %shift_right_logical3A_1092 : vector<16xi32> to vector<16xi32>
        tpu.vector_store %arg15[%swap3A_1093], %swap3A_1096 {strides = array<i32>} : memref<128xi32, #tpu.memory_space<vmem>>, vector<16xi32>,
        %get3A_1097 = arith.index_cast %add3A_988 : i32 to index
        %get3A_1098 = arith.constant 96 : index
        %get3A_1099 = tpu.vector_load %arg7[%get3A_1097, %get3A_1098] {strides = array<i32>} : memref<80x128xi32, #tpu.memory_space<vmem>>, vector<1x16xi32>,
        %get3A_1100 = vector.shape_cast %get3A_1099 : vector<1x16xi32> to vector<16xi32>
        %and3A_1101 = arith.constant 65535 : i32
        %and3A_1102 = vector.broadcast %and3A_1101 : i32 to vector<16xi32>
        %and3A_1103 = arith.andi %get3A_1100, %and3A_1102 : vector<16xi32>
        %swap3A_1104 = arith.constant 96 : index
        %swap3A_1105 = tpu.vector_load %arg11[%swap3A_1104] {strides = array<i32>} : memref<128xi32, #tpu.memory_space<vmem>>, vector<16xi32>,
        %swap3A_1106 = vector.shape_cast %swap3A_1105 : vector<16xi32> to vector<16xi32>
        %swap3A_1107 = vector.shape_cast %and3A_1103 : vector<16xi32> to vector<16xi32>
        tpu.vector_store %arg11[%swap3A_1104], %swap3A_1107 {strides = array<i32>} : memref<128xi32, #tpu.memory_space<vmem>>, vector<16xi32>,
        %shift_right_logical3A_1108 = arith.constant 16 : i32
        %shift_right_logical3A_1109 = vector.broadcast %shift_right_logical3A_1108 : i32 to vector<16xi32>
        %shift_right_logical3A_1110 = arith.shrui %get3A_1100, %shift_right_logical3A_1109 : vector<16xi32>
        %swap3A_1111 = arith.constant 96 : index
        %swap3A_1112 = tpu.vector_load %arg15[%swap3A_1111] {strides = array<i32>} : memref<128xi32, #tpu.memory_space<vmem>>, vector<16xi32>,
        %swap3A_1113 = vector.shape_cast %swap3A_1112 : vector<16xi32> to vector<16xi32>
        %swap3A_1114 = vector.shape_cast %shift_right_logical3A_1110 : vector<16xi32> to vector<16xi32>
        tpu.vector_store %arg15[%swap3A_1111], %swap3A_1114 {strides = array<i32>} : memref<128xi32, #tpu.memory_space<vmem>>, vector<16xi32>,
        %get3A_1115 = arith.index_cast %add3A_988 : i32 to index
        %get3A_1116 = arith.constant 112 : index
        %get3A_1117 = tpu.vector_load %arg7[%get3A_1115, %get3A_1116] {strides = array<i32>} : memref<80x128xi32, #tpu.memory_space<vmem>>, vector<1x16xi32>,
        %get3A_1118 = vector.shape_cast %get3A_1117 : vector<1x16xi32> to vector<16xi32>
        %and3A_1119 = arith.constant 65535 : i32
        %and3A_1120 = vector.broadcast %and3A_1119 : i32 to vector<16xi32>
        %and3A_1121 = arith.andi %get3A_1118, %and3A_1120 : vector<16xi32>
        %swap3A_1122 = arith.constant 112 : index
        %swap3A_1123 = tpu.vector_load %arg11[%swap3A_1122] {strides = array<i32>} : memref<128xi32, #tpu.memory_space<vmem>>, vector<16xi32>,
        %swap3A_1124 = vector.shape_cast %swap3A_1123 : vector<16xi32> to vector<16xi32>
        %swap3A_1125 = vector.shape_cast %and3A_1121 : vector<16xi32> to vector<16xi32>
        tpu.vector_store %arg11[%swap3A_1122], %swap3A_1125 {strides = array<i32>} : memref<128xi32, #tpu.memory_space<vmem>>, vector<16xi32>,
        %shift_right_logical3A_1126 = arith.constant 16 : i32
        %shift_right_logical3A_1127 = vector.broadcast %shift_right_logical3A_1126 : i32 to vector<16xi32>
        %shift_right_logical3A_1128 = arith.shrui %get3A_1118, %shift_right_logical3A_1127 : vector<16xi32>
        %swap3A_1129 = arith.constant 112 : index
        %swap3A_1130 = tpu.vector_load %arg15[%swap3A_1129] {strides = array<i32>} : memref<128xi32, #tpu.memory_space<vmem>>, vector<16xi32>,
        %swap3A_1131 = vector.shape_cast %swap3A_1130 : vector<16xi32> to vector<16xi32>
        %swap3A_1132 = vector.shape_cast %shift_right_logical3A_1128 : vector<16xi32> to vector<16xi32>
        tpu.vector_store %arg15[%swap3A_1129], %swap3A_1132 {strides = array<i32>} : memref<128xi32, #tpu.memory_space<vmem>>, vector<16xi32>,
      } else {
      }
      %mul3A_962 = arith.constant 2 : i32
      %mul3A_963 = arith.muli %scan3A_889, %mul3A_962 : i32
      %mul3A_964 = arith.constant 2 : i32
      %mul3A_965 = arith.muli %mul3A_963, %mul3A_964 : i32
      %add3A_966 = arith.constant 2 : i32
      %add3A_967 = arith.addi %mul3A_965, %add3A_966 : i32
      %add3A_968 = arith.constant 1 : i32
      %add3A_969 = arith.addi %add3A_967, %add3A_968 : i32
      %dma_wait3A_970 = arith.constant 0 : i32
      %dma_wait3A_971 = arith.constant 0 : i32
      %dma_wait3A_972 = tpu.memref_slice %arg2[%dma_wait3A_970, %dma_wait3A_971] : memref<10112x128xf32, #tpu.memory_space<hbm>> -> memref<10112x128xf32, #tpu.memory_space<hbm>>
      tpu.wait_indirect_dma semaphore(%arg19 : memref<!tpu.dma_semaphore, #tpu.memory_space<semaphore_mem>>) src(%dma_wait3A_972 : memref<10112x128xf32, #tpu.memory_space<hbm>>) dst(%arg9 : memref<128x128xf32, #tpu.memory_space<vmem>>)
      "tpu.region"() ({
        %run_scoped3A = tpu.sem_alloc : memref<!tpu.dma_semaphore, #tpu.memory_space<semaphore_mem>>
        %dma_start3A_987 = arith.constant 0 : i32
        %dma_start3A_988 = arith.constant 0 : i32
        %dma_start3A_989 = tpu.memref_slice %arg6[%dma_start3A_987, %dma_start3A_988] : memref<10112x128xf32, #tpu.memory_space<vmem_shared>> -> memref<10112x128xf32, #tpu.memory_space<vmem_shared>>
        tpu.enqueue_indirect_dma source(%arg9 : memref<128x128xf32, #tpu.memory_space<vmem>>) target(%dma_start3A_989 : memref<10112x128xf32, #tpu.memory_space<vmem_shared>>) offsets(%arg17 : memref<128xi32, #tpu.memory_space<vmem>>) semaphore(%run_scoped3A : memref<!tpu.dma_semaphore, #tpu.memory_space<semaphore_mem>>) {add = true}
        %dma_wait3A_990 = arith.constant 0 : i32
        %dma_wait3A_991 = arith.constant 0 : i32
        %dma_wait3A_992 = tpu.memref_slice %arg6[%dma_wait3A_990, %dma_wait3A_991] : memref<10112x128xf32, #tpu.memory_space<vmem_shared>> -> memref<10112x128xf32, #tpu.memory_space<vmem_shared>>
        tpu.wait_indirect_dma semaphore(%run_scoped3A : memref<!tpu.dma_semaphore, #tpu.memory_space<semaphore_mem>>) src(%arg9 : memref<128x128xf32, #tpu.memory_space<vmem>>) dst(%dma_wait3A_992 : memref<10112x128xf32, #tpu.memory_space<vmem_shared>>)
        tpu.yield
      }) : () -> ()
      %add3A_973 = arith.constant 2 : i32
      %add3A_974 = arith.addi %add3A_969, %add3A_973 : i32
      %lt3A_975 = arith.constant 80 : i32
      %lt3A_976 = arith.cmpi slt, %add3A_974, %lt3A_975 : i32
      %convert_element_type3A_977 = arith.extui %lt3A_976 : i1 to i32
      %cond3A_978 = arith.constant 0 : i32
      %cond3A_979 = arith.cmpi ne, %convert_element_type3A_977, %cond3A_978 : i32
      scf.if %cond3A_979 {
        %dma_start3A_987 = arith.constant 0 : i32
        %dma_start3A_988 = arith.constant 0 : i32
        %dma_start3A_989 = tpu.memref_slice %arg2[%dma_start3A_987, %dma_start3A_988] : memref<10112x128xf32, #tpu.memory_space<hbm>> -> memref<10112x128xf32, #tpu.memory_space<hbm>>
        tpu.enqueue_indirect_dma source(%dma_start3A_989 : memref<10112x128xf32, #tpu.memory_space<hbm>>) target(%arg9 : memref<128x128xf32, #tpu.memory_space<vmem>>) offsets(%arg12 : memref<128xi32, #tpu.memory_space<vmem>>) semaphore(%arg19 : memref<!tpu.dma_semaphore, #tpu.memory_space<semaphore_mem>>)
      } else {
      }
      %add3A_980 = arith.constant 4 : i32
      %add3A_981 = arith.addi %add3A_969, %add3A_980 : i32
      %lt3A_982 = arith.constant 80 : i32
      %lt3A_983 = arith.cmpi slt, %add3A_981, %lt3A_982 : i32
      %convert_element_type3A_984 = arith.extui %lt3A_983 : i1 to i32
      %cond3A_985 = arith.constant 0 : i32
      %cond3A_986 = arith.cmpi ne, %convert_element_type3A_984, %cond3A_985 : i32
      scf.if %cond3A_986 {
        %add3A_987 = arith.constant 4 : i32
        %add3A_988 = arith.addi %add3A_969, %add3A_987 : i32
        %get3A_989 = arith.index_cast %add3A_988 : i32 to index
        %get3A_990 = arith.constant 0 : index
        %get3A_991 = tpu.vector_load %arg7[%get3A_989, %get3A_990] {strides = array<i32>} : memref<80x128xi32, #tpu.memory_space<vmem>>, vector<1x16xi32>,
        %get3A_992 = vector.shape_cast %get3A_991 : vector<1x16xi32> to vector<16xi32>
        %and3A_993 = arith.constant 65535 : i32
        %and3A_994 = vector.broadcast %and3A_993 : i32 to vector<16xi32>
        %and3A_995 = arith.andi %get3A_992, %and3A_994 : vector<16xi32>
        %swap3A_996 = arith.constant 0 : index
        %swap3A_997 = tpu.vector_load %arg13[%swap3A_996] {strides = array<i32>} : memref<128xi32, #tpu.memory_space<vmem>>, vector<16xi32>,
        %swap3A_998 = vector.shape_cast %swap3A_997 : vector<16xi32> to vector<16xi32>
        %swap3A_999 = vector.shape_cast %and3A_995 : vector<16xi32> to vector<16xi32>
        tpu.vector_store %arg13[%swap3A_996], %swap3A_999 {strides = array<i32>} : memref<128xi32, #tpu.memory_space<vmem>>, vector<16xi32>,
        %shift_right_logical3A_1000 = arith.constant 16 : i32
        %shift_right_logical3A_1001 = vector.broadcast %shift_right_logical3A_1000 : i32 to vector<16xi32>
        %shift_right_logical3A_1002 = arith.shrui %get3A_992, %shift_right_logical3A_1001 : vector<16xi32>
        %swap3A_1003 = arith.constant 0 : index
        %swap3A_1004 = tpu.vector_load %arg17[%swap3A_1003] {strides = array<i32>} : memref<128xi32, #tpu.memory_space<vmem>>, vector<16xi32>,
        %swap3A_1005 = vector.shape_cast %swap3A_1004 : vector<16xi32> to vector<16xi32>
        %swap3A_1006 = vector.shape_cast %shift_right_logical3A_1002 : vector<16xi32> to vector<16xi32>
        tpu.vector_store %arg17[%swap3A_1003], %swap3A_1006 {strides = array<i32>} : memref<128xi32, #tpu.memory_space<vmem>>, vector<16xi32>,
        %get3A_1007 = arith.index_cast %add3A_988 : i32 to index
        %get3A_1008 = arith.constant 16 : index
        %get3A_1009 = tpu.vector_load %arg7[%get3A_1007, %get3A_1008] {strides = array<i32>} : memref<80x128xi32, #tpu.memory_space<vmem>>, vector<1x16xi32>,
        %get3A_1010 = vector.shape_cast %get3A_1009 : vector<1x16xi32> to vector<16xi32>
        %and3A_1011 = arith.constant 65535 : i32
        %and3A_1012 = vector.broadcast %and3A_1011 : i32 to vector<16xi32>
        %and3A_1013 = arith.andi %get3A_1010, %and3A_1012 : vector<16xi32>
        %swap3A_1014 = arith.constant 16 : index
        %swap3A_1015 = tpu.vector_load %arg13[%swap3A_1014] {strides = array<i32>} : memref<128xi32, #tpu.memory_space<vmem>>, vector<16xi32>,
        %swap3A_1016 = vector.shape_cast %swap3A_1015 : vector<16xi32> to vector<16xi32>
        %swap3A_1017 = vector.shape_cast %and3A_1013 : vector<16xi32> to vector<16xi32>
        tpu.vector_store %arg13[%swap3A_1014], %swap3A_1017 {strides = array<i32>} : memref<128xi32, #tpu.memory_space<vmem>>, vector<16xi32>,
        %shift_right_logical3A_1018 = arith.constant 16 : i32
        %shift_right_logical3A_1019 = vector.broadcast %shift_right_logical3A_1018 : i32 to vector<16xi32>
        %shift_right_logical3A_1020 = arith.shrui %get3A_1010, %shift_right_logical3A_1019 : vector<16xi32>
        %swap3A_1021 = arith.constant 16 : index
        %swap3A_1022 = tpu.vector_load %arg17[%swap3A_1021] {strides = array<i32>} : memref<128xi32, #tpu.memory_space<vmem>>, vector<16xi32>,
        %swap3A_1023 = vector.shape_cast %swap3A_1022 : vector<16xi32> to vector<16xi32>
        %swap3A_1024 = vector.shape_cast %shift_right_logical3A_1020 : vector<16xi32> to vector<16xi32>
        tpu.vector_store %arg17[%swap3A_1021], %swap3A_1024 {strides = array<i32>} : memref<128xi32, #tpu.memory_space<vmem>>, vector<16xi32>,
        %get3A_1025 = arith.index_cast %add3A_988 : i32 to index
        %get3A_1026 = arith.constant 32 : index
        %get3A_1027 = tpu.vector_load %arg7[%get3A_1025, %get3A_1026] {strides = array<i32>} : memref<80x128xi32, #tpu.memory_space<vmem>>, vector<1x16xi32>,
        %get3A_1028 = vector.shape_cast %get3A_1027 : vector<1x16xi32> to vector<16xi32>
        %and3A_1029 = arith.constant 65535 : i32
        %and3A_1030 = vector.broadcast %and3A_1029 : i32 to vector<16xi32>
        %and3A_1031 = arith.andi %get3A_1028, %and3A_1030 : vector<16xi32>
        %swap3A_1032 = arith.constant 32 : index
        %swap3A_1033 = tpu.vector_load %arg13[%swap3A_1032] {strides = array<i32>} : memref<128xi32, #tpu.memory_space<vmem>>, vector<16xi32>,
        %swap3A_1034 = vector.shape_cast %swap3A_1033 : vector<16xi32> to vector<16xi32>
        %swap3A_1035 = vector.shape_cast %and3A_1031 : vector<16xi32> to vector<16xi32>
        tpu.vector_store %arg13[%swap3A_1032], %swap3A_1035 {strides = array<i32>} : memref<128xi32, #tpu.memory_space<vmem>>, vector<16xi32>,
        %shift_right_logical3A_1036 = arith.constant 16 : i32
        %shift_right_logical3A_1037 = vector.broadcast %shift_right_logical3A_1036 : i32 to vector<16xi32>
        %shift_right_logical3A_1038 = arith.shrui %get3A_1028, %shift_right_logical3A_1037 : vector<16xi32>
        %swap3A_1039 = arith.constant 32 : index
        %swap3A_1040 = tpu.vector_load %arg17[%swap3A_1039] {strides = array<i32>} : memref<128xi32, #tpu.memory_space<vmem>>, vector<16xi32>,
        %swap3A_1041 = vector.shape_cast %swap3A_1040 : vector<16xi32> to vector<16xi32>
        %swap3A_1042 = vector.shape_cast %shift_right_logical3A_1038 : vector<16xi32> to vector<16xi32>
        tpu.vector_store %arg17[%swap3A_1039], %swap3A_1042 {strides = array<i32>} : memref<128xi32, #tpu.memory_space<vmem>>, vector<16xi32>,
        %get3A_1043 = arith.index_cast %add3A_988 : i32 to index
        %get3A_1044 = arith.constant 48 : index
        %get3A_1045 = tpu.vector_load %arg7[%get3A_1043, %get3A_1044] {strides = array<i32>} : memref<80x128xi32, #tpu.memory_space<vmem>>, vector<1x16xi32>,
        %get3A_1046 = vector.shape_cast %get3A_1045 : vector<1x16xi32> to vector<16xi32>
        %and3A_1047 = arith.constant 65535 : i32
        %and3A_1048 = vector.broadcast %and3A_1047 : i32 to vector<16xi32>
        %and3A_1049 = arith.andi %get3A_1046, %and3A_1048 : vector<16xi32>
        %swap3A_1050 = arith.constant 48 : index
        %swap3A_1051 = tpu.vector_load %arg13[%swap3A_1050] {strides = array<i32>} : memref<128xi32, #tpu.memory_space<vmem>>, vector<16xi32>,
        %swap3A_1052 = vector.shape_cast %swap3A_1051 : vector<16xi32> to vector<16xi32>
        %swap3A_1053 = vector.shape_cast %and3A_1049 : vector<16xi32> to vector<16xi32>
        tpu.vector_store %arg13[%swap3A_1050], %swap3A_1053 {strides = array<i32>} : memref<128xi32, #tpu.memory_space<vmem>>, vector<16xi32>,
        %shift_right_logical3A_1054 = arith.constant 16 : i32
        %shift_right_logical3A_1055 = vector.broadcast %shift_right_logical3A_1054 : i32 to vector<16xi32>
        %shift_right_logical3A_1056 = arith.shrui %get3A_1046, %shift_right_logical3A_1055 : vector<16xi32>
        %swap3A_1057 = arith.constant 48 : index
        %swap3A_1058 = tpu.vector_load %arg17[%swap3A_1057] {strides = array<i32>} : memref<128xi32, #tpu.memory_space<vmem>>, vector<16xi32>,
        %swap3A_1059 = vector.shape_cast %swap3A_1058 : vector<16xi32> to vector<16xi32>
        %swap3A_1060 = vector.shape_cast %shift_right_logical3A_1056 : vector<16xi32> to vector<16xi32>
        tpu.vector_store %arg17[%swap3A_1057], %swap3A_1060 {strides = array<i32>} : memref<128xi32, #tpu.memory_space<vmem>>, vector<16xi32>,
        %get3A_1061 = arith.index_cast %add3A_988 : i32 to index
        %get3A_1062 = arith.constant 64 : index
        %get3A_1063 = tpu.vector_load %arg7[%get3A_1061, %get3A_1062] {strides = array<i32>} : memref<80x128xi32, #tpu.memory_space<vmem>>, vector<1x16xi32>,
        %get3A_1064 = vector.shape_cast %get3A_1063 : vector<1x16xi32> to vector<16xi32>
        %and3A_1065 = arith.constant 65535 : i32
        %and3A_1066 = vector.broadcast %and3A_1065 : i32 to vector<16xi32>
        %and3A_1067 = arith.andi %get3A_1064, %and3A_1066 : vector<16xi32>
        %swap3A_1068 = arith.constant 64 : index
        %swap3A_1069 = tpu.vector_load %arg13[%swap3A_1068] {strides = array<i32>} : memref<128xi32, #tpu.memory_space<vmem>>, vector<16xi32>,
        %swap3A_1070 = vector.shape_cast %swap3A_1069 : vector<16xi32> to vector<16xi32>
        %swap3A_1071 = vector.shape_cast %and3A_1067 : vector<16xi32> to vector<16xi32>
        tpu.vector_store %arg13[%swap3A_1068], %swap3A_1071 {strides = array<i32>} : memref<128xi32, #tpu.memory_space<vmem>>, vector<16xi32>,
        %shift_right_logical3A_1072 = arith.constant 16 : i32
        %shift_right_logical3A_1073 = vector.broadcast %shift_right_logical3A_1072 : i32 to vector<16xi32>
        %shift_right_logical3A_1074 = arith.shrui %get3A_1064, %shift_right_logical3A_1073 : vector<16xi32>
        %swap3A_1075 = arith.constant 64 : index
        %swap3A_1076 = tpu.vector_load %arg17[%swap3A_1075] {strides = array<i32>} : memref<128xi32, #tpu.memory_space<vmem>>, vector<16xi32>,
        %swap3A_1077 = vector.shape_cast %swap3A_1076 : vector<16xi32> to vector<16xi32>
        %swap3A_1078 = vector.shape_cast %shift_right_logical3A_1074 : vector<16xi32> to vector<16xi32>
        tpu.vector_store %arg17[%swap3A_1075], %swap3A_1078 {strides = array<i32>} : memref<128xi32, #tpu.memory_space<vmem>>, vector<16xi32>,
        %get3A_1079 = arith.index_cast %add3A_988 : i32 to index
        %get3A_1080 = arith.constant 80 : index
        %get3A_1081 = tpu.vector_load %arg7[%get3A_1079, %get3A_1080] {strides = array<i32>} : memref<80x128xi32, #tpu.memory_space<vmem>>, vector<1x16xi32>,
        %get3A_1082 = vector.shape_cast %get3A_1081 : vector<1x16xi32> to vector<16xi32>
        %and3A_1083 = arith.constant 65535 : i32
        %and3A_1084 = vector.broadcast %and3A_1083 : i32 to vector<16xi32>
        %and3A_1085 = arith.andi %get3A_1082, %and3A_1084 : vector<16xi32>
        %swap3A_1086 = arith.constant 80 : index
        %swap3A_1087 = tpu.vector_load %arg13[%swap3A_1086] {strides = array<i32>} : memref<128xi32, #tpu.memory_space<vmem>>, vector<16xi32>,
        %swap3A_1088 = vector.shape_cast %swap3A_1087 : vector<16xi32> to vector<16xi32>
        %swap3A_1089 = vector.shape_cast %and3A_1085 : vector<16xi32> to vector<16xi32>
        tpu.vector_store %arg13[%swap3A_1086], %swap3A_1089 {strides = array<i32>} : memref<128xi32, #tpu.memory_space<vmem>>, vector<16xi32>,
        %shift_right_logical3A_1090 = arith.constant 16 : i32
        %shift_right_logical3A_1091 = vector.broadcast %shift_right_logical3A_1090 : i32 to vector<16xi32>
        %shift_right_logical3A_1092 = arith.shrui %get3A_1082, %shift_right_logical3A_1091 : vector<16xi32>
        %swap3A_1093 = arith.constant 80 : index
        %swap3A_1094 = tpu.vector_load %arg17[%swap3A_1093] {strides = array<i32>} : memref<128xi32, #tpu.memory_space<vmem>>, vector<16xi32>,
        %swap3A_1095 = vector.shape_cast %swap3A_1094 : vector<16xi32> to vector<16xi32>
        %swap3A_1096 = vector.shape_cast %shift_right_logical3A_1092 : vector<16xi32> to vector<16xi32>
        tpu.vector_store %arg17[%swap3A_1093], %swap3A_1096 {strides = array<i32>} : memref<128xi32, #tpu.memory_space<vmem>>, vector<16xi32>,
        %get3A_1097 = arith.index_cast %add3A_988 : i32 to index
        %get3A_1098 = arith.constant 96 : index
        %get3A_1099 = tpu.vector_load %arg7[%get3A_1097, %get3A_1098] {strides = array<i32>} : memref<80x128xi32, #tpu.memory_space<vmem>>, vector<1x16xi32>,
        %get3A_1100 = vector.shape_cast %get3A_1099 : vector<1x16xi32> to vector<16xi32>
        %and3A_1101 = arith.constant 65535 : i32
        %and3A_1102 = vector.broadcast %and3A_1101 : i32 to vector<16xi32>
        %and3A_1103 = arith.andi %get3A_1100, %and3A_1102 : vector<16xi32>
        %swap3A_1104 = arith.constant 96 : index
        %swap3A_1105 = tpu.vector_load %arg13[%swap3A_1104] {strides = array<i32>} : memref<128xi32, #tpu.memory_space<vmem>>, vector<16xi32>,
        %swap3A_1106 = vector.shape_cast %swap3A_1105 : vector<16xi32> to vector<16xi32>
        %swap3A_1107 = vector.shape_cast %and3A_1103 : vector<16xi32> to vector<16xi32>
        tpu.vector_store %arg13[%swap3A_1104], %swap3A_1107 {strides = array<i32>} : memref<128xi32, #tpu.memory_space<vmem>>, vector<16xi32>,
        %shift_right_logical3A_1108 = arith.constant 16 : i32
        %shift_right_logical3A_1109 = vector.broadcast %shift_right_logical3A_1108 : i32 to vector<16xi32>
        %shift_right_logical3A_1110 = arith.shrui %get3A_1100, %shift_right_logical3A_1109 : vector<16xi32>
        %swap3A_1111 = arith.constant 96 : index
        %swap3A_1112 = tpu.vector_load %arg17[%swap3A_1111] {strides = array<i32>} : memref<128xi32, #tpu.memory_space<vmem>>, vector<16xi32>,
        %swap3A_1113 = vector.shape_cast %swap3A_1112 : vector<16xi32> to vector<16xi32>
        %swap3A_1114 = vector.shape_cast %shift_right_logical3A_1110 : vector<16xi32> to vector<16xi32>
        tpu.vector_store %arg17[%swap3A_1111], %swap3A_1114 {strides = array<i32>} : memref<128xi32, #tpu.memory_space<vmem>>, vector<16xi32>,
        %get3A_1115 = arith.index_cast %add3A_988 : i32 to index
        %get3A_1116 = arith.constant 112 : index
        %get3A_1117 = tpu.vector_load %arg7[%get3A_1115, %get3A_1116] {strides = array<i32>} : memref<80x128xi32, #tpu.memory_space<vmem>>, vector<1x16xi32>,
        %get3A_1118 = vector.shape_cast %get3A_1117 : vector<1x16xi32> to vector<16xi32>
        %and3A_1119 = arith.constant 65535 : i32
        %and3A_1120 = vector.broadcast %and3A_1119 : i32 to vector<16xi32>
        %and3A_1121 = arith.andi %get3A_1118, %and3A_1120 : vector<16xi32>
        %swap3A_1122 = arith.constant 112 : index
        %swap3A_1123 = tpu.vector_load %arg13[%swap3A_1122] {strides = array<i32>} : memref<128xi32, #tpu.memory_space<vmem>>, vector<16xi32>,
        %swap3A_1124 = vector.shape_cast %swap3A_1123 : vector<16xi32> to vector<16xi32>
        %swap3A_1125 = vector.shape_cast %and3A_1121 : vector<16xi32> to vector<16xi32>
        tpu.vector_store %arg13[%swap3A_1122], %swap3A_1125 {strides = array<i32>} : memref<128xi32, #tpu.memory_space<vmem>>, vector<16xi32>,
        %shift_right_logical3A_1126 = arith.constant 16 : i32
        %shift_right_logical3A_1127 = vector.broadcast %shift_right_logical3A_1126 : i32 to vector<16xi32>
        %shift_right_logical3A_1128 = arith.shrui %get3A_1118, %shift_right_logical3A_1127 : vector<16xi32>
        %swap3A_1129 = arith.constant 112 : index
        %swap3A_1130 = tpu.vector_load %arg17[%swap3A_1129] {strides = array<i32>} : memref<128xi32, #tpu.memory_space<vmem>>, vector<16xi32>,
        %swap3A_1131 = vector.shape_cast %swap3A_1130 : vector<16xi32> to vector<16xi32>
        %swap3A_1132 = vector.shape_cast %shift_right_logical3A_1128 : vector<16xi32> to vector<16xi32>
        tpu.vector_store %arg17[%swap3A_1129], %swap3A_1132 {strides = array<i32>} : memref<128xi32, #tpu.memory_space<vmem>>, vector<16xi32>,
      } else {
      }
    }
    %scan3A_737 = arith.constant 20 : i32
    %barrier3A_738 = arith.constant 0 : index
    tpu.barrier barrier_id(%barrier3A_738)
    %add3A_739 = arith.constant 0 : i32
    %add3A_740 = arith.addi %mul3A_2, %add3A_739 : i32
    "tpu.region"() ({
      %run_scoped3A = tpu.sem_alloc : memref<!tpu.dma_semaphore, #tpu.memory_space<semaphore_mem>>
      %dma_start3A_889 = arith.constant 0 : i32
      %dma_start3A_890 = arith.constant 0 : i32
      %dma_start3A_891 = tpu.memref_slice %arg8[%dma_start3A_889, %dma_start3A_890] : memref<128x128xf32, #tpu.memory_space<vmem>> -> memref<128x128xf32, #tpu.memory_space<vmem>>
      %dma_start3A_892 = arith.constant 0 : i32
      %dma_start3A_893 = tpu.memref_slice %arg6[%add3A_740, %dma_start3A_892] : memref<10112x128xf32, #tpu.memory_space<vmem_shared>> -> memref<128x128xf32, #tpu.memory_space<vmem_shared>>
      %dma_start3A_894 = arith.constant 0 : i32
      %dma_start3A_895 = arith.constant 0 : i32
      %dma_start3A_896 = tpu.memref_slice %arg8[%dma_start3A_894, %dma_start3A_895] : memref<128x128xf32, #tpu.memory_space<vmem>> -> memref<128x128xf32, #tpu.memory_space<vmem>>
      %dma_start3A_897 = arith.constant 0 : i32
      %dma_start3A_898 = tpu.memref_slice %arg6[%add3A_740, %dma_start3A_897] : memref<10112x128xf32, #tpu.memory_space<vmem_shared>> -> memref<128x128xf32, #tpu.memory_space<vmem_shared>>
      tpu.enqueue_dma source(%dma_start3A_898 : memref<128x128xf32, #tpu.memory_space<vmem_shared>>) target(%dma_start3A_896 : memref<128x128xf32, #tpu.memory_space<vmem>>) target_semaphore(%run_scoped3A : memref<!tpu.dma_semaphore, #tpu.memory_space<semaphore_mem>>)
      %dma_wait3A_899 = arith.constant 0 : i32
      %dma_wait3A_900 = arith.constant 0 : i32
      %dma_wait3A_901 = tpu.memref_slice %arg8[%dma_wait3A_899, %dma_wait3A_900] : memref<128x128xf32, #tpu.memory_space<vmem>> -> memref<128x128xf32, #tpu.memory_space<vmem>>
      %dma_wait3A_902 = arith.constant 0 : i32
      %dma_wait3A_903 = tpu.memref_slice %arg6[%add3A_740, %dma_wait3A_902] : memref<10112x128xf32, #tpu.memory_space<vmem_shared>> -> memref<128x128xf32, #tpu.memory_space<vmem_shared>>
      %dma_wait3A_904 = arith.constant 0 : i32
      %dma_wait3A_905 = arith.constant 0 : i32
      %dma_wait3A_906 = tpu.memref_slice %arg8[%dma_wait3A_904, %dma_wait3A_905] : memref<128x128xf32, #tpu.memory_space<vmem>> -> memref<128x128xf32, #tpu.memory_space<vmem>>
      %dma_wait3A_907 = arith.constant 0 : i32
      %dma_wait3A_908 = tpu.memref_slice %arg6[%add3A_740, %dma_wait3A_907] : memref<10112x128xf32, #tpu.memory_space<vmem_shared>> -> memref<128x128xf32, #tpu.memory_space<vmem_shared>>
      tpu.wait_dma2 semaphore(%run_scoped3A : memref<!tpu.dma_semaphore, #tpu.memory_space<semaphore_mem>>) src(%dma_wait3A_908 : memref<128x128xf32, #tpu.memory_space<vmem_shared>>) dst(%dma_wait3A_906 : memref<128x128xf32, #tpu.memory_space<vmem>>)
      tpu.yield
    }) : () -> ()
    %add3A_741 = arith.constant 0 : i32
    %add3A_742 = arith.addi %mul3A_2, %add3A_741 : i32
    %dma_start3A_743 = arith.constant 0 : i32
    %dma_start3A_744 = arith.constant 0 : i32
    %dma_start3A_745 = tpu.memref_slice %arg8[%dma_start3A_743, %dma_start3A_744] : memref<128x128xf32, #tpu.memory_space<vmem>> -> memref<128x128xf32, #tpu.memory_space<vmem>>
    %dma_start3A_746 = arith.constant 0 : i32
    %dma_start3A_747 = tpu.memref_slice %arg5[%arg0, %add3A_742, %dma_start3A_746] : memref<2x10112x128xf32, #tpu.memory_space<hbm>> -> memref<1x128x128xf32, #tpu.memory_space<hbm>>
    %dma_start3A_748 = tpu.memref_squeeze %dma_start3A_747 : memref<1x128x128xf32, #tpu.memory_space<hbm>> -> memref<128x128xf32, #tpu.memory_space<hbm>>
    %dma_start3A_749 = arith.constant 0 : i32
    %dma_start3A_750 = tpu.memref_slice %arg5[%arg0, %add3A_742, %dma_start3A_749] : memref<2x10112x128xf32, #tpu.memory_space<hbm>> -> memref<1x128x128xf32, #tpu.memory_space<hbm>>
    %dma_start3A_751 = tpu.memref_squeeze %dma_start3A_750 : memref<1x128x128xf32, #tpu.memory_space<hbm>> -> memref<128x128xf32, #tpu.memory_space<hbm>>
    %dma_start3A_752 = arith.constant 0 : i32
    %dma_start3A_753 = arith.constant 0 : i32
    %dma_start3A_754 = tpu.memref_slice %arg8[%dma_start3A_752, %dma_start3A_753] : memref<128x128xf32, #tpu.memory_space<vmem>> -> memref<128x128xf32, #tpu.memory_space<vmem>>
    tpu.enqueue_dma source(%dma_start3A_754 : memref<128x128xf32, #tpu.memory_space<vmem>>) target(%dma_start3A_751 : memref<128x128xf32, #tpu.memory_space<hbm>>) target_semaphore(%arg20 : memref<!tpu.dma_semaphore, #tpu.memory_space<semaphore_mem>>)
    %add3A_755 = arith.constant 128 : i32
    %add3A_756 = arith.addi %mul3A_2, %add3A_755 : i32
    "tpu.region"() ({
      %run_scoped3A = tpu.sem_alloc : memref<!tpu.dma_semaphore, #tpu.memory_space<semaphore_mem>>
      %dma_start3A_889 = arith.constant 0 : i32
      %dma_start3A_890 = arith.constant 0 : i32
      %dma_start3A_891 = tpu.memref_slice %arg9[%dma_start3A_889, %dma_start3A_890] : memref<128x128xf32, #tpu.memory_space<vmem>> -> memref<128x128xf32, #tpu.memory_space<vmem>>
      %dma_start3A_892 = arith.constant 0 : i32
      %dma_start3A_893 = tpu.memref_slice %arg6[%add3A_756, %dma_start3A_892] : memref<10112x128xf32, #tpu.memory_space<vmem_shared>> -> memref<128x128xf32, #tpu.memory_space<vmem_shared>>
      %dma_start3A_894 = arith.constant 0 : i32
      %dma_start3A_895 = arith.constant 0 : i32
      %dma_start3A_896 = tpu.memref_slice %arg9[%dma_start3A_894, %dma_start3A_895] : memref<128x128xf32, #tpu.memory_space<vmem>> -> memref<128x128xf32, #tpu.memory_space<vmem>>
      %dma_start3A_897 = arith.constant 0 : i32
      %dma_start3A_898 = tpu.memref_slice %arg6[%add3A_756, %dma_start3A_897] : memref<10112x128xf32, #tpu.memory_space<vmem_shared>> -> memref<128x128xf32, #tpu.memory_space<vmem_shared>>
      tpu.enqueue_dma source(%dma_start3A_898 : memref<128x128xf32, #tpu.memory_space<vmem_shared>>) target(%dma_start3A_896 : memref<128x128xf32, #tpu.memory_space<vmem>>) target_semaphore(%run_scoped3A : memref<!tpu.dma_semaphore, #tpu.memory_space<semaphore_mem>>)
      %dma_wait3A_899 = arith.constant 0 : i32
      %dma_wait3A_900 = arith.constant 0 : i32
      %dma_wait3A_901 = tpu.memref_slice %arg9[%dma_wait3A_899, %dma_wait3A_900] : memref<128x128xf32, #tpu.memory_space<vmem>> -> memref<128x128xf32, #tpu.memory_space<vmem>>
      %dma_wait3A_902 = arith.constant 0 : i32
      %dma_wait3A_903 = tpu.memref_slice %arg6[%add3A_756, %dma_wait3A_902] : memref<10112x128xf32, #tpu.memory_space<vmem_shared>> -> memref<128x128xf32, #tpu.memory_space<vmem_shared>>
      %dma_wait3A_904 = arith.constant 0 : i32
      %dma_wait3A_905 = arith.constant 0 : i32
      %dma_wait3A_906 = tpu.memref_slice %arg9[%dma_wait3A_904, %dma_wait3A_905] : memref<128x128xf32, #tpu.memory_space<vmem>> -> memref<128x128xf32, #tpu.memory_space<vmem>>
      %dma_wait3A_907 = arith.constant 0 : i32
      %dma_wait3A_908 = tpu.memref_slice %arg6[%add3A_756, %dma_wait3A_907] : memref<10112x128xf32, #tpu.memory_space<vmem_shared>> -> memref<128x128xf32, #tpu.memory_space<vmem_shared>>
      tpu.wait_dma2 semaphore(%run_scoped3A : memref<!tpu.dma_semaphore, #tpu.memory_space<semaphore_mem>>) src(%dma_wait3A_908 : memref<128x128xf32, #tpu.memory_space<vmem_shared>>) dst(%dma_wait3A_906 : memref<128x128xf32, #tpu.memory_space<vmem>>)
      tpu.yield
    }) : () -> ()
    %add3A_757 = arith.constant 128 : i32
    %add3A_758 = arith.addi %mul3A_2, %add3A_757 : i32
    %dma_start3A_759 = arith.constant 0 : i32
    %dma_start3A_760 = arith.constant 0 : i32
    %dma_start3A_761 = tpu.memref_slice %arg9[%dma_start3A_759, %dma_start3A_760] : memref<128x128xf32, #tpu.memory_space<vmem>> -> memref<128x128xf32, #tpu.memory_space<vmem>>
    %dma_start3A_762 = arith.constant 0 : i32
    %dma_start3A_763 = tpu.memref_slice %arg5[%arg0, %add3A_758, %dma_start3A_762] : memref<2x10112x128xf32, #tpu.memory_space<hbm>> -> memref<1x128x128xf32, #tpu.memory_space<hbm>>
    %dma_start3A_764 = tpu.memref_squeeze %dma_start3A_763 : memref<1x128x128xf32, #tpu.memory_space<hbm>> -> memref<128x128xf32, #tpu.memory_space<hbm>>
    %dma_start3A_765 = arith.constant 0 : i32
    %dma_start3A_766 = tpu.memref_slice %arg5[%arg0, %add3A_758, %dma_start3A_765] : memref<2x10112x128xf32, #tpu.memory_space<hbm>> -> memref<1x128x128xf32, #tpu.memory_space<hbm>>
    %dma_start3A_767 = tpu.memref_squeeze %dma_start3A_766 : memref<1x128x128xf32, #tpu.memory_space<hbm>> -> memref<128x128xf32, #tpu.memory_space<hbm>>
    %dma_start3A_768 = arith.constant 0 : i32
    %dma_start3A_769 = arith.constant 0 : i32
    %dma_start3A_770 = tpu.memref_slice %arg9[%dma_start3A_768, %dma_start3A_769] : memref<128x128xf32, #tpu.memory_space<vmem>> -> memref<128x128xf32, #tpu.memory_space<vmem>>
    tpu.enqueue_dma source(%dma_start3A_770 : memref<128x128xf32, #tpu.memory_space<vmem>>) target(%dma_start3A_767 : memref<128x128xf32, #tpu.memory_space<hbm>>) target_semaphore(%arg21 : memref<!tpu.dma_semaphore, #tpu.memory_space<semaphore_mem>>)
    %add3A_771 = arith.constant 0 : i32
    %add3A_772 = arith.addi %mul3A_2, %add3A_771 : i32
    %dma_wait3A_773 = arith.constant 0 : i32
    %dma_wait3A_774 = arith.constant 0 : i32
    %dma_wait3A_775 = tpu.memref_slice %arg8[%dma_wait3A_773, %dma_wait3A_774] : memref<128x128xf32, #tpu.memory_space<vmem>> -> memref<128x128xf32, #tpu.memory_space<vmem>>
    %dma_wait3A_776 = arith.constant 0 : i32
    %dma_wait3A_777 = tpu.memref_slice %arg5[%arg0, %add3A_772, %dma_wait3A_776] : memref<2x10112x128xf32, #tpu.memory_space<hbm>> -> memref<1x128x128xf32, #tpu.memory_space<hbm>>
    %dma_wait3A_778 = tpu.memref_squeeze %dma_wait3A_777 : memref<1x128x128xf32, #tpu.memory_space<hbm>> -> memref<128x128xf32, #tpu.memory_space<hbm>>
    %dma_wait3A_779 = arith.constant 0 : i32
    %dma_wait3A_780 = tpu.memref_slice %arg5[%arg0, %add3A_772, %dma_wait3A_779] : memref<2x10112x128xf32, #tpu.memory_space<hbm>> -> memref<1x128x128xf32, #tpu.memory_space<hbm>>
    %dma_wait3A_781 = tpu.memref_squeeze %dma_wait3A_780 : memref<1x128x128xf32, #tpu.memory_space<hbm>> -> memref<128x128xf32, #tpu.memory_space<hbm>>
    %dma_wait3A_782 = arith.constant 0 : i32
    %dma_wait3A_783 = arith.constant 0 : i32
    %dma_wait3A_784 = tpu.memref_slice %arg8[%dma_wait3A_782, %dma_wait3A_783] : memref<128x128xf32, #tpu.memory_space<vmem>> -> memref<128x128xf32, #tpu.memory_space<vmem>>
    tpu.wait_dma2 semaphore(%arg20 : memref<!tpu.dma_semaphore, #tpu.memory_space<semaphore_mem>>) src(%dma_wait3A_784 : memref<128x128xf32, #tpu.memory_space<vmem>>) dst(%dma_wait3A_781 : memref<128x128xf32, #tpu.memory_space<hbm>>)
    %add3A_785 = arith.constant 256 : i32
    %add3A_786 = arith.addi %mul3A_2, %add3A_785 : i32
    "tpu.region"() ({
      %run_scoped3A = tpu.sem_alloc : memref<!tpu.dma_semaphore, #tpu.memory_space<semaphore_mem>>
      %dma_start3A_889 = arith.constant 0 : i32
      %dma_start3A_890 = arith.constant 0 : i32
      %dma_start3A_891 = tpu.memref_slice %arg8[%dma_start3A_889, %dma_start3A_890] : memref<128x128xf32, #tpu.memory_space<vmem>> -> memref<128x128xf32, #tpu.memory_space<vmem>>
      %dma_start3A_892 = arith.constant 0 : i32
      %dma_start3A_893 = tpu.memref_slice %arg6[%add3A_786, %dma_start3A_892] : memref<10112x128xf32, #tpu.memory_space<vmem_shared>> -> memref<128x128xf32, #tpu.memory_space<vmem_shared>>
      %dma_start3A_894 = arith.constant 0 : i32
      %dma_start3A_895 = arith.constant 0 : i32
      %dma_start3A_896 = tpu.memref_slice %arg8[%dma_start3A_894, %dma_start3A_895] : memref<128x128xf32, #tpu.memory_space<vmem>> -> memref<128x128xf32, #tpu.memory_space<vmem>>
      %dma_start3A_897 = arith.constant 0 : i32
      %dma_start3A_898 = tpu.memref_slice %arg6[%add3A_786, %dma_start3A_897] : memref<10112x128xf32, #tpu.memory_space<vmem_shared>> -> memref<128x128xf32, #tpu.memory_space<vmem_shared>>
      tpu.enqueue_dma source(%dma_start3A_898 : memref<128x128xf32, #tpu.memory_space<vmem_shared>>) target(%dma_start3A_896 : memref<128x128xf32, #tpu.memory_space<vmem>>) target_semaphore(%run_scoped3A : memref<!tpu.dma_semaphore, #tpu.memory_space<semaphore_mem>>)
      %dma_wait3A_899 = arith.constant 0 : i32
      %dma_wait3A_900 = arith.constant 0 : i32
      %dma_wait3A_901 = tpu.memref_slice %arg8[%dma_wait3A_899, %dma_wait3A_900] : memref<128x128xf32, #tpu.memory_space<vmem>> -> memref<128x128xf32, #tpu.memory_space<vmem>>
      %dma_wait3A_902 = arith.constant 0 : i32
      %dma_wait3A_903 = tpu.memref_slice %arg6[%add3A_786, %dma_wait3A_902] : memref<10112x128xf32, #tpu.memory_space<vmem_shared>> -> memref<128x128xf32, #tpu.memory_space<vmem_shared>>
      %dma_wait3A_904 = arith.constant 0 : i32
      %dma_wait3A_905 = arith.constant 0 : i32
      %dma_wait3A_906 = tpu.memref_slice %arg8[%dma_wait3A_904, %dma_wait3A_905] : memref<128x128xf32, #tpu.memory_space<vmem>> -> memref<128x128xf32, #tpu.memory_space<vmem>>
      %dma_wait3A_907 = arith.constant 0 : i32
      %dma_wait3A_908 = tpu.memref_slice %arg6[%add3A_786, %dma_wait3A_907] : memref<10112x128xf32, #tpu.memory_space<vmem_shared>> -> memref<128x128xf32, #tpu.memory_space<vmem_shared>>
      tpu.wait_dma2 semaphore(%run_scoped3A : memref<!tpu.dma_semaphore, #tpu.memory_space<semaphore_mem>>) src(%dma_wait3A_908 : memref<128x128xf32, #tpu.memory_space<vmem_shared>>) dst(%dma_wait3A_906 : memref<128x128xf32, #tpu.memory_space<vmem>>)
      tpu.yield
    }) : () -> ()
    %add3A_787 = arith.constant 256 : i32
    %add3A_788 = arith.addi %mul3A_2, %add3A_787 : i32
    %dma_start3A_789 = arith.constant 0 : i32
    %dma_start3A_790 = arith.constant 0 : i32
    %dma_start3A_791 = tpu.memref_slice %arg8[%dma_start3A_789, %dma_start3A_790] : memref<128x128xf32, #tpu.memory_space<vmem>> -> memref<128x128xf32, #tpu.memory_space<vmem>>
    %dma_start3A_792 = arith.constant 0 : i32
    %dma_start3A_793 = tpu.memref_slice %arg5[%arg0, %add3A_788, %dma_start3A_792] : memref<2x10112x128xf32, #tpu.memory_space<hbm>> -> memref<1x128x128xf32, #tpu.memory_space<hbm>>
    %dma_start3A_794 = tpu.memref_squeeze %dma_start3A_793 : memref<1x128x128xf32, #tpu.memory_space<hbm>> -> memref<128x128xf32, #tpu.memory_space<hbm>>
    %dma_start3A_795 = arith.constant 0 : i32
    %dma_start3A_796 = tpu.memref_slice %arg5[%arg0, %add3A_788, %dma_start3A_795] : memref<2x10112x128xf32, #tpu.memory_space<hbm>> -> memref<1x128x128xf32, #tpu.memory_space<hbm>>
    %dma_start3A_797 = tpu.memref_squeeze %dma_start3A_796 : memref<1x128x128xf32, #tpu.memory_space<hbm>> -> memref<128x128xf32, #tpu.memory_space<hbm>>
    %dma_start3A_798 = arith.constant 0 : i32
    %dma_start3A_799 = arith.constant 0 : i32
    %dma_start3A_800 = tpu.memref_slice %arg8[%dma_start3A_798, %dma_start3A_799] : memref<128x128xf32, #tpu.memory_space<vmem>> -> memref<128x128xf32, #tpu.memory_space<vmem>>
    tpu.enqueue_dma source(%dma_start3A_800 : memref<128x128xf32, #tpu.memory_space<vmem>>) target(%dma_start3A_797 : memref<128x128xf32, #tpu.memory_space<hbm>>) target_semaphore(%arg20 : memref<!tpu.dma_semaphore, #tpu.memory_space<semaphore_mem>>)
    %add3A_801 = arith.constant 128 : i32
    %add3A_802 = arith.addi %mul3A_2, %add3A_801 : i32
    %dma_wait3A_803 = arith.constant 0 : i32
    %dma_wait3A_804 = arith.constant 0 : i32
    %dma_wait3A_805 = tpu.memref_slice %arg9[%dma_wait3A_803, %dma_wait3A_804] : memref<128x128xf32, #tpu.memory_space<vmem>> -> memref<128x128xf32, #tpu.memory_space<vmem>>
    %dma_wait3A_806 = arith.constant 0 : i32
    %dma_wait3A_807 = tpu.memref_slice %arg5[%arg0, %add3A_802, %dma_wait3A_806] : memref<2x10112x128xf32, #tpu.memory_space<hbm>> -> memref<1x128x128xf32, #tpu.memory_space<hbm>>
    %dma_wait3A_808 = tpu.memref_squeeze %dma_wait3A_807 : memref<1x128x128xf32, #tpu.memory_space<hbm>> -> memref<128x128xf32, #tpu.memory_space<hbm>>
    %dma_wait3A_809 = arith.constant 0 : i32
    %dma_wait3A_810 = tpu.memref_slice %arg5[%arg0, %add3A_802, %dma_wait3A_809] : memref<2x10112x128xf32, #tpu.memory_space<hbm>> -> memref<1x128x128xf32, #tpu.memory_space<hbm>>
    %dma_wait3A_811 = tpu.memref_squeeze %dma_wait3A_810 : memref<1x128x128xf32, #tpu.memory_space<hbm>> -> memref<128x128xf32, #tpu.memory_space<hbm>>
    %dma_wait3A_812 = arith.constant 0 : i32
    %dma_wait3A_813 = arith.constant 0 : i32
    %dma_wait3A_814 = tpu.memref_slice %arg9[%dma_wait3A_812, %dma_wait3A_813] : memref<128x128xf32, #tpu.memory_space<vmem>> -> memref<128x128xf32, #tpu.memory_space<vmem>>
    tpu.wait_dma2 semaphore(%arg21 : memref<!tpu.dma_semaphore, #tpu.memory_space<semaphore_mem>>) src(%dma_wait3A_814 : memref<128x128xf32, #tpu.memory_space<vmem>>) dst(%dma_wait3A_811 : memref<128x128xf32, #tpu.memory_space<hbm>>)
    %add3A_815 = arith.constant 384 : i32
    %add3A_816 = arith.addi %mul3A_2, %add3A_815 : i32
    "tpu.region"() ({
      %run_scoped3A = tpu.sem_alloc : memref<!tpu.dma_semaphore, #tpu.memory_space<semaphore_mem>>
      %dma_start3A_889 = arith.constant 0 : i32
      %dma_start3A_890 = arith.constant 0 : i32
      %dma_start3A_891 = tpu.memref_slice %arg9[%dma_start3A_889, %dma_start3A_890] : memref<128x128xf32, #tpu.memory_space<vmem>> -> memref<128x128xf32, #tpu.memory_space<vmem>>
      %dma_start3A_892 = arith.constant 0 : i32
      %dma_start3A_893 = tpu.memref_slice %arg6[%add3A_816, %dma_start3A_892] : memref<10112x128xf32, #tpu.memory_space<vmem_shared>> -> memref<128x128xf32, #tpu.memory_space<vmem_shared>>
      %dma_start3A_894 = arith.constant 0 : i32
      %dma_start3A_895 = arith.constant 0 : i32
      %dma_start3A_896 = tpu.memref_slice %arg9[%dma_start3A_894, %dma_start3A_895] : memref<128x128xf32, #tpu.memory_space<vmem>> -> memref<128x128xf32, #tpu.memory_space<vmem>>
      %dma_start3A_897 = arith.constant 0 : i32
      %dma_start3A_898 = tpu.memref_slice %arg6[%add3A_816, %dma_start3A_897] : memref<10112x128xf32, #tpu.memory_space<vmem_shared>> -> memref<128x128xf32, #tpu.memory_space<vmem_shared>>
      tpu.enqueue_dma source(%dma_start3A_898 : memref<128x128xf32, #tpu.memory_space<vmem_shared>>) target(%dma_start3A_896 : memref<128x128xf32, #tpu.memory_space<vmem>>) target_semaphore(%run_scoped3A : memref<!tpu.dma_semaphore, #tpu.memory_space<semaphore_mem>>)
      %dma_wait3A_899 = arith.constant 0 : i32
      %dma_wait3A_900 = arith.constant 0 : i32
      %dma_wait3A_901 = tpu.memref_slice %arg9[%dma_wait3A_899, %dma_wait3A_900] : memref<128x128xf32, #tpu.memory_space<vmem>> -> memref<128x128xf32, #tpu.memory_space<vmem>>
      %dma_wait3A_902 = arith.constant 0 : i32
      %dma_wait3A_903 = tpu.memref_slice %arg6[%add3A_816, %dma_wait3A_902] : memref<10112x128xf32, #tpu.memory_space<vmem_shared>> -> memref<128x128xf32, #tpu.memory_space<vmem_shared>>
      %dma_wait3A_904 = arith.constant 0 : i32
      %dma_wait3A_905 = arith.constant 0 : i32
      %dma_wait3A_906 = tpu.memref_slice %arg9[%dma_wait3A_904, %dma_wait3A_905] : memref<128x128xf32, #tpu.memory_space<vmem>> -> memref<128x128xf32, #tpu.memory_space<vmem>>
      %dma_wait3A_907 = arith.constant 0 : i32
      %dma_wait3A_908 = tpu.memref_slice %arg6[%add3A_816, %dma_wait3A_907] : memref<10112x128xf32, #tpu.memory_space<vmem_shared>> -> memref<128x128xf32, #tpu.memory_space<vmem_shared>>
      tpu.wait_dma2 semaphore(%run_scoped3A : memref<!tpu.dma_semaphore, #tpu.memory_space<semaphore_mem>>) src(%dma_wait3A_908 : memref<128x128xf32, #tpu.memory_space<vmem_shared>>) dst(%dma_wait3A_906 : memref<128x128xf32, #tpu.memory_space<vmem>>)
      tpu.yield
    }) : () -> ()
    %add3A_817 = arith.constant 384 : i32
    %add3A_818 = arith.addi %mul3A_2, %add3A_817 : i32
    %dma_start3A_819 = arith.constant 0 : i32
    %dma_start3A_820 = arith.constant 0 : i32
    %dma_start3A_821 = tpu.memref_slice %arg9[%dma_start3A_819, %dma_start3A_820] : memref<128x128xf32, #tpu.memory_space<vmem>> -> memref<128x128xf32, #tpu.memory_space<vmem>>
    %dma_start3A_822 = arith.constant 0 : i32
    %dma_start3A_823 = tpu.memref_slice %arg5[%arg0, %add3A_818, %dma_start3A_822] : memref<2x10112x128xf32, #tpu.memory_space<hbm>> -> memref<1x128x128xf32, #tpu.memory_space<hbm>>
    %dma_start3A_824 = tpu.memref_squeeze %dma_start3A_823 : memref<1x128x128xf32, #tpu.memory_space<hbm>> -> memref<128x128xf32, #tpu.memory_space<hbm>>
    %dma_start3A_825 = arith.constant 0 : i32
    %dma_start3A_826 = tpu.memref_slice %arg5[%arg0, %add3A_818, %dma_start3A_825] : memref<2x10112x128xf32, #tpu.memory_space<hbm>> -> memref<1x128x128xf32, #tpu.memory_space<hbm>>
    %dma_start3A_827 = tpu.memref_squeeze %dma_start3A_826 : memref<1x128x128xf32, #tpu.memory_space<hbm>> -> memref<128x128xf32, #tpu.memory_space<hbm>>
    %dma_start3A_828 = arith.constant 0 : i32
    %dma_start3A_829 = arith.constant 0 : i32
    %dma_start3A_830 = tpu.memref_slice %arg9[%dma_start3A_828, %dma_start3A_829] : memref<128x128xf32, #tpu.memory_space<vmem>> -> memref<128x128xf32, #tpu.memory_space<vmem>>
    tpu.enqueue_dma source(%dma_start3A_830 : memref<128x128xf32, #tpu.memory_space<vmem>>) target(%dma_start3A_827 : memref<128x128xf32, #tpu.memory_space<hbm>>) target_semaphore(%arg21 : memref<!tpu.dma_semaphore, #tpu.memory_space<semaphore_mem>>)
    %add3A_831 = arith.constant 256 : i32
    %add3A_832 = arith.addi %mul3A_2, %add3A_831 : i32
    %dma_wait3A_833 = arith.constant 0 : i32
    %dma_wait3A_834 = arith.constant 0 : i32
    %dma_wait3A_835 = tpu.memref_slice %arg8[%dma_wait3A_833, %dma_wait3A_834] : memref<128x128xf32, #tpu.memory_space<vmem>> -> memref<128x128xf32, #tpu.memory_space<vmem>>
    %dma_wait3A_836 = arith.constant 0 : i32
    %dma_wait3A_837 = tpu.memref_slice %arg5[%arg0, %add3A_832, %dma_wait3A_836] : memref<2x10112x128xf32, #tpu.memory_space<hbm>> -> memref<1x128x128xf32, #tpu.memory_space<hbm>>
    %dma_wait3A_838 = tpu.memref_squeeze %dma_wait3A_837 : memref<1x128x128xf32, #tpu.memory_space<hbm>> -> memref<128x128xf32, #tpu.memory_space<hbm>>
    %dma_wait3A_839 = arith.constant 0 : i32
    %dma_wait3A_840 = tpu.memref_slice %arg5[%arg0, %add3A_832, %dma_wait3A_839] : memref<2x10112x128xf32, #tpu.memory_space<hbm>> -> memref<1x128x128xf32, #tpu.memory_space<hbm>>
    %dma_wait3A_841 = tpu.memref_squeeze %dma_wait3A_840 : memref<1x128x128xf32, #tpu.memory_space<hbm>> -> memref<128x128xf32, #tpu.memory_space<hbm>>
    %dma_wait3A_842 = arith.constant 0 : i32
    %dma_wait3A_843 = arith.constant 0 : i32
    %dma_wait3A_844 = tpu.memref_slice %arg8[%dma_wait3A_842, %dma_wait3A_843] : memref<128x128xf32, #tpu.memory_space<vmem>> -> memref<128x128xf32, #tpu.memory_space<vmem>>
    tpu.wait_dma2 semaphore(%arg20 : memref<!tpu.dma_semaphore, #tpu.memory_space<semaphore_mem>>) src(%dma_wait3A_844 : memref<128x128xf32, #tpu.memory_space<vmem>>) dst(%dma_wait3A_841 : memref<128x128xf32, #tpu.memory_space<hbm>>)
    %add3A_845 = arith.constant 512 : i32
    %add3A_846 = arith.addi %mul3A_2, %add3A_845 : i32
    "tpu.region"() ({
      %run_scoped3A = tpu.sem_alloc : memref<!tpu.dma_semaphore, #tpu.memory_space<semaphore_mem>>
      %dma_start3A_889 = arith.constant 0 : i32
      %dma_start3A_890 = arith.constant 0 : i32
      %dma_start3A_891 = tpu.memref_slice %arg8[%dma_start3A_889, %dma_start3A_890] : memref<128x128xf32, #tpu.memory_space<vmem>> -> memref<120x128xf32, #tpu.memory_space<vmem>>
      %dma_start3A_892 = arith.constant 0 : i32
      %dma_start3A_893 = tpu.memref_slice %arg6[%add3A_846, %dma_start3A_892] : memref<10112x128xf32, #tpu.memory_space<vmem_shared>> -> memref<120x128xf32, #tpu.memory_space<vmem_shared>>
      %dma_start3A_894 = arith.constant 0 : i32
      %dma_start3A_895 = arith.constant 0 : i32
      %dma_start3A_896 = tpu.memref_slice %arg8[%dma_start3A_894, %dma_start3A_895] : memref<128x128xf32, #tpu.memory_space<vmem>> -> memref<120x128xf32, #tpu.memory_space<vmem>>
      %dma_start3A_897 = arith.constant 0 : i32
      %dma_start3A_898 = tpu.memref_slice %arg6[%add3A_846, %dma_start3A_897] : memref<10112x128xf32, #tpu.memory_space<vmem_shared>> -> memref<120x128xf32, #tpu.memory_space<vmem_shared>>
      tpu.enqueue_dma source(%dma_start3A_898 : memref<120x128xf32, #tpu.memory_space<vmem_shared>>) target(%dma_start3A_896 : memref<120x128xf32, #tpu.memory_space<vmem>>) target_semaphore(%run_scoped3A : memref<!tpu.dma_semaphore, #tpu.memory_space<semaphore_mem>>)
      %dma_wait3A_899 = arith.constant 0 : i32
      %dma_wait3A_900 = arith.constant 0 : i32
      %dma_wait3A_901 = tpu.memref_slice %arg8[%dma_wait3A_899, %dma_wait3A_900] : memref<128x128xf32, #tpu.memory_space<vmem>> -> memref<120x128xf32, #tpu.memory_space<vmem>>
      %dma_wait3A_902 = arith.constant 0 : i32
      %dma_wait3A_903 = tpu.memref_slice %arg6[%add3A_846, %dma_wait3A_902] : memref<10112x128xf32, #tpu.memory_space<vmem_shared>> -> memref<120x128xf32, #tpu.memory_space<vmem_shared>>
      %dma_wait3A_904 = arith.constant 0 : i32
      %dma_wait3A_905 = arith.constant 0 : i32
      %dma_wait3A_906 = tpu.memref_slice %arg8[%dma_wait3A_904, %dma_wait3A_905] : memref<128x128xf32, #tpu.memory_space<vmem>> -> memref<120x128xf32, #tpu.memory_space<vmem>>
      %dma_wait3A_907 = arith.constant 0 : i32
      %dma_wait3A_908 = tpu.memref_slice %arg6[%add3A_846, %dma_wait3A_907] : memref<10112x128xf32, #tpu.memory_space<vmem_shared>> -> memref<120x128xf32, #tpu.memory_space<vmem_shared>>
      tpu.wait_dma2 semaphore(%run_scoped3A : memref<!tpu.dma_semaphore, #tpu.memory_space<semaphore_mem>>) src(%dma_wait3A_908 : memref<120x128xf32, #tpu.memory_space<vmem_shared>>) dst(%dma_wait3A_906 : memref<120x128xf32, #tpu.memory_space<vmem>>)
      tpu.yield
    }) : () -> ()
    %add3A_847 = arith.constant 512 : i32
    %add3A_848 = arith.addi %mul3A_2, %add3A_847 : i32
    %dma_start3A_849 = arith.constant 0 : i32
    %dma_start3A_850 = arith.constant 0 : i32
    %dma_start3A_851 = tpu.memref_slice %arg8[%dma_start3A_849, %dma_start3A_850] : memref<128x128xf32, #tpu.memory_space<vmem>> -> memref<120x128xf32, #tpu.memory_space<vmem>>
    %dma_start3A_852 = arith.constant 0 : i32
    %dma_start3A_853 = tpu.memref_slice %arg5[%arg0, %add3A_848, %dma_start3A_852] : memref<2x10112x128xf32, #tpu.memory_space<hbm>> -> memref<1x120x128xf32, #tpu.memory_space<hbm>>
    %dma_start3A_854 = tpu.memref_squeeze %dma_start3A_853 : memref<1x120x128xf32, #tpu.memory_space<hbm>> -> memref<120x128xf32, #tpu.memory_space<hbm>>
    %dma_start3A_855 = arith.constant 0 : i32
    %dma_start3A_856 = tpu.memref_slice %arg5[%arg0, %add3A_848, %dma_start3A_855] : memref<2x10112x128xf32, #tpu.memory_space<hbm>> -> memref<1x120x128xf32, #tpu.memory_space<hbm>>
    %dma_start3A_857 = tpu.memref_squeeze %dma_start3A_856 : memref<1x120x128xf32, #tpu.memory_space<hbm>> -> memref<120x128xf32, #tpu.memory_space<hbm>>
    %dma_start3A_858 = arith.constant 0 : i32
    %dma_start3A_859 = arith.constant 0 : i32
    %dma_start3A_860 = tpu.memref_slice %arg8[%dma_start3A_858, %dma_start3A_859] : memref<128x128xf32, #tpu.memory_space<vmem>> -> memref<120x128xf32, #tpu.memory_space<vmem>>
    tpu.enqueue_dma source(%dma_start3A_860 : memref<120x128xf32, #tpu.memory_space<vmem>>) target(%dma_start3A_857 : memref<120x128xf32, #tpu.memory_space<hbm>>) target_semaphore(%arg20 : memref<!tpu.dma_semaphore, #tpu.memory_space<semaphore_mem>>)
    %add3A_861 = arith.constant 384 : i32
    %add3A_862 = arith.addi %mul3A_2, %add3A_861 : i32
    %dma_wait3A_863 = arith.constant 0 : i32
    %dma_wait3A_864 = arith.constant 0 : i32
    %dma_wait3A_865 = tpu.memref_slice %arg9[%dma_wait3A_863, %dma_wait3A_864] : memref<128x128xf32, #tpu.memory_space<vmem>> -> memref<128x128xf32, #tpu.memory_space<vmem>>
    %dma_wait3A_866 = arith.constant 0 : i32
    %dma_wait3A_867 = tpu.memref_slice %arg5[%arg0, %add3A_862, %dma_wait3A_866] : memref<2x10112x128xf32, #tpu.memory_space<hbm>> -> memref<1x128x128xf32, #tpu.memory_space<hbm>>
    %dma_wait3A_868 = tpu.memref_squeeze %dma_wait3A_867 : memref<1x128x128xf32, #tpu.memory_space<hbm>> -> memref<128x128xf32, #tpu.memory_space<hbm>>
    %dma_wait3A_869 = arith.constant 0 : i32
    %dma_wait3A_870 = tpu.memref_slice %arg5[%arg0, %add3A_862, %dma_wait3A_869] : memref<2x10112x128xf32, #tpu.memory_space<hbm>> -> memref<1x128x128xf32, #tpu.memory_space<hbm>>
    %dma_wait3A_871 = tpu.memref_squeeze %dma_wait3A_870 : memref<1x128x128xf32, #tpu.memory_space<hbm>> -> memref<128x128xf32, #tpu.memory_space<hbm>>
    %dma_wait3A_872 = arith.constant 0 : i32
    %dma_wait3A_873 = arith.constant 0 : i32
    %dma_wait3A_874 = tpu.memref_slice %arg9[%dma_wait3A_872, %dma_wait3A_873] : memref<128x128xf32, #tpu.memory_space<vmem>> -> memref<128x128xf32, #tpu.memory_space<vmem>>
    tpu.wait_dma2 semaphore(%arg21 : memref<!tpu.dma_semaphore, #tpu.memory_space<semaphore_mem>>) src(%dma_wait3A_874 : memref<128x128xf32, #tpu.memory_space<vmem>>) dst(%dma_wait3A_871 : memref<128x128xf32, #tpu.memory_space<hbm>>)
    %add3A_875 = arith.constant 512 : i32
    %add3A_876 = arith.addi %mul3A_2, %add3A_875 : i32
    %dma_wait3A_877 = arith.constant 0 : i32
    %dma_wait3A_878 = arith.constant 0 : i32
    %dma_wait3A_879 = tpu.memref_slice %arg8[%dma_wait3A_877, %dma_wait3A_878] : memref<128x128xf32, #tpu.memory_space<vmem>> -> memref<120x128xf32, #tpu.memory_space<vmem>>
    %dma_wait3A_880 = arith.constant 0 : i32
    %dma_wait3A_881 = tpu.memref_slice %arg5[%arg0, %add3A_876, %dma_wait3A_880] : memref<2x10112x128xf32, #tpu.memory_space<hbm>> -> memref<1x120x128xf32, #tpu.memory_space<hbm>>
    %dma_wait3A_882 = tpu.memref_squeeze %dma_wait3A_881 : memref<1x120x128xf32, #tpu.memory_space<hbm>> -> memref<120x128xf32, #tpu.memory_space<hbm>>
    %dma_wait3A_883 = arith.constant 0 : i32
    %dma_wait3A_884 = tpu.memref_slice %arg5[%arg0, %add3A_876, %dma_wait3A_883] : memref<2x10112x128xf32, #tpu.memory_space<hbm>> -> memref<1x120x128xf32, #tpu.memory_space<hbm>>
    %dma_wait3A_885 = tpu.memref_squeeze %dma_wait3A_884 : memref<1x120x128xf32, #tpu.memory_space<hbm>> -> memref<120x128xf32, #tpu.memory_space<hbm>>
    %dma_wait3A_886 = arith.constant 0 : i32
    %dma_wait3A_887 = arith.constant 0 : i32
    %dma_wait3A_888 = tpu.memref_slice %arg8[%dma_wait3A_886, %dma_wait3A_887] : memref<128x128xf32, #tpu.memory_space<vmem>> -> memref<120x128xf32, #tpu.memory_space<vmem>>
    tpu.wait_dma2 semaphore(%arg20 : memref<!tpu.dma_semaphore, #tpu.memory_space<semaphore_mem>>) src(%dma_wait3A_888 : memref<120x128xf32, #tpu.memory_space<vmem>>) dst(%dma_wait3A_885 : memref<120x128xf32, #tpu.memory_space<hbm>>)
    return
  }
}

#map = affine_map<(d0, d1) -> (0, 0)>
#map1 = affine_map<(d0, d1) -> (0, 0, 0)>
module attributes {stable_mosaic.version = 14 : i64} {
  func.func @_sc_aggregate(%arg0: i32, %arg1: i32, %arg2: memref<10112x128xf32, #tpu.memory_space<hbm>>, %arg3: memref<2560x128xi32, #tpu.memory_space<hbm>>, %arg4: memref<128x128xf32, #tpu.memory_space<hbm>>, %arg5: memref<2x10112x128xf32, #tpu.memory_space<hbm>>, %arg6: memref<10112x128xf32, #tpu.memory_space<vmem_shared>>, %arg7: memref<80x128xi32, #tpu.memory_space<vmem>>, %arg8: memref<128x128xf32, #tpu.memory_space<vmem>>, %arg9: memref<128x128xf32, #tpu.memory_space<vmem>>, %arg10: memref<128xi32, #tpu.memory_space<vmem>>, %arg11: memref<128xi32, #tpu.memory_space<vmem>>, %arg12: memref<128xi32, #tpu.memory_space<vmem>>, %arg13: memref<128xi32, #tpu.memory_space<vmem>>, %arg14: memref<128xi32, #tpu.memory_space<vmem>>, %arg15: memref<128xi32, #tpu.memory_space<vmem>>, %arg16: memref<128xi32, #tpu.memory_space<vmem>>, %arg17: memref<128xi32, #tpu.memory_space<vmem>>, %arg18: memref<!tpu.dma_semaphore, #tpu.memory_space<semaphore_mem>>, %arg19: memref<!tpu.dma_semaphore, #tpu.memory_space<semaphore_mem>>, %arg20: memref<!tpu.dma_semaphore, #tpu.memory_space<semaphore_mem>>, %arg21: memref<!tpu.dma_semaphore, #tpu.memory_space<semaphore_mem>>) attributes {dimension_semantics = [#tpu.dimension_semantics<core_parallel>, #tpu.dimension_semantics<subcore_parallel>], iteration_bounds = array<i64: 2, 16>, scalar_prefetch = 0 : i64, scratch_operands = 16 : i64, tpu.core_type = #tpu.core_type<sc_vector_subcore>, window_params = [{transform_indices = #map}, {transform_indices = #map}, {transform_indices = #map}, {transform_indices = #map1}]} {
    %mul3A = arith.constant 16 : i32
    %mul3A_0 = arith.muli %arg0, %mul3A : i32
    %add3A = arith.addi %mul3A_0, %arg1 : i32
    "tpu.region"() ({
      %run_scoped3A = tpu.sem_alloc : memref<!tpu.dma_semaphore, #tpu.memory_space<semaphore_mem>>
      tpu.enqueue_dma source(%arg4 : memref<128x128xf32, #tpu.memory_space<hbm>>) target(%arg8 : memref<128x128xf32, #tpu.memory_space<vmem>>) target_semaphore(%run_scoped3A : memref<!tpu.dma_semaphore, #tpu.memory_space<semaphore_mem>>)
      tpu.wait_dma2 semaphore(%run_scoped3A : memref<!tpu.dma_semaphore, #tpu.memory_space<semaphore_mem>>) src(%arg4 : memref<128x128xf32, #tpu.memory_space<hbm>>) dst(%arg8 : memref<128x128xf32, #tpu.memory_space<vmem>>)
      tpu.yield
    }) : () -> ()
    %mul3A_1 = arith.constant 632 : i32
    %mul3A_2 = arith.muli %arg1, %mul3A_1 : i32
    %add3A_3 = arith.constant 0 : i32
    %add3A_4 = arith.addi %mul3A_2, %add3A_3 : i32
    %dma_start3A = arith.constant 0 : i32
    %dma_start3A_5 = arith.constant 0 : i32
    %dma_start3A_6 = tpu.memref_slice %arg8[%dma_start3A, %dma_start3A_5] : memref<128x128xf32, #tpu.memory_space<vmem>> -> memref<128x128xf32, #tpu.memory_space<vmem>>
    %dma_start3A_7 = arith.constant 0 : i32
    %dma_start3A_8 = tpu.memref_slice %arg6[%add3A_4, %dma_start3A_7] : memref<10112x128xf32, #tpu.memory_space<vmem_shared>> -> memref<128x128xf32, #tpu.memory_space<vmem_shared>>
    %dma_start3A_9 = arith.constant 0 : i32
    %dma_start3A_10 = tpu.memref_slice %arg6[%add3A_4, %dma_start3A_9] : memref<10112x128xf32, #tpu.memory_space<vmem_shared>> -> memref<128x128xf32, #tpu.memory_space<vmem_shared>>
    %dma_start3A_11 = arith.constant 0 : i32
    %dma_start3A_12 = arith.constant 0 : i32
    %dma_start3A_13 = tpu.memref_slice %arg8[%dma_start3A_11, %dma_start3A_12] : memref<128x128xf32, #tpu.memory_space<vmem>> -> memref<128x128xf32, #tpu.memory_space<vmem>>
    tpu.enqueue_dma source(%dma_start3A_13 : memref<128x128xf32, #tpu.memory_space<vmem>>) target(%dma_start3A_10 : memref<128x128xf32, #tpu.memory_space<vmem_shared>>) target_semaphore(%arg20 : memref<!tpu.dma_semaphore, #tpu.memory_space<semaphore_mem>>)
    %add3A_14 = arith.constant 128 : i32
    %add3A_15 = arith.addi %mul3A_2, %add3A_14 : i32
    %dma_start3A_16 = arith.constant 0 : i32
    %dma_start3A_17 = arith.constant 0 : i32
    %dma_start3A_18 = tpu.memref_slice %arg8[%dma_start3A_16, %dma_start3A_17] : memref<128x128xf32, #tpu.memory_space<vmem>> -> memref<128x128xf32, #tpu.memory_space<vmem>>
    %dma_start3A_19 = arith.constant 0 : i32
    %dma_start3A_20 = tpu.memref_slice %arg6[%add3A_15, %dma_start3A_19] : memref<10112x128xf32, #tpu.memory_space<vmem_shared>> -> memref<128x128xf32, #tpu.memory_space<vmem_shared>>
    %dma_start3A_21 = arith.constant 0 : i32
    %dma_start3A_22 = tpu.memref_slice %arg6[%add3A_15, %dma_start3A_21] : memref<10112x128xf32, #tpu.memory_space<vmem_shared>> -> memref<128x128xf32, #tpu.memory_space<vmem_shared>>
    %dma_start3A_23 = arith.constant 0 : i32
    %dma_start3A_24 = arith.constant 0 : i32
    %dma_start3A_25 = tpu.memref_slice %arg8[%dma_start3A_23, %dma_start3A_24] : memref<128x128xf32, #tpu.memory_space<vmem>> -> memref<128x128xf32, #tpu.memory_space<vmem>>
    tpu.enqueue_dma source(%dma_start3A_25 : memref<128x128xf32, #tpu.memory_space<vmem>>) target(%dma_start3A_22 : memref<128x128xf32, #tpu.memory_space<vmem_shared>>) target_semaphore(%arg20 : memref<!tpu.dma_semaphore, #tpu.memory_space<semaphore_mem>>)
    %add3A_26 = arith.constant 256 : i32
    %add3A_27 = arith.addi %mul3A_2, %add3A_26 : i32
    %dma_start3A_28 = arith.constant 0 : i32
    %dma_start3A_29 = arith.constant 0 : i32
    %dma_start3A_30 = tpu.memref_slice %arg8[%dma_start3A_28, %dma_start3A_29] : memref<128x128xf32, #tpu.memory_space<vmem>> -> memref<128x128xf32, #tpu.memory_space<vmem>>
    %dma_start3A_31 = arith.constant 0 : i32
    %dma_start3A_32 = tpu.memref_slice %arg6[%add3A_27, %dma_start3A_31] : memref<10112x128xf32, #tpu.memory_space<vmem_shared>> -> memref<128x128xf32, #tpu.memory_space<vmem_shared>>
    %dma_start3A_33 = arith.constant 0 : i32
    %dma_start3A_34 = tpu.memref_slice %arg6[%add3A_27, %dma_start3A_33] : memref<10112x128xf32, #tpu.memory_space<vmem_shared>> -> memref<128x128xf32, #tpu.memory_space<vmem_shared>>
    %dma_start3A_35 = arith.constant 0 : i32
    %dma_start3A_36 = arith.constant 0 : i32
    %dma_start3A_37 = tpu.memref_slice %arg8[%dma_start3A_35, %dma_start3A_36] : memref<128x128xf32, #tpu.memory_space<vmem>> -> memref<128x128xf32, #tpu.memory_space<vmem>>
    tpu.enqueue_dma source(%dma_start3A_37 : memref<128x128xf32, #tpu.memory_space<vmem>>) target(%dma_start3A_34 : memref<128x128xf32, #tpu.memory_space<vmem_shared>>) target_semaphore(%arg20 : memref<!tpu.dma_semaphore, #tpu.memory_space<semaphore_mem>>)
    %add3A_38 = arith.constant 384 : i32
    %add3A_39 = arith.addi %mul3A_2, %add3A_38 : i32
    %dma_start3A_40 = arith.constant 0 : i32
    %dma_start3A_41 = arith.constant 0 : i32
    %dma_start3A_42 = tpu.memref_slice %arg8[%dma_start3A_40, %dma_start3A_41] : memref<128x128xf32, #tpu.memory_space<vmem>> -> memref<128x128xf32, #tpu.memory_space<vmem>>
    %dma_start3A_43 = arith.constant 0 : i32
    %dma_start3A_44 = tpu.memref_slice %arg6[%add3A_39, %dma_start3A_43] : memref<10112x128xf32, #tpu.memory_space<vmem_shared>> -> memref<128x128xf32, #tpu.memory_space<vmem_shared>>
    %dma_start3A_45 = arith.constant 0 : i32
    %dma_start3A_46 = tpu.memref_slice %arg6[%add3A_39, %dma_start3A_45] : memref<10112x128xf32, #tpu.memory_space<vmem_shared>> -> memref<128x128xf32, #tpu.memory_space<vmem_shared>>
    %dma_start3A_47 = arith.constant 0 : i32
    %dma_start3A_48 = arith.constant 0 : i32
    %dma_start3A_49 = tpu.memref_slice %arg8[%dma_start3A_47, %dma_start3A_48] : memref<128x128xf32, #tpu.memory_space<vmem>> -> memref<128x128xf32, #tpu.memory_space<vmem>>
    tpu.enqueue_dma source(%dma_start3A_49 : memref<128x128xf32, #tpu.memory_space<vmem>>) target(%dma_start3A_46 : memref<128x128xf32, #tpu.memory_space<vmem_shared>>) target_semaphore(%arg20 : memref<!tpu.dma_semaphore, #tpu.memory_space<semaphore_mem>>)
    %add3A_50 = arith.constant 512 : i32
    %add3A_51 = arith.addi %mul3A_2, %add3A_50 : i32
    %dma_start3A_52 = arith.constant 0 : i32
    %dma_start3A_53 = arith.constant 0 : i32
    %dma_start3A_54 = tpu.memref_slice %arg8[%dma_start3A_52, %dma_start3A_53] : memref<128x128xf32, #tpu.memory_space<vmem>> -> memref<120x128xf32, #tpu.memory_space<vmem>>
    %dma_start3A_55 = arith.constant 0 : i32
    %dma_start3A_56 = tpu.memref_slice %arg6[%add3A_51, %dma_start3A_55] : memref<10112x128xf32, #tpu.memory_space<vmem_shared>> -> memref<120x128xf32, #tpu.memory_space<vmem_shared>>
    %dma_start3A_57 = arith.constant 0 : i32
    %dma_start3A_58 = tpu.memref_slice %arg6[%add3A_51, %dma_start3A_57] : memref<10112x128xf32, #tpu.memory_space<vmem_shared>> -> memref<120x128xf32, #tpu.memory_space<vmem_shared>>
    %dma_start3A_59 = arith.constant 0 : i32
    %dma_start3A_60 = arith.constant 0 : i32
    %dma_start3A_61 = tpu.memref_slice %arg8[%dma_start3A_59, %dma_start3A_60] : memref<128x128xf32, #tpu.memory_space<vmem>> -> memref<120x128xf32, #tpu.memory_space<vmem>>
    tpu.enqueue_dma source(%dma_start3A_61 : memref<120x128xf32, #tpu.memory_space<vmem>>) target(%dma_start3A_58 : memref<120x128xf32, #tpu.memory_space<vmem_shared>>) target_semaphore(%arg20 : memref<!tpu.dma_semaphore, #tpu.memory_space<semaphore_mem>>)
    %mul3A_62 = arith.constant 80 : i32
    %mul3A_63 = arith.muli %add3A, %mul3A_62 : i32
    "tpu.region"() ({
      %run_scoped3A = tpu.sem_alloc : memref<!tpu.dma_semaphore, #tpu.memory_space<semaphore_mem>>
      %dma_start3A_889 = arith.constant 0 : i32
      %dma_start3A_890 = tpu.memref_slice %arg3[%mul3A_63, %dma_start3A_889] : memref<2560x128xi32, #tpu.memory_space<hbm>> -> memref<80x128xi32, #tpu.memory_space<hbm>>
      %dma_start3A_891 = arith.constant 0 : i32
      %dma_start3A_892 = tpu.memref_slice %arg3[%mul3A_63, %dma_start3A_891] : memref<2560x128xi32, #tpu.memory_space<hbm>> -> memref<80x128xi32, #tpu.memory_space<hbm>>
      tpu.enqueue_dma source(%dma_start3A_892 : memref<80x128xi32, #tpu.memory_space<hbm>>) target(%arg7 : memref<80x128xi32, #tpu.memory_space<vmem>>) target_semaphore(%run_scoped3A : memref<!tpu.dma_semaphore, #tpu.memory_space<semaphore_mem>>)
      %dma_wait3A_893 = arith.constant 0 : i32
      %dma_wait3A_894 = tpu.memref_slice %arg3[%mul3A_63, %dma_wait3A_893] : memref<2560x128xi32, #tpu.memory_space<hbm>> -> memref<80x128xi32, #tpu.memory_space<hbm>>
      %dma_wait3A_895 = arith.constant 0 : i32
      %dma_wait3A_896 = tpu.memref_slice %arg3[%mul3A_63, %dma_wait3A_895] : memref<2560x128xi32, #tpu.memory_space<hbm>> -> memref<80x128xi32, #tpu.memory_space<hbm>>
      tpu.wait_dma2 semaphore(%run_scoped3A : memref<!tpu.dma_semaphore, #tpu.memory_space<semaphore_mem>>) src(%dma_wait3A_896 : memref<80x128xi32, #tpu.memory_space<hbm>>) dst(%arg7 : memref<80x128xi32, #tpu.memory_space<vmem>>)
      tpu.yield
    }) : () -> ()
    %add3A_64 = arith.constant 0 : i32
    %add3A_65 = arith.addi %mul3A_2, %add3A_64 : i32
    %dma_wait3A = arith.constant 0 : i32
    %dma_wait3A_66 = arith.constant 0 : i32
    %dma_wait3A_67 = tpu.memref_slice %arg8[%dma_wait3A, %dma_wait3A_66] : memref<128x128xf32, #tpu.memory_space<vmem>> -> memref<128x128xf32, #tpu.memory_space<vmem>>
    %dma_wait3A_68 = arith.constant 0 : i32
    %dma_wait3A_69 = tpu.memref_slice %arg6[%add3A_65, %dma_wait3A_68] : memref<10112x128xf32, #tpu.memory_space<vmem_shared>> -> memref<128x128xf32, #tpu.memory_space<vmem_shared>>
    %dma_wait3A_70 = arith.constant 0 : i32
    %dma_wait3A_71 = tpu.memref_slice %arg6[%add3A_65, %dma_wait3A_70] : memref<10112x128xf32, #tpu.memory_space<vmem_shared>> -> memref<128x128xf32, #tpu.memory_space<vmem_shared>>
    %dma_wait3A_72 = arith.constant 0 : i32
    %dma_wait3A_73 = arith.constant 0 : i32
    %dma_wait3A_74 = tpu.memref_slice %arg8[%dma_wait3A_72, %dma_wait3A_73] : memref<128x128xf32, #tpu.memory_space<vmem>> -> memref<128x128xf32, #tpu.memory_space<vmem>>
    tpu.wait_dma2 semaphore(%arg20 : memref<!tpu.dma_semaphore, #tpu.memory_space<semaphore_mem>>) src(%dma_wait3A_74 : memref<128x128xf32, #tpu.memory_space<vmem>>) dst(%dma_wait3A_71 : memref<128x128xf32, #tpu.memory_space<vmem_shared>>)
    %add3A_75 = arith.constant 128 : i32
    %add3A_76 = arith.addi %mul3A_2, %add3A_75 : i32
    %dma_wait3A_77 = arith.constant 0 : i32
    %dma_wait3A_78 = arith.constant 0 : i32
    %dma_wait3A_79 = tpu.memref_slice %arg8[%dma_wait3A_77, %dma_wait3A_78] : memref<128x128xf32, #tpu.memory_space<vmem>> -> memref<128x128xf32, #tpu.memory_space<vmem>>
    %dma_wait3A_80 = arith.constant 0 : i32
    %dma_wait3A_81 = tpu.memref_slice %arg6[%add3A_76, %dma_wait3A_80] : memref<10112x128xf32, #tpu.memory_space<vmem_shared>> -> memref<128x128xf32, #tpu.memory_space<vmem_shared>>
    %dma_wait3A_82 = arith.constant 0 : i32
    %dma_wait3A_83 = tpu.memref_slice %arg6[%add3A_76, %dma_wait3A_82] : memref<10112x128xf32, #tpu.memory_space<vmem_shared>> -> memref<128x128xf32, #tpu.memory_space<vmem_shared>>
    %dma_wait3A_84 = arith.constant 0 : i32
    %dma_wait3A_85 = arith.constant 0 : i32
    %dma_wait3A_86 = tpu.memref_slice %arg8[%dma_wait3A_84, %dma_wait3A_85] : memref<128x128xf32, #tpu.memory_space<vmem>> -> memref<128x128xf32, #tpu.memory_space<vmem>>
    tpu.wait_dma2 semaphore(%arg20 : memref<!tpu.dma_semaphore, #tpu.memory_space<semaphore_mem>>) src(%dma_wait3A_86 : memref<128x128xf32, #tpu.memory_space<vmem>>) dst(%dma_wait3A_83 : memref<128x128xf32, #tpu.memory_space<vmem_shared>>)
    %add3A_87 = arith.constant 256 : i32
    %add3A_88 = arith.addi %mul3A_2, %add3A_87 : i32
    %dma_wait3A_89 = arith.constant 0 : i32
    %dma_wait3A_90 = arith.constant 0 : i32
    %dma_wait3A_91 = tpu.memref_slice %arg8[%dma_wait3A_89, %dma_wait3A_90] : memref<128x128xf32, #tpu.memory_space<vmem>> -> memref<128x128xf32, #tpu.memory_space<vmem>>
    %dma_wait3A_92 = arith.constant 0 : i32
    %dma_wait3A_93 = tpu.memref_slice %arg6[%add3A_88, %dma_wait3A_92] : memref<10112x128xf32, #tpu.memory_space<vmem_shared>> -> memref<128x128xf32, #tpu.memory_space<vmem_shared>>
    %dma_wait3A_94 = arith.constant 0 : i32
    %dma_wait3A_95 = tpu.memref_slice %arg6[%add3A_88, %dma_wait3A_94] : memref<10112x128xf32, #tpu.memory_space<vmem_shared>> -> memref<128x128xf32, #tpu.memory_space<vmem_shared>>
    %dma_wait3A_96 = arith.constant 0 : i32
    %dma_wait3A_97 = arith.constant 0 : i32
    %dma_wait3A_98 = tpu.memref_slice %arg8[%dma_wait3A_96, %dma_wait3A_97] : memref<128x128xf32, #tpu.memory_space<vmem>> -> memref<128x128xf32, #tpu.memory_space<vmem>>
    tpu.wait_dma2 semaphore(%arg20 : memref<!tpu.dma_semaphore, #tpu.memory_space<semaphore_mem>>) src(%dma_wait3A_98 : memref<128x128xf32, #tpu.memory_space<vmem>>) dst(%dma_wait3A_95 : memref<128x128xf32, #tpu.memory_space<vmem_shared>>)
    %add3A_99 = arith.constant 384 : i32
    %add3A_100 = arith.addi %mul3A_2, %add3A_99 : i32
    %dma_wait3A_101 = arith.constant 0 : i32
    %dma_wait3A_102 = arith.constant 0 : i32
    %dma_wait3A_103 = tpu.memref_slice %arg8[%dma_wait3A_101, %dma_wait3A_102] : memref<128x128xf32, #tpu.memory_space<vmem>> -> memref<128x128xf32, #tpu.memory_space<vmem>>
    %dma_wait3A_104 = arith.constant 0 : i32
    %dma_wait3A_105 = tpu.memref_slice %arg6[%add3A_100, %dma_wait3A_104] : memref<10112x128xf32, #tpu.memory_space<vmem_shared>> -> memref<128x128xf32, #tpu.memory_space<vmem_shared>>
    %dma_wait3A_106 = arith.constant 0 : i32
    %dma_wait3A_107 = tpu.memref_slice %arg6[%add3A_100, %dma_wait3A_106] : memref<10112x128xf32, #tpu.memory_space<vmem_shared>> -> memref<128x128xf32, #tpu.memory_space<vmem_shared>>
    %dma_wait3A_108 = arith.constant 0 : i32
    %dma_wait3A_109 = arith.constant 0 : i32
    %dma_wait3A_110 = tpu.memref_slice %arg8[%dma_wait3A_108, %dma_wait3A_109] : memref<128x128xf32, #tpu.memory_space<vmem>> -> memref<128x128xf32, #tpu.memory_space<vmem>>
    tpu.wait_dma2 semaphore(%arg20 : memref<!tpu.dma_semaphore, #tpu.memory_space<semaphore_mem>>) src(%dma_wait3A_110 : memref<128x128xf32, #tpu.memory_space<vmem>>) dst(%dma_wait3A_107 : memref<128x128xf32, #tpu.memory_space<vmem_shared>>)
    %add3A_111 = arith.constant 512 : i32
    %add3A_112 = arith.addi %mul3A_2, %add3A_111 : i32
    %dma_wait3A_113 = arith.constant 0 : i32
    %dma_wait3A_114 = arith.constant 0 : i32
    %dma_wait3A_115 = tpu.memref_slice %arg8[%dma_wait3A_113, %dma_wait3A_114] : memref<128x128xf32, #tpu.memory_space<vmem>> -> memref<120x128xf32, #tpu.memory_space<vmem>>
    %dma_wait3A_116 = arith.constant 0 : i32
    %dma_wait3A_117 = tpu.memref_slice %arg6[%add3A_112, %dma_wait3A_116] : memref<10112x128xf32, #tpu.memory_space<vmem_shared>> -> memref<120x128xf32, #tpu.memory_space<vmem_shared>>
    %dma_wait3A_118 = arith.constant 0 : i32
    %dma_wait3A_119 = tpu.memref_slice %arg6[%add3A_112, %dma_wait3A_118] : memref<10112x128xf32, #tpu.memory_space<vmem_shared>> -> memref<120x128xf32, #tpu.memory_space<vmem_shared>>
    %dma_wait3A_120 = arith.constant 0 : i32
    %dma_wait3A_121 = arith.constant 0 : i32
    %dma_wait3A_122 = tpu.memref_slice %arg8[%dma_wait3A_120, %dma_wait3A_121] : memref<128x128xf32, #tpu.memory_space<vmem>> -> memref<120x128xf32, #tpu.memory_space<vmem>>
    tpu.wait_dma2 semaphore(%arg20 : memref<!tpu.dma_semaphore, #tpu.memory_space<semaphore_mem>>) src(%dma_wait3A_122 : memref<120x128xf32, #tpu.memory_space<vmem>>) dst(%dma_wait3A_119 : memref<120x128xf32, #tpu.memory_space<vmem_shared>>)
    %barrier3A = arith.constant 0 : index
    tpu.barrier barrier_id(%barrier3A)
    %get3A = arith.constant 0 : i32
    %get3A_123 = arith.index_cast %get3A : i32 to index
    %get3A_124 = arith.constant 0 : index
    %get3A_125 = tpu.vector_load %arg7[%get3A_123, %get3A_124] {strides = array<i32>} : memref<80x128xi32, #tpu.memory_space<vmem>>, vector<1x16xi32>,
    %get3A_126 = vector.shape_cast %get3A_125 : vector<1x16xi32> to vector<16xi32>
    %and3A = arith.constant 65535 : i32
    %and3A_127 = vector.broadcast %and3A : i32 to vector<16xi32>
    %and3A_128 = arith.andi %get3A_126, %and3A_127 : vector<16xi32>
    %swap3A = arith.constant 0 : index
    %swap3A_129 = tpu.vector_load %arg10[%swap3A] {strides = array<i32>} : memref<128xi32, #tpu.memory_space<vmem>>, vector<16xi32>,
    %swap3A_130 = vector.shape_cast %swap3A_129 : vector<16xi32> to vector<16xi32>
    %swap3A_131 = vector.shape_cast %and3A_128 : vector<16xi32> to vector<16xi32>
    tpu.vector_store %arg10[%swap3A], %swap3A_131 {strides = array<i32>} : memref<128xi32, #tpu.memory_space<vmem>>, vector<16xi32>,
    %shift_right_logical3A = arith.constant 16 : i32
    %shift_right_logical3A_132 = vector.broadcast %shift_right_logical3A : i32 to vector<16xi32>
    %shift_right_logical3A_133 = arith.shrui %get3A_126, %shift_right_logical3A_132 : vector<16xi32>
    %swap3A_134 = arith.constant 0 : index
    %swap3A_135 = tpu.vector_load %arg14[%swap3A_134] {strides = array<i32>} : memref<128xi32, #tpu.memory_space<vmem>>, vector<16xi32>,
    %swap3A_136 = vector.shape_cast %swap3A_135 : vector<16xi32> to vector<16xi32>
    %swap3A_137 = vector.shape_cast %shift_right_logical3A_133 : vector<16xi32> to vector<16xi32>
    tpu.vector_store %arg14[%swap3A_134], %swap3A_137 {strides = array<i32>} : memref<128xi32, #tpu.memory_space<vmem>>, vector<16xi32>,
    %get3A_138 = arith.constant 0 : i32
    %get3A_139 = arith.index_cast %get3A_138 : i32 to index
    %get3A_140 = arith.constant 16 : index
    %get3A_141 = tpu.vector_load %arg7[%get3A_139, %get3A_140] {strides = array<i32>} : memref<80x128xi32, #tpu.memory_space<vmem>>, vector<1x16xi32>,
    %get3A_142 = vector.shape_cast %get3A_141 : vector<1x16xi32> to vector<16xi32>
    %and3A_143 = arith.constant 65535 : i32
    %and3A_144 = vector.broadcast %and3A_143 : i32 to vector<16xi32>
    %and3A_145 = arith.andi %get3A_142, %and3A_144 : vector<16xi32>
    %swap3A_146 = arith.constant 16 : index
    %swap3A_147 = tpu.vector_load %arg10[%swap3A_146] {strides = array<i32>} : memref<128xi32, #tpu.memory_space<vmem>>, vector<16xi32>,
    %swap3A_148 = vector.shape_cast %swap3A_147 : vector<16xi32> to vector<16xi32>
    %swap3A_149 = vector.shape_cast %and3A_145 : vector<16xi32> to vector<16xi32>
    tpu.vector_store %arg10[%swap3A_146], %swap3A_149 {strides = array<i32>} : memref<128xi32, #tpu.memory_space<vmem>>, vector<16xi32>,
    %shift_right_logical3A_150 = arith.constant 16 : i32
    %shift_right_logical3A_151 = vector.broadcast %shift_right_logical3A_150 : i32 to vector<16xi32>
    %shift_right_logical3A_152 = arith.shrui %get3A_142, %shift_right_logical3A_151 : vector<16xi32>
    %swap3A_153 = arith.constant 16 : index
    %swap3A_154 = tpu.vector_load %arg14[%swap3A_153] {strides = array<i32>} : memref<128xi32, #tpu.memory_space<vmem>>, vector<16xi32>,
    %swap3A_155 = vector.shape_cast %swap3A_154 : vector<16xi32> to vector<16xi32>
    %swap3A_156 = vector.shape_cast %shift_right_logical3A_152 : vector<16xi32> to vector<16xi32>
    tpu.vector_store %arg14[%swap3A_153], %swap3A_156 {strides = array<i32>} : memref<128xi32, #tpu.memory_space<vmem>>, vector<16xi32>,
    %get3A_157 = arith.constant 0 : i32
    %get3A_158 = arith.index_cast %get3A_157 : i32 to index
    %get3A_159 = arith.constant 32 : index
    %get3A_160 = tpu.vector_load %arg7[%get3A_158, %get3A_159] {strides = array<i32>} : memref<80x128xi32, #tpu.memory_space<vmem>>, vector<1x16xi32>,
    %get3A_161 = vector.shape_cast %get3A_160 : vector<1x16xi32> to vector<16xi32>
    %and3A_162 = arith.constant 65535 : i32
    %and3A_163 = vector.broadcast %and3A_162 : i32 to vector<16xi32>
    %and3A_164 = arith.andi %get3A_161, %and3A_163 : vector<16xi32>
    %swap3A_165 = arith.constant 32 : index
    %swap3A_166 = tpu.vector_load %arg10[%swap3A_165] {strides = array<i32>} : memref<128xi32, #tpu.memory_space<vmem>>, vector<16xi32>,
    %swap3A_167 = vector.shape_cast %swap3A_166 : vector<16xi32> to vector<16xi32>
    %swap3A_168 = vector.shape_cast %and3A_164 : vector<16xi32> to vector<16xi32>
    tpu.vector_store %arg10[%swap3A_165], %swap3A_168 {strides = array<i32>} : memref<128xi32, #tpu.memory_space<vmem>>, vector<16xi32>,
    %shift_right_logical3A_169 = arith.constant 16 : i32
    %shift_right_logical3A_170 = vector.broadcast %shift_right_logical3A_169 : i32 to vector<16xi32>
    %shift_right_logical3A_171 = arith.shrui %get3A_161, %shift_right_logical3A_170 : vector<16xi32>
    %swap3A_172 = arith.constant 32 : index
    %swap3A_173 = tpu.vector_load %arg14[%swap3A_172] {strides = array<i32>} : memref<128xi32, #tpu.memory_space<vmem>>, vector<16xi32>,
    %swap3A_174 = vector.shape_cast %swap3A_173 : vector<16xi32> to vector<16xi32>
    %swap3A_175 = vector.shape_cast %shift_right_logical3A_171 : vector<16xi32> to vector<16xi32>
    tpu.vector_store %arg14[%swap3A_172], %swap3A_175 {strides = array<i32>} : memref<128xi32, #tpu.memory_space<vmem>>, vector<16xi32>,
    %get3A_176 = arith.constant 0 : i32
    %get3A_177 = arith.index_cast %get3A_176 : i32 to index
    %get3A_178 = arith.constant 48 : index
    %get3A_179 = tpu.vector_load %arg7[%get3A_177, %get3A_178] {strides = array<i32>} : memref<80x128xi32, #tpu.memory_space<vmem>>, vector<1x16xi32>,
    %get3A_180 = vector.shape_cast %get3A_179 : vector<1x16xi32> to vector<16xi32>
    %and3A_181 = arith.constant 65535 : i32
    %and3A_182 = vector.broadcast %and3A_181 : i32 to vector<16xi32>
    %and3A_183 = arith.andi %get3A_180, %and3A_182 : vector<16xi32>
    %swap3A_184 = arith.constant 48 : index
    %swap3A_185 = tpu.vector_load %arg10[%swap3A_184] {strides = array<i32>} : memref<128xi32, #tpu.memory_space<vmem>>, vector<16xi32>,
    %swap3A_186 = vector.shape_cast %swap3A_185 : vector<16xi32> to vector<16xi32>
    %swap3A_187 = vector.shape_cast %and3A_183 : vector<16xi32> to vector<16xi32>
    tpu.vector_store %arg10[%swap3A_184], %swap3A_187 {strides = array<i32>} : memref<128xi32, #tpu.memory_space<vmem>>, vector<16xi32>,
    %shift_right_logical3A_188 = arith.constant 16 : i32
    %shift_right_logical3A_189 = vector.broadcast %shift_right_logical3A_188 : i32 to vector<16xi32>
    %shift_right_logical3A_190 = arith.shrui %get3A_180, %shift_right_logical3A_189 : vector<16xi32>
    %swap3A_191 = arith.constant 48 : index
    %swap3A_192 = tpu.vector_load %arg14[%swap3A_191] {strides = array<i32>} : memref<128xi32, #tpu.memory_space<vmem>>, vector<16xi32>,
    %swap3A_193 = vector.shape_cast %swap3A_192 : vector<16xi32> to vector<16xi32>
    %swap3A_194 = vector.shape_cast %shift_right_logical3A_190 : vector<16xi32> to vector<16xi32>
    tpu.vector_store %arg14[%swap3A_191], %swap3A_194 {strides = array<i32>} : memref<128xi32, #tpu.memory_space<vmem>>, vector<16xi32>,
    %get3A_195 = arith.constant 0 : i32
    %get3A_196 = arith.index_cast %get3A_195 : i32 to index
    %get3A_197 = arith.constant 64 : index
    %get3A_198 = tpu.vector_load %arg7[%get3A_196, %get3A_197] {strides = array<i32>} : memref<80x128xi32, #tpu.memory_space<vmem>>, vector<1x16xi32>,
    %get3A_199 = vector.shape_cast %get3A_198 : vector<1x16xi32> to vector<16xi32>
    %and3A_200 = arith.constant 65535 : i32
    %and3A_201 = vector.broadcast %and3A_200 : i32 to vector<16xi32>
    %and3A_202 = arith.andi %get3A_199, %and3A_201 : vector<16xi32>
    %swap3A_203 = arith.constant 64 : index
    %swap3A_204 = tpu.vector_load %arg10[%swap3A_203] {strides = array<i32>} : memref<128xi32, #tpu.memory_space<vmem>>, vector<16xi32>,
    %swap3A_205 = vector.shape_cast %swap3A_204 : vector<16xi32> to vector<16xi32>
    %swap3A_206 = vector.shape_cast %and3A_202 : vector<16xi32> to vector<16xi32>
    tpu.vector_store %arg10[%swap3A_203], %swap3A_206 {strides = array<i32>} : memref<128xi32, #tpu.memory_space<vmem>>, vector<16xi32>,
    %shift_right_logical3A_207 = arith.constant 16 : i32
    %shift_right_logical3A_208 = vector.broadcast %shift_right_logical3A_207 : i32 to vector<16xi32>
    %shift_right_logical3A_209 = arith.shrui %get3A_199, %shift_right_logical3A_208 : vector<16xi32>
    %swap3A_210 = arith.constant 64 : index
    %swap3A_211 = tpu.vector_load %arg14[%swap3A_210] {strides = array<i32>} : memref<128xi32, #tpu.memory_space<vmem>>, vector<16xi32>,
    %swap3A_212 = vector.shape_cast %swap3A_211 : vector<16xi32> to vector<16xi32>
    %swap3A_213 = vector.shape_cast %shift_right_logical3A_209 : vector<16xi32> to vector<16xi32>
    tpu.vector_store %arg14[%swap3A_210], %swap3A_213 {strides = array<i32>} : memref<128xi32, #tpu.memory_space<vmem>>, vector<16xi32>,
    %get3A_214 = arith.constant 0 : i32
    %get3A_215 = arith.index_cast %get3A_214 : i32 to index
    %get3A_216 = arith.constant 80 : index
    %get3A_217 = tpu.vector_load %arg7[%get3A_215, %get3A_216] {strides = array<i32>} : memref<80x128xi32, #tpu.memory_space<vmem>>, vector<1x16xi32>,
    %get3A_218 = vector.shape_cast %get3A_217 : vector<1x16xi32> to vector<16xi32>
    %and3A_219 = arith.constant 65535 : i32
    %and3A_220 = vector.broadcast %and3A_219 : i32 to vector<16xi32>
    %and3A_221 = arith.andi %get3A_218, %and3A_220 : vector<16xi32>
    %swap3A_222 = arith.constant 80 : index
    %swap3A_223 = tpu.vector_load %arg10[%swap3A_222] {strides = array<i32>} : memref<128xi32, #tpu.memory_space<vmem>>, vector<16xi32>,
    %swap3A_224 = vector.shape_cast %swap3A_223 : vector<16xi32> to vector<16xi32>
    %swap3A_225 = vector.shape_cast %and3A_221 : vector<16xi32> to vector<16xi32>
    tpu.vector_store %arg10[%swap3A_222], %swap3A_225 {strides = array<i32>} : memref<128xi32, #tpu.memory_space<vmem>>, vector<16xi32>,
    %shift_right_logical3A_226 = arith.constant 16 : i32
    %shift_right_logical3A_227 = vector.broadcast %shift_right_logical3A_226 : i32 to vector<16xi32>
    %shift_right_logical3A_228 = arith.shrui %get3A_218, %shift_right_logical3A_227 : vector<16xi32>
    %swap3A_229 = arith.constant 80 : index
    %swap3A_230 = tpu.vector_load %arg14[%swap3A_229] {strides = array<i32>} : memref<128xi32, #tpu.memory_space<vmem>>, vector<16xi32>,
    %swap3A_231 = vector.shape_cast %swap3A_230 : vector<16xi32> to vector<16xi32>
    %swap3A_232 = vector.shape_cast %shift_right_logical3A_228 : vector<16xi32> to vector<16xi32>
    tpu.vector_store %arg14[%swap3A_229], %swap3A_232 {strides = array<i32>} : memref<128xi32, #tpu.memory_space<vmem>>, vector<16xi32>,
    %get3A_233 = arith.constant 0 : i32
    %get3A_234 = arith.index_cast %get3A_233 : i32 to index
    %get3A_235 = arith.constant 96 : index
    %get3A_236 = tpu.vector_load %arg7[%get3A_234, %get3A_235] {strides = array<i32>} : memref<80x128xi32, #tpu.memory_space<vmem>>, vector<1x16xi32>,
    %get3A_237 = vector.shape_cast %get3A_236 : vector<1x16xi32> to vector<16xi32>
    %and3A_238 = arith.constant 65535 : i32
    %and3A_239 = vector.broadcast %and3A_238 : i32 to vector<16xi32>
    %and3A_240 = arith.andi %get3A_237, %and3A_239 : vector<16xi32>
    %swap3A_241 = arith.constant 96 : index
    %swap3A_242 = tpu.vector_load %arg10[%swap3A_241] {strides = array<i32>} : memref<128xi32, #tpu.memory_space<vmem>>, vector<16xi32>,
    %swap3A_243 = vector.shape_cast %swap3A_242 : vector<16xi32> to vector<16xi32>
    %swap3A_244 = vector.shape_cast %and3A_240 : vector<16xi32> to vector<16xi32>
    tpu.vector_store %arg10[%swap3A_241], %swap3A_244 {strides = array<i32>} : memref<128xi32, #tpu.memory_space<vmem>>, vector<16xi32>,
    %shift_right_logical3A_245 = arith.constant 16 : i32
    %shift_right_logical3A_246 = vector.broadcast %shift_right_logical3A_245 : i32 to vector<16xi32>
    %shift_right_logical3A_247 = arith.shrui %get3A_237, %shift_right_logical3A_246 : vector<16xi32>
    %swap3A_248 = arith.constant 96 : index
    %swap3A_249 = tpu.vector_load %arg14[%swap3A_248] {strides = array<i32>} : memref<128xi32, #tpu.memory_space<vmem>>, vector<16xi32>,
    %swap3A_250 = vector.shape_cast %swap3A_249 : vector<16xi32> to vector<16xi32>
    %swap3A_251 = vector.shape_cast %shift_right_logical3A_247 : vector<16xi32> to vector<16xi32>
    tpu.vector_store %arg14[%swap3A_248], %swap3A_251 {strides = array<i32>} : memref<128xi32, #tpu.memory_space<vmem>>, vector<16xi32>,
    %get3A_252 = arith.constant 0 : i32
    %get3A_253 = arith.index_cast %get3A_252 : i32 to index
    %get3A_254 = arith.constant 112 : index
    %get3A_255 = tpu.vector_load %arg7[%get3A_253, %get3A_254] {strides = array<i32>} : memref<80x128xi32, #tpu.memory_space<vmem>>, vector<1x16xi32>,
    %get3A_256 = vector.shape_cast %get3A_255 : vector<1x16xi32> to vector<16xi32>
    %and3A_257 = arith.constant 65535 : i32
    %and3A_258 = vector.broadcast %and3A_257 : i32 to vector<16xi32>
    %and3A_259 = arith.andi %get3A_256, %and3A_258 : vector<16xi32>
    %swap3A_260 = arith.constant 112 : index
    %swap3A_261 = tpu.vector_load %arg10[%swap3A_260] {strides = array<i32>} : memref<128xi32, #tpu.memory_space<vmem>>, vector<16xi32>,
    %swap3A_262 = vector.shape_cast %swap3A_261 : vector<16xi32> to vector<16xi32>
    %swap3A_263 = vector.shape_cast %and3A_259 : vector<16xi32> to vector<16xi32>
    tpu.vector_store %arg10[%swap3A_260], %swap3A_263 {strides = array<i32>} : memref<128xi32, #tpu.memory_space<vmem>>, vector<16xi32>,
    %shift_right_logical3A_264 = arith.constant 16 : i32
    %shift_right_logical3A_265 = vector.broadcast %shift_right_logical3A_264 : i32 to vector<16xi32>
    %shift_right_logical3A_266 = arith.shrui %get3A_256, %shift_right_logical3A_265 : vector<16xi32>
    %swap3A_267 = arith.constant 112 : index
    %swap3A_268 = tpu.vector_load %arg14[%swap3A_267] {strides = array<i32>} : memref<128xi32, #tpu.memory_space<vmem>>, vector<16xi32>,
    %swap3A_269 = vector.shape_cast %swap3A_268 : vector<16xi32> to vector<16xi32>
    %swap3A_270 = vector.shape_cast %shift_right_logical3A_266 : vector<16xi32> to vector<16xi32>
    tpu.vector_store %arg14[%swap3A_267], %swap3A_270 {strides = array<i32>} : memref<128xi32, #tpu.memory_space<vmem>>, vector<16xi32>,
    %dma_start3A_271 = arith.constant 0 : i32
    %dma_start3A_272 = arith.constant 0 : i32
    %dma_start3A_273 = tpu.memref_slice %arg2[%dma_start3A_271, %dma_start3A_272] : memref<10112x128xf32, #tpu.memory_space<hbm>> -> memref<10112x128xf32, #tpu.memory_space<hbm>>
    tpu.enqueue_indirect_dma source(%dma_start3A_273 : memref<10112x128xf32, #tpu.memory_space<hbm>>) target(%arg8 : memref<128x128xf32, #tpu.memory_space<vmem>>) offsets(%arg10 : memref<128xi32, #tpu.memory_space<vmem>>) semaphore(%arg18 : memref<!tpu.dma_semaphore, #tpu.memory_space<semaphore_mem>>)
    %get3A_274 = arith.constant 1 : i32
    %get3A_275 = arith.index_cast %get3A_274 : i32 to index
    %get3A_276 = arith.constant 0 : index
    %get3A_277 = tpu.vector_load %arg7[%get3A_275, %get3A_276] {strides = array<i32>} : memref<80x128xi32, #tpu.memory_space<vmem>>, vector<1x16xi32>,
    %get3A_278 = vector.shape_cast %get3A_277 : vector<1x16xi32> to vector<16xi32>
    %and3A_279 = arith.constant 65535 : i32
    %and3A_280 = vector.broadcast %and3A_279 : i32 to vector<16xi32>
    %and3A_281 = arith.andi %get3A_278, %and3A_280 : vector<16xi32>
    %swap3A_282 = arith.constant 0 : index
    %swap3A_283 = tpu.vector_load %arg12[%swap3A_282] {strides = array<i32>} : memref<128xi32, #tpu.memory_space<vmem>>, vector<16xi32>,
    %swap3A_284 = vector.shape_cast %swap3A_283 : vector<16xi32> to vector<16xi32>
    %swap3A_285 = vector.shape_cast %and3A_281 : vector<16xi32> to vector<16xi32>
    tpu.vector_store %arg12[%swap3A_282], %swap3A_285 {strides = array<i32>} : memref<128xi32, #tpu.memory_space<vmem>>, vector<16xi32>,
    %shift_right_logical3A_286 = arith.constant 16 : i32
    %shift_right_logical3A_287 = vector.broadcast %shift_right_logical3A_286 : i32 to vector<16xi32>
    %shift_right_logical3A_288 = arith.shrui %get3A_278, %shift_right_logical3A_287 : vector<16xi32>
    %swap3A_289 = arith.constant 0 : index
    %swap3A_290 = tpu.vector_load %arg16[%swap3A_289] {strides = array<i32>} : memref<128xi32, #tpu.memory_space<vmem>>, vector<16xi32>,
    %swap3A_291 = vector.shape_cast %swap3A_290 : vector<16xi32> to vector<16xi32>
    %swap3A_292 = vector.shape_cast %shift_right_logical3A_288 : vector<16xi32> to vector<16xi32>
    tpu.vector_store %arg16[%swap3A_289], %swap3A_292 {strides = array<i32>} : memref<128xi32, #tpu.memory_space<vmem>>, vector<16xi32>,
    %get3A_293 = arith.constant 1 : i32
    %get3A_294 = arith.index_cast %get3A_293 : i32 to index
    %get3A_295 = arith.constant 16 : index
    %get3A_296 = tpu.vector_load %arg7[%get3A_294, %get3A_295] {strides = array<i32>} : memref<80x128xi32, #tpu.memory_space<vmem>>, vector<1x16xi32>,
    %get3A_297 = vector.shape_cast %get3A_296 : vector<1x16xi32> to vector<16xi32>
    %and3A_298 = arith.constant 65535 : i32
    %and3A_299 = vector.broadcast %and3A_298 : i32 to vector<16xi32>
    %and3A_300 = arith.andi %get3A_297, %and3A_299 : vector<16xi32>
    %swap3A_301 = arith.constant 16 : index
    %swap3A_302 = tpu.vector_load %arg12[%swap3A_301] {strides = array<i32>} : memref<128xi32, #tpu.memory_space<vmem>>, vector<16xi32>,
    %swap3A_303 = vector.shape_cast %swap3A_302 : vector<16xi32> to vector<16xi32>
    %swap3A_304 = vector.shape_cast %and3A_300 : vector<16xi32> to vector<16xi32>
    tpu.vector_store %arg12[%swap3A_301], %swap3A_304 {strides = array<i32>} : memref<128xi32, #tpu.memory_space<vmem>>, vector<16xi32>,
    %shift_right_logical3A_305 = arith.constant 16 : i32
    %shift_right_logical3A_306 = vector.broadcast %shift_right_logical3A_305 : i32 to vector<16xi32>
    %shift_right_logical3A_307 = arith.shrui %get3A_297, %shift_right_logical3A_306 : vector<16xi32>
    %swap3A_308 = arith.constant 16 : index
    %swap3A_309 = tpu.vector_load %arg16[%swap3A_308] {strides = array<i32>} : memref<128xi32, #tpu.memory_space<vmem>>, vector<16xi32>,
    %swap3A_310 = vector.shape_cast %swap3A_309 : vector<16xi32> to vector<16xi32>
    %swap3A_311 = vector.shape_cast %shift_right_logical3A_307 : vector<16xi32> to vector<16xi32>
    tpu.vector_store %arg16[%swap3A_308], %swap3A_311 {strides = array<i32>} : memref<128xi32, #tpu.memory_space<vmem>>, vector<16xi32>,
    %get3A_312 = arith.constant 1 : i32
    %get3A_313 = arith.index_cast %get3A_312 : i32 to index
    %get3A_314 = arith.constant 32 : index
    %get3A_315 = tpu.vector_load %arg7[%get3A_313, %get3A_314] {strides = array<i32>} : memref<80x128xi32, #tpu.memory_space<vmem>>, vector<1x16xi32>,
    %get3A_316 = vector.shape_cast %get3A_315 : vector<1x16xi32> to vector<16xi32>
    %and3A_317 = arith.constant 65535 : i32
    %and3A_318 = vector.broadcast %and3A_317 : i32 to vector<16xi32>
    %and3A_319 = arith.andi %get3A_316, %and3A_318 : vector<16xi32>
    %swap3A_320 = arith.constant 32 : index
    %swap3A_321 = tpu.vector_load %arg12[%swap3A_320] {strides = array<i32>} : memref<128xi32, #tpu.memory_space<vmem>>, vector<16xi32>,
    %swap3A_322 = vector.shape_cast %swap3A_321 : vector<16xi32> to vector<16xi32>
    %swap3A_323 = vector.shape_cast %and3A_319 : vector<16xi32> to vector<16xi32>
    tpu.vector_store %arg12[%swap3A_320], %swap3A_323 {strides = array<i32>} : memref<128xi32, #tpu.memory_space<vmem>>, vector<16xi32>,
    %shift_right_logical3A_324 = arith.constant 16 : i32
    %shift_right_logical3A_325 = vector.broadcast %shift_right_logical3A_324 : i32 to vector<16xi32>
    %shift_right_logical3A_326 = arith.shrui %get3A_316, %shift_right_logical3A_325 : vector<16xi32>
    %swap3A_327 = arith.constant 32 : index
    %swap3A_328 = tpu.vector_load %arg16[%swap3A_327] {strides = array<i32>} : memref<128xi32, #tpu.memory_space<vmem>>, vector<16xi32>,
    %swap3A_329 = vector.shape_cast %swap3A_328 : vector<16xi32> to vector<16xi32>
    %swap3A_330 = vector.shape_cast %shift_right_logical3A_326 : vector<16xi32> to vector<16xi32>
    tpu.vector_store %arg16[%swap3A_327], %swap3A_330 {strides = array<i32>} : memref<128xi32, #tpu.memory_space<vmem>>, vector<16xi32>,
    %get3A_331 = arith.constant 1 : i32
    %get3A_332 = arith.index_cast %get3A_331 : i32 to index
    %get3A_333 = arith.constant 48 : index
    %get3A_334 = tpu.vector_load %arg7[%get3A_332, %get3A_333] {strides = array<i32>} : memref<80x128xi32, #tpu.memory_space<vmem>>, vector<1x16xi32>,
    %get3A_335 = vector.shape_cast %get3A_334 : vector<1x16xi32> to vector<16xi32>
    %and3A_336 = arith.constant 65535 : i32
    %and3A_337 = vector.broadcast %and3A_336 : i32 to vector<16xi32>
    %and3A_338 = arith.andi %get3A_335, %and3A_337 : vector<16xi32>
    %swap3A_339 = arith.constant 48 : index
    %swap3A_340 = tpu.vector_load %arg12[%swap3A_339] {strides = array<i32>} : memref<128xi32, #tpu.memory_space<vmem>>, vector<16xi32>,
    %swap3A_341 = vector.shape_cast %swap3A_340 : vector<16xi32> to vector<16xi32>
    %swap3A_342 = vector.shape_cast %and3A_338 : vector<16xi32> to vector<16xi32>
    tpu.vector_store %arg12[%swap3A_339], %swap3A_342 {strides = array<i32>} : memref<128xi32, #tpu.memory_space<vmem>>, vector<16xi32>,
    %shift_right_logical3A_343 = arith.constant 16 : i32
    %shift_right_logical3A_344 = vector.broadcast %shift_right_logical3A_343 : i32 to vector<16xi32>
    %shift_right_logical3A_345 = arith.shrui %get3A_335, %shift_right_logical3A_344 : vector<16xi32>
    %swap3A_346 = arith.constant 48 : index
    %swap3A_347 = tpu.vector_load %arg16[%swap3A_346] {strides = array<i32>} : memref<128xi32, #tpu.memory_space<vmem>>, vector<16xi32>,
    %swap3A_348 = vector.shape_cast %swap3A_347 : vector<16xi32> to vector<16xi32>
    %swap3A_349 = vector.shape_cast %shift_right_logical3A_345 : vector<16xi32> to vector<16xi32>
    tpu.vector_store %arg16[%swap3A_346], %swap3A_349 {strides = array<i32>} : memref<128xi32, #tpu.memory_space<vmem>>, vector<16xi32>,
    %get3A_350 = arith.constant 1 : i32
    %get3A_351 = arith.index_cast %get3A_350 : i32 to index
    %get3A_352 = arith.constant 64 : index
    %get3A_353 = tpu.vector_load %arg7[%get3A_351, %get3A_352] {strides = array<i32>} : memref<80x128xi32, #tpu.memory_space<vmem>>, vector<1x16xi32>,
    %get3A_354 = vector.shape_cast %get3A_353 : vector<1x16xi32> to vector<16xi32>
    %and3A_355 = arith.constant 65535 : i32
    %and3A_356 = vector.broadcast %and3A_355 : i32 to vector<16xi32>
    %and3A_357 = arith.andi %get3A_354, %and3A_356 : vector<16xi32>
    %swap3A_358 = arith.constant 64 : index
    %swap3A_359 = tpu.vector_load %arg12[%swap3A_358] {strides = array<i32>} : memref<128xi32, #tpu.memory_space<vmem>>, vector<16xi32>,
    %swap3A_360 = vector.shape_cast %swap3A_359 : vector<16xi32> to vector<16xi32>
    %swap3A_361 = vector.shape_cast %and3A_357 : vector<16xi32> to vector<16xi32>
    tpu.vector_store %arg12[%swap3A_358], %swap3A_361 {strides = array<i32>} : memref<128xi32, #tpu.memory_space<vmem>>, vector<16xi32>,
    %shift_right_logical3A_362 = arith.constant 16 : i32
    %shift_right_logical3A_363 = vector.broadcast %shift_right_logical3A_362 : i32 to vector<16xi32>
    %shift_right_logical3A_364 = arith.shrui %get3A_354, %shift_right_logical3A_363 : vector<16xi32>
    %swap3A_365 = arith.constant 64 : index
    %swap3A_366 = tpu.vector_load %arg16[%swap3A_365] {strides = array<i32>} : memref<128xi32, #tpu.memory_space<vmem>>, vector<16xi32>,
    %swap3A_367 = vector.shape_cast %swap3A_366 : vector<16xi32> to vector<16xi32>
    %swap3A_368 = vector.shape_cast %shift_right_logical3A_364 : vector<16xi32> to vector<16xi32>
    tpu.vector_store %arg16[%swap3A_365], %swap3A_368 {strides = array<i32>} : memref<128xi32, #tpu.memory_space<vmem>>, vector<16xi32>,
    %get3A_369 = arith.constant 1 : i32
    %get3A_370 = arith.index_cast %get3A_369 : i32 to index
    %get3A_371 = arith.constant 80 : index
    %get3A_372 = tpu.vector_load %arg7[%get3A_370, %get3A_371] {strides = array<i32>} : memref<80x128xi32, #tpu.memory_space<vmem>>, vector<1x16xi32>,
    %get3A_373 = vector.shape_cast %get3A_372 : vector<1x16xi32> to vector<16xi32>
    %and3A_374 = arith.constant 65535 : i32
    %and3A_375 = vector.broadcast %and3A_374 : i32 to vector<16xi32>
    %and3A_376 = arith.andi %get3A_373, %and3A_375 : vector<16xi32>
    %swap3A_377 = arith.constant 80 : index
    %swap3A_378 = tpu.vector_load %arg12[%swap3A_377] {strides = array<i32>} : memref<128xi32, #tpu.memory_space<vmem>>, vector<16xi32>,
    %swap3A_379 = vector.shape_cast %swap3A_378 : vector<16xi32> to vector<16xi32>
    %swap3A_380 = vector.shape_cast %and3A_376 : vector<16xi32> to vector<16xi32>
    tpu.vector_store %arg12[%swap3A_377], %swap3A_380 {strides = array<i32>} : memref<128xi32, #tpu.memory_space<vmem>>, vector<16xi32>,
    %shift_right_logical3A_381 = arith.constant 16 : i32
    %shift_right_logical3A_382 = vector.broadcast %shift_right_logical3A_381 : i32 to vector<16xi32>
    %shift_right_logical3A_383 = arith.shrui %get3A_373, %shift_right_logical3A_382 : vector<16xi32>
    %swap3A_384 = arith.constant 80 : index
    %swap3A_385 = tpu.vector_load %arg16[%swap3A_384] {strides = array<i32>} : memref<128xi32, #tpu.memory_space<vmem>>, vector<16xi32>,
    %swap3A_386 = vector.shape_cast %swap3A_385 : vector<16xi32> to vector<16xi32>
    %swap3A_387 = vector.shape_cast %shift_right_logical3A_383 : vector<16xi32> to vector<16xi32>
    tpu.vector_store %arg16[%swap3A_384], %swap3A_387 {strides = array<i32>} : memref<128xi32, #tpu.memory_space<vmem>>, vector<16xi32>,
    %get3A_388 = arith.constant 1 : i32
    %get3A_389 = arith.index_cast %get3A_388 : i32 to index
    %get3A_390 = arith.constant 96 : index
    %get3A_391 = tpu.vector_load %arg7[%get3A_389, %get3A_390] {strides = array<i32>} : memref<80x128xi32, #tpu.memory_space<vmem>>, vector<1x16xi32>,
    %get3A_392 = vector.shape_cast %get3A_391 : vector<1x16xi32> to vector<16xi32>
    %and3A_393 = arith.constant 65535 : i32
    %and3A_394 = vector.broadcast %and3A_393 : i32 to vector<16xi32>
    %and3A_395 = arith.andi %get3A_392, %and3A_394 : vector<16xi32>
    %swap3A_396 = arith.constant 96 : index
    %swap3A_397 = tpu.vector_load %arg12[%swap3A_396] {strides = array<i32>} : memref<128xi32, #tpu.memory_space<vmem>>, vector<16xi32>,
    %swap3A_398 = vector.shape_cast %swap3A_397 : vector<16xi32> to vector<16xi32>
    %swap3A_399 = vector.shape_cast %and3A_395 : vector<16xi32> to vector<16xi32>
    tpu.vector_store %arg12[%swap3A_396], %swap3A_399 {strides = array<i32>} : memref<128xi32, #tpu.memory_space<vmem>>, vector<16xi32>,
    %shift_right_logical3A_400 = arith.constant 16 : i32
    %shift_right_logical3A_401 = vector.broadcast %shift_right_logical3A_400 : i32 to vector<16xi32>
    %shift_right_logical3A_402 = arith.shrui %get3A_392, %shift_right_logical3A_401 : vector<16xi32>
    %swap3A_403 = arith.constant 96 : index
    %swap3A_404 = tpu.vector_load %arg16[%swap3A_403] {strides = array<i32>} : memref<128xi32, #tpu.memory_space<vmem>>, vector<16xi32>,
    %swap3A_405 = vector.shape_cast %swap3A_404 : vector<16xi32> to vector<16xi32>
    %swap3A_406 = vector.shape_cast %shift_right_logical3A_402 : vector<16xi32> to vector<16xi32>
    tpu.vector_store %arg16[%swap3A_403], %swap3A_406 {strides = array<i32>} : memref<128xi32, #tpu.memory_space<vmem>>, vector<16xi32>,
    %get3A_407 = arith.constant 1 : i32
    %get3A_408 = arith.index_cast %get3A_407 : i32 to index
    %get3A_409 = arith.constant 112 : index
    %get3A_410 = tpu.vector_load %arg7[%get3A_408, %get3A_409] {strides = array<i32>} : memref<80x128xi32, #tpu.memory_space<vmem>>, vector<1x16xi32>,
    %get3A_411 = vector.shape_cast %get3A_410 : vector<1x16xi32> to vector<16xi32>
    %and3A_412 = arith.constant 65535 : i32
    %and3A_413 = vector.broadcast %and3A_412 : i32 to vector<16xi32>
    %and3A_414 = arith.andi %get3A_411, %and3A_413 : vector<16xi32>
    %swap3A_415 = arith.constant 112 : index
    %swap3A_416 = tpu.vector_load %arg12[%swap3A_415] {strides = array<i32>} : memref<128xi32, #tpu.memory_space<vmem>>, vector<16xi32>,
    %swap3A_417 = vector.shape_cast %swap3A_416 : vector<16xi32> to vector<16xi32>
    %swap3A_418 = vector.shape_cast %and3A_414 : vector<16xi32> to vector<16xi32>
    tpu.vector_store %arg12[%swap3A_415], %swap3A_418 {strides = array<i32>} : memref<128xi32, #tpu.memory_space<vmem>>, vector<16xi32>,
    %shift_right_logical3A_419 = arith.constant 16 : i32
    %shift_right_logical3A_420 = vector.broadcast %shift_right_logical3A_419 : i32 to vector<16xi32>
    %shift_right_logical3A_421 = arith.shrui %get3A_411, %shift_right_logical3A_420 : vector<16xi32>
    %swap3A_422 = arith.constant 112 : index
    %swap3A_423 = tpu.vector_load %arg16[%swap3A_422] {strides = array<i32>} : memref<128xi32, #tpu.memory_space<vmem>>, vector<16xi32>,
    %swap3A_424 = vector.shape_cast %swap3A_423 : vector<16xi32> to vector<16xi32>
    %swap3A_425 = vector.shape_cast %shift_right_logical3A_421 : vector<16xi32> to vector<16xi32>
    tpu.vector_store %arg16[%swap3A_422], %swap3A_425 {strides = array<i32>} : memref<128xi32, #tpu.memory_space<vmem>>, vector<16xi32>,
    %dma_start3A_426 = arith.constant 0 : i32
    %dma_start3A_427 = arith.constant 0 : i32
    %dma_start3A_428 = tpu.memref_slice %arg2[%dma_start3A_426, %dma_start3A_427] : memref<10112x128xf32, #tpu.memory_space<hbm>> -> memref<10112x128xf32, #tpu.memory_space<hbm>>
    tpu.enqueue_indirect_dma source(%dma_start3A_428 : memref<10112x128xf32, #tpu.memory_space<hbm>>) target(%arg9 : memref<128x128xf32, #tpu.memory_space<vmem>>) offsets(%arg12 : memref<128xi32, #tpu.memory_space<vmem>>) semaphore(%arg19 : memref<!tpu.dma_semaphore, #tpu.memory_space<semaphore_mem>>)
    %get3A_429 = arith.constant 2 : i32
    %get3A_430 = arith.index_cast %get3A_429 : i32 to index
    %get3A_431 = arith.constant 0 : index
    %get3A_432 = tpu.vector_load %arg7[%get3A_430, %get3A_431] {strides = array<i32>} : memref<80x128xi32, #tpu.memory_space<vmem>>, vector<1x16xi32>,
    %get3A_433 = vector.shape_cast %get3A_432 : vector<1x16xi32> to vector<16xi32>
    %and3A_434 = arith.constant 65535 : i32
    %and3A_435 = vector.broadcast %and3A_434 : i32 to vector<16xi32>
    %and3A_436 = arith.andi %get3A_433, %and3A_435 : vector<16xi32>
    %swap3A_437 = arith.constant 0 : index
    %swap3A_438 = tpu.vector_load %arg11[%swap3A_437] {strides = array<i32>} : memref<128xi32, #tpu.memory_space<vmem>>, vector<16xi32>,
    %swap3A_439 = vector.shape_cast %swap3A_438 : vector<16xi32> to vector<16xi32>
    %swap3A_440 = vector.shape_cast %and3A_436 : vector<16xi32> to vector<16xi32>
    tpu.vector_store %arg11[%swap3A_437], %swap3A_440 {strides = array<i32>} : memref<128xi32, #tpu.memory_space<vmem>>, vector<16xi32>,
    %shift_right_logical3A_441 = arith.constant 16 : i32
    %shift_right_logical3A_442 = vector.broadcast %shift_right_logical3A_441 : i32 to vector<16xi32>
    %shift_right_logical3A_443 = arith.shrui %get3A_433, %shift_right_logical3A_442 : vector<16xi32>
    %swap3A_444 = arith.constant 0 : index
    %swap3A_445 = tpu.vector_load %arg15[%swap3A_444] {strides = array<i32>} : memref<128xi32, #tpu.memory_space<vmem>>, vector<16xi32>,
    %swap3A_446 = vector.shape_cast %swap3A_445 : vector<16xi32> to vector<16xi32>
    %swap3A_447 = vector.shape_cast %shift_right_logical3A_443 : vector<16xi32> to vector<16xi32>
    tpu.vector_store %arg15[%swap3A_444], %swap3A_447 {strides = array<i32>} : memref<128xi32, #tpu.memory_space<vmem>>, vector<16xi32>,
    %get3A_448 = arith.constant 2 : i32
    %get3A_449 = arith.index_cast %get3A_448 : i32 to index
    %get3A_450 = arith.constant 16 : index
    %get3A_451 = tpu.vector_load %arg7[%get3A_449, %get3A_450] {strides = array<i32>} : memref<80x128xi32, #tpu.memory_space<vmem>>, vector<1x16xi32>,
    %get3A_452 = vector.shape_cast %get3A_451 : vector<1x16xi32> to vector<16xi32>
    %and3A_453 = arith.constant 65535 : i32
    %and3A_454 = vector.broadcast %and3A_453 : i32 to vector<16xi32>
    %and3A_455 = arith.andi %get3A_452, %and3A_454 : vector<16xi32>
    %swap3A_456 = arith.constant 16 : index
    %swap3A_457 = tpu.vector_load %arg11[%swap3A_456] {strides = array<i32>} : memref<128xi32, #tpu.memory_space<vmem>>, vector<16xi32>,
    %swap3A_458 = vector.shape_cast %swap3A_457 : vector<16xi32> to vector<16xi32>
    %swap3A_459 = vector.shape_cast %and3A_455 : vector<16xi32> to vector<16xi32>
    tpu.vector_store %arg11[%swap3A_456], %swap3A_459 {strides = array<i32>} : memref<128xi32, #tpu.memory_space<vmem>>, vector<16xi32>,
    %shift_right_logical3A_460 = arith.constant 16 : i32
    %shift_right_logical3A_461 = vector.broadcast %shift_right_logical3A_460 : i32 to vector<16xi32>
    %shift_right_logical3A_462 = arith.shrui %get3A_452, %shift_right_logical3A_461 : vector<16xi32>
    %swap3A_463 = arith.constant 16 : index
    %swap3A_464 = tpu.vector_load %arg15[%swap3A_463] {strides = array<i32>} : memref<128xi32, #tpu.memory_space<vmem>>, vector<16xi32>,
    %swap3A_465 = vector.shape_cast %swap3A_464 : vector<16xi32> to vector<16xi32>
    %swap3A_466 = vector.shape_cast %shift_right_logical3A_462 : vector<16xi32> to vector<16xi32>
    tpu.vector_store %arg15[%swap3A_463], %swap3A_466 {strides = array<i32>} : memref<128xi32, #tpu.memory_space<vmem>>, vector<16xi32>,
    %get3A_467 = arith.constant 2 : i32
    %get3A_468 = arith.index_cast %get3A_467 : i32 to index
    %get3A_469 = arith.constant 32 : index
    %get3A_470 = tpu.vector_load %arg7[%get3A_468, %get3A_469] {strides = array<i32>} : memref<80x128xi32, #tpu.memory_space<vmem>>, vector<1x16xi32>,
    %get3A_471 = vector.shape_cast %get3A_470 : vector<1x16xi32> to vector<16xi32>
    %and3A_472 = arith.constant 65535 : i32
    %and3A_473 = vector.broadcast %and3A_472 : i32 to vector<16xi32>
    %and3A_474 = arith.andi %get3A_471, %and3A_473 : vector<16xi32>
    %swap3A_475 = arith.constant 32 : index
    %swap3A_476 = tpu.vector_load %arg11[%swap3A_475] {strides = array<i32>} : memref<128xi32, #tpu.memory_space<vmem>>, vector<16xi32>,
    %swap3A_477 = vector.shape_cast %swap3A_476 : vector<16xi32> to vector<16xi32>
    %swap3A_478 = vector.shape_cast %and3A_474 : vector<16xi32> to vector<16xi32>
    tpu.vector_store %arg11[%swap3A_475], %swap3A_478 {strides = array<i32>} : memref<128xi32, #tpu.memory_space<vmem>>, vector<16xi32>,
    %shift_right_logical3A_479 = arith.constant 16 : i32
    %shift_right_logical3A_480 = vector.broadcast %shift_right_logical3A_479 : i32 to vector<16xi32>
    %shift_right_logical3A_481 = arith.shrui %get3A_471, %shift_right_logical3A_480 : vector<16xi32>
    %swap3A_482 = arith.constant 32 : index
    %swap3A_483 = tpu.vector_load %arg15[%swap3A_482] {strides = array<i32>} : memref<128xi32, #tpu.memory_space<vmem>>, vector<16xi32>,
    %swap3A_484 = vector.shape_cast %swap3A_483 : vector<16xi32> to vector<16xi32>
    %swap3A_485 = vector.shape_cast %shift_right_logical3A_481 : vector<16xi32> to vector<16xi32>
    tpu.vector_store %arg15[%swap3A_482], %swap3A_485 {strides = array<i32>} : memref<128xi32, #tpu.memory_space<vmem>>, vector<16xi32>,
    %get3A_486 = arith.constant 2 : i32
    %get3A_487 = arith.index_cast %get3A_486 : i32 to index
    %get3A_488 = arith.constant 48 : index
    %get3A_489 = tpu.vector_load %arg7[%get3A_487, %get3A_488] {strides = array<i32>} : memref<80x128xi32, #tpu.memory_space<vmem>>, vector<1x16xi32>,
    %get3A_490 = vector.shape_cast %get3A_489 : vector<1x16xi32> to vector<16xi32>
    %and3A_491 = arith.constant 65535 : i32
    %and3A_492 = vector.broadcast %and3A_491 : i32 to vector<16xi32>
    %and3A_493 = arith.andi %get3A_490, %and3A_492 : vector<16xi32>
    %swap3A_494 = arith.constant 48 : index
    %swap3A_495 = tpu.vector_load %arg11[%swap3A_494] {strides = array<i32>} : memref<128xi32, #tpu.memory_space<vmem>>, vector<16xi32>,
    %swap3A_496 = vector.shape_cast %swap3A_495 : vector<16xi32> to vector<16xi32>
    %swap3A_497 = vector.shape_cast %and3A_493 : vector<16xi32> to vector<16xi32>
    tpu.vector_store %arg11[%swap3A_494], %swap3A_497 {strides = array<i32>} : memref<128xi32, #tpu.memory_space<vmem>>, vector<16xi32>,
    %shift_right_logical3A_498 = arith.constant 16 : i32
    %shift_right_logical3A_499 = vector.broadcast %shift_right_logical3A_498 : i32 to vector<16xi32>
    %shift_right_logical3A_500 = arith.shrui %get3A_490, %shift_right_logical3A_499 : vector<16xi32>
    %swap3A_501 = arith.constant 48 : index
    %swap3A_502 = tpu.vector_load %arg15[%swap3A_501] {strides = array<i32>} : memref<128xi32, #tpu.memory_space<vmem>>, vector<16xi32>,
    %swap3A_503 = vector.shape_cast %swap3A_502 : vector<16xi32> to vector<16xi32>
    %swap3A_504 = vector.shape_cast %shift_right_logical3A_500 : vector<16xi32> to vector<16xi32>
    tpu.vector_store %arg15[%swap3A_501], %swap3A_504 {strides = array<i32>} : memref<128xi32, #tpu.memory_space<vmem>>, vector<16xi32>,
    %get3A_505 = arith.constant 2 : i32
    %get3A_506 = arith.index_cast %get3A_505 : i32 to index
    %get3A_507 = arith.constant 64 : index
    %get3A_508 = tpu.vector_load %arg7[%get3A_506, %get3A_507] {strides = array<i32>} : memref<80x128xi32, #tpu.memory_space<vmem>>, vector<1x16xi32>,
    %get3A_509 = vector.shape_cast %get3A_508 : vector<1x16xi32> to vector<16xi32>
    %and3A_510 = arith.constant 65535 : i32
    %and3A_511 = vector.broadcast %and3A_510 : i32 to vector<16xi32>
    %and3A_512 = arith.andi %get3A_509, %and3A_511 : vector<16xi32>
    %swap3A_513 = arith.constant 64 : index
    %swap3A_514 = tpu.vector_load %arg11[%swap3A_513] {strides = array<i32>} : memref<128xi32, #tpu.memory_space<vmem>>, vector<16xi32>,
    %swap3A_515 = vector.shape_cast %swap3A_514 : vector<16xi32> to vector<16xi32>
    %swap3A_516 = vector.shape_cast %and3A_512 : vector<16xi32> to vector<16xi32>
    tpu.vector_store %arg11[%swap3A_513], %swap3A_516 {strides = array<i32>} : memref<128xi32, #tpu.memory_space<vmem>>, vector<16xi32>,
    %shift_right_logical3A_517 = arith.constant 16 : i32
    %shift_right_logical3A_518 = vector.broadcast %shift_right_logical3A_517 : i32 to vector<16xi32>
    %shift_right_logical3A_519 = arith.shrui %get3A_509, %shift_right_logical3A_518 : vector<16xi32>
    %swap3A_520 = arith.constant 64 : index
    %swap3A_521 = tpu.vector_load %arg15[%swap3A_520] {strides = array<i32>} : memref<128xi32, #tpu.memory_space<vmem>>, vector<16xi32>,
    %swap3A_522 = vector.shape_cast %swap3A_521 : vector<16xi32> to vector<16xi32>
    %swap3A_523 = vector.shape_cast %shift_right_logical3A_519 : vector<16xi32> to vector<16xi32>
    tpu.vector_store %arg15[%swap3A_520], %swap3A_523 {strides = array<i32>} : memref<128xi32, #tpu.memory_space<vmem>>, vector<16xi32>,
    %get3A_524 = arith.constant 2 : i32
    %get3A_525 = arith.index_cast %get3A_524 : i32 to index
    %get3A_526 = arith.constant 80 : index
    %get3A_527 = tpu.vector_load %arg7[%get3A_525, %get3A_526] {strides = array<i32>} : memref<80x128xi32, #tpu.memory_space<vmem>>, vector<1x16xi32>,
    %get3A_528 = vector.shape_cast %get3A_527 : vector<1x16xi32> to vector<16xi32>
    %and3A_529 = arith.constant 65535 : i32
    %and3A_530 = vector.broadcast %and3A_529 : i32 to vector<16xi32>
    %and3A_531 = arith.andi %get3A_528, %and3A_530 : vector<16xi32>
    %swap3A_532 = arith.constant 80 : index
    %swap3A_533 = tpu.vector_load %arg11[%swap3A_532] {strides = array<i32>} : memref<128xi32, #tpu.memory_space<vmem>>, vector<16xi32>,
    %swap3A_534 = vector.shape_cast %swap3A_533 : vector<16xi32> to vector<16xi32>
    %swap3A_535 = vector.shape_cast %and3A_531 : vector<16xi32> to vector<16xi32>
    tpu.vector_store %arg11[%swap3A_532], %swap3A_535 {strides = array<i32>} : memref<128xi32, #tpu.memory_space<vmem>>, vector<16xi32>,
    %shift_right_logical3A_536 = arith.constant 16 : i32
    %shift_right_logical3A_537 = vector.broadcast %shift_right_logical3A_536 : i32 to vector<16xi32>
    %shift_right_logical3A_538 = arith.shrui %get3A_528, %shift_right_logical3A_537 : vector<16xi32>
    %swap3A_539 = arith.constant 80 : index
    %swap3A_540 = tpu.vector_load %arg15[%swap3A_539] {strides = array<i32>} : memref<128xi32, #tpu.memory_space<vmem>>, vector<16xi32>,
    %swap3A_541 = vector.shape_cast %swap3A_540 : vector<16xi32> to vector<16xi32>
    %swap3A_542 = vector.shape_cast %shift_right_logical3A_538 : vector<16xi32> to vector<16xi32>
    tpu.vector_store %arg15[%swap3A_539], %swap3A_542 {strides = array<i32>} : memref<128xi32, #tpu.memory_space<vmem>>, vector<16xi32>,
    %get3A_543 = arith.constant 2 : i32
    %get3A_544 = arith.index_cast %get3A_543 : i32 to index
    %get3A_545 = arith.constant 96 : index
    %get3A_546 = tpu.vector_load %arg7[%get3A_544, %get3A_545] {strides = array<i32>} : memref<80x128xi32, #tpu.memory_space<vmem>>, vector<1x16xi32>,
    %get3A_547 = vector.shape_cast %get3A_546 : vector<1x16xi32> to vector<16xi32>
    %and3A_548 = arith.constant 65535 : i32
    %and3A_549 = vector.broadcast %and3A_548 : i32 to vector<16xi32>
    %and3A_550 = arith.andi %get3A_547, %and3A_549 : vector<16xi32>
    %swap3A_551 = arith.constant 96 : index
    %swap3A_552 = tpu.vector_load %arg11[%swap3A_551] {strides = array<i32>} : memref<128xi32, #tpu.memory_space<vmem>>, vector<16xi32>,
    %swap3A_553 = vector.shape_cast %swap3A_552 : vector<16xi32> to vector<16xi32>
    %swap3A_554 = vector.shape_cast %and3A_550 : vector<16xi32> to vector<16xi32>
    tpu.vector_store %arg11[%swap3A_551], %swap3A_554 {strides = array<i32>} : memref<128xi32, #tpu.memory_space<vmem>>, vector<16xi32>,
    %shift_right_logical3A_555 = arith.constant 16 : i32
    %shift_right_logical3A_556 = vector.broadcast %shift_right_logical3A_555 : i32 to vector<16xi32>
    %shift_right_logical3A_557 = arith.shrui %get3A_547, %shift_right_logical3A_556 : vector<16xi32>
    %swap3A_558 = arith.constant 96 : index
    %swap3A_559 = tpu.vector_load %arg15[%swap3A_558] {strides = array<i32>} : memref<128xi32, #tpu.memory_space<vmem>>, vector<16xi32>,
    %swap3A_560 = vector.shape_cast %swap3A_559 : vector<16xi32> to vector<16xi32>
    %swap3A_561 = vector.shape_cast %shift_right_logical3A_557 : vector<16xi32> to vector<16xi32>
    tpu.vector_store %arg15[%swap3A_558], %swap3A_561 {strides = array<i32>} : memref<128xi32, #tpu.memory_space<vmem>>, vector<16xi32>,
    %get3A_562 = arith.constant 2 : i32
    %get3A_563 = arith.index_cast %get3A_562 : i32 to index
    %get3A_564 = arith.constant 112 : index
    %get3A_565 = tpu.vector_load %arg7[%get3A_563, %get3A_564] {strides = array<i32>} : memref<80x128xi32, #tpu.memory_space<vmem>>, vector<1x16xi32>,
    %get3A_566 = vector.shape_cast %get3A_565 : vector<1x16xi32> to vector<16xi32>
    %and3A_567 = arith.constant 65535 : i32
    %and3A_568 = vector.broadcast %and3A_567 : i32 to vector<16xi32>
    %and3A_569 = arith.andi %get3A_566, %and3A_568 : vector<16xi32>
    %swap3A_570 = arith.constant 112 : index
    %swap3A_571 = tpu.vector_load %arg11[%swap3A_570] {strides = array<i32>} : memref<128xi32, #tpu.memory_space<vmem>>, vector<16xi32>,
    %swap3A_572 = vector.shape_cast %swap3A_571 : vector<16xi32> to vector<16xi32>
    %swap3A_573 = vector.shape_cast %and3A_569 : vector<16xi32> to vector<16xi32>
    tpu.vector_store %arg11[%swap3A_570], %swap3A_573 {strides = array<i32>} : memref<128xi32, #tpu.memory_space<vmem>>, vector<16xi32>,
    %shift_right_logical3A_574 = arith.constant 16 : i32
    %shift_right_logical3A_575 = vector.broadcast %shift_right_logical3A_574 : i32 to vector<16xi32>
    %shift_right_logical3A_576 = arith.shrui %get3A_566, %shift_right_logical3A_575 : vector<16xi32>
    %swap3A_577 = arith.constant 112 : index
    %swap3A_578 = tpu.vector_load %arg15[%swap3A_577] {strides = array<i32>} : memref<128xi32, #tpu.memory_space<vmem>>, vector<16xi32>,
    %swap3A_579 = vector.shape_cast %swap3A_578 : vector<16xi32> to vector<16xi32>
    %swap3A_580 = vector.shape_cast %shift_right_logical3A_576 : vector<16xi32> to vector<16xi32>
    tpu.vector_store %arg15[%swap3A_577], %swap3A_580 {strides = array<i32>} : memref<128xi32, #tpu.memory_space<vmem>>, vector<16xi32>,
    %get3A_581 = arith.constant 3 : i32
    %get3A_582 = arith.index_cast %get3A_581 : i32 to index
    %get3A_583 = arith.constant 0 : index
    %get3A_584 = tpu.vector_load %arg7[%get3A_582, %get3A_583] {strides = array<i32>} : memref<80x128xi32, #tpu.memory_space<vmem>>, vector<1x16xi32>,
    %get3A_585 = vector.shape_cast %get3A_584 : vector<1x16xi32> to vector<16xi32>
    %and3A_586 = arith.constant 65535 : i32
    %and3A_587 = vector.broadcast %and3A_586 : i32 to vector<16xi32>
    %and3A_588 = arith.andi %get3A_585, %and3A_587 : vector<16xi32>
    %swap3A_589 = arith.constant 0 : index
    %swap3A_590 = tpu.vector_load %arg13[%swap3A_589] {strides = array<i32>} : memref<128xi32, #tpu.memory_space<vmem>>, vector<16xi32>,
    %swap3A_591 = vector.shape_cast %swap3A_590 : vector<16xi32> to vector<16xi32>
    %swap3A_592 = vector.shape_cast %and3A_588 : vector<16xi32> to vector<16xi32>
    tpu.vector_store %arg13[%swap3A_589], %swap3A_592 {strides = array<i32>} : memref<128xi32, #tpu.memory_space<vmem>>, vector<16xi32>,
    %shift_right_logical3A_593 = arith.constant 16 : i32
    %shift_right_logical3A_594 = vector.broadcast %shift_right_logical3A_593 : i32 to vector<16xi32>
    %shift_right_logical3A_595 = arith.shrui %get3A_585, %shift_right_logical3A_594 : vector<16xi32>
    %swap3A_596 = arith.constant 0 : index
    %swap3A_597 = tpu.vector_load %arg17[%swap3A_596] {strides = array<i32>} : memref<128xi32, #tpu.memory_space<vmem>>, vector<16xi32>,
    %swap3A_598 = vector.shape_cast %swap3A_597 : vector<16xi32> to vector<16xi32>
    %swap3A_599 = vector.shape_cast %shift_right_logical3A_595 : vector<16xi32> to vector<16xi32>
    tpu.vector_store %arg17[%swap3A_596], %swap3A_599 {strides = array<i32>} : memref<128xi32, #tpu.memory_space<vmem>>, vector<16xi32>,
    %get3A_600 = arith.constant 3 : i32
    %get3A_601 = arith.index_cast %get3A_600 : i32 to index
    %get3A_602 = arith.constant 16 : index
    %get3A_603 = tpu.vector_load %arg7[%get3A_601, %get3A_602] {strides = array<i32>} : memref<80x128xi32, #tpu.memory_space<vmem>>, vector<1x16xi32>,
    %get3A_604 = vector.shape_cast %get3A_603 : vector<1x16xi32> to vector<16xi32>
    %and3A_605 = arith.constant 65535 : i32
    %and3A_606 = vector.broadcast %and3A_605 : i32 to vector<16xi32>
    %and3A_607 = arith.andi %get3A_604, %and3A_606 : vector<16xi32>
    %swap3A_608 = arith.constant 16 : index
    %swap3A_609 = tpu.vector_load %arg13[%swap3A_608] {strides = array<i32>} : memref<128xi32, #tpu.memory_space<vmem>>, vector<16xi32>,
    %swap3A_610 = vector.shape_cast %swap3A_609 : vector<16xi32> to vector<16xi32>
    %swap3A_611 = vector.shape_cast %and3A_607 : vector<16xi32> to vector<16xi32>
    tpu.vector_store %arg13[%swap3A_608], %swap3A_611 {strides = array<i32>} : memref<128xi32, #tpu.memory_space<vmem>>, vector<16xi32>,
    %shift_right_logical3A_612 = arith.constant 16 : i32
    %shift_right_logical3A_613 = vector.broadcast %shift_right_logical3A_612 : i32 to vector<16xi32>
    %shift_right_logical3A_614 = arith.shrui %get3A_604, %shift_right_logical3A_613 : vector<16xi32>
    %swap3A_615 = arith.constant 16 : index
    %swap3A_616 = tpu.vector_load %arg17[%swap3A_615] {strides = array<i32>} : memref<128xi32, #tpu.memory_space<vmem>>, vector<16xi32>,
    %swap3A_617 = vector.shape_cast %swap3A_616 : vector<16xi32> to vector<16xi32>
    %swap3A_618 = vector.shape_cast %shift_right_logical3A_614 : vector<16xi32> to vector<16xi32>
    tpu.vector_store %arg17[%swap3A_615], %swap3A_618 {strides = array<i32>} : memref<128xi32, #tpu.memory_space<vmem>>, vector<16xi32>,
    %get3A_619 = arith.constant 3 : i32
    %get3A_620 = arith.index_cast %get3A_619 : i32 to index
    %get3A_621 = arith.constant 32 : index
    %get3A_622 = tpu.vector_load %arg7[%get3A_620, %get3A_621] {strides = array<i32>} : memref<80x128xi32, #tpu.memory_space<vmem>>, vector<1x16xi32>,
    %get3A_623 = vector.shape_cast %get3A_622 : vector<1x16xi32> to vector<16xi32>
    %and3A_624 = arith.constant 65535 : i32
    %and3A_625 = vector.broadcast %and3A_624 : i32 to vector<16xi32>
    %and3A_626 = arith.andi %get3A_623, %and3A_625 : vector<16xi32>
    %swap3A_627 = arith.constant 32 : index
    %swap3A_628 = tpu.vector_load %arg13[%swap3A_627] {strides = array<i32>} : memref<128xi32, #tpu.memory_space<vmem>>, vector<16xi32>,
    %swap3A_629 = vector.shape_cast %swap3A_628 : vector<16xi32> to vector<16xi32>
    %swap3A_630 = vector.shape_cast %and3A_626 : vector<16xi32> to vector<16xi32>
    tpu.vector_store %arg13[%swap3A_627], %swap3A_630 {strides = array<i32>} : memref<128xi32, #tpu.memory_space<vmem>>, vector<16xi32>,
    %shift_right_logical3A_631 = arith.constant 16 : i32
    %shift_right_logical3A_632 = vector.broadcast %shift_right_logical3A_631 : i32 to vector<16xi32>
    %shift_right_logical3A_633 = arith.shrui %get3A_623, %shift_right_logical3A_632 : vector<16xi32>
    %swap3A_634 = arith.constant 32 : index
    %swap3A_635 = tpu.vector_load %arg17[%swap3A_634] {strides = array<i32>} : memref<128xi32, #tpu.memory_space<vmem>>, vector<16xi32>,
    %swap3A_636 = vector.shape_cast %swap3A_635 : vector<16xi32> to vector<16xi32>
    %swap3A_637 = vector.shape_cast %shift_right_logical3A_633 : vector<16xi32> to vector<16xi32>
    tpu.vector_store %arg17[%swap3A_634], %swap3A_637 {strides = array<i32>} : memref<128xi32, #tpu.memory_space<vmem>>, vector<16xi32>,
    %get3A_638 = arith.constant 3 : i32
    %get3A_639 = arith.index_cast %get3A_638 : i32 to index
    %get3A_640 = arith.constant 48 : index
    %get3A_641 = tpu.vector_load %arg7[%get3A_639, %get3A_640] {strides = array<i32>} : memref<80x128xi32, #tpu.memory_space<vmem>>, vector<1x16xi32>,
    %get3A_642 = vector.shape_cast %get3A_641 : vector<1x16xi32> to vector<16xi32>
    %and3A_643 = arith.constant 65535 : i32
    %and3A_644 = vector.broadcast %and3A_643 : i32 to vector<16xi32>
    %and3A_645 = arith.andi %get3A_642, %and3A_644 : vector<16xi32>
    %swap3A_646 = arith.constant 48 : index
    %swap3A_647 = tpu.vector_load %arg13[%swap3A_646] {strides = array<i32>} : memref<128xi32, #tpu.memory_space<vmem>>, vector<16xi32>,
    %swap3A_648 = vector.shape_cast %swap3A_647 : vector<16xi32> to vector<16xi32>
    %swap3A_649 = vector.shape_cast %and3A_645 : vector<16xi32> to vector<16xi32>
    tpu.vector_store %arg13[%swap3A_646], %swap3A_649 {strides = array<i32>} : memref<128xi32, #tpu.memory_space<vmem>>, vector<16xi32>,
    %shift_right_logical3A_650 = arith.constant 16 : i32
    %shift_right_logical3A_651 = vector.broadcast %shift_right_logical3A_650 : i32 to vector<16xi32>
    %shift_right_logical3A_652 = arith.shrui %get3A_642, %shift_right_logical3A_651 : vector<16xi32>
    %swap3A_653 = arith.constant 48 : index
    %swap3A_654 = tpu.vector_load %arg17[%swap3A_653] {strides = array<i32>} : memref<128xi32, #tpu.memory_space<vmem>>, vector<16xi32>,
    %swap3A_655 = vector.shape_cast %swap3A_654 : vector<16xi32> to vector<16xi32>
    %swap3A_656 = vector.shape_cast %shift_right_logical3A_652 : vector<16xi32> to vector<16xi32>
    tpu.vector_store %arg17[%swap3A_653], %swap3A_656 {strides = array<i32>} : memref<128xi32, #tpu.memory_space<vmem>>, vector<16xi32>,
    %get3A_657 = arith.constant 3 : i32
    %get3A_658 = arith.index_cast %get3A_657 : i32 to index
    %get3A_659 = arith.constant 64 : index
    %get3A_660 = tpu.vector_load %arg7[%get3A_658, %get3A_659] {strides = array<i32>} : memref<80x128xi32, #tpu.memory_space<vmem>>, vector<1x16xi32>,
    %get3A_661 = vector.shape_cast %get3A_660 : vector<1x16xi32> to vector<16xi32>
    %and3A_662 = arith.constant 65535 : i32
    %and3A_663 = vector.broadcast %and3A_662 : i32 to vector<16xi32>
    %and3A_664 = arith.andi %get3A_661, %and3A_663 : vector<16xi32>
    %swap3A_665 = arith.constant 64 : index
    %swap3A_666 = tpu.vector_load %arg13[%swap3A_665] {strides = array<i32>} : memref<128xi32, #tpu.memory_space<vmem>>, vector<16xi32>,
    %swap3A_667 = vector.shape_cast %swap3A_666 : vector<16xi32> to vector<16xi32>
    %swap3A_668 = vector.shape_cast %and3A_664 : vector<16xi32> to vector<16xi32>
    tpu.vector_store %arg13[%swap3A_665], %swap3A_668 {strides = array<i32>} : memref<128xi32, #tpu.memory_space<vmem>>, vector<16xi32>,
    %shift_right_logical3A_669 = arith.constant 16 : i32
    %shift_right_logical3A_670 = vector.broadcast %shift_right_logical3A_669 : i32 to vector<16xi32>
    %shift_right_logical3A_671 = arith.shrui %get3A_661, %shift_right_logical3A_670 : vector<16xi32>
    %swap3A_672 = arith.constant 64 : index
    %swap3A_673 = tpu.vector_load %arg17[%swap3A_672] {strides = array<i32>} : memref<128xi32, #tpu.memory_space<vmem>>, vector<16xi32>,
    %swap3A_674 = vector.shape_cast %swap3A_673 : vector<16xi32> to vector<16xi32>
    %swap3A_675 = vector.shape_cast %shift_right_logical3A_671 : vector<16xi32> to vector<16xi32>
    tpu.vector_store %arg17[%swap3A_672], %swap3A_675 {strides = array<i32>} : memref<128xi32, #tpu.memory_space<vmem>>, vector<16xi32>,
    %get3A_676 = arith.constant 3 : i32
    %get3A_677 = arith.index_cast %get3A_676 : i32 to index
    %get3A_678 = arith.constant 80 : index
    %get3A_679 = tpu.vector_load %arg7[%get3A_677, %get3A_678] {strides = array<i32>} : memref<80x128xi32, #tpu.memory_space<vmem>>, vector<1x16xi32>,
    %get3A_680 = vector.shape_cast %get3A_679 : vector<1x16xi32> to vector<16xi32>
    %and3A_681 = arith.constant 65535 : i32
    %and3A_682 = vector.broadcast %and3A_681 : i32 to vector<16xi32>
    %and3A_683 = arith.andi %get3A_680, %and3A_682 : vector<16xi32>
    %swap3A_684 = arith.constant 80 : index
    %swap3A_685 = tpu.vector_load %arg13[%swap3A_684] {strides = array<i32>} : memref<128xi32, #tpu.memory_space<vmem>>, vector<16xi32>,
    %swap3A_686 = vector.shape_cast %swap3A_685 : vector<16xi32> to vector<16xi32>
    %swap3A_687 = vector.shape_cast %and3A_683 : vector<16xi32> to vector<16xi32>
    tpu.vector_store %arg13[%swap3A_684], %swap3A_687 {strides = array<i32>} : memref<128xi32, #tpu.memory_space<vmem>>, vector<16xi32>,
    %shift_right_logical3A_688 = arith.constant 16 : i32
    %shift_right_logical3A_689 = vector.broadcast %shift_right_logical3A_688 : i32 to vector<16xi32>
    %shift_right_logical3A_690 = arith.shrui %get3A_680, %shift_right_logical3A_689 : vector<16xi32>
    %swap3A_691 = arith.constant 80 : index
    %swap3A_692 = tpu.vector_load %arg17[%swap3A_691] {strides = array<i32>} : memref<128xi32, #tpu.memory_space<vmem>>, vector<16xi32>,
    %swap3A_693 = vector.shape_cast %swap3A_692 : vector<16xi32> to vector<16xi32>
    %swap3A_694 = vector.shape_cast %shift_right_logical3A_690 : vector<16xi32> to vector<16xi32>
    tpu.vector_store %arg17[%swap3A_691], %swap3A_694 {strides = array<i32>} : memref<128xi32, #tpu.memory_space<vmem>>, vector<16xi32>,
    %get3A_695 = arith.constant 3 : i32
    %get3A_696 = arith.index_cast %get3A_695 : i32 to index
    %get3A_697 = arith.constant 96 : index
    %get3A_698 = tpu.vector_load %arg7[%get3A_696, %get3A_697] {strides = array<i32>} : memref<80x128xi32, #tpu.memory_space<vmem>>, vector<1x16xi32>,
    %get3A_699 = vector.shape_cast %get3A_698 : vector<1x16xi32> to vector<16xi32>
    %and3A_700 = arith.constant 65535 : i32
    %and3A_701 = vector.broadcast %and3A_700 : i32 to vector<16xi32>
    %and3A_702 = arith.andi %get3A_699, %and3A_701 : vector<16xi32>
    %swap3A_703 = arith.constant 96 : index
    %swap3A_704 = tpu.vector_load %arg13[%swap3A_703] {strides = array<i32>} : memref<128xi32, #tpu.memory_space<vmem>>, vector<16xi32>,
    %swap3A_705 = vector.shape_cast %swap3A_704 : vector<16xi32> to vector<16xi32>
    %swap3A_706 = vector.shape_cast %and3A_702 : vector<16xi32> to vector<16xi32>
    tpu.vector_store %arg13[%swap3A_703], %swap3A_706 {strides = array<i32>} : memref<128xi32, #tpu.memory_space<vmem>>, vector<16xi32>,
    %shift_right_logical3A_707 = arith.constant 16 : i32
    %shift_right_logical3A_708 = vector.broadcast %shift_right_logical3A_707 : i32 to vector<16xi32>
    %shift_right_logical3A_709 = arith.shrui %get3A_699, %shift_right_logical3A_708 : vector<16xi32>
    %swap3A_710 = arith.constant 96 : index
    %swap3A_711 = tpu.vector_load %arg17[%swap3A_710] {strides = array<i32>} : memref<128xi32, #tpu.memory_space<vmem>>, vector<16xi32>,
    %swap3A_712 = vector.shape_cast %swap3A_711 : vector<16xi32> to vector<16xi32>
    %swap3A_713 = vector.shape_cast %shift_right_logical3A_709 : vector<16xi32> to vector<16xi32>
    tpu.vector_store %arg17[%swap3A_710], %swap3A_713 {strides = array<i32>} : memref<128xi32, #tpu.memory_space<vmem>>, vector<16xi32>,
    %get3A_714 = arith.constant 3 : i32
    %get3A_715 = arith.index_cast %get3A_714 : i32 to index
    %get3A_716 = arith.constant 112 : index
    %get3A_717 = tpu.vector_load %arg7[%get3A_715, %get3A_716] {strides = array<i32>} : memref<80x128xi32, #tpu.memory_space<vmem>>, vector<1x16xi32>,
    %get3A_718 = vector.shape_cast %get3A_717 : vector<1x16xi32> to vector<16xi32>
    %and3A_719 = arith.constant 65535 : i32
    %and3A_720 = vector.broadcast %and3A_719 : i32 to vector<16xi32>
    %and3A_721 = arith.andi %get3A_718, %and3A_720 : vector<16xi32>
    %swap3A_722 = arith.constant 112 : index
    %swap3A_723 = tpu.vector_load %arg13[%swap3A_722] {strides = array<i32>} : memref<128xi32, #tpu.memory_space<vmem>>, vector<16xi32>,
    %swap3A_724 = vector.shape_cast %swap3A_723 : vector<16xi32> to vector<16xi32>
    %swap3A_725 = vector.shape_cast %and3A_721 : vector<16xi32> to vector<16xi32>
    tpu.vector_store %arg13[%swap3A_722], %swap3A_725 {strides = array<i32>} : memref<128xi32, #tpu.memory_space<vmem>>, vector<16xi32>,
    %shift_right_logical3A_726 = arith.constant 16 : i32
    %shift_right_logical3A_727 = vector.broadcast %shift_right_logical3A_726 : i32 to vector<16xi32>
    %shift_right_logical3A_728 = arith.shrui %get3A_718, %shift_right_logical3A_727 : vector<16xi32>
    %swap3A_729 = arith.constant 112 : index
    %swap3A_730 = tpu.vector_load %arg17[%swap3A_729] {strides = array<i32>} : memref<128xi32, #tpu.memory_space<vmem>>, vector<16xi32>,
    %swap3A_731 = vector.shape_cast %swap3A_730 : vector<16xi32> to vector<16xi32>
    %swap3A_732 = vector.shape_cast %shift_right_logical3A_728 : vector<16xi32> to vector<16xi32>
    tpu.vector_store %arg17[%swap3A_729], %swap3A_732 {strides = array<i32>} : memref<128xi32, #tpu.memory_space<vmem>>, vector<16xi32>,
    %scan3A = arith.constant 0 : i32
    %scan3A_733 = arith.constant 0 : i32
    %scan3A_734 = arith.constant 20 : i32
    %scan3A_735 = arith.addi %scan3A_733, %scan3A_734 : i32
    %scan3A_736 = arith.constant 1 : i32
    scf.for %scan3A_889 = %scan3A_733 to %scan3A_735 step %scan3A_736  : i32 {
      %mul3A_890 = arith.constant 2 : i32
      %mul3A_891 = arith.muli %scan3A_889, %mul3A_890 : i32
      %mul3A_892 = arith.constant 2 : i32
      %mul3A_893 = arith.muli %mul3A_891, %mul3A_892 : i32
      %add3A_894 = arith.constant 0 : i32
      %add3A_895 = arith.addi %mul3A_893, %add3A_894 : i32
      %add3A_896 = arith.constant 0 : i32
      %add3A_897 = arith.addi %add3A_895, %add3A_896 : i32
      %dma_wait3A_898 = arith.constant 0 : i32
      %dma_wait3A_899 = arith.constant 0 : i32
      %dma_wait3A_900 = tpu.memref_slice %arg2[%dma_wait3A_898, %dma_wait3A_899] : memref<10112x128xf32, #tpu.memory_space<hbm>> -> memref<10112x128xf32, #tpu.memory_space<hbm>>
      tpu.wait_indirect_dma semaphore(%arg18 : memref<!tpu.dma_semaphore, #tpu.memory_space<semaphore_mem>>) src(%dma_wait3A_900 : memref<10112x128xf32, #tpu.memory_space<hbm>>) dst(%arg8 : memref<128x128xf32, #tpu.memory_space<vmem>>)
      "tpu.region"() ({
        %run_scoped3A = tpu.sem_alloc : memref<!tpu.dma_semaphore, #tpu.memory_space<semaphore_mem>>
        %dma_start3A_987 = arith.constant 0 : i32
        %dma_start3A_988 = arith.constant 0 : i32
        %dma_start3A_989 = tpu.memref_slice %arg6[%dma_start3A_987, %dma_start3A_988] : memref<10112x128xf32, #tpu.memory_space<vmem_shared>> -> memref<10112x128xf32, #tpu.memory_space<vmem_shared>>
        tpu.enqueue_indirect_dma source(%arg8 : memref<128x128xf32, #tpu.memory_space<vmem>>) target(%dma_start3A_989 : memref<10112x128xf32, #tpu.memory_space<vmem_shared>>) offsets(%arg14 : memref<128xi32, #tpu.memory_space<vmem>>) semaphore(%run_scoped3A : memref<!tpu.dma_semaphore, #tpu.memory_space<semaphore_mem>>) {add = true}
        %dma_wait3A_990 = arith.constant 0 : i32
        %dma_wait3A_991 = arith.constant 0 : i32
        %dma_wait3A_992 = tpu.memref_slice %arg6[%dma_wait3A_990, %dma_wait3A_991] : memref<10112x128xf32, #tpu.memory_space<vmem_shared>> -> memref<10112x128xf32, #tpu.memory_space<vmem_shared>>
        tpu.wait_indirect_dma semaphore(%run_scoped3A : memref<!tpu.dma_semaphore, #tpu.memory_space<semaphore_mem>>) src(%arg8 : memref<128x128xf32, #tpu.memory_space<vmem>>) dst(%dma_wait3A_992 : memref<10112x128xf32, #tpu.memory_space<vmem_shared>>)
        tpu.yield
      }) : () -> ()
      %add3A_901 = arith.constant 2 : i32
      %add3A_902 = arith.addi %add3A_897, %add3A_901 : i32
      %lt3A = arith.constant 80 : i32
      %lt3A_903 = arith.cmpi slt, %add3A_902, %lt3A : i32
      %convert_element_type3A = arith.extui %lt3A_903 : i1 to i32
      %cond3A = arith.constant 0 : i32
      %cond3A_904 = arith.cmpi ne, %convert_element_type3A, %cond3A : i32
      scf.if %cond3A_904 {
        %dma_start3A_987 = arith.constant 0 : i32
        %dma_start3A_988 = arith.constant 0 : i32
        %dma_start3A_989 = tpu.memref_slice %arg2[%dma_start3A_987, %dma_start3A_988] : memref<10112x128xf32, #tpu.memory_space<hbm>> -> memref<10112x128xf32, #tpu.memory_space<hbm>>
        tpu.enqueue_indirect_dma source(%dma_start3A_989 : memref<10112x128xf32, #tpu.memory_space<hbm>>) target(%arg8 : memref<128x128xf32, #tpu.memory_space<vmem>>) offsets(%arg11 : memref<128xi32, #tpu.memory_space<vmem>>) semaphore(%arg18 : memref<!tpu.dma_semaphore, #tpu.memory_space<semaphore_mem>>)
      } else {
      }
      %add3A_905 = arith.constant 4 : i32
      %add3A_906 = arith.addi %add3A_897, %add3A_905 : i32
      %lt3A_907 = arith.constant 80 : i32
      %lt3A_908 = arith.cmpi slt, %add3A_906, %lt3A_907 : i32
      %convert_element_type3A_909 = arith.extui %lt3A_908 : i1 to i32
      %cond3A_910 = arith.constant 0 : i32
      %cond3A_911 = arith.cmpi ne, %convert_element_type3A_909, %cond3A_910 : i32
      scf.if %cond3A_911 {
        %add3A_987 = arith.constant 4 : i32
        %add3A_988 = arith.addi %add3A_897, %add3A_987 : i32
        %get3A_989 = arith.index_cast %add3A_988 : i32 to index
        %get3A_990 = arith.constant 0 : index
        %get3A_991 = tpu.vector_load %arg7[%get3A_989, %get3A_990] {strides = array<i32>} : memref<80x128xi32, #tpu.memory_space<vmem>>, vector<1x16xi32>,
        %get3A_992 = vector.shape_cast %get3A_991 : vector<1x16xi32> to vector<16xi32>
        %and3A_993 = arith.constant 65535 : i32
        %and3A_994 = vector.broadcast %and3A_993 : i32 to vector<16xi32>
        %and3A_995 = arith.andi %get3A_992, %and3A_994 : vector<16xi32>
        %swap3A_996 = arith.constant 0 : index
        %swap3A_997 = tpu.vector_load %arg10[%swap3A_996] {strides = array<i32>} : memref<128xi32, #tpu.memory_space<vmem>>, vector<16xi32>,
        %swap3A_998 = vector.shape_cast %swap3A_997 : vector<16xi32> to vector<16xi32>
        %swap3A_999 = vector.shape_cast %and3A_995 : vector<16xi32> to vector<16xi32>
        tpu.vector_store %arg10[%swap3A_996], %swap3A_999 {strides = array<i32>} : memref<128xi32, #tpu.memory_space<vmem>>, vector<16xi32>,
        %shift_right_logical3A_1000 = arith.constant 16 : i32
        %shift_right_logical3A_1001 = vector.broadcast %shift_right_logical3A_1000 : i32 to vector<16xi32>
        %shift_right_logical3A_1002 = arith.shrui %get3A_992, %shift_right_logical3A_1001 : vector<16xi32>
        %swap3A_1003 = arith.constant 0 : index
        %swap3A_1004 = tpu.vector_load %arg14[%swap3A_1003] {strides = array<i32>} : memref<128xi32, #tpu.memory_space<vmem>>, vector<16xi32>,
        %swap3A_1005 = vector.shape_cast %swap3A_1004 : vector<16xi32> to vector<16xi32>
        %swap3A_1006 = vector.shape_cast %shift_right_logical3A_1002 : vector<16xi32> to vector<16xi32>
        tpu.vector_store %arg14[%swap3A_1003], %swap3A_1006 {strides = array<i32>} : memref<128xi32, #tpu.memory_space<vmem>>, vector<16xi32>,
        %get3A_1007 = arith.index_cast %add3A_988 : i32 to index
        %get3A_1008 = arith.constant 16 : index
        %get3A_1009 = tpu.vector_load %arg7[%get3A_1007, %get3A_1008] {strides = array<i32>} : memref<80x128xi32, #tpu.memory_space<vmem>>, vector<1x16xi32>,
        %get3A_1010 = vector.shape_cast %get3A_1009 : vector<1x16xi32> to vector<16xi32>
        %and3A_1011 = arith.constant 65535 : i32
        %and3A_1012 = vector.broadcast %and3A_1011 : i32 to vector<16xi32>
        %and3A_1013 = arith.andi %get3A_1010, %and3A_1012 : vector<16xi32>
        %swap3A_1014 = arith.constant 16 : index
        %swap3A_1015 = tpu.vector_load %arg10[%swap3A_1014] {strides = array<i32>} : memref<128xi32, #tpu.memory_space<vmem>>, vector<16xi32>,
        %swap3A_1016 = vector.shape_cast %swap3A_1015 : vector<16xi32> to vector<16xi32>
        %swap3A_1017 = vector.shape_cast %and3A_1013 : vector<16xi32> to vector<16xi32>
        tpu.vector_store %arg10[%swap3A_1014], %swap3A_1017 {strides = array<i32>} : memref<128xi32, #tpu.memory_space<vmem>>, vector<16xi32>,
        %shift_right_logical3A_1018 = arith.constant 16 : i32
        %shift_right_logical3A_1019 = vector.broadcast %shift_right_logical3A_1018 : i32 to vector<16xi32>
        %shift_right_logical3A_1020 = arith.shrui %get3A_1010, %shift_right_logical3A_1019 : vector<16xi32>
        %swap3A_1021 = arith.constant 16 : index
        %swap3A_1022 = tpu.vector_load %arg14[%swap3A_1021] {strides = array<i32>} : memref<128xi32, #tpu.memory_space<vmem>>, vector<16xi32>,
        %swap3A_1023 = vector.shape_cast %swap3A_1022 : vector<16xi32> to vector<16xi32>
        %swap3A_1024 = vector.shape_cast %shift_right_logical3A_1020 : vector<16xi32> to vector<16xi32>
        tpu.vector_store %arg14[%swap3A_1021], %swap3A_1024 {strides = array<i32>} : memref<128xi32, #tpu.memory_space<vmem>>, vector<16xi32>,
        %get3A_1025 = arith.index_cast %add3A_988 : i32 to index
        %get3A_1026 = arith.constant 32 : index
        %get3A_1027 = tpu.vector_load %arg7[%get3A_1025, %get3A_1026] {strides = array<i32>} : memref<80x128xi32, #tpu.memory_space<vmem>>, vector<1x16xi32>,
        %get3A_1028 = vector.shape_cast %get3A_1027 : vector<1x16xi32> to vector<16xi32>
        %and3A_1029 = arith.constant 65535 : i32
        %and3A_1030 = vector.broadcast %and3A_1029 : i32 to vector<16xi32>
        %and3A_1031 = arith.andi %get3A_1028, %and3A_1030 : vector<16xi32>
        %swap3A_1032 = arith.constant 32 : index
        %swap3A_1033 = tpu.vector_load %arg10[%swap3A_1032] {strides = array<i32>} : memref<128xi32, #tpu.memory_space<vmem>>, vector<16xi32>,
        %swap3A_1034 = vector.shape_cast %swap3A_1033 : vector<16xi32> to vector<16xi32>
        %swap3A_1035 = vector.shape_cast %and3A_1031 : vector<16xi32> to vector<16xi32>
        tpu.vector_store %arg10[%swap3A_1032], %swap3A_1035 {strides = array<i32>} : memref<128xi32, #tpu.memory_space<vmem>>, vector<16xi32>,
        %shift_right_logical3A_1036 = arith.constant 16 : i32
        %shift_right_logical3A_1037 = vector.broadcast %shift_right_logical3A_1036 : i32 to vector<16xi32>
        %shift_right_logical3A_1038 = arith.shrui %get3A_1028, %shift_right_logical3A_1037 : vector<16xi32>
        %swap3A_1039 = arith.constant 32 : index
        %swap3A_1040 = tpu.vector_load %arg14[%swap3A_1039] {strides = array<i32>} : memref<128xi32, #tpu.memory_space<vmem>>, vector<16xi32>,
        %swap3A_1041 = vector.shape_cast %swap3A_1040 : vector<16xi32> to vector<16xi32>
        %swap3A_1042 = vector.shape_cast %shift_right_logical3A_1038 : vector<16xi32> to vector<16xi32>
        tpu.vector_store %arg14[%swap3A_1039], %swap3A_1042 {strides = array<i32>} : memref<128xi32, #tpu.memory_space<vmem>>, vector<16xi32>,
        %get3A_1043 = arith.index_cast %add3A_988 : i32 to index
        %get3A_1044 = arith.constant 48 : index
        %get3A_1045 = tpu.vector_load %arg7[%get3A_1043, %get3A_1044] {strides = array<i32>} : memref<80x128xi32, #tpu.memory_space<vmem>>, vector<1x16xi32>,
        %get3A_1046 = vector.shape_cast %get3A_1045 : vector<1x16xi32> to vector<16xi32>
        %and3A_1047 = arith.constant 65535 : i32
        %and3A_1048 = vector.broadcast %and3A_1047 : i32 to vector<16xi32>
        %and3A_1049 = arith.andi %get3A_1046, %and3A_1048 : vector<16xi32>
        %swap3A_1050 = arith.constant 48 : index
        %swap3A_1051 = tpu.vector_load %arg10[%swap3A_1050] {strides = array<i32>} : memref<128xi32, #tpu.memory_space<vmem>>, vector<16xi32>,
        %swap3A_1052 = vector.shape_cast %swap3A_1051 : vector<16xi32> to vector<16xi32>
        %swap3A_1053 = vector.shape_cast %and3A_1049 : vector<16xi32> to vector<16xi32>
        tpu.vector_store %arg10[%swap3A_1050], %swap3A_1053 {strides = array<i32>} : memref<128xi32, #tpu.memory_space<vmem>>, vector<16xi32>,
        %shift_right_logical3A_1054 = arith.constant 16 : i32
        %shift_right_logical3A_1055 = vector.broadcast %shift_right_logical3A_1054 : i32 to vector<16xi32>
        %shift_right_logical3A_1056 = arith.shrui %get3A_1046, %shift_right_logical3A_1055 : vector<16xi32>
        %swap3A_1057 = arith.constant 48 : index
        %swap3A_1058 = tpu.vector_load %arg14[%swap3A_1057] {strides = array<i32>} : memref<128xi32, #tpu.memory_space<vmem>>, vector<16xi32>,
        %swap3A_1059 = vector.shape_cast %swap3A_1058 : vector<16xi32> to vector<16xi32>
        %swap3A_1060 = vector.shape_cast %shift_right_logical3A_1056 : vector<16xi32> to vector<16xi32>
        tpu.vector_store %arg14[%swap3A_1057], %swap3A_1060 {strides = array<i32>} : memref<128xi32, #tpu.memory_space<vmem>>, vector<16xi32>,
        %get3A_1061 = arith.index_cast %add3A_988 : i32 to index
        %get3A_1062 = arith.constant 64 : index
        %get3A_1063 = tpu.vector_load %arg7[%get3A_1061, %get3A_1062] {strides = array<i32>} : memref<80x128xi32, #tpu.memory_space<vmem>>, vector<1x16xi32>,
        %get3A_1064 = vector.shape_cast %get3A_1063 : vector<1x16xi32> to vector<16xi32>
        %and3A_1065 = arith.constant 65535 : i32
        %and3A_1066 = vector.broadcast %and3A_1065 : i32 to vector<16xi32>
        %and3A_1067 = arith.andi %get3A_1064, %and3A_1066 : vector<16xi32>
        %swap3A_1068 = arith.constant 64 : index
        %swap3A_1069 = tpu.vector_load %arg10[%swap3A_1068] {strides = array<i32>} : memref<128xi32, #tpu.memory_space<vmem>>, vector<16xi32>,
        %swap3A_1070 = vector.shape_cast %swap3A_1069 : vector<16xi32> to vector<16xi32>
        %swap3A_1071 = vector.shape_cast %and3A_1067 : vector<16xi32> to vector<16xi32>
        tpu.vector_store %arg10[%swap3A_1068], %swap3A_1071 {strides = array<i32>} : memref<128xi32, #tpu.memory_space<vmem>>, vector<16xi32>,
        %shift_right_logical3A_1072 = arith.constant 16 : i32
        %shift_right_logical3A_1073 = vector.broadcast %shift_right_logical3A_1072 : i32 to vector<16xi32>
        %shift_right_logical3A_1074 = arith.shrui %get3A_1064, %shift_right_logical3A_1073 : vector<16xi32>
        %swap3A_1075 = arith.constant 64 : index
        %swap3A_1076 = tpu.vector_load %arg14[%swap3A_1075] {strides = array<i32>} : memref<128xi32, #tpu.memory_space<vmem>>, vector<16xi32>,
        %swap3A_1077 = vector.shape_cast %swap3A_1076 : vector<16xi32> to vector<16xi32>
        %swap3A_1078 = vector.shape_cast %shift_right_logical3A_1074 : vector<16xi32> to vector<16xi32>
        tpu.vector_store %arg14[%swap3A_1075], %swap3A_1078 {strides = array<i32>} : memref<128xi32, #tpu.memory_space<vmem>>, vector<16xi32>,
        %get3A_1079 = arith.index_cast %add3A_988 : i32 to index
        %get3A_1080 = arith.constant 80 : index
        %get3A_1081 = tpu.vector_load %arg7[%get3A_1079, %get3A_1080] {strides = array<i32>} : memref<80x128xi32, #tpu.memory_space<vmem>>, vector<1x16xi32>,
        %get3A_1082 = vector.shape_cast %get3A_1081 : vector<1x16xi32> to vector<16xi32>
        %and3A_1083 = arith.constant 65535 : i32
        %and3A_1084 = vector.broadcast %and3A_1083 : i32 to vector<16xi32>
        %and3A_1085 = arith.andi %get3A_1082, %and3A_1084 : vector<16xi32>
        %swap3A_1086 = arith.constant 80 : index
        %swap3A_1087 = tpu.vector_load %arg10[%swap3A_1086] {strides = array<i32>} : memref<128xi32, #tpu.memory_space<vmem>>, vector<16xi32>,
        %swap3A_1088 = vector.shape_cast %swap3A_1087 : vector<16xi32> to vector<16xi32>
        %swap3A_1089 = vector.shape_cast %and3A_1085 : vector<16xi32> to vector<16xi32>
        tpu.vector_store %arg10[%swap3A_1086], %swap3A_1089 {strides = array<i32>} : memref<128xi32, #tpu.memory_space<vmem>>, vector<16xi32>,
        %shift_right_logical3A_1090 = arith.constant 16 : i32
        %shift_right_logical3A_1091 = vector.broadcast %shift_right_logical3A_1090 : i32 to vector<16xi32>
        %shift_right_logical3A_1092 = arith.shrui %get3A_1082, %shift_right_logical3A_1091 : vector<16xi32>
        %swap3A_1093 = arith.constant 80 : index
        %swap3A_1094 = tpu.vector_load %arg14[%swap3A_1093] {strides = array<i32>} : memref<128xi32, #tpu.memory_space<vmem>>, vector<16xi32>,
        %swap3A_1095 = vector.shape_cast %swap3A_1094 : vector<16xi32> to vector<16xi32>
        %swap3A_1096 = vector.shape_cast %shift_right_logical3A_1092 : vector<16xi32> to vector<16xi32>
        tpu.vector_store %arg14[%swap3A_1093], %swap3A_1096 {strides = array<i32>} : memref<128xi32, #tpu.memory_space<vmem>>, vector<16xi32>,
        %get3A_1097 = arith.index_cast %add3A_988 : i32 to index
        %get3A_1098 = arith.constant 96 : index
        %get3A_1099 = tpu.vector_load %arg7[%get3A_1097, %get3A_1098] {strides = array<i32>} : memref<80x128xi32, #tpu.memory_space<vmem>>, vector<1x16xi32>,
        %get3A_1100 = vector.shape_cast %get3A_1099 : vector<1x16xi32> to vector<16xi32>
        %and3A_1101 = arith.constant 65535 : i32
        %and3A_1102 = vector.broadcast %and3A_1101 : i32 to vector<16xi32>
        %and3A_1103 = arith.andi %get3A_1100, %and3A_1102 : vector<16xi32>
        %swap3A_1104 = arith.constant 96 : index
        %swap3A_1105 = tpu.vector_load %arg10[%swap3A_1104] {strides = array<i32>} : memref<128xi32, #tpu.memory_space<vmem>>, vector<16xi32>,
        %swap3A_1106 = vector.shape_cast %swap3A_1105 : vector<16xi32> to vector<16xi32>
        %swap3A_1107 = vector.shape_cast %and3A_1103 : vector<16xi32> to vector<16xi32>
        tpu.vector_store %arg10[%swap3A_1104], %swap3A_1107 {strides = array<i32>} : memref<128xi32, #tpu.memory_space<vmem>>, vector<16xi32>,
        %shift_right_logical3A_1108 = arith.constant 16 : i32
        %shift_right_logical3A_1109 = vector.broadcast %shift_right_logical3A_1108 : i32 to vector<16xi32>
        %shift_right_logical3A_1110 = arith.shrui %get3A_1100, %shift_right_logical3A_1109 : vector<16xi32>
        %swap3A_1111 = arith.constant 96 : index
        %swap3A_1112 = tpu.vector_load %arg14[%swap3A_1111] {strides = array<i32>} : memref<128xi32, #tpu.memory_space<vmem>>, vector<16xi32>,
        %swap3A_1113 = vector.shape_cast %swap3A_1112 : vector<16xi32> to vector<16xi32>
        %swap3A_1114 = vector.shape_cast %shift_right_logical3A_1110 : vector<16xi32> to vector<16xi32>
        tpu.vector_store %arg14[%swap3A_1111], %swap3A_1114 {strides = array<i32>} : memref<128xi32, #tpu.memory_space<vmem>>, vector<16xi32>,
        %get3A_1115 = arith.index_cast %add3A_988 : i32 to index
        %get3A_1116 = arith.constant 112 : index
        %get3A_1117 = tpu.vector_load %arg7[%get3A_1115, %get3A_1116] {strides = array<i32>} : memref<80x128xi32, #tpu.memory_space<vmem>>, vector<1x16xi32>,
        %get3A_1118 = vector.shape_cast %get3A_1117 : vector<1x16xi32> to vector<16xi32>
        %and3A_1119 = arith.constant 65535 : i32
        %and3A_1120 = vector.broadcast %and3A_1119 : i32 to vector<16xi32>
        %and3A_1121 = arith.andi %get3A_1118, %and3A_1120 : vector<16xi32>
        %swap3A_1122 = arith.constant 112 : index
        %swap3A_1123 = tpu.vector_load %arg10[%swap3A_1122] {strides = array<i32>} : memref<128xi32, #tpu.memory_space<vmem>>, vector<16xi32>,
        %swap3A_1124 = vector.shape_cast %swap3A_1123 : vector<16xi32> to vector<16xi32>
        %swap3A_1125 = vector.shape_cast %and3A_1121 : vector<16xi32> to vector<16xi32>
        tpu.vector_store %arg10[%swap3A_1122], %swap3A_1125 {strides = array<i32>} : memref<128xi32, #tpu.memory_space<vmem>>, vector<16xi32>,
        %shift_right_logical3A_1126 = arith.constant 16 : i32
        %shift_right_logical3A_1127 = vector.broadcast %shift_right_logical3A_1126 : i32 to vector<16xi32>
        %shift_right_logical3A_1128 = arith.shrui %get3A_1118, %shift_right_logical3A_1127 : vector<16xi32>
        %swap3A_1129 = arith.constant 112 : index
        %swap3A_1130 = tpu.vector_load %arg14[%swap3A_1129] {strides = array<i32>} : memref<128xi32, #tpu.memory_space<vmem>>, vector<16xi32>,
        %swap3A_1131 = vector.shape_cast %swap3A_1130 : vector<16xi32> to vector<16xi32>
        %swap3A_1132 = vector.shape_cast %shift_right_logical3A_1128 : vector<16xi32> to vector<16xi32>
        tpu.vector_store %arg14[%swap3A_1129], %swap3A_1132 {strides = array<i32>} : memref<128xi32, #tpu.memory_space<vmem>>, vector<16xi32>,
      } else {
      }
      %mul3A_912 = arith.constant 2 : i32
      %mul3A_913 = arith.muli %scan3A_889, %mul3A_912 : i32
      %mul3A_914 = arith.constant 2 : i32
      %mul3A_915 = arith.muli %mul3A_913, %mul3A_914 : i32
      %add3A_916 = arith.constant 0 : i32
      %add3A_917 = arith.addi %mul3A_915, %add3A_916 : i32
      %add3A_918 = arith.constant 1 : i32
      %add3A_919 = arith.addi %add3A_917, %add3A_918 : i32
      %dma_wait3A_920 = arith.constant 0 : i32
      %dma_wait3A_921 = arith.constant 0 : i32
      %dma_wait3A_922 = tpu.memref_slice %arg2[%dma_wait3A_920, %dma_wait3A_921] : memref<10112x128xf32, #tpu.memory_space<hbm>> -> memref<10112x128xf32, #tpu.memory_space<hbm>>
      tpu.wait_indirect_dma semaphore(%arg19 : memref<!tpu.dma_semaphore, #tpu.memory_space<semaphore_mem>>) src(%dma_wait3A_922 : memref<10112x128xf32, #tpu.memory_space<hbm>>) dst(%arg9 : memref<128x128xf32, #tpu.memory_space<vmem>>)
      "tpu.region"() ({
        %run_scoped3A = tpu.sem_alloc : memref<!tpu.dma_semaphore, #tpu.memory_space<semaphore_mem>>
        %dma_start3A_987 = arith.constant 0 : i32
        %dma_start3A_988 = arith.constant 0 : i32
        %dma_start3A_989 = tpu.memref_slice %arg6[%dma_start3A_987, %dma_start3A_988] : memref<10112x128xf32, #tpu.memory_space<vmem_shared>> -> memref<10112x128xf32, #tpu.memory_space<vmem_shared>>
        tpu.enqueue_indirect_dma source(%arg9 : memref<128x128xf32, #tpu.memory_space<vmem>>) target(%dma_start3A_989 : memref<10112x128xf32, #tpu.memory_space<vmem_shared>>) offsets(%arg16 : memref<128xi32, #tpu.memory_space<vmem>>) semaphore(%run_scoped3A : memref<!tpu.dma_semaphore, #tpu.memory_space<semaphore_mem>>) {add = true}
        %dma_wait3A_990 = arith.constant 0 : i32
        %dma_wait3A_991 = arith.constant 0 : i32
        %dma_wait3A_992 = tpu.memref_slice %arg6[%dma_wait3A_990, %dma_wait3A_991] : memref<10112x128xf32, #tpu.memory_space<vmem_shared>> -> memref<10112x128xf32, #tpu.memory_space<vmem_shared>>
        tpu.wait_indirect_dma semaphore(%run_scoped3A : memref<!tpu.dma_semaphore, #tpu.memory_space<semaphore_mem>>) src(%arg9 : memref<128x128xf32, #tpu.memory_space<vmem>>) dst(%dma_wait3A_992 : memref<10112x128xf32, #tpu.memory_space<vmem_shared>>)
        tpu.yield
      }) : () -> ()
      %add3A_923 = arith.constant 2 : i32
      %add3A_924 = arith.addi %add3A_919, %add3A_923 : i32
      %lt3A_925 = arith.constant 80 : i32
      %lt3A_926 = arith.cmpi slt, %add3A_924, %lt3A_925 : i32
      %convert_element_type3A_927 = arith.extui %lt3A_926 : i1 to i32
      %cond3A_928 = arith.constant 0 : i32
      %cond3A_929 = arith.cmpi ne, %convert_element_type3A_927, %cond3A_928 : i32
      scf.if %cond3A_929 {
        %dma_start3A_987 = arith.constant 0 : i32
        %dma_start3A_988 = arith.constant 0 : i32
        %dma_start3A_989 = tpu.memref_slice %arg2[%dma_start3A_987, %dma_start3A_988] : memref<10112x128xf32, #tpu.memory_space<hbm>> -> memref<10112x128xf32, #tpu.memory_space<hbm>>
        tpu.enqueue_indirect_dma source(%dma_start3A_989 : memref<10112x128xf32, #tpu.memory_space<hbm>>) target(%arg9 : memref<128x128xf32, #tpu.memory_space<vmem>>) offsets(%arg13 : memref<128xi32, #tpu.memory_space<vmem>>) semaphore(%arg19 : memref<!tpu.dma_semaphore, #tpu.memory_space<semaphore_mem>>)
      } else {
      }
      %add3A_930 = arith.constant 4 : i32
      %add3A_931 = arith.addi %add3A_919, %add3A_930 : i32
      %lt3A_932 = arith.constant 80 : i32
      %lt3A_933 = arith.cmpi slt, %add3A_931, %lt3A_932 : i32
      %convert_element_type3A_934 = arith.extui %lt3A_933 : i1 to i32
      %cond3A_935 = arith.constant 0 : i32
      %cond3A_936 = arith.cmpi ne, %convert_element_type3A_934, %cond3A_935 : i32
      scf.if %cond3A_936 {
        %add3A_987 = arith.constant 4 : i32
        %add3A_988 = arith.addi %add3A_919, %add3A_987 : i32
        %get3A_989 = arith.index_cast %add3A_988 : i32 to index
        %get3A_990 = arith.constant 0 : index
        %get3A_991 = tpu.vector_load %arg7[%get3A_989, %get3A_990] {strides = array<i32>} : memref<80x128xi32, #tpu.memory_space<vmem>>, vector<1x16xi32>,
        %get3A_992 = vector.shape_cast %get3A_991 : vector<1x16xi32> to vector<16xi32>
        %and3A_993 = arith.constant 65535 : i32
        %and3A_994 = vector.broadcast %and3A_993 : i32 to vector<16xi32>
        %and3A_995 = arith.andi %get3A_992, %and3A_994 : vector<16xi32>
        %swap3A_996 = arith.constant 0 : index
        %swap3A_997 = tpu.vector_load %arg12[%swap3A_996] {strides = array<i32>} : memref<128xi32, #tpu.memory_space<vmem>>, vector<16xi32>,
        %swap3A_998 = vector.shape_cast %swap3A_997 : vector<16xi32> to vector<16xi32>
        %swap3A_999 = vector.shape_cast %and3A_995 : vector<16xi32> to vector<16xi32>
        tpu.vector_store %arg12[%swap3A_996], %swap3A_999 {strides = array<i32>} : memref<128xi32, #tpu.memory_space<vmem>>, vector<16xi32>,
        %shift_right_logical3A_1000 = arith.constant 16 : i32
        %shift_right_logical3A_1001 = vector.broadcast %shift_right_logical3A_1000 : i32 to vector<16xi32>
        %shift_right_logical3A_1002 = arith.shrui %get3A_992, %shift_right_logical3A_1001 : vector<16xi32>
        %swap3A_1003 = arith.constant 0 : index
        %swap3A_1004 = tpu.vector_load %arg16[%swap3A_1003] {strides = array<i32>} : memref<128xi32, #tpu.memory_space<vmem>>, vector<16xi32>,
        %swap3A_1005 = vector.shape_cast %swap3A_1004 : vector<16xi32> to vector<16xi32>
        %swap3A_1006 = vector.shape_cast %shift_right_logical3A_1002 : vector<16xi32> to vector<16xi32>
        tpu.vector_store %arg16[%swap3A_1003], %swap3A_1006 {strides = array<i32>} : memref<128xi32, #tpu.memory_space<vmem>>, vector<16xi32>,
        %get3A_1007 = arith.index_cast %add3A_988 : i32 to index
        %get3A_1008 = arith.constant 16 : index
        %get3A_1009 = tpu.vector_load %arg7[%get3A_1007, %get3A_1008] {strides = array<i32>} : memref<80x128xi32, #tpu.memory_space<vmem>>, vector<1x16xi32>,
        %get3A_1010 = vector.shape_cast %get3A_1009 : vector<1x16xi32> to vector<16xi32>
        %and3A_1011 = arith.constant 65535 : i32
        %and3A_1012 = vector.broadcast %and3A_1011 : i32 to vector<16xi32>
        %and3A_1013 = arith.andi %get3A_1010, %and3A_1012 : vector<16xi32>
        %swap3A_1014 = arith.constant 16 : index
        %swap3A_1015 = tpu.vector_load %arg12[%swap3A_1014] {strides = array<i32>} : memref<128xi32, #tpu.memory_space<vmem>>, vector<16xi32>,
        %swap3A_1016 = vector.shape_cast %swap3A_1015 : vector<16xi32> to vector<16xi32>
        %swap3A_1017 = vector.shape_cast %and3A_1013 : vector<16xi32> to vector<16xi32>
        tpu.vector_store %arg12[%swap3A_1014], %swap3A_1017 {strides = array<i32>} : memref<128xi32, #tpu.memory_space<vmem>>, vector<16xi32>,
        %shift_right_logical3A_1018 = arith.constant 16 : i32
        %shift_right_logical3A_1019 = vector.broadcast %shift_right_logical3A_1018 : i32 to vector<16xi32>
        %shift_right_logical3A_1020 = arith.shrui %get3A_1010, %shift_right_logical3A_1019 : vector<16xi32>
        %swap3A_1021 = arith.constant 16 : index
        %swap3A_1022 = tpu.vector_load %arg16[%swap3A_1021] {strides = array<i32>} : memref<128xi32, #tpu.memory_space<vmem>>, vector<16xi32>,
        %swap3A_1023 = vector.shape_cast %swap3A_1022 : vector<16xi32> to vector<16xi32>
        %swap3A_1024 = vector.shape_cast %shift_right_logical3A_1020 : vector<16xi32> to vector<16xi32>
        tpu.vector_store %arg16[%swap3A_1021], %swap3A_1024 {strides = array<i32>} : memref<128xi32, #tpu.memory_space<vmem>>, vector<16xi32>,
        %get3A_1025 = arith.index_cast %add3A_988 : i32 to index
        %get3A_1026 = arith.constant 32 : index
        %get3A_1027 = tpu.vector_load %arg7[%get3A_1025, %get3A_1026] {strides = array<i32>} : memref<80x128xi32, #tpu.memory_space<vmem>>, vector<1x16xi32>,
        %get3A_1028 = vector.shape_cast %get3A_1027 : vector<1x16xi32> to vector<16xi32>
        %and3A_1029 = arith.constant 65535 : i32
        %and3A_1030 = vector.broadcast %and3A_1029 : i32 to vector<16xi32>
        %and3A_1031 = arith.andi %get3A_1028, %and3A_1030 : vector<16xi32>
        %swap3A_1032 = arith.constant 32 : index
        %swap3A_1033 = tpu.vector_load %arg12[%swap3A_1032] {strides = array<i32>} : memref<128xi32, #tpu.memory_space<vmem>>, vector<16xi32>,
        %swap3A_1034 = vector.shape_cast %swap3A_1033 : vector<16xi32> to vector<16xi32>
        %swap3A_1035 = vector.shape_cast %and3A_1031 : vector<16xi32> to vector<16xi32>
        tpu.vector_store %arg12[%swap3A_1032], %swap3A_1035 {strides = array<i32>} : memref<128xi32, #tpu.memory_space<vmem>>, vector<16xi32>,
        %shift_right_logical3A_1036 = arith.constant 16 : i32
        %shift_right_logical3A_1037 = vector.broadcast %shift_right_logical3A_1036 : i32 to vector<16xi32>
        %shift_right_logical3A_1038 = arith.shrui %get3A_1028, %shift_right_logical3A_1037 : vector<16xi32>
        %swap3A_1039 = arith.constant 32 : index
        %swap3A_1040 = tpu.vector_load %arg16[%swap3A_1039] {strides = array<i32>} : memref<128xi32, #tpu.memory_space<vmem>>, vector<16xi32>,
        %swap3A_1041 = vector.shape_cast %swap3A_1040 : vector<16xi32> to vector<16xi32>
        %swap3A_1042 = vector.shape_cast %shift_right_logical3A_1038 : vector<16xi32> to vector<16xi32>
        tpu.vector_store %arg16[%swap3A_1039], %swap3A_1042 {strides = array<i32>} : memref<128xi32, #tpu.memory_space<vmem>>, vector<16xi32>,
        %get3A_1043 = arith.index_cast %add3A_988 : i32 to index
        %get3A_1044 = arith.constant 48 : index
        %get3A_1045 = tpu.vector_load %arg7[%get3A_1043, %get3A_1044] {strides = array<i32>} : memref<80x128xi32, #tpu.memory_space<vmem>>, vector<1x16xi32>,
        %get3A_1046 = vector.shape_cast %get3A_1045 : vector<1x16xi32> to vector<16xi32>
        %and3A_1047 = arith.constant 65535 : i32
        %and3A_1048 = vector.broadcast %and3A_1047 : i32 to vector<16xi32>
        %and3A_1049 = arith.andi %get3A_1046, %and3A_1048 : vector<16xi32>
        %swap3A_1050 = arith.constant 48 : index
        %swap3A_1051 = tpu.vector_load %arg12[%swap3A_1050] {strides = array<i32>} : memref<128xi32, #tpu.memory_space<vmem>>, vector<16xi32>,
        %swap3A_1052 = vector.shape_cast %swap3A_1051 : vector<16xi32> to vector<16xi32>
        %swap3A_1053 = vector.shape_cast %and3A_1049 : vector<16xi32> to vector<16xi32>
        tpu.vector_store %arg12[%swap3A_1050], %swap3A_1053 {strides = array<i32>} : memref<128xi32, #tpu.memory_space<vmem>>, vector<16xi32>,
        %shift_right_logical3A_1054 = arith.constant 16 : i32
        %shift_right_logical3A_1055 = vector.broadcast %shift_right_logical3A_1054 : i32 to vector<16xi32>
        %shift_right_logical3A_1056 = arith.shrui %get3A_1046, %shift_right_logical3A_1055 : vector<16xi32>
        %swap3A_1057 = arith.constant 48 : index
        %swap3A_1058 = tpu.vector_load %arg16[%swap3A_1057] {strides = array<i32>} : memref<128xi32, #tpu.memory_space<vmem>>, vector<16xi32>,
        %swap3A_1059 = vector.shape_cast %swap3A_1058 : vector<16xi32> to vector<16xi32>
        %swap3A_1060 = vector.shape_cast %shift_right_logical3A_1056 : vector<16xi32> to vector<16xi32>
        tpu.vector_store %arg16[%swap3A_1057], %swap3A_1060 {strides = array<i32>} : memref<128xi32, #tpu.memory_space<vmem>>, vector<16xi32>,
        %get3A_1061 = arith.index_cast %add3A_988 : i32 to index
        %get3A_1062 = arith.constant 64 : index
        %get3A_1063 = tpu.vector_load %arg7[%get3A_1061, %get3A_1062] {strides = array<i32>} : memref<80x128xi32, #tpu.memory_space<vmem>>, vector<1x16xi32>,
        %get3A_1064 = vector.shape_cast %get3A_1063 : vector<1x16xi32> to vector<16xi32>
        %and3A_1065 = arith.constant 65535 : i32
        %and3A_1066 = vector.broadcast %and3A_1065 : i32 to vector<16xi32>
        %and3A_1067 = arith.andi %get3A_1064, %and3A_1066 : vector<16xi32>
        %swap3A_1068 = arith.constant 64 : index
        %swap3A_1069 = tpu.vector_load %arg12[%swap3A_1068] {strides = array<i32>} : memref<128xi32, #tpu.memory_space<vmem>>, vector<16xi32>,
        %swap3A_1070 = vector.shape_cast %swap3A_1069 : vector<16xi32> to vector<16xi32>
        %swap3A_1071 = vector.shape_cast %and3A_1067 : vector<16xi32> to vector<16xi32>
        tpu.vector_store %arg12[%swap3A_1068], %swap3A_1071 {strides = array<i32>} : memref<128xi32, #tpu.memory_space<vmem>>, vector<16xi32>,
        %shift_right_logical3A_1072 = arith.constant 16 : i32
        %shift_right_logical3A_1073 = vector.broadcast %shift_right_logical3A_1072 : i32 to vector<16xi32>
        %shift_right_logical3A_1074 = arith.shrui %get3A_1064, %shift_right_logical3A_1073 : vector<16xi32>
        %swap3A_1075 = arith.constant 64 : index
        %swap3A_1076 = tpu.vector_load %arg16[%swap3A_1075] {strides = array<i32>} : memref<128xi32, #tpu.memory_space<vmem>>, vector<16xi32>,
        %swap3A_1077 = vector.shape_cast %swap3A_1076 : vector<16xi32> to vector<16xi32>
        %swap3A_1078 = vector.shape_cast %shift_right_logical3A_1074 : vector<16xi32> to vector<16xi32>
        tpu.vector_store %arg16[%swap3A_1075], %swap3A_1078 {strides = array<i32>} : memref<128xi32, #tpu.memory_space<vmem>>, vector<16xi32>,
        %get3A_1079 = arith.index_cast %add3A_988 : i32 to index
        %get3A_1080 = arith.constant 80 : index
        %get3A_1081 = tpu.vector_load %arg7[%get3A_1079, %get3A_1080] {strides = array<i32>} : memref<80x128xi32, #tpu.memory_space<vmem>>, vector<1x16xi32>,
        %get3A_1082 = vector.shape_cast %get3A_1081 : vector<1x16xi32> to vector<16xi32>
        %and3A_1083 = arith.constant 65535 : i32
        %and3A_1084 = vector.broadcast %and3A_1083 : i32 to vector<16xi32>
        %and3A_1085 = arith.andi %get3A_1082, %and3A_1084 : vector<16xi32>
        %swap3A_1086 = arith.constant 80 : index
        %swap3A_1087 = tpu.vector_load %arg12[%swap3A_1086] {strides = array<i32>} : memref<128xi32, #tpu.memory_space<vmem>>, vector<16xi32>,
        %swap3A_1088 = vector.shape_cast %swap3A_1087 : vector<16xi32> to vector<16xi32>
        %swap3A_1089 = vector.shape_cast %and3A_1085 : vector<16xi32> to vector<16xi32>
        tpu.vector_store %arg12[%swap3A_1086], %swap3A_1089 {strides = array<i32>} : memref<128xi32, #tpu.memory_space<vmem>>, vector<16xi32>,
        %shift_right_logical3A_1090 = arith.constant 16 : i32
        %shift_right_logical3A_1091 = vector.broadcast %shift_right_logical3A_1090 : i32 to vector<16xi32>
        %shift_right_logical3A_1092 = arith.shrui %get3A_1082, %shift_right_logical3A_1091 : vector<16xi32>
        %swap3A_1093 = arith.constant 80 : index
        %swap3A_1094 = tpu.vector_load %arg16[%swap3A_1093] {strides = array<i32>} : memref<128xi32, #tpu.memory_space<vmem>>, vector<16xi32>,
        %swap3A_1095 = vector.shape_cast %swap3A_1094 : vector<16xi32> to vector<16xi32>
        %swap3A_1096 = vector.shape_cast %shift_right_logical3A_1092 : vector<16xi32> to vector<16xi32>
        tpu.vector_store %arg16[%swap3A_1093], %swap3A_1096 {strides = array<i32>} : memref<128xi32, #tpu.memory_space<vmem>>, vector<16xi32>,
        %get3A_1097 = arith.index_cast %add3A_988 : i32 to index
        %get3A_1098 = arith.constant 96 : index
        %get3A_1099 = tpu.vector_load %arg7[%get3A_1097, %get3A_1098] {strides = array<i32>} : memref<80x128xi32, #tpu.memory_space<vmem>>, vector<1x16xi32>,
        %get3A_1100 = vector.shape_cast %get3A_1099 : vector<1x16xi32> to vector<16xi32>
        %and3A_1101 = arith.constant 65535 : i32
        %and3A_1102 = vector.broadcast %and3A_1101 : i32 to vector<16xi32>
        %and3A_1103 = arith.andi %get3A_1100, %and3A_1102 : vector<16xi32>
        %swap3A_1104 = arith.constant 96 : index
        %swap3A_1105 = tpu.vector_load %arg12[%swap3A_1104] {strides = array<i32>} : memref<128xi32, #tpu.memory_space<vmem>>, vector<16xi32>,
        %swap3A_1106 = vector.shape_cast %swap3A_1105 : vector<16xi32> to vector<16xi32>
        %swap3A_1107 = vector.shape_cast %and3A_1103 : vector<16xi32> to vector<16xi32>
        tpu.vector_store %arg12[%swap3A_1104], %swap3A_1107 {strides = array<i32>} : memref<128xi32, #tpu.memory_space<vmem>>, vector<16xi32>,
        %shift_right_logical3A_1108 = arith.constant 16 : i32
        %shift_right_logical3A_1109 = vector.broadcast %shift_right_logical3A_1108 : i32 to vector<16xi32>
        %shift_right_logical3A_1110 = arith.shrui %get3A_1100, %shift_right_logical3A_1109 : vector<16xi32>
        %swap3A_1111 = arith.constant 96 : index
        %swap3A_1112 = tpu.vector_load %arg16[%swap3A_1111] {strides = array<i32>} : memref<128xi32, #tpu.memory_space<vmem>>, vector<16xi32>,
        %swap3A_1113 = vector.shape_cast %swap3A_1112 : vector<16xi32> to vector<16xi32>
        %swap3A_1114 = vector.shape_cast %shift_right_logical3A_1110 : vector<16xi32> to vector<16xi32>
        tpu.vector_store %arg16[%swap3A_1111], %swap3A_1114 {strides = array<i32>} : memref<128xi32, #tpu.memory_space<vmem>>, vector<16xi32>,
        %get3A_1115 = arith.index_cast %add3A_988 : i32 to index
        %get3A_1116 = arith.constant 112 : index
        %get3A_1117 = tpu.vector_load %arg7[%get3A_1115, %get3A_1116] {strides = array<i32>} : memref<80x128xi32, #tpu.memory_space<vmem>>, vector<1x16xi32>,
        %get3A_1118 = vector.shape_cast %get3A_1117 : vector<1x16xi32> to vector<16xi32>
        %and3A_1119 = arith.constant 65535 : i32
        %and3A_1120 = vector.broadcast %and3A_1119 : i32 to vector<16xi32>
        %and3A_1121 = arith.andi %get3A_1118, %and3A_1120 : vector<16xi32>
        %swap3A_1122 = arith.constant 112 : index
        %swap3A_1123 = tpu.vector_load %arg12[%swap3A_1122] {strides = array<i32>} : memref<128xi32, #tpu.memory_space<vmem>>, vector<16xi32>,
        %swap3A_1124 = vector.shape_cast %swap3A_1123 : vector<16xi32> to vector<16xi32>
        %swap3A_1125 = vector.shape_cast %and3A_1121 : vector<16xi32> to vector<16xi32>
        tpu.vector_store %arg12[%swap3A_1122], %swap3A_1125 {strides = array<i32>} : memref<128xi32, #tpu.memory_space<vmem>>, vector<16xi32>,
        %shift_right_logical3A_1126 = arith.constant 16 : i32
        %shift_right_logical3A_1127 = vector.broadcast %shift_right_logical3A_1126 : i32 to vector<16xi32>
        %shift_right_logical3A_1128 = arith.shrui %get3A_1118, %shift_right_logical3A_1127 : vector<16xi32>
        %swap3A_1129 = arith.constant 112 : index
        %swap3A_1130 = tpu.vector_load %arg16[%swap3A_1129] {strides = array<i32>} : memref<128xi32, #tpu.memory_space<vmem>>, vector<16xi32>,
        %swap3A_1131 = vector.shape_cast %swap3A_1130 : vector<16xi32> to vector<16xi32>
        %swap3A_1132 = vector.shape_cast %shift_right_logical3A_1128 : vector<16xi32> to vector<16xi32>
        tpu.vector_store %arg16[%swap3A_1129], %swap3A_1132 {strides = array<i32>} : memref<128xi32, #tpu.memory_space<vmem>>, vector<16xi32>,
      } else {
      }
      %mul3A_937 = arith.constant 2 : i32
      %mul3A_938 = arith.muli %scan3A_889, %mul3A_937 : i32
      %mul3A_939 = arith.constant 2 : i32
      %mul3A_940 = arith.muli %mul3A_938, %mul3A_939 : i32
      %add3A_941 = arith.constant 2 : i32
      %add3A_942 = arith.addi %mul3A_940, %add3A_941 : i32
      %add3A_943 = arith.constant 0 : i32
      %add3A_944 = arith.addi %add3A_942, %add3A_943 : i32
      %dma_wait3A_945 = arith.constant 0 : i32
      %dma_wait3A_946 = arith.constant 0 : i32
      %dma_wait3A_947 = tpu.memref_slice %arg2[%dma_wait3A_945, %dma_wait3A_946] : memref<10112x128xf32, #tpu.memory_space<hbm>> -> memref<10112x128xf32, #tpu.memory_space<hbm>>
      tpu.wait_indirect_dma semaphore(%arg18 : memref<!tpu.dma_semaphore, #tpu.memory_space<semaphore_mem>>) src(%dma_wait3A_947 : memref<10112x128xf32, #tpu.memory_space<hbm>>) dst(%arg8 : memref<128x128xf32, #tpu.memory_space<vmem>>)
      "tpu.region"() ({
        %run_scoped3A = tpu.sem_alloc : memref<!tpu.dma_semaphore, #tpu.memory_space<semaphore_mem>>
        %dma_start3A_987 = arith.constant 0 : i32
        %dma_start3A_988 = arith.constant 0 : i32
        %dma_start3A_989 = tpu.memref_slice %arg6[%dma_start3A_987, %dma_start3A_988] : memref<10112x128xf32, #tpu.memory_space<vmem_shared>> -> memref<10112x128xf32, #tpu.memory_space<vmem_shared>>
        tpu.enqueue_indirect_dma source(%arg8 : memref<128x128xf32, #tpu.memory_space<vmem>>) target(%dma_start3A_989 : memref<10112x128xf32, #tpu.memory_space<vmem_shared>>) offsets(%arg15 : memref<128xi32, #tpu.memory_space<vmem>>) semaphore(%run_scoped3A : memref<!tpu.dma_semaphore, #tpu.memory_space<semaphore_mem>>) {add = true}
        %dma_wait3A_990 = arith.constant 0 : i32
        %dma_wait3A_991 = arith.constant 0 : i32
        %dma_wait3A_992 = tpu.memref_slice %arg6[%dma_wait3A_990, %dma_wait3A_991] : memref<10112x128xf32, #tpu.memory_space<vmem_shared>> -> memref<10112x128xf32, #tpu.memory_space<vmem_shared>>
        tpu.wait_indirect_dma semaphore(%run_scoped3A : memref<!tpu.dma_semaphore, #tpu.memory_space<semaphore_mem>>) src(%arg8 : memref<128x128xf32, #tpu.memory_space<vmem>>) dst(%dma_wait3A_992 : memref<10112x128xf32, #tpu.memory_space<vmem_shared>>)
        tpu.yield
      }) : () -> ()
      %add3A_948 = arith.constant 2 : i32
      %add3A_949 = arith.addi %add3A_944, %add3A_948 : i32
      %lt3A_950 = arith.constant 80 : i32
      %lt3A_951 = arith.cmpi slt, %add3A_949, %lt3A_950 : i32
      %convert_element_type3A_952 = arith.extui %lt3A_951 : i1 to i32
      %cond3A_953 = arith.constant 0 : i32
      %cond3A_954 = arith.cmpi ne, %convert_element_type3A_952, %cond3A_953 : i32
      scf.if %cond3A_954 {
        %dma_start3A_987 = arith.constant 0 : i32
        %dma_start3A_988 = arith.constant 0 : i32
        %dma_start3A_989 = tpu.memref_slice %arg2[%dma_start3A_987, %dma_start3A_988] : memref<10112x128xf32, #tpu.memory_space<hbm>> -> memref<10112x128xf32, #tpu.memory_space<hbm>>
        tpu.enqueue_indirect_dma source(%dma_start3A_989 : memref<10112x128xf32, #tpu.memory_space<hbm>>) target(%arg8 : memref<128x128xf32, #tpu.memory_space<vmem>>) offsets(%arg10 : memref<128xi32, #tpu.memory_space<vmem>>) semaphore(%arg18 : memref<!tpu.dma_semaphore, #tpu.memory_space<semaphore_mem>>)
      } else {
      }
      %add3A_955 = arith.constant 4 : i32
      %add3A_956 = arith.addi %add3A_944, %add3A_955 : i32
      %lt3A_957 = arith.constant 80 : i32
      %lt3A_958 = arith.cmpi slt, %add3A_956, %lt3A_957 : i32
      %convert_element_type3A_959 = arith.extui %lt3A_958 : i1 to i32
      %cond3A_960 = arith.constant 0 : i32
      %cond3A_961 = arith.cmpi ne, %convert_element_type3A_959, %cond3A_960 : i32
      scf.if %cond3A_961 {
        %add3A_987 = arith.constant 4 : i32
        %add3A_988 = arith.addi %add3A_944, %add3A_987 : i32
        %get3A_989 = arith.index_cast %add3A_988 : i32 to index
        %get3A_990 = arith.constant 0 : index
        %get3A_991 = tpu.vector_load %arg7[%get3A_989, %get3A_990] {strides = array<i32>} : memref<80x128xi32, #tpu.memory_space<vmem>>, vector<1x16xi32>,
        %get3A_992 = vector.shape_cast %get3A_991 : vector<1x16xi32> to vector<16xi32>
        %and3A_993 = arith.constant 65535 : i32
        %and3A_994 = vector.broadcast %and3A_993 : i32 to vector<16xi32>
        %and3A_995 = arith.andi %get3A_992, %and3A_994 : vector<16xi32>
        %swap3A_996 = arith.constant 0 : index
        %swap3A_997 = tpu.vector_load %arg11[%swap3A_996] {strides = array<i32>} : memref<128xi32, #tpu.memory_space<vmem>>, vector<16xi32>,
        %swap3A_998 = vector.shape_cast %swap3A_997 : vector<16xi32> to vector<16xi32>
        %swap3A_999 = vector.shape_cast %and3A_995 : vector<16xi32> to vector<16xi32>
        tpu.vector_store %arg11[%swap3A_996], %swap3A_999 {strides = array<i32>} : memref<128xi32, #tpu.memory_space<vmem>>, vector<16xi32>,
        %shift_right_logical3A_1000 = arith.constant 16 : i32
        %shift_right_logical3A_1001 = vector.broadcast %shift_right_logical3A_1000 : i32 to vector<16xi32>
        %shift_right_logical3A_1002 = arith.shrui %get3A_992, %shift_right_logical3A_1001 : vector<16xi32>
        %swap3A_1003 = arith.constant 0 : index
        %swap3A_1004 = tpu.vector_load %arg15[%swap3A_1003] {strides = array<i32>} : memref<128xi32, #tpu.memory_space<vmem>>, vector<16xi32>,
        %swap3A_1005 = vector.shape_cast %swap3A_1004 : vector<16xi32> to vector<16xi32>
        %swap3A_1006 = vector.shape_cast %shift_right_logical3A_1002 : vector<16xi32> to vector<16xi32>
        tpu.vector_store %arg15[%swap3A_1003], %swap3A_1006 {strides = array<i32>} : memref<128xi32, #tpu.memory_space<vmem>>, vector<16xi32>,
        %get3A_1007 = arith.index_cast %add3A_988 : i32 to index
        %get3A_1008 = arith.constant 16 : index
        %get3A_1009 = tpu.vector_load %arg7[%get3A_1007, %get3A_1008] {strides = array<i32>} : memref<80x128xi32, #tpu.memory_space<vmem>>, vector<1x16xi32>,
        %get3A_1010 = vector.shape_cast %get3A_1009 : vector<1x16xi32> to vector<16xi32>
        %and3A_1011 = arith.constant 65535 : i32
        %and3A_1012 = vector.broadcast %and3A_1011 : i32 to vector<16xi32>
        %and3A_1013 = arith.andi %get3A_1010, %and3A_1012 : vector<16xi32>
        %swap3A_1014 = arith.constant 16 : index
        %swap3A_1015 = tpu.vector_load %arg11[%swap3A_1014] {strides = array<i32>} : memref<128xi32, #tpu.memory_space<vmem>>, vector<16xi32>,
        %swap3A_1016 = vector.shape_cast %swap3A_1015 : vector<16xi32> to vector<16xi32>
        %swap3A_1017 = vector.shape_cast %and3A_1013 : vector<16xi32> to vector<16xi32>
        tpu.vector_store %arg11[%swap3A_1014], %swap3A_1017 {strides = array<i32>} : memref<128xi32, #tpu.memory_space<vmem>>, vector<16xi32>,
        %shift_right_logical3A_1018 = arith.constant 16 : i32
        %shift_right_logical3A_1019 = vector.broadcast %shift_right_logical3A_1018 : i32 to vector<16xi32>
        %shift_right_logical3A_1020 = arith.shrui %get3A_1010, %shift_right_logical3A_1019 : vector<16xi32>
        %swap3A_1021 = arith.constant 16 : index
        %swap3A_1022 = tpu.vector_load %arg15[%swap3A_1021] {strides = array<i32>} : memref<128xi32, #tpu.memory_space<vmem>>, vector<16xi32>,
        %swap3A_1023 = vector.shape_cast %swap3A_1022 : vector<16xi32> to vector<16xi32>
        %swap3A_1024 = vector.shape_cast %shift_right_logical3A_1020 : vector<16xi32> to vector<16xi32>
        tpu.vector_store %arg15[%swap3A_1021], %swap3A_1024 {strides = array<i32>} : memref<128xi32, #tpu.memory_space<vmem>>, vector<16xi32>,
        %get3A_1025 = arith.index_cast %add3A_988 : i32 to index
        %get3A_1026 = arith.constant 32 : index
        %get3A_1027 = tpu.vector_load %arg7[%get3A_1025, %get3A_1026] {strides = array<i32>} : memref<80x128xi32, #tpu.memory_space<vmem>>, vector<1x16xi32>,
        %get3A_1028 = vector.shape_cast %get3A_1027 : vector<1x16xi32> to vector<16xi32>
        %and3A_1029 = arith.constant 65535 : i32
        %and3A_1030 = vector.broadcast %and3A_1029 : i32 to vector<16xi32>
        %and3A_1031 = arith.andi %get3A_1028, %and3A_1030 : vector<16xi32>
        %swap3A_1032 = arith.constant 32 : index
        %swap3A_1033 = tpu.vector_load %arg11[%swap3A_1032] {strides = array<i32>} : memref<128xi32, #tpu.memory_space<vmem>>, vector<16xi32>,
        %swap3A_1034 = vector.shape_cast %swap3A_1033 : vector<16xi32> to vector<16xi32>
        %swap3A_1035 = vector.shape_cast %and3A_1031 : vector<16xi32> to vector<16xi32>
        tpu.vector_store %arg11[%swap3A_1032], %swap3A_1035 {strides = array<i32>} : memref<128xi32, #tpu.memory_space<vmem>>, vector<16xi32>,
        %shift_right_logical3A_1036 = arith.constant 16 : i32
        %shift_right_logical3A_1037 = vector.broadcast %shift_right_logical3A_1036 : i32 to vector<16xi32>
        %shift_right_logical3A_1038 = arith.shrui %get3A_1028, %shift_right_logical3A_1037 : vector<16xi32>
        %swap3A_1039 = arith.constant 32 : index
        %swap3A_1040 = tpu.vector_load %arg15[%swap3A_1039] {strides = array<i32>} : memref<128xi32, #tpu.memory_space<vmem>>, vector<16xi32>,
        %swap3A_1041 = vector.shape_cast %swap3A_1040 : vector<16xi32> to vector<16xi32>
        %swap3A_1042 = vector.shape_cast %shift_right_logical3A_1038 : vector<16xi32> to vector<16xi32>
        tpu.vector_store %arg15[%swap3A_1039], %swap3A_1042 {strides = array<i32>} : memref<128xi32, #tpu.memory_space<vmem>>, vector<16xi32>,
        %get3A_1043 = arith.index_cast %add3A_988 : i32 to index
        %get3A_1044 = arith.constant 48 : index
        %get3A_1045 = tpu.vector_load %arg7[%get3A_1043, %get3A_1044] {strides = array<i32>} : memref<80x128xi32, #tpu.memory_space<vmem>>, vector<1x16xi32>,
        %get3A_1046 = vector.shape_cast %get3A_1045 : vector<1x16xi32> to vector<16xi32>
        %and3A_1047 = arith.constant 65535 : i32
        %and3A_1048 = vector.broadcast %and3A_1047 : i32 to vector<16xi32>
        %and3A_1049 = arith.andi %get3A_1046, %and3A_1048 : vector<16xi32>
        %swap3A_1050 = arith.constant 48 : index
        %swap3A_1051 = tpu.vector_load %arg11[%swap3A_1050] {strides = array<i32>} : memref<128xi32, #tpu.memory_space<vmem>>, vector<16xi32>,
        %swap3A_1052 = vector.shape_cast %swap3A_1051 : vector<16xi32> to vector<16xi32>
        %swap3A_1053 = vector.shape_cast %and3A_1049 : vector<16xi32> to vector<16xi32>
        tpu.vector_store %arg11[%swap3A_1050], %swap3A_1053 {strides = array<i32>} : memref<128xi32, #tpu.memory_space<vmem>>, vector<16xi32>,
        %shift_right_logical3A_1054 = arith.constant 16 : i32
        %shift_right_logical3A_1055 = vector.broadcast %shift_right_logical3A_1054 : i32 to vector<16xi32>
        %shift_right_logical3A_1056 = arith.shrui %get3A_1046, %shift_right_logical3A_1055 : vector<16xi32>
        %swap3A_1057 = arith.constant 48 : index
        %swap3A_1058 = tpu.vector_load %arg15[%swap3A_1057] {strides = array<i32>} : memref<128xi32, #tpu.memory_space<vmem>>, vector<16xi32>,
        %swap3A_1059 = vector.shape_cast %swap3A_1058 : vector<16xi32> to vector<16xi32>
        %swap3A_1060 = vector.shape_cast %shift_right_logical3A_1056 : vector<16xi32> to vector<16xi32>
        tpu.vector_store %arg15[%swap3A_1057], %swap3A_1060 {strides = array<i32>} : memref<128xi32, #tpu.memory_space<vmem>>, vector<16xi32>,
        %get3A_1061 = arith.index_cast %add3A_988 : i32 to index
        %get3A_1062 = arith.constant 64 : index
        %get3A_1063 = tpu.vector_load %arg7[%get3A_1061, %get3A_1062] {strides = array<i32>} : memref<80x128xi32, #tpu.memory_space<vmem>>, vector<1x16xi32>,
        %get3A_1064 = vector.shape_cast %get3A_1063 : vector<1x16xi32> to vector<16xi32>
        %and3A_1065 = arith.constant 65535 : i32
        %and3A_1066 = vector.broadcast %and3A_1065 : i32 to vector<16xi32>
        %and3A_1067 = arith.andi %get3A_1064, %and3A_1066 : vector<16xi32>
        %swap3A_1068 = arith.constant 64 : index
        %swap3A_1069 = tpu.vector_load %arg11[%swap3A_1068] {strides = array<i32>} : memref<128xi32, #tpu.memory_space<vmem>>, vector<16xi32>,
        %swap3A_1070 = vector.shape_cast %swap3A_1069 : vector<16xi32> to vector<16xi32>
        %swap3A_1071 = vector.shape_cast %and3A_1067 : vector<16xi32> to vector<16xi32>
        tpu.vector_store %arg11[%swap3A_1068], %swap3A_1071 {strides = array<i32>} : memref<128xi32, #tpu.memory_space<vmem>>, vector<16xi32>,
        %shift_right_logical3A_1072 = arith.constant 16 : i32
        %shift_right_logical3A_1073 = vector.broadcast %shift_right_logical3A_1072 : i32 to vector<16xi32>
        %shift_right_logical3A_1074 = arith.shrui %get3A_1064, %shift_right_logical3A_1073 : vector<16xi32>
        %swap3A_1075 = arith.constant 64 : index
        %swap3A_1076 = tpu.vector_load %arg15[%swap3A_1075] {strides = array<i32>} : memref<128xi32, #tpu.memory_space<vmem>>, vector<16xi32>,
        %swap3A_1077 = vector.shape_cast %swap3A_1076 : vector<16xi32> to vector<16xi32>
        %swap3A_1078 = vector.shape_cast %shift_right_logical3A_1074 : vector<16xi32> to vector<16xi32>
        tpu.vector_store %arg15[%swap3A_1075], %swap3A_1078 {strides = array<i32>} : memref<128xi32, #tpu.memory_space<vmem>>, vector<16xi32>,
        %get3A_1079 = arith.index_cast %add3A_988 : i32 to index
        %get3A_1080 = arith.constant 80 : index
        %get3A_1081 = tpu.vector_load %arg7[%get3A_1079, %get3A_1080] {strides = array<i32>} : memref<80x128xi32, #tpu.memory_space<vmem>>, vector<1x16xi32>,
        %get3A_1082 = vector.shape_cast %get3A_1081 : vector<1x16xi32> to vector<16xi32>
        %and3A_1083 = arith.constant 65535 : i32
        %and3A_1084 = vector.broadcast %and3A_1083 : i32 to vector<16xi32>
        %and3A_1085 = arith.andi %get3A_1082, %and3A_1084 : vector<16xi32>
        %swap3A_1086 = arith.constant 80 : index
        %swap3A_1087 = tpu.vector_load %arg11[%swap3A_1086] {strides = array<i32>} : memref<128xi32, #tpu.memory_space<vmem>>, vector<16xi32>,
        %swap3A_1088 = vector.shape_cast %swap3A_1087 : vector<16xi32> to vector<16xi32>
        %swap3A_1089 = vector.shape_cast %and3A_1085 : vector<16xi32> to vector<16xi32>
        tpu.vector_store %arg11[%swap3A_1086], %swap3A_1089 {strides = array<i32>} : memref<128xi32, #tpu.memory_space<vmem>>, vector<16xi32>,
        %shift_right_logical3A_1090 = arith.constant 16 : i32
        %shift_right_logical3A_1091 = vector.broadcast %shift_right_logical3A_1090 : i32 to vector<16xi32>
        %shift_right_logical3A_1092 = arith.shrui %get3A_1082, %shift_right_logical3A_1091 : vector<16xi32>
        %swap3A_1093 = arith.constant 80 : index
        %swap3A_1094 = tpu.vector_load %arg15[%swap3A_1093] {strides = array<i32>} : memref<128xi32, #tpu.memory_space<vmem>>, vector<16xi32>,
        %swap3A_1095 = vector.shape_cast %swap3A_1094 : vector<16xi32> to vector<16xi32>
        %swap3A_1096 = vector.shape_cast %shift_right_logical3A_1092 : vector<16xi32> to vector<16xi32>
        tpu.vector_store %arg15[%swap3A_1093], %swap3A_1096 {strides = array<i32>} : memref<128xi32, #tpu.memory_space<vmem>>, vector<16xi32>,
        %get3A_1097 = arith.index_cast %add3A_988 : i32 to index
        %get3A_1098 = arith.constant 96 : index
        %get3A_1099 = tpu.vector_load %arg7[%get3A_1097, %get3A_1098] {strides = array<i32>} : memref<80x128xi32, #tpu.memory_space<vmem>>, vector<1x16xi32>,
        %get3A_1100 = vector.shape_cast %get3A_1099 : vector<1x16xi32> to vector<16xi32>
        %and3A_1101 = arith.constant 65535 : i32
        %and3A_1102 = vector.broadcast %and3A_1101 : i32 to vector<16xi32>
        %and3A_1103 = arith.andi %get3A_1100, %and3A_1102 : vector<16xi32>
        %swap3A_1104 = arith.constant 96 : index
        %swap3A_1105 = tpu.vector_load %arg11[%swap3A_1104] {strides = array<i32>} : memref<128xi32, #tpu.memory_space<vmem>>, vector<16xi32>,
        %swap3A_1106 = vector.shape_cast %swap3A_1105 : vector<16xi32> to vector<16xi32>
        %swap3A_1107 = vector.shape_cast %and3A_1103 : vector<16xi32> to vector<16xi32>
        tpu.vector_store %arg11[%swap3A_1104], %swap3A_1107 {strides = array<i32>} : memref<128xi32, #tpu.memory_space<vmem>>, vector<16xi32>,
        %shift_right_logical3A_1108 = arith.constant 16 : i32
        %shift_right_logical3A_1109 = vector.broadcast %shift_right_logical3A_1108 : i32 to vector<16xi32>
        %shift_right_logical3A_1110 = arith.shrui %get3A_1100, %shift_right_logical3A_1109 : vector<16xi32>
        %swap3A_1111 = arith.constant 96 : index
        %swap3A_1112 = tpu.vector_load %arg15[%swap3A_1111] {strides = array<i32>} : memref<128xi32, #tpu.memory_space<vmem>>, vector<16xi32>,
        %swap3A_1113 = vector.shape_cast %swap3A_1112 : vector<16xi32> to vector<16xi32>
        %swap3A_1114 = vector.shape_cast %shift_right_logical3A_1110 : vector<16xi32> to vector<16xi32>
        tpu.vector_store %arg15[%swap3A_1111], %swap3A_1114 {strides = array<i32>} : memref<128xi32, #tpu.memory_space<vmem>>, vector<16xi32>,
        %get3A_1115 = arith.index_cast %add3A_988 : i32 to index
        %get3A_1116 = arith.constant 112 : index
        %get3A_1117 = tpu.vector_load %arg7[%get3A_1115, %get3A_1116] {strides = array<i32>} : memref<80x128xi32, #tpu.memory_space<vmem>>, vector<1x16xi32>,
        %get3A_1118 = vector.shape_cast %get3A_1117 : vector<1x16xi32> to vector<16xi32>
        %and3A_1119 = arith.constant 65535 : i32
        %and3A_1120 = vector.broadcast %and3A_1119 : i32 to vector<16xi32>
        %and3A_1121 = arith.andi %get3A_1118, %and3A_1120 : vector<16xi32>
        %swap3A_1122 = arith.constant 112 : index
        %swap3A_1123 = tpu.vector_load %arg11[%swap3A_1122] {strides = array<i32>} : memref<128xi32, #tpu.memory_space<vmem>>, vector<16xi32>,
        %swap3A_1124 = vector.shape_cast %swap3A_1123 : vector<16xi32> to vector<16xi32>
        %swap3A_1125 = vector.shape_cast %and3A_1121 : vector<16xi32> to vector<16xi32>
        tpu.vector_store %arg11[%swap3A_1122], %swap3A_1125 {strides = array<i32>} : memref<128xi32, #tpu.memory_space<vmem>>, vector<16xi32>,
        %shift_right_logical3A_1126 = arith.constant 16 : i32
        %shift_right_logical3A_1127 = vector.broadcast %shift_right_logical3A_1126 : i32 to vector<16xi32>
        %shift_right_logical3A_1128 = arith.shrui %get3A_1118, %shift_right_logical3A_1127 : vector<16xi32>
        %swap3A_1129 = arith.constant 112 : index
        %swap3A_1130 = tpu.vector_load %arg15[%swap3A_1129] {strides = array<i32>} : memref<128xi32, #tpu.memory_space<vmem>>, vector<16xi32>,
        %swap3A_1131 = vector.shape_cast %swap3A_1130 : vector<16xi32> to vector<16xi32>
        %swap3A_1132 = vector.shape_cast %shift_right_logical3A_1128 : vector<16xi32> to vector<16xi32>
        tpu.vector_store %arg15[%swap3A_1129], %swap3A_1132 {strides = array<i32>} : memref<128xi32, #tpu.memory_space<vmem>>, vector<16xi32>,
      } else {
      }
      %mul3A_962 = arith.constant 2 : i32
      %mul3A_963 = arith.muli %scan3A_889, %mul3A_962 : i32
      %mul3A_964 = arith.constant 2 : i32
      %mul3A_965 = arith.muli %mul3A_963, %mul3A_964 : i32
      %add3A_966 = arith.constant 2 : i32
      %add3A_967 = arith.addi %mul3A_965, %add3A_966 : i32
      %add3A_968 = arith.constant 1 : i32
      %add3A_969 = arith.addi %add3A_967, %add3A_968 : i32
      %dma_wait3A_970 = arith.constant 0 : i32
      %dma_wait3A_971 = arith.constant 0 : i32
      %dma_wait3A_972 = tpu.memref_slice %arg2[%dma_wait3A_970, %dma_wait3A_971] : memref<10112x128xf32, #tpu.memory_space<hbm>> -> memref<10112x128xf32, #tpu.memory_space<hbm>>
      tpu.wait_indirect_dma semaphore(%arg19 : memref<!tpu.dma_semaphore, #tpu.memory_space<semaphore_mem>>) src(%dma_wait3A_972 : memref<10112x128xf32, #tpu.memory_space<hbm>>) dst(%arg9 : memref<128x128xf32, #tpu.memory_space<vmem>>)
      "tpu.region"() ({
        %run_scoped3A = tpu.sem_alloc : memref<!tpu.dma_semaphore, #tpu.memory_space<semaphore_mem>>
        %dma_start3A_987 = arith.constant 0 : i32
        %dma_start3A_988 = arith.constant 0 : i32
        %dma_start3A_989 = tpu.memref_slice %arg6[%dma_start3A_987, %dma_start3A_988] : memref<10112x128xf32, #tpu.memory_space<vmem_shared>> -> memref<10112x128xf32, #tpu.memory_space<vmem_shared>>
        tpu.enqueue_indirect_dma source(%arg9 : memref<128x128xf32, #tpu.memory_space<vmem>>) target(%dma_start3A_989 : memref<10112x128xf32, #tpu.memory_space<vmem_shared>>) offsets(%arg17 : memref<128xi32, #tpu.memory_space<vmem>>) semaphore(%run_scoped3A : memref<!tpu.dma_semaphore, #tpu.memory_space<semaphore_mem>>) {add = true}
        %dma_wait3A_990 = arith.constant 0 : i32
        %dma_wait3A_991 = arith.constant 0 : i32
        %dma_wait3A_992 = tpu.memref_slice %arg6[%dma_wait3A_990, %dma_wait3A_991] : memref<10112x128xf32, #tpu.memory_space<vmem_shared>> -> memref<10112x128xf32, #tpu.memory_space<vmem_shared>>
        tpu.wait_indirect_dma semaphore(%run_scoped3A : memref<!tpu.dma_semaphore, #tpu.memory_space<semaphore_mem>>) src(%arg9 : memref<128x128xf32, #tpu.memory_space<vmem>>) dst(%dma_wait3A_992 : memref<10112x128xf32, #tpu.memory_space<vmem_shared>>)
        tpu.yield
      }) : () -> ()
      %add3A_973 = arith.constant 2 : i32
      %add3A_974 = arith.addi %add3A_969, %add3A_973 : i32
      %lt3A_975 = arith.constant 80 : i32
      %lt3A_976 = arith.cmpi slt, %add3A_974, %lt3A_975 : i32
      %convert_element_type3A_977 = arith.extui %lt3A_976 : i1 to i32
      %cond3A_978 = arith.constant 0 : i32
      %cond3A_979 = arith.cmpi ne, %convert_element_type3A_977, %cond3A_978 : i32
      scf.if %cond3A_979 {
        %dma_start3A_987 = arith.constant 0 : i32
        %dma_start3A_988 = arith.constant 0 : i32
        %dma_start3A_989 = tpu.memref_slice %arg2[%dma_start3A_987, %dma_start3A_988] : memref<10112x128xf32, #tpu.memory_space<hbm>> -> memref<10112x128xf32, #tpu.memory_space<hbm>>
        tpu.enqueue_indirect_dma source(%dma_start3A_989 : memref<10112x128xf32, #tpu.memory_space<hbm>>) target(%arg9 : memref<128x128xf32, #tpu.memory_space<vmem>>) offsets(%arg12 : memref<128xi32, #tpu.memory_space<vmem>>) semaphore(%arg19 : memref<!tpu.dma_semaphore, #tpu.memory_space<semaphore_mem>>)
      } else {
      }
      %add3A_980 = arith.constant 4 : i32
      %add3A_981 = arith.addi %add3A_969, %add3A_980 : i32
      %lt3A_982 = arith.constant 80 : i32
      %lt3A_983 = arith.cmpi slt, %add3A_981, %lt3A_982 : i32
      %convert_element_type3A_984 = arith.extui %lt3A_983 : i1 to i32
      %cond3A_985 = arith.constant 0 : i32
      %cond3A_986 = arith.cmpi ne, %convert_element_type3A_984, %cond3A_985 : i32
      scf.if %cond3A_986 {
        %add3A_987 = arith.constant 4 : i32
        %add3A_988 = arith.addi %add3A_969, %add3A_987 : i32
        %get3A_989 = arith.index_cast %add3A_988 : i32 to index
        %get3A_990 = arith.constant 0 : index
        %get3A_991 = tpu.vector_load %arg7[%get3A_989, %get3A_990] {strides = array<i32>} : memref<80x128xi32, #tpu.memory_space<vmem>>, vector<1x16xi32>,
        %get3A_992 = vector.shape_cast %get3A_991 : vector<1x16xi32> to vector<16xi32>
        %and3A_993 = arith.constant 65535 : i32
        %and3A_994 = vector.broadcast %and3A_993 : i32 to vector<16xi32>
        %and3A_995 = arith.andi %get3A_992, %and3A_994 : vector<16xi32>
        %swap3A_996 = arith.constant 0 : index
        %swap3A_997 = tpu.vector_load %arg13[%swap3A_996] {strides = array<i32>} : memref<128xi32, #tpu.memory_space<vmem>>, vector<16xi32>,
        %swap3A_998 = vector.shape_cast %swap3A_997 : vector<16xi32> to vector<16xi32>
        %swap3A_999 = vector.shape_cast %and3A_995 : vector<16xi32> to vector<16xi32>
        tpu.vector_store %arg13[%swap3A_996], %swap3A_999 {strides = array<i32>} : memref<128xi32, #tpu.memory_space<vmem>>, vector<16xi32>,
        %shift_right_logical3A_1000 = arith.constant 16 : i32
        %shift_right_logical3A_1001 = vector.broadcast %shift_right_logical3A_1000 : i32 to vector<16xi32>
        %shift_right_logical3A_1002 = arith.shrui %get3A_992, %shift_right_logical3A_1001 : vector<16xi32>
        %swap3A_1003 = arith.constant 0 : index
        %swap3A_1004 = tpu.vector_load %arg17[%swap3A_1003] {strides = array<i32>} : memref<128xi32, #tpu.memory_space<vmem>>, vector<16xi32>,
        %swap3A_1005 = vector.shape_cast %swap3A_1004 : vector<16xi32> to vector<16xi32>
        %swap3A_1006 = vector.shape_cast %shift_right_logical3A_1002 : vector<16xi32> to vector<16xi32>
        tpu.vector_store %arg17[%swap3A_1003], %swap3A_1006 {strides = array<i32>} : memref<128xi32, #tpu.memory_space<vmem>>, vector<16xi32>,
        %get3A_1007 = arith.index_cast %add3A_988 : i32 to index
        %get3A_1008 = arith.constant 16 : index
        %get3A_1009 = tpu.vector_load %arg7[%get3A_1007, %get3A_1008] {strides = array<i32>} : memref<80x128xi32, #tpu.memory_space<vmem>>, vector<1x16xi32>,
        %get3A_1010 = vector.shape_cast %get3A_1009 : vector<1x16xi32> to vector<16xi32>
        %and3A_1011 = arith.constant 65535 : i32
        %and3A_1012 = vector.broadcast %and3A_1011 : i32 to vector<16xi32>
        %and3A_1013 = arith.andi %get3A_1010, %and3A_1012 : vector<16xi32>
        %swap3A_1014 = arith.constant 16 : index
        %swap3A_1015 = tpu.vector_load %arg13[%swap3A_1014] {strides = array<i32>} : memref<128xi32, #tpu.memory_space<vmem>>, vector<16xi32>,
        %swap3A_1016 = vector.shape_cast %swap3A_1015 : vector<16xi32> to vector<16xi32>
        %swap3A_1017 = vector.shape_cast %and3A_1013 : vector<16xi32> to vector<16xi32>
        tpu.vector_store %arg13[%swap3A_1014], %swap3A_1017 {strides = array<i32>} : memref<128xi32, #tpu.memory_space<vmem>>, vector<16xi32>,
        %shift_right_logical3A_1018 = arith.constant 16 : i32
        %shift_right_logical3A_1019 = vector.broadcast %shift_right_logical3A_1018 : i32 to vector<16xi32>
        %shift_right_logical3A_1020 = arith.shrui %get3A_1010, %shift_right_logical3A_1019 : vector<16xi32>
        %swap3A_1021 = arith.constant 16 : index
        %swap3A_1022 = tpu.vector_load %arg17[%swap3A_1021] {strides = array<i32>} : memref<128xi32, #tpu.memory_space<vmem>>, vector<16xi32>,
        %swap3A_1023 = vector.shape_cast %swap3A_1022 : vector<16xi32> to vector<16xi32>
        %swap3A_1024 = vector.shape_cast %shift_right_logical3A_1020 : vector<16xi32> to vector<16xi32>
        tpu.vector_store %arg17[%swap3A_1021], %swap3A_1024 {strides = array<i32>} : memref<128xi32, #tpu.memory_space<vmem>>, vector<16xi32>,
        %get3A_1025 = arith.index_cast %add3A_988 : i32 to index
        %get3A_1026 = arith.constant 32 : index
        %get3A_1027 = tpu.vector_load %arg7[%get3A_1025, %get3A_1026] {strides = array<i32>} : memref<80x128xi32, #tpu.memory_space<vmem>>, vector<1x16xi32>,
        %get3A_1028 = vector.shape_cast %get3A_1027 : vector<1x16xi32> to vector<16xi32>
        %and3A_1029 = arith.constant 65535 : i32
        %and3A_1030 = vector.broadcast %and3A_1029 : i32 to vector<16xi32>
        %and3A_1031 = arith.andi %get3A_1028, %and3A_1030 : vector<16xi32>
        %swap3A_1032 = arith.constant 32 : index
        %swap3A_1033 = tpu.vector_load %arg13[%swap3A_1032] {strides = array<i32>} : memref<128xi32, #tpu.memory_space<vmem>>, vector<16xi32>,
        %swap3A_1034 = vector.shape_cast %swap3A_1033 : vector<16xi32> to vector<16xi32>
        %swap3A_1035 = vector.shape_cast %and3A_1031 : vector<16xi32> to vector<16xi32>
        tpu.vector_store %arg13[%swap3A_1032], %swap3A_1035 {strides = array<i32>} : memref<128xi32, #tpu.memory_space<vmem>>, vector<16xi32>,
        %shift_right_logical3A_1036 = arith.constant 16 : i32
        %shift_right_logical3A_1037 = vector.broadcast %shift_right_logical3A_1036 : i32 to vector<16xi32>
        %shift_right_logical3A_1038 = arith.shrui %get3A_1028, %shift_right_logical3A_1037 : vector<16xi32>
        %swap3A_1039 = arith.constant 32 : index
        %swap3A_1040 = tpu.vector_load %arg17[%swap3A_1039] {strides = array<i32>} : memref<128xi32, #tpu.memory_space<vmem>>, vector<16xi32>,
        %swap3A_1041 = vector.shape_cast %swap3A_1040 : vector<16xi32> to vector<16xi32>
        %swap3A_1042 = vector.shape_cast %shift_right_logical3A_1038 : vector<16xi32> to vector<16xi32>
        tpu.vector_store %arg17[%swap3A_1039], %swap3A_1042 {strides = array<i32>} : memref<128xi32, #tpu.memory_space<vmem>>, vector<16xi32>,
        %get3A_1043 = arith.index_cast %add3A_988 : i32 to index
        %get3A_1044 = arith.constant 48 : index
        %get3A_1045 = tpu.vector_load %arg7[%get3A_1043, %get3A_1044] {strides = array<i32>} : memref<80x128xi32, #tpu.memory_space<vmem>>, vector<1x16xi32>,
        %get3A_1046 = vector.shape_cast %get3A_1045 : vector<1x16xi32> to vector<16xi32>
        %and3A_1047 = arith.constant 65535 : i32
        %and3A_1048 = vector.broadcast %and3A_1047 : i32 to vector<16xi32>
        %and3A_1049 = arith.andi %get3A_1046, %and3A_1048 : vector<16xi32>
        %swap3A_1050 = arith.constant 48 : index
        %swap3A_1051 = tpu.vector_load %arg13[%swap3A_1050] {strides = array<i32>} : memref<128xi32, #tpu.memory_space<vmem>>, vector<16xi32>,
        %swap3A_1052 = vector.shape_cast %swap3A_1051 : vector<16xi32> to vector<16xi32>
        %swap3A_1053 = vector.shape_cast %and3A_1049 : vector<16xi32> to vector<16xi32>
        tpu.vector_store %arg13[%swap3A_1050], %swap3A_1053 {strides = array<i32>} : memref<128xi32, #tpu.memory_space<vmem>>, vector<16xi32>,
        %shift_right_logical3A_1054 = arith.constant 16 : i32
        %shift_right_logical3A_1055 = vector.broadcast %shift_right_logical3A_1054 : i32 to vector<16xi32>
        %shift_right_logical3A_1056 = arith.shrui %get3A_1046, %shift_right_logical3A_1055 : vector<16xi32>
        %swap3A_1057 = arith.constant 48 : index
        %swap3A_1058 = tpu.vector_load %arg17[%swap3A_1057] {strides = array<i32>} : memref<128xi32, #tpu.memory_space<vmem>>, vector<16xi32>,
        %swap3A_1059 = vector.shape_cast %swap3A_1058 : vector<16xi32> to vector<16xi32>
        %swap3A_1060 = vector.shape_cast %shift_right_logical3A_1056 : vector<16xi32> to vector<16xi32>
        tpu.vector_store %arg17[%swap3A_1057], %swap3A_1060 {strides = array<i32>} : memref<128xi32, #tpu.memory_space<vmem>>, vector<16xi32>,
        %get3A_1061 = arith.index_cast %add3A_988 : i32 to index
        %get3A_1062 = arith.constant 64 : index
        %get3A_1063 = tpu.vector_load %arg7[%get3A_1061, %get3A_1062] {strides = array<i32>} : memref<80x128xi32, #tpu.memory_space<vmem>>, vector<1x16xi32>,
        %get3A_1064 = vector.shape_cast %get3A_1063 : vector<1x16xi32> to vector<16xi32>
        %and3A_1065 = arith.constant 65535 : i32
        %and3A_1066 = vector.broadcast %and3A_1065 : i32 to vector<16xi32>
        %and3A_1067 = arith.andi %get3A_1064, %and3A_1066 : vector<16xi32>
        %swap3A_1068 = arith.constant 64 : index
        %swap3A_1069 = tpu.vector_load %arg13[%swap3A_1068] {strides = array<i32>} : memref<128xi32, #tpu.memory_space<vmem>>, vector<16xi32>,
        %swap3A_1070 = vector.shape_cast %swap3A_1069 : vector<16xi32> to vector<16xi32>
        %swap3A_1071 = vector.shape_cast %and3A_1067 : vector<16xi32> to vector<16xi32>
        tpu.vector_store %arg13[%swap3A_1068], %swap3A_1071 {strides = array<i32>} : memref<128xi32, #tpu.memory_space<vmem>>, vector<16xi32>,
        %shift_right_logical3A_1072 = arith.constant 16 : i32
        %shift_right_logical3A_1073 = vector.broadcast %shift_right_logical3A_1072 : i32 to vector<16xi32>
        %shift_right_logical3A_1074 = arith.shrui %get3A_1064, %shift_right_logical3A_1073 : vector<16xi32>
        %swap3A_1075 = arith.constant 64 : index
        %swap3A_1076 = tpu.vector_load %arg17[%swap3A_1075] {strides = array<i32>} : memref<128xi32, #tpu.memory_space<vmem>>, vector<16xi32>,
        %swap3A_1077 = vector.shape_cast %swap3A_1076 : vector<16xi32> to vector<16xi32>
        %swap3A_1078 = vector.shape_cast %shift_right_logical3A_1074 : vector<16xi32> to vector<16xi32>
        tpu.vector_store %arg17[%swap3A_1075], %swap3A_1078 {strides = array<i32>} : memref<128xi32, #tpu.memory_space<vmem>>, vector<16xi32>,
        %get3A_1079 = arith.index_cast %add3A_988 : i32 to index
        %get3A_1080 = arith.constant 80 : index
        %get3A_1081 = tpu.vector_load %arg7[%get3A_1079, %get3A_1080] {strides = array<i32>} : memref<80x128xi32, #tpu.memory_space<vmem>>, vector<1x16xi32>,
        %get3A_1082 = vector.shape_cast %get3A_1081 : vector<1x16xi32> to vector<16xi32>
        %and3A_1083 = arith.constant 65535 : i32
        %and3A_1084 = vector.broadcast %and3A_1083 : i32 to vector<16xi32>
        %and3A_1085 = arith.andi %get3A_1082, %and3A_1084 : vector<16xi32>
        %swap3A_1086 = arith.constant 80 : index
        %swap3A_1087 = tpu.vector_load %arg13[%swap3A_1086] {strides = array<i32>} : memref<128xi32, #tpu.memory_space<vmem>>, vector<16xi32>,
        %swap3A_1088 = vector.shape_cast %swap3A_1087 : vector<16xi32> to vector<16xi32>
        %swap3A_1089 = vector.shape_cast %and3A_1085 : vector<16xi32> to vector<16xi32>
        tpu.vector_store %arg13[%swap3A_1086], %swap3A_1089 {strides = array<i32>} : memref<128xi32, #tpu.memory_space<vmem>>, vector<16xi32>,
        %shift_right_logical3A_1090 = arith.constant 16 : i32
        %shift_right_logical3A_1091 = vector.broadcast %shift_right_logical3A_1090 : i32 to vector<16xi32>
        %shift_right_logical3A_1092 = arith.shrui %get3A_1082, %shift_right_logical3A_1091 : vector<16xi32>
        %swap3A_1093 = arith.constant 80 : index
        %swap3A_1094 = tpu.vector_load %arg17[%swap3A_1093] {strides = array<i32>} : memref<128xi32, #tpu.memory_space<vmem>>, vector<16xi32>,
        %swap3A_1095 = vector.shape_cast %swap3A_1094 : vector<16xi32> to vector<16xi32>
        %swap3A_1096 = vector.shape_cast %shift_right_logical3A_1092 : vector<16xi32> to vector<16xi32>
        tpu.vector_store %arg17[%swap3A_1093], %swap3A_1096 {strides = array<i32>} : memref<128xi32, #tpu.memory_space<vmem>>, vector<16xi32>,
        %get3A_1097 = arith.index_cast %add3A_988 : i32 to index
        %get3A_1098 = arith.constant 96 : index
        %get3A_1099 = tpu.vector_load %arg7[%get3A_1097, %get3A_1098] {strides = array<i32>} : memref<80x128xi32, #tpu.memory_space<vmem>>, vector<1x16xi32>,
        %get3A_1100 = vector.shape_cast %get3A_1099 : vector<1x16xi32> to vector<16xi32>
        %and3A_1101 = arith.constant 65535 : i32
        %and3A_1102 = vector.broadcast %and3A_1101 : i32 to vector<16xi32>
        %and3A_1103 = arith.andi %get3A_1100, %and3A_1102 : vector<16xi32>
        %swap3A_1104 = arith.constant 96 : index
        %swap3A_1105 = tpu.vector_load %arg13[%swap3A_1104] {strides = array<i32>} : memref<128xi32, #tpu.memory_space<vmem>>, vector<16xi32>,
        %swap3A_1106 = vector.shape_cast %swap3A_1105 : vector<16xi32> to vector<16xi32>
        %swap3A_1107 = vector.shape_cast %and3A_1103 : vector<16xi32> to vector<16xi32>
        tpu.vector_store %arg13[%swap3A_1104], %swap3A_1107 {strides = array<i32>} : memref<128xi32, #tpu.memory_space<vmem>>, vector<16xi32>,
        %shift_right_logical3A_1108 = arith.constant 16 : i32
        %shift_right_logical3A_1109 = vector.broadcast %shift_right_logical3A_1108 : i32 to vector<16xi32>
        %shift_right_logical3A_1110 = arith.shrui %get3A_1100, %shift_right_logical3A_1109 : vector<16xi32>
        %swap3A_1111 = arith.constant 96 : index
        %swap3A_1112 = tpu.vector_load %arg17[%swap3A_1111] {strides = array<i32>} : memref<128xi32, #tpu.memory_space<vmem>>, vector<16xi32>,
        %swap3A_1113 = vector.shape_cast %swap3A_1112 : vector<16xi32> to vector<16xi32>
        %swap3A_1114 = vector.shape_cast %shift_right_logical3A_1110 : vector<16xi32> to vector<16xi32>
        tpu.vector_store %arg17[%swap3A_1111], %swap3A_1114 {strides = array<i32>} : memref<128xi32, #tpu.memory_space<vmem>>, vector<16xi32>,
        %get3A_1115 = arith.index_cast %add3A_988 : i32 to index
        %get3A_1116 = arith.constant 112 : index
        %get3A_1117 = tpu.vector_load %arg7[%get3A_1115, %get3A_1116] {strides = array<i32>} : memref<80x128xi32, #tpu.memory_space<vmem>>, vector<1x16xi32>,
        %get3A_1118 = vector.shape_cast %get3A_1117 : vector<1x16xi32> to vector<16xi32>
        %and3A_1119 = arith.constant 65535 : i32
        %and3A_1120 = vector.broadcast %and3A_1119 : i32 to vector<16xi32>
        %and3A_1121 = arith.andi %get3A_1118, %and3A_1120 : vector<16xi32>
        %swap3A_1122 = arith.constant 112 : index
        %swap3A_1123 = tpu.vector_load %arg13[%swap3A_1122] {strides = array<i32>} : memref<128xi32, #tpu.memory_space<vmem>>, vector<16xi32>,
        %swap3A_1124 = vector.shape_cast %swap3A_1123 : vector<16xi32> to vector<16xi32>
        %swap3A_1125 = vector.shape_cast %and3A_1121 : vector<16xi32> to vector<16xi32>
        tpu.vector_store %arg13[%swap3A_1122], %swap3A_1125 {strides = array<i32>} : memref<128xi32, #tpu.memory_space<vmem>>, vector<16xi32>,
        %shift_right_logical3A_1126 = arith.constant 16 : i32
        %shift_right_logical3A_1127 = vector.broadcast %shift_right_logical3A_1126 : i32 to vector<16xi32>
        %shift_right_logical3A_1128 = arith.shrui %get3A_1118, %shift_right_logical3A_1127 : vector<16xi32>
        %swap3A_1129 = arith.constant 112 : index
        %swap3A_1130 = tpu.vector_load %arg17[%swap3A_1129] {strides = array<i32>} : memref<128xi32, #tpu.memory_space<vmem>>, vector<16xi32>,
        %swap3A_1131 = vector.shape_cast %swap3A_1130 : vector<16xi32> to vector<16xi32>
        %swap3A_1132 = vector.shape_cast %shift_right_logical3A_1128 : vector<16xi32> to vector<16xi32>
        tpu.vector_store %arg17[%swap3A_1129], %swap3A_1132 {strides = array<i32>} : memref<128xi32, #tpu.memory_space<vmem>>, vector<16xi32>,
      } else {
      }
    }
    %scan3A_737 = arith.constant 20 : i32
    %barrier3A_738 = arith.constant 0 : index
    tpu.barrier barrier_id(%barrier3A_738)
    %add3A_739 = arith.constant 0 : i32
    %add3A_740 = arith.addi %mul3A_2, %add3A_739 : i32
    "tpu.region"() ({
      %run_scoped3A = tpu.sem_alloc : memref<!tpu.dma_semaphore, #tpu.memory_space<semaphore_mem>>
      %dma_start3A_889 = arith.constant 0 : i32
      %dma_start3A_890 = arith.constant 0 : i32
      %dma_start3A_891 = tpu.memref_slice %arg8[%dma_start3A_889, %dma_start3A_890] : memref<128x128xf32, #tpu.memory_space<vmem>> -> memref<128x128xf32, #tpu.memory_space<vmem>>
      %dma_start3A_892 = arith.constant 0 : i32
      %dma_start3A_893 = tpu.memref_slice %arg6[%add3A_740, %dma_start3A_892] : memref<10112x128xf32, #tpu.memory_space<vmem_shared>> -> memref<128x128xf32, #tpu.memory_space<vmem_shared>>
      %dma_start3A_894 = arith.constant 0 : i32
      %dma_start3A_895 = arith.constant 0 : i32
      %dma_start3A_896 = tpu.memref_slice %arg8[%dma_start3A_894, %dma_start3A_895] : memref<128x128xf32, #tpu.memory_space<vmem>> -> memref<128x128xf32, #tpu.memory_space<vmem>>
      %dma_start3A_897 = arith.constant 0 : i32
      %dma_start3A_898 = tpu.memref_slice %arg6[%add3A_740, %dma_start3A_897] : memref<10112x128xf32, #tpu.memory_space<vmem_shared>> -> memref<128x128xf32, #tpu.memory_space<vmem_shared>>
      tpu.enqueue_dma source(%dma_start3A_898 : memref<128x128xf32, #tpu.memory_space<vmem_shared>>) target(%dma_start3A_896 : memref<128x128xf32, #tpu.memory_space<vmem>>) target_semaphore(%run_scoped3A : memref<!tpu.dma_semaphore, #tpu.memory_space<semaphore_mem>>)
      %dma_wait3A_899 = arith.constant 0 : i32
      %dma_wait3A_900 = arith.constant 0 : i32
      %dma_wait3A_901 = tpu.memref_slice %arg8[%dma_wait3A_899, %dma_wait3A_900] : memref<128x128xf32, #tpu.memory_space<vmem>> -> memref<128x128xf32, #tpu.memory_space<vmem>>
      %dma_wait3A_902 = arith.constant 0 : i32
      %dma_wait3A_903 = tpu.memref_slice %arg6[%add3A_740, %dma_wait3A_902] : memref<10112x128xf32, #tpu.memory_space<vmem_shared>> -> memref<128x128xf32, #tpu.memory_space<vmem_shared>>
      %dma_wait3A_904 = arith.constant 0 : i32
      %dma_wait3A_905 = arith.constant 0 : i32
      %dma_wait3A_906 = tpu.memref_slice %arg8[%dma_wait3A_904, %dma_wait3A_905] : memref<128x128xf32, #tpu.memory_space<vmem>> -> memref<128x128xf32, #tpu.memory_space<vmem>>
      %dma_wait3A_907 = arith.constant 0 : i32
      %dma_wait3A_908 = tpu.memref_slice %arg6[%add3A_740, %dma_wait3A_907] : memref<10112x128xf32, #tpu.memory_space<vmem_shared>> -> memref<128x128xf32, #tpu.memory_space<vmem_shared>>
      tpu.wait_dma2 semaphore(%run_scoped3A : memref<!tpu.dma_semaphore, #tpu.memory_space<semaphore_mem>>) src(%dma_wait3A_908 : memref<128x128xf32, #tpu.memory_space<vmem_shared>>) dst(%dma_wait3A_906 : memref<128x128xf32, #tpu.memory_space<vmem>>)
      tpu.yield
    }) : () -> ()
    %add3A_741 = arith.constant 0 : i32
    %add3A_742 = arith.addi %mul3A_2, %add3A_741 : i32
    %dma_start3A_743 = arith.constant 0 : i32
    %dma_start3A_744 = arith.constant 0 : i32
    %dma_start3A_745 = tpu.memref_slice %arg8[%dma_start3A_743, %dma_start3A_744] : memref<128x128xf32, #tpu.memory_space<vmem>> -> memref<128x128xf32, #tpu.memory_space<vmem>>
    %dma_start3A_746 = arith.constant 0 : i32
    %dma_start3A_747 = tpu.memref_slice %arg5[%arg0, %add3A_742, %dma_start3A_746] : memref<2x10112x128xf32, #tpu.memory_space<hbm>> -> memref<1x128x128xf32, #tpu.memory_space<hbm>>
    %dma_start3A_748 = tpu.memref_squeeze %dma_start3A_747 : memref<1x128x128xf32, #tpu.memory_space<hbm>> -> memref<128x128xf32, #tpu.memory_space<hbm>>
    %dma_start3A_749 = arith.constant 0 : i32
    %dma_start3A_750 = tpu.memref_slice %arg5[%arg0, %add3A_742, %dma_start3A_749] : memref<2x10112x128xf32, #tpu.memory_space<hbm>> -> memref<1x128x128xf32, #tpu.memory_space<hbm>>
    %dma_start3A_751 = tpu.memref_squeeze %dma_start3A_750 : memref<1x128x128xf32, #tpu.memory_space<hbm>> -> memref<128x128xf32, #tpu.memory_space<hbm>>
    %dma_start3A_752 = arith.constant 0 : i32
    %dma_start3A_753 = arith.constant 0 : i32
    %dma_start3A_754 = tpu.memref_slice %arg8[%dma_start3A_752, %dma_start3A_753] : memref<128x128xf32, #tpu.memory_space<vmem>> -> memref<128x128xf32, #tpu.memory_space<vmem>>
    tpu.enqueue_dma source(%dma_start3A_754 : memref<128x128xf32, #tpu.memory_space<vmem>>) target(%dma_start3A_751 : memref<128x128xf32, #tpu.memory_space<hbm>>) target_semaphore(%arg20 : memref<!tpu.dma_semaphore, #tpu.memory_space<semaphore_mem>>)
    %add3A_755 = arith.constant 128 : i32
    %add3A_756 = arith.addi %mul3A_2, %add3A_755 : i32
    "tpu.region"() ({
      %run_scoped3A = tpu.sem_alloc : memref<!tpu.dma_semaphore, #tpu.memory_space<semaphore_mem>>
      %dma_start3A_889 = arith.constant 0 : i32
      %dma_start3A_890 = arith.constant 0 : i32
      %dma_start3A_891 = tpu.memref_slice %arg9[%dma_start3A_889, %dma_start3A_890] : memref<128x128xf32, #tpu.memory_space<vmem>> -> memref<128x128xf32, #tpu.memory_space<vmem>>
      %dma_start3A_892 = arith.constant 0 : i32
      %dma_start3A_893 = tpu.memref_slice %arg6[%add3A_756, %dma_start3A_892] : memref<10112x128xf32, #tpu.memory_space<vmem_shared>> -> memref<128x128xf32, #tpu.memory_space<vmem_shared>>
      %dma_start3A_894 = arith.constant 0 : i32
      %dma_start3A_895 = arith.constant 0 : i32
      %dma_start3A_896 = tpu.memref_slice %arg9[%dma_start3A_894, %dma_start3A_895] : memref<128x128xf32, #tpu.memory_space<vmem>> -> memref<128x128xf32, #tpu.memory_space<vmem>>
      %dma_start3A_897 = arith.constant 0 : i32
      %dma_start3A_898 = tpu.memref_slice %arg6[%add3A_756, %dma_start3A_897] : memref<10112x128xf32, #tpu.memory_space<vmem_shared>> -> memref<128x128xf32, #tpu.memory_space<vmem_shared>>
      tpu.enqueue_dma source(%dma_start3A_898 : memref<128x128xf32, #tpu.memory_space<vmem_shared>>) target(%dma_start3A_896 : memref<128x128xf32, #tpu.memory_space<vmem>>) target_semaphore(%run_scoped3A : memref<!tpu.dma_semaphore, #tpu.memory_space<semaphore_mem>>)
      %dma_wait3A_899 = arith.constant 0 : i32
      %dma_wait3A_900 = arith.constant 0 : i32
      %dma_wait3A_901 = tpu.memref_slice %arg9[%dma_wait3A_899, %dma_wait3A_900] : memref<128x128xf32, #tpu.memory_space<vmem>> -> memref<128x128xf32, #tpu.memory_space<vmem>>
      %dma_wait3A_902 = arith.constant 0 : i32
      %dma_wait3A_903 = tpu.memref_slice %arg6[%add3A_756, %dma_wait3A_902] : memref<10112x128xf32, #tpu.memory_space<vmem_shared>> -> memref<128x128xf32, #tpu.memory_space<vmem_shared>>
      %dma_wait3A_904 = arith.constant 0 : i32
      %dma_wait3A_905 = arith.constant 0 : i32
      %dma_wait3A_906 = tpu.memref_slice %arg9[%dma_wait3A_904, %dma_wait3A_905] : memref<128x128xf32, #tpu.memory_space<vmem>> -> memref<128x128xf32, #tpu.memory_space<vmem>>
      %dma_wait3A_907 = arith.constant 0 : i32
      %dma_wait3A_908 = tpu.memref_slice %arg6[%add3A_756, %dma_wait3A_907] : memref<10112x128xf32, #tpu.memory_space<vmem_shared>> -> memref<128x128xf32, #tpu.memory_space<vmem_shared>>
      tpu.wait_dma2 semaphore(%run_scoped3A : memref<!tpu.dma_semaphore, #tpu.memory_space<semaphore_mem>>) src(%dma_wait3A_908 : memref<128x128xf32, #tpu.memory_space<vmem_shared>>) dst(%dma_wait3A_906 : memref<128x128xf32, #tpu.memory_space<vmem>>)
      tpu.yield
    }) : () -> ()
    %add3A_757 = arith.constant 128 : i32
    %add3A_758 = arith.addi %mul3A_2, %add3A_757 : i32
    %dma_start3A_759 = arith.constant 0 : i32
    %dma_start3A_760 = arith.constant 0 : i32
    %dma_start3A_761 = tpu.memref_slice %arg9[%dma_start3A_759, %dma_start3A_760] : memref<128x128xf32, #tpu.memory_space<vmem>> -> memref<128x128xf32, #tpu.memory_space<vmem>>
    %dma_start3A_762 = arith.constant 0 : i32
    %dma_start3A_763 = tpu.memref_slice %arg5[%arg0, %add3A_758, %dma_start3A_762] : memref<2x10112x128xf32, #tpu.memory_space<hbm>> -> memref<1x128x128xf32, #tpu.memory_space<hbm>>
    %dma_start3A_764 = tpu.memref_squeeze %dma_start3A_763 : memref<1x128x128xf32, #tpu.memory_space<hbm>> -> memref<128x128xf32, #tpu.memory_space<hbm>>
    %dma_start3A_765 = arith.constant 0 : i32
    %dma_start3A_766 = tpu.memref_slice %arg5[%arg0, %add3A_758, %dma_start3A_765] : memref<2x10112x128xf32, #tpu.memory_space<hbm>> -> memref<1x128x128xf32, #tpu.memory_space<hbm>>
    %dma_start3A_767 = tpu.memref_squeeze %dma_start3A_766 : memref<1x128x128xf32, #tpu.memory_space<hbm>> -> memref<128x128xf32, #tpu.memory_space<hbm>>
    %dma_start3A_768 = arith.constant 0 : i32
    %dma_start3A_769 = arith.constant 0 : i32
    %dma_start3A_770 = tpu.memref_slice %arg9[%dma_start3A_768, %dma_start3A_769] : memref<128x128xf32, #tpu.memory_space<vmem>> -> memref<128x128xf32, #tpu.memory_space<vmem>>
    tpu.enqueue_dma source(%dma_start3A_770 : memref<128x128xf32, #tpu.memory_space<vmem>>) target(%dma_start3A_767 : memref<128x128xf32, #tpu.memory_space<hbm>>) target_semaphore(%arg21 : memref<!tpu.dma_semaphore, #tpu.memory_space<semaphore_mem>>)
    %add3A_771 = arith.constant 0 : i32
    %add3A_772 = arith.addi %mul3A_2, %add3A_771 : i32
    %dma_wait3A_773 = arith.constant 0 : i32
    %dma_wait3A_774 = arith.constant 0 : i32
    %dma_wait3A_775 = tpu.memref_slice %arg8[%dma_wait3A_773, %dma_wait3A_774] : memref<128x128xf32, #tpu.memory_space<vmem>> -> memref<128x128xf32, #tpu.memory_space<vmem>>
    %dma_wait3A_776 = arith.constant 0 : i32
    %dma_wait3A_777 = tpu.memref_slice %arg5[%arg0, %add3A_772, %dma_wait3A_776] : memref<2x10112x128xf32, #tpu.memory_space<hbm>> -> memref<1x128x128xf32, #tpu.memory_space<hbm>>
    %dma_wait3A_778 = tpu.memref_squeeze %dma_wait3A_777 : memref<1x128x128xf32, #tpu.memory_space<hbm>> -> memref<128x128xf32, #tpu.memory_space<hbm>>
    %dma_wait3A_779 = arith.constant 0 : i32
    %dma_wait3A_780 = tpu.memref_slice %arg5[%arg0, %add3A_772, %dma_wait3A_779] : memref<2x10112x128xf32, #tpu.memory_space<hbm>> -> memref<1x128x128xf32, #tpu.memory_space<hbm>>
    %dma_wait3A_781 = tpu.memref_squeeze %dma_wait3A_780 : memref<1x128x128xf32, #tpu.memory_space<hbm>> -> memref<128x128xf32, #tpu.memory_space<hbm>>
    %dma_wait3A_782 = arith.constant 0 : i32
    %dma_wait3A_783 = arith.constant 0 : i32
    %dma_wait3A_784 = tpu.memref_slice %arg8[%dma_wait3A_782, %dma_wait3A_783] : memref<128x128xf32, #tpu.memory_space<vmem>> -> memref<128x128xf32, #tpu.memory_space<vmem>>
    tpu.wait_dma2 semaphore(%arg20 : memref<!tpu.dma_semaphore, #tpu.memory_space<semaphore_mem>>) src(%dma_wait3A_784 : memref<128x128xf32, #tpu.memory_space<vmem>>) dst(%dma_wait3A_781 : memref<128x128xf32, #tpu.memory_space<hbm>>)
    %add3A_785 = arith.constant 256 : i32
    %add3A_786 = arith.addi %mul3A_2, %add3A_785 : i32
    "tpu.region"() ({
      %run_scoped3A = tpu.sem_alloc : memref<!tpu.dma_semaphore, #tpu.memory_space<semaphore_mem>>
      %dma_start3A_889 = arith.constant 0 : i32
      %dma_start3A_890 = arith.constant 0 : i32
      %dma_start3A_891 = tpu.memref_slice %arg8[%dma_start3A_889, %dma_start3A_890] : memref<128x128xf32, #tpu.memory_space<vmem>> -> memref<128x128xf32, #tpu.memory_space<vmem>>
      %dma_start3A_892 = arith.constant 0 : i32
      %dma_start3A_893 = tpu.memref_slice %arg6[%add3A_786, %dma_start3A_892] : memref<10112x128xf32, #tpu.memory_space<vmem_shared>> -> memref<128x128xf32, #tpu.memory_space<vmem_shared>>
      %dma_start3A_894 = arith.constant 0 : i32
      %dma_start3A_895 = arith.constant 0 : i32
      %dma_start3A_896 = tpu.memref_slice %arg8[%dma_start3A_894, %dma_start3A_895] : memref<128x128xf32, #tpu.memory_space<vmem>> -> memref<128x128xf32, #tpu.memory_space<vmem>>
      %dma_start3A_897 = arith.constant 0 : i32
      %dma_start3A_898 = tpu.memref_slice %arg6[%add3A_786, %dma_start3A_897] : memref<10112x128xf32, #tpu.memory_space<vmem_shared>> -> memref<128x128xf32, #tpu.memory_space<vmem_shared>>
      tpu.enqueue_dma source(%dma_start3A_898 : memref<128x128xf32, #tpu.memory_space<vmem_shared>>) target(%dma_start3A_896 : memref<128x128xf32, #tpu.memory_space<vmem>>) target_semaphore(%run_scoped3A : memref<!tpu.dma_semaphore, #tpu.memory_space<semaphore_mem>>)
      %dma_wait3A_899 = arith.constant 0 : i32
      %dma_wait3A_900 = arith.constant 0 : i32
      %dma_wait3A_901 = tpu.memref_slice %arg8[%dma_wait3A_899, %dma_wait3A_900] : memref<128x128xf32, #tpu.memory_space<vmem>> -> memref<128x128xf32, #tpu.memory_space<vmem>>
      %dma_wait3A_902 = arith.constant 0 : i32
      %dma_wait3A_903 = tpu.memref_slice %arg6[%add3A_786, %dma_wait3A_902] : memref<10112x128xf32, #tpu.memory_space<vmem_shared>> -> memref<128x128xf32, #tpu.memory_space<vmem_shared>>
      %dma_wait3A_904 = arith.constant 0 : i32
      %dma_wait3A_905 = arith.constant 0 : i32
      %dma_wait3A_906 = tpu.memref_slice %arg8[%dma_wait3A_904, %dma_wait3A_905] : memref<128x128xf32, #tpu.memory_space<vmem>> -> memref<128x128xf32, #tpu.memory_space<vmem>>
      %dma_wait3A_907 = arith.constant 0 : i32
      %dma_wait3A_908 = tpu.memref_slice %arg6[%add3A_786, %dma_wait3A_907] : memref<10112x128xf32, #tpu.memory_space<vmem_shared>> -> memref<128x128xf32, #tpu.memory_space<vmem_shared>>
      tpu.wait_dma2 semaphore(%run_scoped3A : memref<!tpu.dma_semaphore, #tpu.memory_space<semaphore_mem>>) src(%dma_wait3A_908 : memref<128x128xf32, #tpu.memory_space<vmem_shared>>) dst(%dma_wait3A_906 : memref<128x128xf32, #tpu.memory_space<vmem>>)
      tpu.yield
    }) : () -> ()
    %add3A_787 = arith.constant 256 : i32
    %add3A_788 = arith.addi %mul3A_2, %add3A_787 : i32
    %dma_start3A_789 = arith.constant 0 : i32
    %dma_start3A_790 = arith.constant 0 : i32
    %dma_start3A_791 = tpu.memref_slice %arg8[%dma_start3A_789, %dma_start3A_790] : memref<128x128xf32, #tpu.memory_space<vmem>> -> memref<128x128xf32, #tpu.memory_space<vmem>>
    %dma_start3A_792 = arith.constant 0 : i32
    %dma_start3A_793 = tpu.memref_slice %arg5[%arg0, %add3A_788, %dma_start3A_792] : memref<2x10112x128xf32, #tpu.memory_space<hbm>> -> memref<1x128x128xf32, #tpu.memory_space<hbm>>
    %dma_start3A_794 = tpu.memref_squeeze %dma_start3A_793 : memref<1x128x128xf32, #tpu.memory_space<hbm>> -> memref<128x128xf32, #tpu.memory_space<hbm>>
    %dma_start3A_795 = arith.constant 0 : i32
    %dma_start3A_796 = tpu.memref_slice %arg5[%arg0, %add3A_788, %dma_start3A_795] : memref<2x10112x128xf32, #tpu.memory_space<hbm>> -> memref<1x128x128xf32, #tpu.memory_space<hbm>>
    %dma_start3A_797 = tpu.memref_squeeze %dma_start3A_796 : memref<1x128x128xf32, #tpu.memory_space<hbm>> -> memref<128x128xf32, #tpu.memory_space<hbm>>
    %dma_start3A_798 = arith.constant 0 : i32
    %dma_start3A_799 = arith.constant 0 : i32
    %dma_start3A_800 = tpu.memref_slice %arg8[%dma_start3A_798, %dma_start3A_799] : memref<128x128xf32, #tpu.memory_space<vmem>> -> memref<128x128xf32, #tpu.memory_space<vmem>>
    tpu.enqueue_dma source(%dma_start3A_800 : memref<128x128xf32, #tpu.memory_space<vmem>>) target(%dma_start3A_797 : memref<128x128xf32, #tpu.memory_space<hbm>>) target_semaphore(%arg20 : memref<!tpu.dma_semaphore, #tpu.memory_space<semaphore_mem>>)
    %add3A_801 = arith.constant 128 : i32
    %add3A_802 = arith.addi %mul3A_2, %add3A_801 : i32
    %dma_wait3A_803 = arith.constant 0 : i32
    %dma_wait3A_804 = arith.constant 0 : i32
    %dma_wait3A_805 = tpu.memref_slice %arg9[%dma_wait3A_803, %dma_wait3A_804] : memref<128x128xf32, #tpu.memory_space<vmem>> -> memref<128x128xf32, #tpu.memory_space<vmem>>
    %dma_wait3A_806 = arith.constant 0 : i32
    %dma_wait3A_807 = tpu.memref_slice %arg5[%arg0, %add3A_802, %dma_wait3A_806] : memref<2x10112x128xf32, #tpu.memory_space<hbm>> -> memref<1x128x128xf32, #tpu.memory_space<hbm>>
    %dma_wait3A_808 = tpu.memref_squeeze %dma_wait3A_807 : memref<1x128x128xf32, #tpu.memory_space<hbm>> -> memref<128x128xf32, #tpu.memory_space<hbm>>
    %dma_wait3A_809 = arith.constant 0 : i32
    %dma_wait3A_810 = tpu.memref_slice %arg5[%arg0, %add3A_802, %dma_wait3A_809] : memref<2x10112x128xf32, #tpu.memory_space<hbm>> -> memref<1x128x128xf32, #tpu.memory_space<hbm>>
    %dma_wait3A_811 = tpu.memref_squeeze %dma_wait3A_810 : memref<1x128x128xf32, #tpu.memory_space<hbm>> -> memref<128x128xf32, #tpu.memory_space<hbm>>
    %dma_wait3A_812 = arith.constant 0 : i32
    %dma_wait3A_813 = arith.constant 0 : i32
    %dma_wait3A_814 = tpu.memref_slice %arg9[%dma_wait3A_812, %dma_wait3A_813] : memref<128x128xf32, #tpu.memory_space<vmem>> -> memref<128x128xf32, #tpu.memory_space<vmem>>
    tpu.wait_dma2 semaphore(%arg21 : memref<!tpu.dma_semaphore, #tpu.memory_space<semaphore_mem>>) src(%dma_wait3A_814 : memref<128x128xf32, #tpu.memory_space<vmem>>) dst(%dma_wait3A_811 : memref<128x128xf32, #tpu.memory_space<hbm>>)
    %add3A_815 = arith.constant 384 : i32
    %add3A_816 = arith.addi %mul3A_2, %add3A_815 : i32
    "tpu.region"() ({
      %run_scoped3A = tpu.sem_alloc : memref<!tpu.dma_semaphore, #tpu.memory_space<semaphore_mem>>
      %dma_start3A_889 = arith.constant 0 : i32
      %dma_start3A_890 = arith.constant 0 : i32
      %dma_start3A_891 = tpu.memref_slice %arg9[%dma_start3A_889, %dma_start3A_890] : memref<128x128xf32, #tpu.memory_space<vmem>> -> memref<128x128xf32, #tpu.memory_space<vmem>>
      %dma_start3A_892 = arith.constant 0 : i32
      %dma_start3A_893 = tpu.memref_slice %arg6[%add3A_816, %dma_start3A_892] : memref<10112x128xf32, #tpu.memory_space<vmem_shared>> -> memref<128x128xf32, #tpu.memory_space<vmem_shared>>
      %dma_start3A_894 = arith.constant 0 : i32
      %dma_start3A_895 = arith.constant 0 : i32
      %dma_start3A_896 = tpu.memref_slice %arg9[%dma_start3A_894, %dma_start3A_895] : memref<128x128xf32, #tpu.memory_space<vmem>> -> memref<128x128xf32, #tpu.memory_space<vmem>>
      %dma_start3A_897 = arith.constant 0 : i32
      %dma_start3A_898 = tpu.memref_slice %arg6[%add3A_816, %dma_start3A_897] : memref<10112x128xf32, #tpu.memory_space<vmem_shared>> -> memref<128x128xf32, #tpu.memory_space<vmem_shared>>
      tpu.enqueue_dma source(%dma_start3A_898 : memref<128x128xf32, #tpu.memory_space<vmem_shared>>) target(%dma_start3A_896 : memref<128x128xf32, #tpu.memory_space<vmem>>) target_semaphore(%run_scoped3A : memref<!tpu.dma_semaphore, #tpu.memory_space<semaphore_mem>>)
      %dma_wait3A_899 = arith.constant 0 : i32
      %dma_wait3A_900 = arith.constant 0 : i32
      %dma_wait3A_901 = tpu.memref_slice %arg9[%dma_wait3A_899, %dma_wait3A_900] : memref<128x128xf32, #tpu.memory_space<vmem>> -> memref<128x128xf32, #tpu.memory_space<vmem>>
      %dma_wait3A_902 = arith.constant 0 : i32
      %dma_wait3A_903 = tpu.memref_slice %arg6[%add3A_816, %dma_wait3A_902] : memref<10112x128xf32, #tpu.memory_space<vmem_shared>> -> memref<128x128xf32, #tpu.memory_space<vmem_shared>>
      %dma_wait3A_904 = arith.constant 0 : i32
      %dma_wait3A_905 = arith.constant 0 : i32
      %dma_wait3A_906 = tpu.memref_slice %arg9[%dma_wait3A_904, %dma_wait3A_905] : memref<128x128xf32, #tpu.memory_space<vmem>> -> memref<128x128xf32, #tpu.memory_space<vmem>>
      %dma_wait3A_907 = arith.constant 0 : i32
      %dma_wait3A_908 = tpu.memref_slice %arg6[%add3A_816, %dma_wait3A_907] : memref<10112x128xf32, #tpu.memory_space<vmem_shared>> -> memref<128x128xf32, #tpu.memory_space<vmem_shared>>
      tpu.wait_dma2 semaphore(%run_scoped3A : memref<!tpu.dma_semaphore, #tpu.memory_space<semaphore_mem>>) src(%dma_wait3A_908 : memref<128x128xf32, #tpu.memory_space<vmem_shared>>) dst(%dma_wait3A_906 : memref<128x128xf32, #tpu.memory_space<vmem>>)
      tpu.yield
    }) : () -> ()
    %add3A_817 = arith.constant 384 : i32
    %add3A_818 = arith.addi %mul3A_2, %add3A_817 : i32
    %dma_start3A_819 = arith.constant 0 : i32
    %dma_start3A_820 = arith.constant 0 : i32
    %dma_start3A_821 = tpu.memref_slice %arg9[%dma_start3A_819, %dma_start3A_820] : memref<128x128xf32, #tpu.memory_space<vmem>> -> memref<128x128xf32, #tpu.memory_space<vmem>>
    %dma_start3A_822 = arith.constant 0 : i32
    %dma_start3A_823 = tpu.memref_slice %arg5[%arg0, %add3A_818, %dma_start3A_822] : memref<2x10112x128xf32, #tpu.memory_space<hbm>> -> memref<1x128x128xf32, #tpu.memory_space<hbm>>
    %dma_start3A_824 = tpu.memref_squeeze %dma_start3A_823 : memref<1x128x128xf32, #tpu.memory_space<hbm>> -> memref<128x128xf32, #tpu.memory_space<hbm>>
    %dma_start3A_825 = arith.constant 0 : i32
    %dma_start3A_826 = tpu.memref_slice %arg5[%arg0, %add3A_818, %dma_start3A_825] : memref<2x10112x128xf32, #tpu.memory_space<hbm>> -> memref<1x128x128xf32, #tpu.memory_space<hbm>>
    %dma_start3A_827 = tpu.memref_squeeze %dma_start3A_826 : memref<1x128x128xf32, #tpu.memory_space<hbm>> -> memref<128x128xf32, #tpu.memory_space<hbm>>
    %dma_start3A_828 = arith.constant 0 : i32
    %dma_start3A_829 = arith.constant 0 : i32
    %dma_start3A_830 = tpu.memref_slice %arg9[%dma_start3A_828, %dma_start3A_829] : memref<128x128xf32, #tpu.memory_space<vmem>> -> memref<128x128xf32, #tpu.memory_space<vmem>>
    tpu.enqueue_dma source(%dma_start3A_830 : memref<128x128xf32, #tpu.memory_space<vmem>>) target(%dma_start3A_827 : memref<128x128xf32, #tpu.memory_space<hbm>>) target_semaphore(%arg21 : memref<!tpu.dma_semaphore, #tpu.memory_space<semaphore_mem>>)
    %add3A_831 = arith.constant 256 : i32
    %add3A_832 = arith.addi %mul3A_2, %add3A_831 : i32
    %dma_wait3A_833 = arith.constant 0 : i32
    %dma_wait3A_834 = arith.constant 0 : i32
    %dma_wait3A_835 = tpu.memref_slice %arg8[%dma_wait3A_833, %dma_wait3A_834] : memref<128x128xf32, #tpu.memory_space<vmem>> -> memref<128x128xf32, #tpu.memory_space<vmem>>
    %dma_wait3A_836 = arith.constant 0 : i32
    %dma_wait3A_837 = tpu.memref_slice %arg5[%arg0, %add3A_832, %dma_wait3A_836] : memref<2x10112x128xf32, #tpu.memory_space<hbm>> -> memref<1x128x128xf32, #tpu.memory_space<hbm>>
    %dma_wait3A_838 = tpu.memref_squeeze %dma_wait3A_837 : memref<1x128x128xf32, #tpu.memory_space<hbm>> -> memref<128x128xf32, #tpu.memory_space<hbm>>
    %dma_wait3A_839 = arith.constant 0 : i32
    %dma_wait3A_840 = tpu.memref_slice %arg5[%arg0, %add3A_832, %dma_wait3A_839] : memref<2x10112x128xf32, #tpu.memory_space<hbm>> -> memref<1x128x128xf32, #tpu.memory_space<hbm>>
    %dma_wait3A_841 = tpu.memref_squeeze %dma_wait3A_840 : memref<1x128x128xf32, #tpu.memory_space<hbm>> -> memref<128x128xf32, #tpu.memory_space<hbm>>
    %dma_wait3A_842 = arith.constant 0 : i32
    %dma_wait3A_843 = arith.constant 0 : i32
    %dma_wait3A_844 = tpu.memref_slice %arg8[%dma_wait3A_842, %dma_wait3A_843] : memref<128x128xf32, #tpu.memory_space<vmem>> -> memref<128x128xf32, #tpu.memory_space<vmem>>
    tpu.wait_dma2 semaphore(%arg20 : memref<!tpu.dma_semaphore, #tpu.memory_space<semaphore_mem>>) src(%dma_wait3A_844 : memref<128x128xf32, #tpu.memory_space<vmem>>) dst(%dma_wait3A_841 : memref<128x128xf32, #tpu.memory_space<hbm>>)
    %add3A_845 = arith.constant 512 : i32
    %add3A_846 = arith.addi %mul3A_2, %add3A_845 : i32
    "tpu.region"() ({
      %run_scoped3A = tpu.sem_alloc : memref<!tpu.dma_semaphore, #tpu.memory_space<semaphore_mem>>
      %dma_start3A_889 = arith.constant 0 : i32
      %dma_start3A_890 = arith.constant 0 : i32
      %dma_start3A_891 = tpu.memref_slice %arg8[%dma_start3A_889, %dma_start3A_890] : memref<128x128xf32, #tpu.memory_space<vmem>> -> memref<120x128xf32, #tpu.memory_space<vmem>>
      %dma_start3A_892 = arith.constant 0 : i32
      %dma_start3A_893 = tpu.memref_slice %arg6[%add3A_846, %dma_start3A_892] : memref<10112x128xf32, #tpu.memory_space<vmem_shared>> -> memref<120x128xf32, #tpu.memory_space<vmem_shared>>
      %dma_start3A_894 = arith.constant 0 : i32
      %dma_start3A_895 = arith.constant 0 : i32
      %dma_start3A_896 = tpu.memref_slice %arg8[%dma_start3A_894, %dma_start3A_895] : memref<128x128xf32, #tpu.memory_space<vmem>> -> memref<120x128xf32, #tpu.memory_space<vmem>>
      %dma_start3A_897 = arith.constant 0 : i32
      %dma_start3A_898 = tpu.memref_slice %arg6[%add3A_846, %dma_start3A_897] : memref<10112x128xf32, #tpu.memory_space<vmem_shared>> -> memref<120x128xf32, #tpu.memory_space<vmem_shared>>
      tpu.enqueue_dma source(%dma_start3A_898 : memref<120x128xf32, #tpu.memory_space<vmem_shared>>) target(%dma_start3A_896 : memref<120x128xf32, #tpu.memory_space<vmem>>) target_semaphore(%run_scoped3A : memref<!tpu.dma_semaphore, #tpu.memory_space<semaphore_mem>>)
      %dma_wait3A_899 = arith.constant 0 : i32
      %dma_wait3A_900 = arith.constant 0 : i32
      %dma_wait3A_901 = tpu.memref_slice %arg8[%dma_wait3A_899, %dma_wait3A_900] : memref<128x128xf32, #tpu.memory_space<vmem>> -> memref<120x128xf32, #tpu.memory_space<vmem>>
      %dma_wait3A_902 = arith.constant 0 : i32
      %dma_wait3A_903 = tpu.memref_slice %arg6[%add3A_846, %dma_wait3A_902] : memref<10112x128xf32, #tpu.memory_space<vmem_shared>> -> memref<120x128xf32, #tpu.memory_space<vmem_shared>>
      %dma_wait3A_904 = arith.constant 0 : i32
      %dma_wait3A_905 = arith.constant 0 : i32
      %dma_wait3A_906 = tpu.memref_slice %arg8[%dma_wait3A_904, %dma_wait3A_905] : memref<128x128xf32, #tpu.memory_space<vmem>> -> memref<120x128xf32, #tpu.memory_space<vmem>>
      %dma_wait3A_907 = arith.constant 0 : i32
      %dma_wait3A_908 = tpu.memref_slice %arg6[%add3A_846, %dma_wait3A_907] : memref<10112x128xf32, #tpu.memory_space<vmem_shared>> -> memref<120x128xf32, #tpu.memory_space<vmem_shared>>
      tpu.wait_dma2 semaphore(%run_scoped3A : memref<!tpu.dma_semaphore, #tpu.memory_space<semaphore_mem>>) src(%dma_wait3A_908 : memref<120x128xf32, #tpu.memory_space<vmem_shared>>) dst(%dma_wait3A_906 : memref<120x128xf32, #tpu.memory_space<vmem>>)
      tpu.yield
    }) : () -> ()
    %add3A_847 = arith.constant 512 : i32
    %add3A_848 = arith.addi %mul3A_2, %add3A_847 : i32
    %dma_start3A_849 = arith.constant 0 : i32
    %dma_start3A_850 = arith.constant 0 : i32
    %dma_start3A_851 = tpu.memref_slice %arg8[%dma_start3A_849, %dma_start3A_850] : memref<128x128xf32, #tpu.memory_space<vmem>> -> memref<120x128xf32, #tpu.memory_space<vmem>>
    %dma_start3A_852 = arith.constant 0 : i32
    %dma_start3A_853 = tpu.memref_slice %arg5[%arg0, %add3A_848, %dma_start3A_852] : memref<2x10112x128xf32, #tpu.memory_space<hbm>> -> memref<1x120x128xf32, #tpu.memory_space<hbm>>
    %dma_start3A_854 = tpu.memref_squeeze %dma_start3A_853 : memref<1x120x128xf32, #tpu.memory_space<hbm>> -> memref<120x128xf32, #tpu.memory_space<hbm>>
    %dma_start3A_855 = arith.constant 0 : i32
    %dma_start3A_856 = tpu.memref_slice %arg5[%arg0, %add3A_848, %dma_start3A_855] : memref<2x10112x128xf32, #tpu.memory_space<hbm>> -> memref<1x120x128xf32, #tpu.memory_space<hbm>>
    %dma_start3A_857 = tpu.memref_squeeze %dma_start3A_856 : memref<1x120x128xf32, #tpu.memory_space<hbm>> -> memref<120x128xf32, #tpu.memory_space<hbm>>
    %dma_start3A_858 = arith.constant 0 : i32
    %dma_start3A_859 = arith.constant 0 : i32
    %dma_start3A_860 = tpu.memref_slice %arg8[%dma_start3A_858, %dma_start3A_859] : memref<128x128xf32, #tpu.memory_space<vmem>> -> memref<120x128xf32, #tpu.memory_space<vmem>>
    tpu.enqueue_dma source(%dma_start3A_860 : memref<120x128xf32, #tpu.memory_space<vmem>>) target(%dma_start3A_857 : memref<120x128xf32, #tpu.memory_space<hbm>>) target_semaphore(%arg20 : memref<!tpu.dma_semaphore, #tpu.memory_space<semaphore_mem>>)
    %add3A_861 = arith.constant 384 : i32
    %add3A_862 = arith.addi %mul3A_2, %add3A_861 : i32
    %dma_wait3A_863 = arith.constant 0 : i32
    %dma_wait3A_864 = arith.constant 0 : i32
    %dma_wait3A_865 = tpu.memref_slice %arg9[%dma_wait3A_863, %dma_wait3A_864] : memref<128x128xf32, #tpu.memory_space<vmem>> -> memref<128x128xf32, #tpu.memory_space<vmem>>
    %dma_wait3A_866 = arith.constant 0 : i32
    %dma_wait3A_867 = tpu.memref_slice %arg5[%arg0, %add3A_862, %dma_wait3A_866] : memref<2x10112x128xf32, #tpu.memory_space<hbm>> -> memref<1x128x128xf32, #tpu.memory_space<hbm>>
    %dma_wait3A_868 = tpu.memref_squeeze %dma_wait3A_867 : memref<1x128x128xf32, #tpu.memory_space<hbm>> -> memref<128x128xf32, #tpu.memory_space<hbm>>
    %dma_wait3A_869 = arith.constant 0 : i32
    %dma_wait3A_870 = tpu.memref_slice %arg5[%arg0, %add3A_862, %dma_wait3A_869] : memref<2x10112x128xf32, #tpu.memory_space<hbm>> -> memref<1x128x128xf32, #tpu.memory_space<hbm>>
    %dma_wait3A_871 = tpu.memref_squeeze %dma_wait3A_870 : memref<1x128x128xf32, #tpu.memory_space<hbm>> -> memref<128x128xf32, #tpu.memory_space<hbm>>
    %dma_wait3A_872 = arith.constant 0 : i32
    %dma_wait3A_873 = arith.constant 0 : i32
    %dma_wait3A_874 = tpu.memref_slice %arg9[%dma_wait3A_872, %dma_wait3A_873] : memref<128x128xf32, #tpu.memory_space<vmem>> -> memref<128x128xf32, #tpu.memory_space<vmem>>
    tpu.wait_dma2 semaphore(%arg21 : memref<!tpu.dma_semaphore, #tpu.memory_space<semaphore_mem>>) src(%dma_wait3A_874 : memref<128x128xf32, #tpu.memory_space<vmem>>) dst(%dma_wait3A_871 : memref<128x128xf32, #tpu.memory_space<hbm>>)
    %add3A_875 = arith.constant 512 : i32
    %add3A_876 = arith.addi %mul3A_2, %add3A_875 : i32
    %dma_wait3A_877 = arith.constant 0 : i32
    %dma_wait3A_878 = arith.constant 0 : i32
    %dma_wait3A_879 = tpu.memref_slice %arg8[%dma_wait3A_877, %dma_wait3A_878] : memref<128x128xf32, #tpu.memory_space<vmem>> -> memref<120x128xf32, #tpu.memory_space<vmem>>
    %dma_wait3A_880 = arith.constant 0 : i32
    %dma_wait3A_881 = tpu.memref_slice %arg5[%arg0, %add3A_876, %dma_wait3A_880] : memref<2x10112x128xf32, #tpu.memory_space<hbm>> -> memref<1x120x128xf32, #tpu.memory_space<hbm>>
    %dma_wait3A_882 = tpu.memref_squeeze %dma_wait3A_881 : memref<1x120x128xf32, #tpu.memory_space<hbm>> -> memref<120x128xf32, #tpu.memory_space<hbm>>
    %dma_wait3A_883 = arith.constant 0 : i32
    %dma_wait3A_884 = tpu.memref_slice %arg5[%arg0, %add3A_876, %dma_wait3A_883] : memref<2x10112x128xf32, #tpu.memory_space<hbm>> -> memref<1x120x128xf32, #tpu.memory_space<hbm>>
    %dma_wait3A_885 = tpu.memref_squeeze %dma_wait3A_884 : memref<1x120x128xf32, #tpu.memory_space<hbm>> -> memref<120x128xf32, #tpu.memory_space<hbm>>
    %dma_wait3A_886 = arith.constant 0 : i32
    %dma_wait3A_887 = arith.constant 0 : i32
    %dma_wait3A_888 = tpu.memref_slice %arg8[%dma_wait3A_886, %dma_wait3A_887] : memref<128x128xf32, #tpu.memory_space<vmem>> -> memref<120x128xf32, #tpu.memory_space<vmem>>
    tpu.wait_dma2 semaphore(%arg20 : memref<!tpu.dma_semaphore, #tpu.memory_space<semaphore_mem>>) src(%dma_wait3A_888 : memref<120x128xf32, #tpu.memory_space<vmem>>) dst(%dma_wait3A_885 : memref<120x128xf32, #tpu.memory_space<hbm>>)
    return
  }
}

module attributes {stable_mosaic.version = 14 : i64} {
  func.func @_tc_pack_body(%arg0: memref<2x320000xi32, #tpu.memory_space<vmem>>, %arg1: memref<2560x128xi32, #tpu.memory_space<vmem>>, %arg2: memref<2560x128xi32, #tpu.memory_space<vmem>>) attributes {dimension_semantics = [], scalar_prefetch = 0 : i64, scratch_operands = 0 : i64, tpu.core_type = #tpu.core_type<tc>} {
    %get3A = arith.constant 0 : index
    %get3A_0 = arith.constant 0 : index
    %get3A_1 = vector.load %arg0[%get3A, %get3A_0] : memref<2x320000xi32, #tpu.memory_space<vmem>>, vector<1x320000xi32>
    %get3A_2 = vector.shape_cast %get3A_1 : vector<1x320000xi32> to vector<320000xi32>
    %reshape3A = vector.shape_cast %get3A_2 : vector<320000xi32> to vector<2500x128xi32>
    %get3A_3 = arith.constant 1 : index
    %get3A_4 = arith.constant 0 : index
    %get3A_5 = vector.load %arg0[%get3A_3, %get3A_4] : memref<2x320000xi32, #tpu.memory_space<vmem>>, vector<1x320000xi32>
    %get3A_6 = vector.shape_cast %get3A_5 : vector<1x320000xi32> to vector<320000xi32>
    %reshape3A_7 = vector.shape_cast %get3A_6 : vector<320000xi32> to vector<2500x128xi32>
    %shift_left3A = arith.constant 16 : i32
    %shift_left3A_8 = vector.broadcast %shift_left3A : i32 to vector<2500x128xi32>
    %shift_left3A_9 = arith.shli %reshape3A_7, %shift_left3A_8 : vector<2500x128xi32>
    %or3A = arith.ori %reshape3A, %shift_left3A_9 : vector<2500x128xi32>
    %swap3A = arith.constant 0 : index
    %swap3A_10 = arith.constant 0 : index
    %swap3A_11 = vector.load %arg1[%swap3A, %swap3A_10] : memref<2560x128xi32, #tpu.memory_space<vmem>>, vector<2500x128xi32>
    tpu.vector_store %arg1[%swap3A, %swap3A_10], %or3A {strides = array<i32>} : memref<2560x128xi32, #tpu.memory_space<vmem>>, vector<2500x128xi32>,
    %swap3A_12 = arith.constant 0 : index
    %swap3A_13 = arith.constant 0 : index
    %swap3A_14 = vector.load %arg2[%swap3A_12, %swap3A_13] : memref<2560x128xi32, #tpu.memory_space<vmem>>, vector<2500x128xi32>
    tpu.vector_store %arg2[%swap3A_12, %swap3A_13], %reshape3A_7 {strides = array<i32>} : memref<2560x128xi32, #tpu.memory_space<vmem>>, vector<2500x128xi32>,
    %iota3A = tpu.iota {dimensions = array<i32: 0>} : vector<60x128xi32>
    %iota3A_15 = tpu.iota {dimensions = array<i32: 1>} : vector<60x128xi32>
    %mul3A = arith.constant 128 : i32
    %mul3A_16 = vector.broadcast %mul3A : i32 to vector<60x128xi32>
    %mul3A_17 = arith.muli %iota3A, %mul3A_16 : vector<60x128xi32>
    %add3A = arith.addi %mul3A_17, %iota3A_15 : vector<60x128xi32>
    %rem3A = arith.constant 112 : i32
    %rem3A_18 = vector.broadcast %rem3A : i32 to vector<60x128xi32>
    %rem3A_19 = arith.remsi %add3A, %rem3A_18 : vector<60x128xi32>
    %add3A_20 = arith.constant 10000 : i32
    %add3A_21 = vector.broadcast %add3A_20 : i32 to vector<60x128xi32>
    %add3A_22 = arith.addi %add3A_21, %rem3A_19 : vector<60x128xi32>
    %shift_left3A_23 = arith.constant 16 : i32
    %shift_left3A_24 = vector.broadcast %shift_left3A_23 : i32 to vector<60x128xi32>
    %shift_left3A_25 = arith.shli %add3A_22, %shift_left3A_24 : vector<60x128xi32>
    %or3A_26 = arith.ori %add3A_22, %shift_left3A_25 : vector<60x128xi32>
    %swap3A_27 = arith.constant 2500 : index
    %swap3A_28 = arith.constant 0 : index
    %swap3A_29 = vector.load %arg1[%swap3A_27, %swap3A_28] : memref<2560x128xi32, #tpu.memory_space<vmem>>, vector<60x128xi32>
    tpu.vector_store %arg1[%swap3A_27, %swap3A_28], %or3A_26 {strides = array<i32>} : memref<2560x128xi32, #tpu.memory_space<vmem>>, vector<60x128xi32>,
    %swap3A_30 = arith.constant 2500 : index
    %swap3A_31 = arith.constant 0 : index
    %swap3A_32 = vector.load %arg2[%swap3A_30, %swap3A_31] : memref<2560x128xi32, #tpu.memory_space<vmem>>, vector<60x128xi32>
    tpu.vector_store %arg2[%swap3A_30, %swap3A_31], %add3A_22 {strides = array<i32>} : memref<2560x128xi32, #tpu.memory_space<vmem>>, vector<60x128xi32>,
    return
  }
}

module attributes {stable_mosaic.version = 14 : i64} {
  func.func @_tc_pre_body(%arg0: memref<2x10112xf32, #tpu.memory_space<vmem>>, %arg1: memref<10000x1xi32, #tpu.memory_space<vmem>>, %arg2: memref<10000x128xf32, #tpu.memory_space<vmem>>, %arg3: memref<1x128xf32, #tpu.memory_space<vmem>>, %arg4: memref<1x128xf32, #tpu.memory_space<vmem>>, %arg5: memref<128x128xf32, #tpu.memory_space<vmem>>, %arg6: memref<1x128xf32, #tpu.memory_space<vmem>>, %arg7: memref<128x128xf32, #tpu.memory_space<vmem>>, %arg8: memref<10112x128xf32, #tpu.memory_space<vmem>>, %arg9: memref<10000x1xf32, #tpu.memory_space<vmem>>, %arg10: memref<10000x128xf32, #tpu.memory_space<vmem>>) attributes {dimension_semantics = [], scalar_prefetch = 0 : i64, scratch_operands = 0 : i64, tpu.core_type = #tpu.core_type<tc>} {
    %get3A = arith.constant 0 : index
    %get3A_0 = arith.constant 0 : index
    %get3A_1 = vector.load %arg0[%get3A, %get3A_0] : memref<2x10112xf32, #tpu.memory_space<vmem>>, vector<1x10112xf32>
    %get3A_2 = vector.shape_cast %get3A_1 : vector<1x10112xf32> to vector<10112xf32>
    %get3A_3 = arith.constant 1 : index
    %get3A_4 = arith.constant 0 : index
    %get3A_5 = vector.load %arg0[%get3A_3, %get3A_4] : memref<2x10112xf32, #tpu.memory_space<vmem>>, vector<1x10112xf32>
    %get3A_6 = vector.shape_cast %get3A_5 : vector<1x10112xf32> to vector<10112xf32>
    %add3A = arith.addf %get3A_2, %get3A_6 : vector<10112xf32>
    %add3A_7 = arith.constant 1.000000e+00 : f32
    %add3A_8 = vector.broadcast %add3A_7 : f32 to vector<10112xf32>
    %add3A_9 = arith.addf %add3A, %add3A_8 : vector<10112xf32>
    %rsqrt3A = math.rsqrt %add3A_9 : vector<10112xf32>
    %slice3A = vector.extract_strided_slice %rsqrt3A {offsets = [0], sizes = [10000], strides = [1]} : vector<10112xf32> to vector<10000xf32>
    %reshape3A = vector.shape_cast %slice3A : vector<10000xf32> to vector<10000x1xf32>
    %swap3A = arith.constant 0 : index
    %swap3A_10 = arith.constant 0 : index
    %swap3A_11 = vector.load %arg9[%swap3A, %swap3A_10] : memref<10000x1xf32, #tpu.memory_space<vmem>>, vector<10000x1xf32>
    tpu.vector_store %arg9[%swap3A, %swap3A_10], %reshape3A {strides = array<i32>} : memref<10000x1xf32, #tpu.memory_space<vmem>>, vector<10000x1xf32>,
    %get3A_12 = arith.constant 0 : index
    %get3A_13 = arith.constant 0 : index
    %get3A_14 = vector.load %arg1[%get3A_12, %get3A_13] : memref<10000x1xi32, #tpu.memory_space<vmem>>, vector<10000x1xi32>
    %convert_element_type3A = arith.sitofp %get3A_14 : vector<10000x1xi32> to vector<10000x1xf32>
    %get3A_15 = arith.constant 0 : index
    %get3A_16 = arith.constant 0 : index
    %get3A_17 = vector.load %arg3[%get3A_15, %get3A_16] : memref<1x128xf32, #tpu.memory_space<vmem>>, vector<1x128xf32>
    %mul3A = vector.broadcast %convert_element_type3A : vector<10000x1xf32> to vector<10000x128xf32>
    %mul3A_18 = vector.broadcast %get3A_17 : vector<1x128xf32> to vector<10000x128xf32>
    %mul3A_19 = arith.mulf %mul3A, %mul3A_18 : vector<10000x128xf32>
    %get3A_20 = arith.constant 0 : index
    %get3A_21 = arith.constant 0 : index
    %get3A_22 = vector.load %arg4[%get3A_20, %get3A_21] : memref<1x128xf32, #tpu.memory_space<vmem>>, vector<1x128xf32>
    %add3A_23 = vector.broadcast %get3A_22 : vector<1x128xf32> to vector<10000x128xf32>
    %add3A_24 = arith.addf %mul3A_19, %add3A_23 : vector<10000x128xf32>
    %mul3A_25 = arith.constant 5.000000e-01 : f32
    %mul3A_26 = vector.broadcast %mul3A_25 : f32 to vector<10000x128xf32>
    %mul3A_27 = arith.mulf %mul3A_26, %add3A_24 : vector<10000x128xf32>
    %mul3A_28 = arith.constant 0.707106769 : f32
    %mul3A_29 = vector.broadcast %mul3A_28 : f32 to vector<10000x128xf32>
    %mul3A_30 = arith.mulf %add3A_24, %mul3A_29 : vector<10000x128xf32>
    %erf3A = math.erf %mul3A_30 : vector<10000x128xf32>
    %add3A_31 = arith.constant 1.000000e+00 : f32
    %add3A_32 = vector.broadcast %add3A_31 : f32 to vector<10000x128xf32>
    %add3A_33 = arith.addf %add3A_32, %erf3A : vector<10000x128xf32>
    %mul3A_34 = arith.mulf %mul3A_27, %add3A_33 : vector<10000x128xf32>
    %get3A_35 = arith.constant 0 : index
    %get3A_36 = arith.constant 0 : index
    %get3A_37 = vector.load %arg5[%get3A_35, %get3A_36] : memref<128x128xf32, #tpu.memory_space<vmem>>, vector<128x128xf32>
    %dot_general3A = arith.constant dense<0.000000e+00> : vector<10000x128xf32>
    %dot_general3A_38 = tpu.matmul %mul3A_34, %get3A_37, %dot_general3A {dimension_numbers = #tpu.dot_dimension_numbers<[1], [0], [0], [1], [0, 0, 1, 1], [], []>, transpose_lhs_hint = false} : vector<10000x128xf32>, vector<128x128xf32>, vector<10000x128xf32> -> vector<10000x128xf32>
    %get3A_39 = arith.constant 0 : index
    %get3A_40 = arith.constant 0 : index
    %get3A_41 = vector.load %arg6[%get3A_39, %get3A_40] : memref<1x128xf32, #tpu.memory_space<vmem>>, vector<1x128xf32>
    %add3A_42 = vector.broadcast %get3A_41 : vector<1x128xf32> to vector<10000x128xf32>
    %add3A_43 = arith.addf %dot_general3A_38, %add3A_42 : vector<10000x128xf32>
    %swap3A_44 = arith.constant 0 : index
    %swap3A_45 = arith.constant 0 : index
    %swap3A_46 = vector.load %arg10[%swap3A_44, %swap3A_45] : memref<10000x128xf32, #tpu.memory_space<vmem>>, vector<10000x128xf32>
    tpu.vector_store %arg10[%swap3A_44, %swap3A_45], %add3A_43 {strides = array<i32>} : memref<10000x128xf32, #tpu.memory_space<vmem>>, vector<10000x128xf32>,
    %get3A_47 = arith.constant 0 : index
    %get3A_48 = arith.constant 0 : index
    %get3A_49 = vector.load %arg2[%get3A_47, %get3A_48] : memref<10000x128xf32, #tpu.memory_space<vmem>>, vector<10000x128xf32>
    %get3A_50 = arith.constant 0 : index
    %get3A_51 = arith.constant 0 : index
    %get3A_52 = vector.load %arg7[%get3A_50, %get3A_51] : memref<128x128xf32, #tpu.memory_space<vmem>>, vector<128x128xf32>
    %dot_general3A_53 = arith.constant dense<0.000000e+00> : vector<10000x128xf32>
    %dot_general3A_54 = tpu.matmul %get3A_49, %get3A_52, %dot_general3A_53 {dimension_numbers = #tpu.dot_dimension_numbers<[1], [0], [0], [1], [0, 0, 1, 1], [], []>, transpose_lhs_hint = false} : vector<10000x128xf32>, vector<128x128xf32>, vector<10000x128xf32> -> vector<10000x128xf32>
    %mul3A_55 = vector.broadcast %reshape3A : vector<10000x1xf32> to vector<10000x128xf32>
    %mul3A_56 = arith.mulf %dot_general3A_54, %mul3A_55 : vector<10000x128xf32>
    %swap3A_57 = arith.constant 0 : index
    %swap3A_58 = arith.constant 0 : index
    %swap3A_59 = vector.load %arg8[%swap3A_57, %swap3A_58] : memref<10112x128xf32, #tpu.memory_space<vmem>>, vector<10000x128xf32>
    tpu.vector_store %arg8[%swap3A_57, %swap3A_58], %mul3A_56 {strides = array<i32>} : memref<10112x128xf32, #tpu.memory_space<vmem>>, vector<10000x128xf32>,
    %broadcast_in_dim3A = arith.constant 0.000000e+00 : f32
    %broadcast_in_dim3A_60 = vector.broadcast %broadcast_in_dim3A : f32 to vector<112x128xf32>
    %swap3A_61 = arith.constant 10000 : index
    %swap3A_62 = arith.constant 0 : index
    %swap3A_63 = vector.load %arg8[%swap3A_61, %swap3A_62] : memref<10112x128xf32, #tpu.memory_space<vmem>>, vector<112x128xf32>
    tpu.vector_store %arg8[%swap3A_61, %swap3A_62], %broadcast_in_dim3A_60 {strides = array<i32>} : memref<10112x128xf32, #tpu.memory_space<vmem>>, vector<112x128xf32>,
    return
  }
}

module attributes {stable_mosaic.version = 14 : i64} {
  func.func @_tc_mid_body(%arg0: memref<2x10112x128xf32, #tpu.memory_space<vmem>>, %arg1: memref<10112x128xf32, #tpu.memory_space<vmem>>, %arg2: memref<10000x1xf32, #tpu.memory_space<vmem>>, %arg3: memref<10000x128xf32, #tpu.memory_space<vmem>>, %arg4: memref<1x128xf32, #tpu.memory_space<vmem>>, %arg5: memref<128x128xf32, #tpu.memory_space<vmem>>, %arg6: memref<10112x128xf32, #tpu.memory_space<vmem>>) attributes {dimension_semantics = [], scalar_prefetch = 0 : i64, scratch_operands = 0 : i64, tpu.core_type = #tpu.core_type<tc>} {
    %get3A = arith.constant 0 : index
    %get3A_0 = arith.constant 0 : index
    %get3A_1 = vector.load %arg2[%get3A, %get3A_0] : memref<10000x1xf32, #tpu.memory_space<vmem>>, vector<10000x1xf32>
    %get3A_2 = arith.constant 0 : index
    %get3A_3 = arith.constant 0 : index
    %get3A_4 = arith.constant 0 : index
    %get3A_5 = vector.load %arg0[%get3A_2, %get3A_3, %get3A_4] : memref<2x10112x128xf32, #tpu.memory_space<vmem>>, vector<1x10000x128xf32>
    %get3A_6 = vector.shape_cast %get3A_5 : vector<1x10000x128xf32> to vector<10000x128xf32>
    %get3A_7 = arith.constant 1 : index
    %get3A_8 = arith.constant 0 : index
    %get3A_9 = arith.constant 0 : index
    %get3A_10 = vector.load %arg0[%get3A_7, %get3A_8, %get3A_9] : memref<2x10112x128xf32, #tpu.memory_space<vmem>>, vector<1x10000x128xf32>
    %get3A_11 = vector.shape_cast %get3A_10 : vector<1x10000x128xf32> to vector<10000x128xf32>
    %add3A = arith.addf %get3A_6, %get3A_11 : vector<10000x128xf32>
    %get3A_12 = arith.constant 0 : index
    %get3A_13 = arith.constant 0 : index
    %get3A_14 = vector.load %arg1[%get3A_12, %get3A_13] : memref<10112x128xf32, #tpu.memory_space<vmem>>, vector<10000x128xf32>
    %add3A_15 = arith.addf %add3A, %get3A_14 : vector<10000x128xf32>
    %mul3A = vector.broadcast %get3A_1 : vector<10000x1xf32> to vector<10000x128xf32>
    %mul3A_16 = arith.mulf %mul3A, %add3A_15 : vector<10000x128xf32>
    %get3A_17 = arith.constant 0 : index
    %get3A_18 = arith.constant 0 : index
    %get3A_19 = vector.load %arg4[%get3A_17, %get3A_18] : memref<1x128xf32, #tpu.memory_space<vmem>>, vector<1x128xf32>
    %add3A_20 = vector.broadcast %get3A_19 : vector<1x128xf32> to vector<10000x128xf32>
    %add3A_21 = arith.addf %mul3A_16, %add3A_20 : vector<10000x128xf32>
    %get3A_22 = arith.constant 0 : index
    %get3A_23 = arith.constant 0 : index
    %get3A_24 = vector.load %arg3[%get3A_22, %get3A_23] : memref<10000x128xf32, #tpu.memory_space<vmem>>, vector<10000x128xf32>
    %add3A_25 = arith.addf %add3A_21, %get3A_24 : vector<10000x128xf32>
    %gt3A = arith.constant 0.000000e+00 : f32
    %gt3A_26 = vector.broadcast %gt3A : f32 to vector<10000x128xf32>
    %gt3A_27 = arith.cmpf ogt, %add3A_25, %gt3A_26 : vector<10000x128xf32>
    %min3A = arith.constant 0.000000e+00 : f32
    %min3A_28 = vector.broadcast %min3A : f32 to vector<10000x128xf32>
    %min3A_29 = arith.minimumf %add3A_25, %min3A_28 : vector<10000x128xf32>
    %exp3A = math.exp %min3A_29 : vector<10000x128xf32>
    %sub3A = arith.constant 1.000000e+00 : f32
    %sub3A_30 = vector.broadcast %sub3A : f32 to vector<10000x128xf32>
    %sub3A_31 = arith.subf %exp3A, %sub3A_30 : vector<10000x128xf32>
    %select_n3A = arith.select %gt3A_27, %add3A_25, %sub3A_31 : vector<10000x128xi1>, vector<10000x128xf32>
    %get3A_32 = arith.constant 0 : index
    %get3A_33 = arith.constant 0 : index
    %get3A_34 = vector.load %arg5[%get3A_32, %get3A_33] : memref<128x128xf32, #tpu.memory_space<vmem>>, vector<128x128xf32>
    %dot_general3A = arith.constant dense<0.000000e+00> : vector<10000x128xf32>
    %dot_general3A_35 = tpu.matmul %select_n3A, %get3A_34, %dot_general3A {dimension_numbers = #tpu.dot_dimension_numbers<[1], [0], [0], [1], [0, 0, 1, 1], [], []>, transpose_lhs_hint = false} : vector<10000x128xf32>, vector<128x128xf32>, vector<10000x128xf32> -> vector<10000x128xf32>
    %mul3A_36 = vector.broadcast %get3A_1 : vector<10000x1xf32> to vector<10000x128xf32>
    %mul3A_37 = arith.mulf %dot_general3A_35, %mul3A_36 : vector<10000x128xf32>
    %swap3A = arith.constant 0 : index
    %swap3A_38 = arith.constant 0 : index
    %swap3A_39 = vector.load %arg6[%swap3A, %swap3A_38] : memref<10112x128xf32, #tpu.memory_space<vmem>>, vector<10000x128xf32>
    tpu.vector_store %arg6[%swap3A, %swap3A_38], %mul3A_37 {strides = array<i32>} : memref<10112x128xf32, #tpu.memory_space<vmem>>, vector<10000x128xf32>,
    %broadcast_in_dim3A = arith.constant 0.000000e+00 : f32
    %broadcast_in_dim3A_40 = vector.broadcast %broadcast_in_dim3A : f32 to vector<112x128xf32>
    %swap3A_41 = arith.constant 10000 : index
    %swap3A_42 = arith.constant 0 : index
    %swap3A_43 = vector.load %arg6[%swap3A_41, %swap3A_42] : memref<10112x128xf32, #tpu.memory_space<vmem>>, vector<112x128xf32>
    tpu.vector_store %arg6[%swap3A_41, %swap3A_42], %broadcast_in_dim3A_40 {strides = array<i32>} : memref<10112x128xf32, #tpu.memory_space<vmem>>, vector<112x128xf32>,
    return
  }
}

module attributes {stable_mosaic.version = 14 : i64} {
  func.func @_tc_post_body(%arg0: memref<2x10112x128xf32, #tpu.memory_space<vmem>>, %arg1: memref<10112x128xf32, #tpu.memory_space<vmem>>, %arg2: memref<10000x1xf32, #tpu.memory_space<vmem>>, %arg3: memref<1x128xf32, #tpu.memory_space<vmem>>, %arg4: memref<10000x128xf32, #tpu.memory_space<vmem>>) attributes {dimension_semantics = [], scalar_prefetch = 0 : i64, scratch_operands = 0 : i64, tpu.core_type = #tpu.core_type<tc>} {
    %get3A = arith.constant 0 : index
    %get3A_0 = arith.constant 0 : index
    %get3A_1 = arith.constant 0 : index
    %get3A_2 = vector.load %arg0[%get3A, %get3A_0, %get3A_1] : memref<2x10112x128xf32, #tpu.memory_space<vmem>>, vector<1x10000x128xf32>
    %get3A_3 = vector.shape_cast %get3A_2 : vector<1x10000x128xf32> to vector<10000x128xf32>
    %get3A_4 = arith.constant 1 : index
    %get3A_5 = arith.constant 0 : index
    %get3A_6 = arith.constant 0 : index
    %get3A_7 = vector.load %arg0[%get3A_4, %get3A_5, %get3A_6] : memref<2x10112x128xf32, #tpu.memory_space<vmem>>, vector<1x10000x128xf32>
    %get3A_8 = vector.shape_cast %get3A_7 : vector<1x10000x128xf32> to vector<10000x128xf32>
    %add3A = arith.addf %get3A_3, %get3A_8 : vector<10000x128xf32>
    %get3A_9 = arith.constant 0 : index
    %get3A_10 = arith.constant 0 : index
    %get3A_11 = vector.load %arg1[%get3A_9, %get3A_10] : memref<10112x128xf32, #tpu.memory_space<vmem>>, vector<10000x128xf32>
    %add3A_12 = arith.addf %add3A, %get3A_11 : vector<10000x128xf32>
    %get3A_13 = arith.constant 0 : index
    %get3A_14 = arith.constant 0 : index
    %get3A_15 = vector.load %arg2[%get3A_13, %get3A_14] : memref<10000x1xf32, #tpu.memory_space<vmem>>, vector<10000x1xf32>
    %mul3A = vector.broadcast %get3A_15 : vector<10000x1xf32> to vector<10000x128xf32>
    %mul3A_16 = arith.mulf %mul3A, %add3A_12 : vector<10000x128xf32>
    %get3A_17 = arith.constant 0 : index
    %get3A_18 = arith.constant 0 : index
    %get3A_19 = vector.load %arg3[%get3A_17, %get3A_18] : memref<1x128xf32, #tpu.memory_space<vmem>>, vector<1x128xf32>
    %add3A_20 = vector.broadcast %get3A_19 : vector<1x128xf32> to vector<10000x128xf32>
    %add3A_21 = arith.addf %mul3A_16, %add3A_20 : vector<10000x128xf32>
    %swap3A = arith.constant 0 : index
    %swap3A_22 = arith.constant 0 : index
    %swap3A_23 = vector.load %arg4[%swap3A, %swap3A_22] : memref<10000x128xf32, #tpu.memory_space<vmem>>, vector<10000x128xf32>
    tpu.vector_store %arg4[%swap3A, %swap3A_22], %add3A_21 {strides = array<i32>} : memref<10000x128xf32, #tpu.memory_space<vmem>>, vector<10000x128xf32>,
    return
  }
}

</mosaic_0001>

<sc_bundles>
// kernel: kernel.12.cloned.1.call-start
scs
__scs_entry_jumppad:
0x0: {  	(pc) =	sbr.rel $0x88, $3  }
0x1: {  	(tag) =	ssettag $0x0;
	lr =	simm.s32 $0x1  }
0x2: {  	[smem:$0x3F96] =	sst lr;
	_ =	strace $0xD0000000  }
0x3: {  	_ = 	snop  }
0x4: {  	_ = 	snop  }
0x5: {  	_ = 	snop  }
0x6: {  	_ = 	snop  }
0x7: {  	_ = 	snop  }
__scs_overlays_trampoline_lowered:
0x8: {  	[smem:$0x3FA5] =	sst s0  }
0x9: {  	[smem:$0x3FA6] =	sst s1  }
0xa: {  	[smem:$0x3FA7] =	sst s2  }
0xb: {  	[smem:$0x3FA8] =	sst s3  }
0xc: {  	[smem:$0x3FA9] =	sst s4  }
0xd: {  	[smem:$0x3FAA] =	sst s5  }
0xe: {  	[smem:$0x3FAB] =	sst s6  }
0xf: {  	[smem:$0x3FAC] =	sst s7  }
0x10: {  	[smem:$0x3FAD] =	sst s8  }
0x11: {  	[smem:$0x3FAE] =	sst s9;
	s0 =	simm.s32 @!p0 $0x0  }
0x12: {  	s1 =	sld [smem:$0x3F94];
	s0 =	simm.s32 @p0 $0x1  }
0x13: {  	[smem:$0x3FAF] =	sst s0;
	s0 =	simm.s32 @!p1 $0x0  }
0x14: {  	s2 =	sld [smem:$0x3F93];
	s0 =	simm.s32 @p1 $0x1  }
0x15: {  	[smem:$0x3FB0] =	sst s0;
	s0 =	simm.s32 @!p2 $0x0  }
0x16: {  	s3 =	sld [smem:$0x3FDB];
	s0 =	simm.s32 @p2 $0x1  }
0x17: {  	s4 =	simm.s32 $0x1BF5;
	[smem:$0x3FB2] =	sst s0  }
0x18: {  	s0 =	sld [smem:$0x3F95];
	_ =	swait.ge [sflag:s4], $0x0  }
0x19: {  	s7 =	sld [smem:$0x3F96]  }
0x1a: {  	s8 =	sadd.s32 $0xFFFFE003, lr  }
0x1b: {  	s9 =	sadd.s32 $0xFFFFFEF7, lr;
	s5 =	simm.s32 $0xFFFFFFFF;
	p2 =	slt.u32 s8, $0xFFFFF086  }
0x1c: {  	p1 =	slt.u32 s9, $0xF7A;
	s5 =	simm.s32 @!p2 $0x0  }
0x1d: {  	s5 =	simm.s32 @p1 $0x1;
	p0 =	seq.s32 s7, s2  }
0x1e: {  	s7 =	smul.u32 @!p0 $0xF7A, s2;
	p2 =	seq.s32 @!p0 s5, $0x0  }
0x1f: {  	s9 =	smul.u32 $0xF7A, s1;
	s8 =	simm.s32 @!p0 $0x1BF5;
	p2 =	por !p2, p0  }
0x20: {  	[sflag:s8] =	ssyncset.s32 @!p0 $0xFFFFF086;
	s6 =	sadd.s32 @!p0 s3, s7;
	s7 =	simm.s32 @!p0 $0x108  }
0x21: {  	s3 =	sadd.s32 s3, s9;
	s6 =	sadd.s32 @!p0 $0x88, s6;
	s7 =	simm.s32 @p2 $0x1082  }
0x22: {  	[simem:s7], [sflag:s8] =	dma.local @!p0 [hbm:s6], $0xF7A  }
0x23: {  	s9 =	sor.u32 $0xD0000000, s2;
	s6 =	simm.s32 $0x108;
	_ =	swait.ge @!p0 [sflag:s8], $0x0  }
0x24: {  	s3 =	sadd.s32 $0x88, s3;
	s6 =	simm.s32 @!p1 $0x1082;
	[sflag:s4] =	ssyncset.s32 $0xFFFFF086  }
0x25: {  	[simem:s6], [sflag:s4] =	dma.local [hbm:s3], $0xF7A  }
0x26: {  	[smem:$0x3F96] =	sst s1;
	(tag) =	ssettag s2;
	_ =	strace s9  }
0x27: {  	s1 =	sld [smem:$0x3FA6]  }
0x28: {  	s2 =	sld [smem:$0x3FA7]  }
0x29: {  	s4 =	sld [smem:$0x3FA9]  }
0x2a: {  	p0 =	seq.s32 s5, $0x0;
	s5 =	sld [smem:$0x3FAA]  }
0x2b: {  	s6 =	sld [smem:$0x3FAB]  }
0x2c: {  	s7 =	sld [smem:$0x3FAC]  }
0x2d: {  	s3 =	simm.s32 $0x108;
	s8 =	sld [smem:$0x3FAD]  }
0x2e: {  	s3 =	simm.s32 @!p0 $0x1082;
	s9 =	sld [smem:$0x3FAE]  }
0x2f: {  	lr =	sadd.s32 s0, s3;
	s0 =	sld [smem:$0x3FA5]  }
0x30: {  	s3 =	sld [smem:$0x3FA8]  }
0x31: {  	[smem:$0x3FB1] =	sst s10  }
0x32: {  	s10 =	sld [smem:$0x3FAF];
	_ =	sdelay $0x3  }
0x33: {  	p0 =	seq.s32 s10, $0x1;
	s10 =	sld [smem:$0x3FB1];
	_ =	sdelay $0x3  }
0x34: {  	[smem:$0x3FB1] =	sst s10  }
0x35: {  	s10 =	sld [smem:$0x3FB0];
	_ =	sdelay $0x3  }
0x36: {  	p1 =	seq.s32 s10, $0x1;
	s10 =	sld [smem:$0x3FB1];
	_ =	sdelay $0x3  }
0x37: {  	[smem:$0x3FB1] =	sst s10  }
0x38: {  	s10 =	sld [smem:$0x3FB2]  }
0x39: {  	_ = 	snop;
	(pc) =	sbr.ind lr, $3  }
0x3a: {  	_ = 	snop  }
0x3b: {  	_ = 	snop  }
0x3c: {  	p2 =	seq.s32 s10, $0x1;
	s10 =	sld [smem:$0x3FB1]  }
0x3d: {  	_ =	shalt  }
0x3e: {  	_ =	shalt  }
0x3f: {  	_ =	shalt  }
0x40: {  	_ =	shalt  }
0x41: {  	_ =	shalt  }
0x42: {  	_ =	shalt  }
0x43: {  	_ =	shalt  }
0x44: {  	_ =	shalt  }
0x45: {  	_ =	shalt  }
0x46: {  	_ =	shalt  }
0x47: {  	_ =	shalt  }
0x48: {  	_ =	shalt  }
0x49: {  	_ =	shalt  }
0x4a: {  	_ =	shalt  }
0x4b: {  	_ =	shalt  }
0x4c: {  	_ =	shalt  }
0x4d: {  	_ =	shalt  }
0x4e: {  	_ =	shalt  }
0x4f: {  	_ =	shalt  }
0x50: {  	_ =	shalt  }
0x51: {  	_ =	shalt  }
0x52: {  	_ =	shalt  }
0x53: {  	_ =	shalt  }
0x54: {  	_ =	shalt  }
0x55: {  	_ =	shalt  }
0x56: {  	_ =	shalt  }
0x57: {  	_ =	shalt  }
0x58: {  	_ =	shalt  }
0x59: {  	_ =	shalt  }
0x5a: {  	_ =	shalt  }
0x5b: {  	_ =	shalt  }
0x5c: {  	_ =	shalt  }
0x5d: {  	_ =	shalt  }
0x5e: {  	_ =	shalt  }
0x5f: {  	_ =	shalt  }
0x60: {  	_ =	shalt  }
0x61: {  	_ =	shalt  }
0x62: {  	_ =	shalt  }
0x63: {  	_ =	shalt  }
0x64: {  	_ =	shalt  }
0x65: {  	_ =	shalt  }
0x66: {  	_ =	shalt  }
0x67: {  	_ =	shalt  }
0x68: {  	_ =	shalt  }
0x69: {  	_ =	shalt  }
0x6a: {  	_ =	shalt  }
0x6b: {  	_ =	shalt  }
0x6c: {  	_ =	shalt  }
0x6d: {  	_ =	shalt  }
0x6e: {  	_ =	shalt  }
0x6f: {  	_ =	shalt  }
0x70: {  	_ =	shalt  }
0x71: {  	_ =	shalt  }
0x72: {  	_ =	shalt  }
0x73: {  	_ =	shalt  }
0x74: {  	_ =	shalt  }
0x75: {  	_ =	shalt  }
0x76: {  	_ =	shalt  }
0x77: {  	_ =	shalt  }
0x78: {  	_ =	shalt  }
0x79: {  	_ =	shalt  }
0x7a: {  	_ =	shalt  }
0x7b: {  	_ =	shalt  }
0x7c: {  	_ =	shalt  }
0x7d: {  	_ =	shalt  }
0x7e: {  	_ =	shalt  }
0x7f: {  	_ =	shalt  }
0x80: {  	_ =	shalt  }
0x81: {  	_ =	shalt  }
0x82: {  	_ =	shalt  }
0x83: {  	_ =	shalt  }
0x84: {  	_ =	shalt  }
0x85: {  	_ =	shalt  }
0x86: {  	_ =	shalt  }
0x87: {  	_ =	shalt  }
.Lfunc_end0:
.L_simem_size_0:
called_computation.1_lowered:
.L_overlay_start_0:
0x88: {  	s2 =	sld [smem:$0x3FD9]  }
0x89: {  	s3 =	sld [smem:$0x3FFE];
	_ =	sdelay $0x1  }
0x8a: {  	s1 =	srdreg.scid  }
0x8b: {  	s0 =	sand.u32 $0x1, s1  }
0x8c: {  	s17 =	sshll.u32 s0, $0xA;
	s2 =	sadd.s32 s3, s2  }
0x8d: {  	s2 =	sadd.s32 s2, s17  }
0x8e: {  	[smem:$0x3FBD] =	sst s2  }
0x8f: {  	_ = 	snop  }
0x90: {  	s2 =	sld [smem:$0x3FD0];
	(tm) =	ssettm $0x1  }
0x91: {  	s18 =	sld [smem:$0x3FFB];
	_ =	sdelay $0x3  }
0x92: {  	_ =	strace s18  }
0x93: {  	s3 =	sld [smem:$0x3FFC];
	_ =	sdelay $0x3  }
0x94: {  	_ =	strace s3  }
0x95: {  	s3 =	sld [smem:$0x3FFD];
	_ =	sdelay $0x3  }
0x96: {  	_ =	strace s3  }
0x97: {  	_ =	strace $0x8FFFFFFF  }
0x98: {  	s19 =	sld [smem:$0x3FDB];
	_ =	sdelay $0x1  }
0x99: {  	s4 =	simm.s32 $_scs_section_size  }
0x9a: {  	s5 =	simm.s32 $_size__tile_overlayer_lowered;
	s6 =	simm.s32 $_tile_overlayer_lowered  }
0x9b: {  	s22 =	simm.s32 $0x1BFF;
	s21 =	sshll.u32 s6, $0x1;
	s3 =	sadd.s32 s4, s19  }
0x9c: {  	s7 =	simm.s32 $0x0;
	s20 =	sshll.u32 s5, $0x1;
	s5 =	sadd.s32 s21, s3  }
0x9d: {  	[timem:s7], [sflag:s22] =	dma.local [hbm:s5], s20  }
0x9e: {  	_ =	swait.ge [sflag:s22], s20  }
0x9f: {  	s4 =	ssub.s32 $0x0, s20;
	[sflag:s22] =	ssyncset.done $0x0  }
0xa0: {  	[sflag:s22] =	ssyncadd.s32 s4;
	_ =	sdelay $0x1  }
0xa1: {  	s23 =	simm.s32 $0x1B8B  }
0xa2: {  	_ =	swait.ge [sflag:s23], $0x1  }
0xa3: {  	[sflag:s23] =	ssyncset.done $0x0  }
0xa4: {  	s25 =	simm.s32 $0x1B8E;
	s24 =	sld [smem:$0x3FFE];
	[sflag:s23] =	ssyncadd.s32 $0xFFFFFFFF  }
0xa5: {  	s26 =	simm.s32 $execute0_lowered;
	[smem:$0x3FD2] =	sst s25  }
0xa6: {  	s5 =	sshll.u32 s26, $0x1;
	_ =	strace $0x80000049;
	[dreg:$0x1] =	wrdreg $0xFFFFFFFF  }
0xa7: {  	s28 =	simm.s32 $_size_execute0_lowered;
	s3 =	sadd.s32 s3, s5;
	[dreg:$0x0] =	wrdreg $0x0  }
0xa8: {  	s5 =	sshll.u32 s28, $0x1;
	[dreg:$0x2] =	wrdreg s3  }
0xa9: {  	[dreg:$0x3] =	wrdreg s5  }
0xaa: {  	[dreg:$0x4] =	wrdreg $0xC0  }
0xab: {  	_ =	task [dreg:s7], $0x5FFFF  }
0xac: {  	[dreg:$0x1] =	wrdreg $0xFFFFFFFF  }
0xad: {  	[dreg:$0x0] =	wrdreg $0x60  }
0xae: {  	[dreg:$0x2] =	wrdreg s24  }
0xaf: {  	[dreg:$0x3] =	wrdreg s2  }
0xb0: {  	[dreg:$0x4] =	wrdreg $0x0  }
0xb1: {  	[dreg:$0x5] =	wrdreg $0x9  }
0xb2: {  	_ =	task.clear_ibuf [dreg:s7], $0x6FFFF;
	_ =	strace $0x90000049  }
0xb3: {  	s29 =	simm.s32 $0x9;
	_ =	strace $0x8000004B  }
0xb4: {  	_ =	swait.ge [sflag:s29], $0x1  }
0xb5: {  	[sflag:s29] =	ssyncadd.s32 $0xFFFFFFFF  }
0xb6: {  	_ =	strace $0x9000004B  }
0xb7: {  	_ =	sfence  }
0xb8: {  	s30 =	sld [smem:$0x0];
	_ =	sdelay $0x2  }
0xb9: {  	s31 =	sshll.u32 s1, $0xD;
	s1 =	sshrl.u32 s1, $0x2  }
0xba: {  	s3 =	sand.u32 $0x4000, s31;
	s1 =	sadd.s32 s1, s30  }
0xbb: {  	s0 =	sor.u32 s3, s0;
	s1 =	sshll.u32 s1, $0x11  }
0xbc: {  	s0 =	sor.u32 s1, s0  }
0xbd: {  	s0 =	sadd.s32 $0x8F2B, s0  }
0xbe: {  	[sflag:s0] =	ssyncadd.remote.s32 $0x1  }
0xbf: {  	_ =	sfence.sel $0xFFFF  }
0xc0: {  	[dreg:$0x0] =	wrdreg $0xFFFFFFFF;
	(pc) =	sbr.abs _section_cstart, $3  }
0xc1: {  	[dreg:$0x1] =	wrdreg $0xFFFFFFFF  }
0xc2: {  	_ =	task.clear_ibuf [dreg:s7], $0x2FFFF;
	_ =	strace $0x9FFFFFFF  }
0xc3: {  	(tm) =	ssettm $0x7FFFFFFF  }
tec
execute0_lowered:
.L_overlay_start_1:
0x0: {  	(tag) =	ssettag $0x1  }
0x1: {  	s0 =	srdreg.scid;
	s1 =	rddreg [dreg:$0x0]  }
0x2: {  	s7 =	stileid.u32;
	s3 =	rddreg [dreg:$0x2];
	s4 =	simm.s32 $0x0  }
0x3: {  	s18 =	simm.s32 $0x16400;
	s19 =	simm.s32 $0x5;
	s28 =	simm.s32 $0x1E600  }
0x4: {  	s29 =	simm.s32 $0x1E480;
	s30 =	simm.s32 $0x2;
	s31 =	simm.s32 $0x1E700  }
0x5: {  	s0 =	sand.u32 $0x1, s0;
	[smem:$0x7FF] =	sst s4;
	s6 =	smul.u32 $0x4F000, s7  }
0x6: {  	s5 =	sadd.s32 $0xD800, s1;
	s11 =	smul.u32 $0x13C00, s7;
	s2 =	sshll.u32 s0, $0x4  }
0x7: {  	_ =	strace $0x8000004A;
	s20 =	ssub.s32 $0x2, s0;
	s0 =	smul.u32 $0x13C000, s0  }
0x8: {  	s2 =	sor.u32 s7, s2;
	s8 =	sshrl.u32 s20, $0x1;
	s6 =	sshrl.u32 s6, $0x2  }
0x9: {  	s12 =	sadd.s32 $0x4000, s11;
	s14 =	sadd.s32 $0x8000, s11;
	s15 =	sadd.s32 $0xC000, s11  }
0xa: {  	s16 =	sadd.s32 $0x10000, s11;
	s2 =	smul.u32 $0x500, s2;
	s13 =	ssub.s32 s20, s8  }
0xb: {  	s6 =	sadd.s32 s6, s3;
	s7 =	sadd.s32 s12, s3;
	s8 =	sadd.s32 s14, s3  }
0xc: {  	s9 =	sadd.s32 s15, s3;
	s10 =	sadd.s32 s16, s3;
	s11 =	sadd.s32 s11, s0  }
0xd: {  	s12 =	sadd.s32 s0, s12;
	s24 =	sadd.s32 s0, s14;
	s25 =	sadd.s32 s0, s15  }
0xe: {  	s0 =	sadd.s32 s0, s16;
	s20 =	simm.s32 $0x4;
	s21 =	sshrl.u32 s11, $0x3  }
0xf: {  	s22 =	sshrl.u32 s12, $0x3;
	s26 =	sshrl.u32 s25, $0x3;
	s0 =	sshrl.u32 s0, $0x3  }
0x10: {  	s17 =	smax.u32 s13, $0x1;
	s25 =	simm.s32 $0x1A400;
	s2 =	sadd.s32 s2, s1  }
0x11: {  	s11 =	simm.s32 $0x0;
	s1 =	sadd.s32 $0x35000, s1;
	s2 =	sadd.s32 $0x3800, s2  }
0x12: {  	s23 =	sadd.s32 s1, s22;
	s15 =	sadd.s32 s1, s26;
	s16 =	sadd.s32 s1, s0  }
.Ltmp0:
0x13: {  	s22 =	simm.s32 $0x80;
	s26 =	simm.s32 $0x1;
	(pc) =	sbr.rel .LBB2_1-.Ltmp0, $4  }
0x14: {  	s0 =	simm.s32 $0x1E680;
	[dreg:$0x4] =	wrdreg s2;
	s2 =	sadd.s32 s1, s21  }
0x15: {  	[dreg:$0x6] =	wrdreg s23;
	s21 =	simm.s32 $0x3;
	s23 =	simm.s32 $0x1E400  }
0x16: {  	[dreg:$0x5] =	wrdreg s2;
	s2 =	sshrl.u32 s24, $0x3;
	s24 =	simm.s32 $0x1E500  }
0x17: {  	s14 =	sadd.s32 s1, s2;
	s1 =	simm.s32 $0x1E580;
	s2 =	simm.s32 $0x1E780  }
.LBB2_7:
0x18: {  	_ =	swait.ge [sflag:s30], $0x4000  }
0x19: {  	[sflag:s30] =	ssyncset.done $0x0  }
0x1a: {  	[sflag:s30] =	ssyncadd.s32 $0xFFFFC000  }
0x1b: {  	[spmem:s3] =	stream.indirect.scatter.add.f32 [tilespmem:s25], [sflag:$0x5], $0x80, s2, s22, $0xb8;
	[tilespmem:$0x1E800] =	vst v63  }
0x1c: {  	_ =	swait.ge [sflag:s19], $0x4000  }
0x1d: {  	[sflag:s19] =	ssyncset.done $0x0  }
0x1e: {  	[sflag:s19] =	ssyncadd.s32 $0xFFFFC000  }
0x1f: {  	[bflag:$0x0] =	sbarrier.arrive $0xFFFF  }
0x20: {  	[tilespmem:s18], [sflag:$0x5] =	stream.linear.gather [spmem:s6], $0x4000, $0x38;
	[tilespmem:$0x1E800] =	vst v63  }
0x21: {  	_ =	swait.ge [sflag:s19], $0x4000  }
0x22: {  	[sflag:s19] =	ssyncset.done $0x0  }
0x23: {  	s12 =	rddreg [dreg:$0x5];
	[sflag:s19] =	ssyncadd.s32 $0xFFFFC000  }
0x24: {  	[hbm4b:s12+s4] =	stream.linear.scatter [tilespmem:s18], [sflag:$0x3], $0x4000, $0x38;
	[tilespmem:$0x1E800] =	vst v63  }
0x25: {  	_ = 	snop  }
0x26: {  	[tilespmem:s25], [sflag:$0x5] =	stream.linear.gather [spmem:s7], $0x4000, $0x38;
	[tilespmem:$0x1E800] =	vst v63  }
0x27: {  	_ =	swait.ge [sflag:s19], $0x4000  }
0x28: {  	[sflag:s19] =	ssyncset.done $0x0  }
0x29: {  	s13 =	rddreg [dreg:$0x6];
	[sflag:s19] =	ssyncadd.s32 $0xFFFFC000  }
0x2a: {  	[hbm4b:s13+s4] =	stream.linear.scatter [tilespmem:s25], [sflag:$0x4], $0x4000, $0x38;
	[tilespmem:$0x1E800] =	vst v63  }
0x2b: {  	_ =	swait.ge [sflag:s21], $0x4000  }
0x2c: {  	[sflag:s21] =	ssyncset.done $0x0  }
0x2d: {  	[sflag:s21] =	ssyncadd.s32 $0xFFFFC000  }
0x2e: {  	[tilespmem:s18], [sflag:$0x5] =	stream.linear.gather [spmem:s8], $0x4000, $0x38;
	[tilespmem:$0x1E800] =	vst v63  }
0x2f: {  	_ =	swait.ge [sflag:s19], $0x4000  }
0x30: {  	[sflag:s19] =	ssyncset.done $0x0  }
0x31: {  	[sflag:s19] =	ssyncadd.s32 $0xFFFFC000  }
0x32: {  	[hbm4b:s14+s4] =	stream.linear.scatter [tilespmem:s18], [sflag:$0x3], $0x4000, $0x38;
	[tilespmem:$0x1E800] =	vst v63  }
0x33: {  	_ =	swait.ge [sflag:s20], $0x4000  }
0x34: {  	[sflag:s20] =	ssyncset.done $0x0  }
0x35: {  	[sflag:s20] =	ssyncadd.s32 $0xFFFFC000  }
0x36: {  	[tilespmem:s25], [sflag:$0x5] =	stream.linear.gather [spmem:s9], $0x4000, $0x38;
	[tilespmem:$0x1E800] =	vst v63  }
0x37: {  	_ =	swait.ge [sflag:s19], $0x4000  }
0x38: {  	[sflag:s19] =	ssyncset.done $0x0  }
0x39: {  	[sflag:s19] =	ssyncadd.s32 $0xFFFFC000  }
0x3a: {  	[hbm4b:s15+s4] =	stream.linear.scatter [tilespmem:s25], [sflag:$0x4], $0x4000, $0x38;
	[tilespmem:$0x1E800] =	vst v63  }
0x3b: {  	_ =	swait.ge [sflag:s21], $0x4000  }
0x3c: {  	[sflag:s21] =	ssyncset.done $0x0  }
0x3d: {  	[sflag:s21] =	ssyncadd.s32 $0xFFFFC000  }
0x3e: {  	[tilespmem:s18], [sflag:$0x5] =	stream.linear.gather [spmem:s10], $0x3C00, $0x38;
	[tilespmem:$0x1E800] =	vst v63  }
0x3f: {  	_ =	swait.ge [sflag:s19], $0x3C00  }
0x40: {  	[sflag:s19] =	ssyncset.done $0x0  }
0x41: {  	s11 =	sadd.s32 $0x1, s11;
	[sflag:s19] =	ssyncadd.s32 $0xFFFFC400  }
0x42: {  	[hbm4b:s16+s4] =	stream.linear.scatter [tilespmem:s18], [sflag:$0x3], $0x3C00, $0x38;
	[tilespmem:$0x1E800] =	vst v63  }
0x43: {  	p0 =	sne.s32 s11, s17;
	_ =	swait.ge [sflag:s20], $0x4000  }
.Ltmp1:
0x44: {  	[sflag:s20] =	ssyncset.done $0x0;
	(pc) =	sbr.rel @!p0 .LBB2_8-.Ltmp1, $4  }
0x45: {  	[sflag:s20] =	ssyncadd.s32 $0xFFFFC000  }
0x46: {  	_ =	swait.ge [sflag:s21], $0x3C00  }
0x47: {  	[sflag:s21] =	ssyncset.done $0x0  }
0x48: {  	[sflag:s21] =	ssyncadd.s32 $0xFFFFC400  }
.LBB2_1:
0x49: {  	s12 =	rddreg [dreg:$0x1]  }
0x4a: {  	[tilespmem:s18], [sflag:$0x5] =	stream.linear.gather [hbm4b:s12+s4], $0x4000, $0x38;
	[tilespmem:$0x1E800] =	vst v63  }
0x4b: {  	_ =	swait.ge [sflag:s19], $0x4000  }
0x4c: {  	[sflag:s19] =	ssyncset.done $0x0  }
0x4d: {  	[sflag:s19] =	ssyncadd.s32 $0xFFFFC000  }
0x4e: {  	[spmem:s6] =	stream.linear.scatter [tilespmem:s18], [sflag:$0x3], $0x4000, $0x38;
	[tilespmem:$0x1E800] =	vst v63  }
0x4f: {  	_ = 	snop  }
0x50: {  	[spmem:s7] =	stream.linear.scatter [tilespmem:s18], [sflag:$0x3], $0x4000, $0x38;
	[tilespmem:$0x1E800] =	vst v63  }
0x51: {  	_ = 	snop  }
0x52: {  	[spmem:s8] =	stream.linear.scatter [tilespmem:s18], [sflag:$0x3], $0x4000, $0x38;
	[tilespmem:$0x1E800] =	vst v63  }
0x53: {  	_ = 	snop  }
0x54: {  	[spmem:s9] =	stream.linear.scatter [tilespmem:s18], [sflag:$0x3], $0x4000, $0x38;
	[tilespmem:$0x1E800] =	vst v63  }
0x55: {  	_ = 	snop  }
0x56: {  	[spmem:s10] =	stream.linear.scatter [tilespmem:s18], [sflag:$0x3], $0x3C00, $0x38;
	[tilespmem:$0x1E800] =	vst v63  }
0x57: {  	s13 =	simm.s32 $0x13C00;
	s12 =	rddreg [dreg:$0x4]  }
0x58: {  	[tilespmem:s13], [sflag:$0x5] =	stream.linear.gather [hbm4b:s12+s4], $0x2800, $0x38;
	[tilespmem:$0x1E800] =	vst v63  }
0x59: {  	_ =	swait.ge [sflag:s19], $0x2800  }
0x5a: {  	[sflag:s19] =	ssyncset.done $0x0  }
0x5b: {  	[sflag:s19] =	ssyncadd.s32 $0xFFFFD800  }
0x5c: {  	_ =	swait.ge [sflag:s21], $0x4000  }
0x5d: {  	[sflag:s21] =	ssyncset.done $0x0  }
0x5e: {  	[sflag:s21] =	ssyncadd.s32 $0xFFFFC000  }
0x5f: {  	_ =	swait.ge [sflag:s21], $0x4000  }
0x60: {  	[sflag:s21] =	ssyncset.done $0x0  }
0x61: {  	[sflag:s21] =	ssyncadd.s32 $0xFFFFC000  }
0x62: {  	_ =	swait.ge [sflag:s21], $0x4000  }
0x63: {  	[sflag:s21] =	ssyncset.done $0x0  }
0x64: {  	[sflag:s21] =	ssyncadd.s32 $0xFFFFC000  }
0x65: {  	_ =	swait.ge [sflag:s21], $0x4000  }
0x66: {  	[sflag:s21] =	ssyncset.done $0x0  }
0x67: {  	[sflag:s21] =	ssyncadd.s32 $0xFFFFC000  }
0x68: {  	_ =	swait.ge [sflag:s21], $0x3C00  }
0x69: {  	[sflag:s21] =	ssyncset.done $0x0  }
0x6a: {  	[sflag:s21] =	ssyncadd.s32 $0xFFFFC400  }
0x6b: {  	[bflag:$0x0] =	sbarrier.arrive $0xFFFF  }
0x6c: {  	v0 =	vld [tilespmem:$0x13C00];
	_ =	sdelay $0x1  }
0x6d: {  	v1 =	vld [tilespmem:$0x13C10];
	_ =	sdelay $0x1  }
0x6e: {  	v2 =	vld [tilespmem:$0x13C20]  }
0x6f: {  	v3 =	vand.u32 $0xFFFF, v0  }
0x70: {  	v34 =	vld [tilespmem:$0x13C30];
	v0 =	vshrl.u32 v0, $0x10;
	[tilespmem:$0x1E400] =	vst v3  }
0x71: {  	v35 =	vand.u32 $0xFFFF, v1;
	[tilespmem:$0x1E600] =	vst v0  }
0x72: {  	v37 =	vld [tilespmem:$0x13C40];
	v36 =	vshrl.u32 v1, $0x10;
	[tilespmem:$0x1E410] =	vst v35  }
0x73: {  	v38 =	vand.u32 $0xFFFF, v2;
	[tilespmem:$0x1E610] =	vst v36  }
0x74: {  	v40 =	vld [tilespmem:$0x13C50];
	v39 =	vshrl.u32 v2, $0x10;
	[tilespmem:$0x1E420] =	vst v38  }
0x75: {  	v41 =	vand.u32 $0xFFFF, v34;
	[tilespmem:$0x1E620] =	vst v39  }
0x76: {  	v43 =	vld [tilespmem:$0x13C60];
	v42 =	vshrl.u32 v34, $0x10;
	[tilespmem:$0x1E430] =	vst v41  }
0x77: {  	v44 =	vand.u32 $0xFFFF, v37;
	[tilespmem:$0x1E630] =	vst v42  }
0x78: {  	v46 =	vld [tilespmem:$0x13C70];
	v45 =	vshrl.u32 v37, $0x10;
	[tilespmem:$0x1E440] =	vst v44  }
0x79: {  	v47 =	vand.u32 $0xFFFF, v40;
	[tilespmem:$0x1E640] =	vst v45  }
0x7a: {  	v48 =	vshrl.u32 v40, $0x10;
	[tilespmem:$0x1E450] =	vst v47  }
0x7b: {  	v49 =	vand.u32 $0xFFFF, v43;
	[tilespmem:$0x1E650] =	vst v48  }
0x7c: {  	v50 =	vshrl.u32 v43, $0x10;
	[tilespmem:$0x1E460] =	vst v49  }
0x7d: {  	v51 =	vand.u32 $0xFFFF, v46;
	[tilespmem:$0x1E660] =	vst v50  }
0x7e: {  	v52 =	vshrl.u32 v46, $0x10;
	[tilespmem:$0x1E470] =	vst v51  }
0x7f: {  	[tilespmem:$0x1E670] =	vst v52  }
0x80: {  	[tilespmem:s18], [sflag:$0x1] =	stream.indirect.gather [hbm4b:s5+s22], $0x80, s23, s22, $0xb8;
	[tilespmem:$0x1E800] =	vst v63  }
0x81: {  	v53 =	vld [tilespmem:$0x13C80];
	_ =	sdelay $0x1  }
0x82: {  	v54 =	vld [tilespmem:$0x13C90];
	_ =	sdelay $0x1  }
0x83: {  	v55 =	vld [tilespmem:$0x13CA0]  }
0x84: {  	v56 =	vand.u32 $0xFFFF, v53  }
0x85: {  	v57 =	vld [tilespmem:$0x13CB0];
	v0 =	vshrl.u32 v53, $0x10;
	[tilespmem:$0x1E500] =	vst v56  }
0x86: {  	v58 =	vand.u32 $0xFFFF, v54;
	[tilespmem:$0x1E700] =	vst v0  }
0x87: {  	v60 =	vld [tilespmem:$0x13CC0];
	v59 =	vshrl.u32 v54, $0x10;
	[tilespmem:$0x1E510] =	vst v58  }
0x88: {  	v61 =	vand.u32 $0xFFFF, v55;
	[tilespmem:$0x1E710] =	vst v59  }
0x89: {  	v63 =	vld [tilespmem:$0x13CD0];
	v62 =	vshrl.u32 v55, $0x10;
	[tilespmem:$0x1E520] =	vst v61  }
0x8a: {  	v5 =	vand.u32 $0xFFFF, v57;
	[tilespmem:$0x1E720] =	vst v62  }
0x8b: {  	v7 =	vld [tilespmem:$0x13CE0];
	v6 =	vshrl.u32 v57, $0x10;
	[tilespmem:$0x1E530] =	vst v5  }
0x8c: {  	v8 =	vand.u32 $0xFFFF, v60;
	[tilespmem:$0x1E730] =	vst v6  }
0x8d: {  	v10 =	vld [tilespmem:$0x13CF0];
	v9 =	vshrl.u32 v60, $0x10;
	[tilespmem:$0x1E540] =	vst v8  }
0x8e: {  	v11 =	vand.u32 $0xFFFF, v63;
	[tilespmem:$0x1E740] =	vst v9  }
0x8f: {  	v12 =	vshrl.u32 v63, $0x10;
	[tilespmem:$0x1E550] =	vst v11  }
0x90: {  	v13 =	vand.u32 $0xFFFF, v7;
	[tilespmem:$0x1E750] =	vst v12  }
0x91: {  	v14 =	vshrl.u32 v7, $0x10;
	[tilespmem:$0x1E560] =	vst v13  }
0x92: {  	v15 =	vand.u32 $0xFFFF, v10;
	[tilespmem:$0x1E760] =	vst v14  }
0x93: {  	v16 =	vshrl.u32 v10, $0x10;
	[tilespmem:$0x1E570] =	vst v15  }
0x94: {  	[tilespmem:$0x1E770] =	vst v16  }
0x95: {  	[tilespmem:s25], [sflag:$0x2] =	stream.indirect.gather [hbm4b:s5+s22], $0x80, s24, s22, $0xb8;
	[tilespmem:$0x1E800] =	vst v63  }
0x96: {  	v17 =	vld [tilespmem:$0x13D00];
	_ =	sdelay $0x1  }
0x97: {  	v18 =	vld [tilespmem:$0x13D10];
	_ =	sdelay $0x1  }
0x98: {  	v19 =	vld [tilespmem:$0x13D20]  }
0x99: {  	v20 =	vand.u32 $0xFFFF, v17  }
0x9a: {  	v21 =	vld [tilespmem:$0x13D30];
	v0 =	vshrl.u32 v17, $0x10;
	[tilespmem:$0x1E480] =	vst v20  }
0x9b: {  	v22 =	vand.u32 $0xFFFF, v18;
	[tilespmem:$0x1E680] =	vst v0  }
0x9c: {  	v24 =	vld [tilespmem:$0x13D40];
	v23 =	vshrl.u32 v18, $0x10;
	[tilespmem:$0x1E490] =	vst v22  }
0x9d: {  	v25 =	vand.u32 $0xFFFF, v19;
	[tilespmem:$0x1E690] =	vst v23  }
0x9e: {  	v27 =	vld [tilespmem:$0x13D50];
	v26 =	vshrl.u32 v19, $0x10;
	[tilespmem:$0x1E4A0] =	vst v25  }
0x9f: {  	v28 =	vand.u32 $0xFFFF, v21;
	[tilespmem:$0x1E6A0] =	vst v26  }
0xa0: {  	v30 =	vld [tilespmem:$0x13D60];
	v29 =	vshrl.u32 v21, $0x10;
	[tilespmem:$0x1E4B0] =	vst v28  }
0xa1: {  	v31 =	vand.u32 $0xFFFF, v24;
	[tilespmem:$0x1E6B0] =	vst v29  }
0xa2: {  	v33 =	vld [tilespmem:$0x13D70];
	v32 =	vshrl.u32 v24, $0x10;
	[tilespmem:$0x1E4C0] =	vst v31  }
0xa3: {  	v34 =	vand.u32 $0xFFFF, v27;
	[tilespmem:$0x1E6C0] =	vst v32  }
0xa4: {  	v36 =	vld [tilespmem:$0x13D80];
	v35 =	vshrl.u32 v27, $0x10;
	[tilespmem:$0x1E4D0] =	vst v34  }
0xa5: {  	v37 =	vand.u32 $0xFFFF, v30;
	[tilespmem:$0x1E6D0] =	vst v35  }
0xa6: {  	v39 =	vld [tilespmem:$0x13D90];
	v38 =	vshrl.u32 v30, $0x10;
	[tilespmem:$0x1E4E0] =	vst v37  }
0xa7: {  	v40 =	vand.u32 $0xFFFF, v33;
	[tilespmem:$0x1E6E0] =	vst v38  }
0xa8: {  	v42 =	vld [tilespmem:$0x13DA0];
	v41 =	vshrl.u32 v33, $0x10;
	[tilespmem:$0x1E4F0] =	vst v40  }
0xa9: {  	v43 =	vand.u32 $0xFFFF, v36;
	[tilespmem:$0x1E6F0] =	vst v41  }
0xaa: {  	v45 =	vld [tilespmem:$0x13DB0];
	v44 =	vshrl.u32 v36, $0x10;
	[tilespmem:$0x1E580] =	vst v43  }
0xab: {  	v46 =	vand.u32 $0xFFFF, v39;
	[tilespmem:$0x1E780] =	vst v44  }
0xac: {  	v48 =	vld [tilespmem:$0x13DC0];
	v47 =	vshrl.u32 v39, $0x10;
	[tilespmem:$0x1E590] =	vst v46  }
0xad: {  	v49 =	vand.u32 $0xFFFF, v42;
	[tilespmem:$0x1E790] =	vst v47  }
0xae: {  	v51 =	vld [tilespmem:$0x13DD0];
	v50 =	vshrl.u32 v42, $0x10;
	[tilespmem:$0x1E5A0] =	vst v49  }
0xaf: {  	v52 =	vand.u32 $0xFFFF, v45;
	[tilespmem:$0x1E7A0] =	vst v50  }
0xb0: {  	v54 =	vld [tilespmem:$0x13DE0];
	v53 =	vshrl.u32 v45, $0x10;
	[tilespmem:$0x1E5B0] =	vst v52  }
0xb1: {  	v55 =	vand.u32 $0xFFFF, v48;
	[tilespmem:$0x1E7B0] =	vst v53  }
0xb2: {  	v57 =	vld [tilespmem:$0x13DF0];
	v56 =	vshrl.u32 v48, $0x10;
	[tilespmem:$0x1E5C0] =	vst v55  }
0xb3: {  	v58 =	vand.u32 $0xFFFF, v51;
	[tilespmem:$0x1E7C0] =	vst v56  }
0xb4: {  	v59 =	vshrl.u32 v51, $0x10;
	[tilespmem:$0x1E5D0] =	vst v58  }
0xb5: {  	v60 =	vand.u32 $0xFFFF, v54;
	[tilespmem:$0x1E7D0] =	vst v59  }
0xb6: {  	v61 =	vshrl.u32 v54, $0x10;
	[tilespmem:$0x1E5E0] =	vst v60  }
0xb7: {  	v62 =	vand.u32 $0xFFFF, v57;
	[tilespmem:$0x1E7E0] =	vst v61  }
0xb8: {  	v63 =	vshrl.u32 v57, $0x10;
	[tilespmem:$0x1E5F0] =	vst v62  }
0xb9: {  	s12 =	simm.s32 $0xFC0;
	[tilespmem:$0x1E7F0] =	vst v63  }
.LBB2_2:
0xba: {  	_ =	swait.ge [sflag:s26], $0x4000  }
0xbb: {  	[sflag:s26] =	ssyncset.done $0x0  }
0xbc: {  	p0 =	seq.s32 s12, $0xA7C0;
	[sflag:s26] =	ssyncadd.s32 $0xFFFFC000  }
0xbd: {  	[spmem:s3] =	stream.indirect.scatter.add.f32 [tilespmem:s18], [sflag:$0x5], $0x80, s28, s22, $0xb8;
	[tilespmem:$0x1E800] =	vst v63  }
.Ltmp2:
0xbe: {  	_ = 	snop;
	(pc) =	sbr.rel @!p0 .LBB2_3-.Ltmp2, $4  }
0xbf: {  	_ =	swait.ge [sflag:s19], $0x4000  }
0xc0: {  	[sflag:s19] =	ssyncset.done $0x0  }
0xc1: {  	[sflag:s19] =	ssyncadd.s32 $0xFFFFC000  }
0xc2: {  	[tilespmem:s18], [sflag:$0x1] =	stream.indirect.gather [hbm4b:s5+s22], $0x80, s29, s22, $0xb8;
	[tilespmem:$0x1E800] =	vst v63  }
0xc3: {  	_ =	swait.ge [sflag:s30], $0x4000  }
0xc4: {  	[sflag:s30] =	ssyncset.done $0x0  }
0xc5: {  	[sflag:s30] =	ssyncadd.s32 $0xFFFFC000  }
0xc6: {  	[spmem:s3] =	stream.indirect.scatter.add.f32 [tilespmem:s25], [sflag:$0x5], $0x80, s31, s22, $0xb8;
	[tilespmem:$0x1E800] =	vst v63  }
.Ltmp3:
0xc7: {  	_ = 	snop;
	(pc) =	sbr.rel .LBB2_5-.Ltmp3, $4  }
0xc8: {  	_ =	swait.ge [sflag:s19], $0x4000  }
0xc9: {  	[sflag:s19] =	ssyncset.done $0x0  }
0xca: {  	[sflag:s19] =	ssyncadd.s32 $0xFFFFC000  }
0xcb: {  	[tilespmem:s25], [sflag:$0x2] =	stream.indirect.gather [hbm4b:s5+s22], $0x80, s1, s22, $0xb8;
	[tilespmem:$0x1E800] =	vst v63  }
.LBB2_3:
0xcc: {  	s13 =	sshra.s32 s12, $0x2  }
0xcd: {  	v0 =	vld [tilespmem:s13+$0x13A10];
	_ =	sdelay $0x4  }
0xce: {  	v1 =	vand.u32 $0xFFFF, v0  }
0xcf: {  	v0 =	vshrl.u32 v0, $0x10;
	[tilespmem:$0x1E400] =	vst v1  }
0xd0: {  	[tilespmem:$0x1E600] =	vst v0  }
0xd1: {  	v0 =	vld [tilespmem:s13+$0x13A20];
	_ =	sdelay $0x4  }
0xd2: {  	v48 =	vand.u32 $0xFFFF, v0  }
0xd3: {  	v0 =	vshrl.u32 v0, $0x10;
	[tilespmem:$0x1E410] =	vst v48  }
0xd4: {  	[tilespmem:$0x1E610] =	vst v0  }
0xd5: {  	v0 =	vld [tilespmem:s13+$0x13A30];
	_ =	sdelay $0x4  }
0xd6: {  	v49 =	vand.u32 $0xFFFF, v0  }
0xd7: {  	v0 =	vshrl.u32 v0, $0x10;
	[tilespmem:$0x1E420] =	vst v49  }
0xd8: {  	[tilespmem:$0x1E620] =	vst v0  }
0xd9: {  	v0 =	vld [tilespmem:s13+$0x13A40];
	_ =	sdelay $0x4  }
0xda: {  	v50 =	vand.u32 $0xFFFF, v0  }
0xdb: {  	v0 =	vshrl.u32 v0, $0x10;
	[tilespmem:$0x1E430] =	vst v50  }
0xdc: {  	[tilespmem:$0x1E630] =	vst v0  }
0xdd: {  	v0 =	vld [tilespmem:s13+$0x13A50];
	_ =	sdelay $0x4  }
0xde: {  	v51 =	vand.u32 $0xFFFF, v0  }
0xdf: {  	v0 =	vshrl.u32 v0, $0x10;
	[tilespmem:$0x1E440] =	vst v51  }
0xe0: {  	[tilespmem:$0x1E640] =	vst v0  }
0xe1: {  	v0 =	vld [tilespmem:s13+$0x13A60];
	_ =	sdelay $0x4  }
0xe2: {  	v52 =	vand.u32 $0xFFFF, v0  }
0xe3: {  	v0 =	vshrl.u32 v0, $0x10;
	[tilespmem:$0x1E450] =	vst v52  }
0xe4: {  	[tilespmem:$0x1E650] =	vst v0  }
0xe5: {  	v0 =	vld [tilespmem:s13+$0x13A70];
	_ =	sdelay $0x4  }
0xe6: {  	v53 =	vand.u32 $0xFFFF, v0  }
0xe7: {  	v0 =	vshrl.u32 v0, $0x10;
	[tilespmem:$0x1E460] =	vst v53  }
0xe8: {  	[tilespmem:$0x1E660] =	vst v0  }
0xe9: {  	v0 =	vld [tilespmem:s13+$0x13A80];
	_ =	sdelay $0x4  }
0xea: {  	v54 =	vand.u32 $0xFFFF, v0  }
0xeb: {  	v0 =	vshrl.u32 v0, $0x10;
	[tilespmem:$0x1E470] =	vst v54  }
0xec: {  	[tilespmem:$0x1E670] =	vst v0  }
0xed: {  	_ =	swait.ge [sflag:s30], $0x4000  }
0xee: {  	[sflag:s30] =	ssyncset.done $0x0  }
0xef: {  	[sflag:s30] =	ssyncadd.s32 $0xFFFFC000  }
0xf0: {  	[spmem:s3] =	stream.indirect.scatter.add.f32 [tilespmem:s25], [sflag:$0x5], $0x80, s31, s22, $0xb8;
	[tilespmem:$0x1E800] =	vst v63  }
0xf1: {  	_ =	swait.ge [sflag:s19], $0x4000  }
0xf2: {  	[sflag:s19] =	ssyncset.done $0x0  }
0xf3: {  	[sflag:s19] =	ssyncadd.s32 $0xFFFFC000  }
0xf4: {  	[tilespmem:s25], [sflag:$0x2] =	stream.indirect.gather [hbm4b:s5+s22], $0x80, s1, s22, $0xb8;
	[tilespmem:$0x1E800] =	vst v63  }
0xf5: {  	v55 =	vld [tilespmem:s13+$0x13A90];
	_ =	sdelay $0x4  }
0xf6: {  	v56 =	vand.u32 $0xFFFF, v55  }
0xf7: {  	v0 =	vshrl.u32 v55, $0x10;
	[tilespmem:$0x1E500] =	vst v56  }
0xf8: {  	[tilespmem:$0x1E700] =	vst v0  }
0xf9: {  	v0 =	vld [tilespmem:s13+$0x13AA0];
	_ =	sdelay $0x4  }
0xfa: {  	v57 =	vand.u32 $0xFFFF, v0  }
0xfb: {  	v0 =	vshrl.u32 v0, $0x10;
	[tilespmem:$0x1E510] =	vst v57  }
0xfc: {  	[tilespmem:$0x1E710] =	vst v0  }
0xfd: {  	v0 =	vld [tilespmem:s13+$0x13AB0];
	_ =	sdelay $0x4  }
0xfe: {  	v58 =	vand.u32 $0xFFFF, v0  }
0xff: {  	v0 =	vshrl.u32 v0, $0x10;
	[tilespmem:$0x1E520] =	vst v58  }
0x100: {  	[tilespmem:$0x1E720] =	vst v0  }
0x101: {  	v0 =	vld [tilespmem:s13+$0x13AC0];
	_ =	sdelay $0x4  }
0x102: {  	v59 =	vand.u32 $0xFFFF, v0  }
0x103: {  	v0 =	vshrl.u32 v0, $0x10;
	[tilespmem:$0x1E530] =	vst v59  }
0x104: {  	[tilespmem:$0x1E730] =	vst v0  }
0x105: {  	v0 =	vld [tilespmem:s13+$0x13AD0];
	_ =	sdelay $0x4  }
0x106: {  	v60 =	vand.u32 $0xFFFF, v0  }
0x107: {  	v0 =	vshrl.u32 v0, $0x10;
	[tilespmem:$0x1E540] =	vst v60  }
0x108: {  	[tilespmem:$0x1E740] =	vst v0  }
0x109: {  	v0 =	vld [tilespmem:s13+$0x13AE0];
	_ =	sdelay $0x4  }
0x10a: {  	v61 =	vand.u32 $0xFFFF, v0  }
0x10b: {  	v0 =	vshrl.u32 v0, $0x10;
	[tilespmem:$0x1E550] =	vst v61  }
0x10c: {  	[tilespmem:$0x1E750] =	vst v0  }
0x10d: {  	v0 =	vld [tilespmem:s13+$0x13AF0];
	_ =	sdelay $0x4  }
0x10e: {  	v62 =	vand.u32 $0xFFFF, v0  }
0x10f: {  	v0 =	vshrl.u32 v0, $0x10;
	[tilespmem:$0x1E560] =	vst v62  }
0x110: {  	[tilespmem:$0x1E760] =	vst v0  }
0x111: {  	v0 =	vld [tilespmem:s13+$0x13B00];
	_ =	sdelay $0x4  }
0x112: {  	v63 =	vand.u32 $0xFFFF, v0  }
0x113: {  	v0 =	vshrl.u32 v0, $0x10;
	[tilespmem:$0x1E570] =	vst v63  }
0x114: {  	[tilespmem:$0x1E770] =	vst v0  }
.LBB2_5:
0x115: {  	_ =	swait.ge [sflag:s26], $0x4000  }
0x116: {  	[sflag:s26] =	ssyncset.done $0x0  }
.Ltmp4:
0x117: {  	[sflag:s26] =	ssyncadd.s32 $0xFFFFC000;
	(pc) =	sbr.rel @p0 .LBB2_7-.Ltmp4, $4  }
0x118: {  	[spmem:s3] =	stream.indirect.scatter.add.f32 [tilespmem:s18], [sflag:$0x5], $0x80, s0, s22, $0xb8;
	[tilespmem:$0x1E800] =	vst v63  }
0x119: {  	_ =	swait.ge [sflag:s19], $0x4000  }
0x11a: {  	[sflag:s19] =	ssyncset.done $0x0  }
0x11b: {  	[sflag:s19] =	ssyncadd.s32 $0xFFFFC000  }
0x11c: {  	[tilespmem:s18], [sflag:$0x1] =	stream.indirect.gather [hbm4b:s5+s22], $0x80, s23, s22, $0xb8;
	[tilespmem:$0x1E800] =	vst v63  }
0x11d: {  	s13 =	sshra.s32 s12, $0x2  }
0x11e: {  	v0 =	vld [tilespmem:s13+$0x13B10];
	_ =	sdelay $0x4  }
0x11f: {  	v1 =	vand.u32 $0xFFFF, v0  }
0x120: {  	v0 =	vshrl.u32 v0, $0x10;
	[tilespmem:$0x1E480] =	vst v1  }
0x121: {  	[tilespmem:$0x1E680] =	vst v0  }
0x122: {  	v0 =	vld [tilespmem:s13+$0x13B20];
	_ =	sdelay $0x4  }
0x123: {  	v48 =	vand.u32 $0xFFFF, v0  }
0x124: {  	v0 =	vshrl.u32 v0, $0x10;
	[tilespmem:$0x1E490] =	vst v48  }
0x125: {  	[tilespmem:$0x1E690] =	vst v0  }
0x126: {  	v0 =	vld [tilespmem:s13+$0x13B30];
	_ =	sdelay $0x4  }
0x127: {  	v49 =	vand.u32 $0xFFFF, v0  }
0x128: {  	v0 =	vshrl.u32 v0, $0x10;
	[tilespmem:$0x1E4A0] =	vst v49  }
0x129: {  	[tilespmem:$0x1E6A0] =	vst v0  }
0x12a: {  	v0 =	vld [tilespmem:s13+$0x13B40];
	_ =	sdelay $0x4  }
0x12b: {  	v50 =	vand.u32 $0xFFFF, v0  }
0x12c: {  	v0 =	vshrl.u32 v0, $0x10;
	[tilespmem:$0x1E4B0] =	vst v50  }
0x12d: {  	[tilespmem:$0x1E6B0] =	vst v0  }
0x12e: {  	v0 =	vld [tilespmem:s13+$0x13B50];
	_ =	sdelay $0x4  }
0x12f: {  	v51 =	vand.u32 $0xFFFF, v0  }
0x130: {  	v0 =	vshrl.u32 v0, $0x10;
	[tilespmem:$0x1E4C0] =	vst v51  }
0x131: {  	[tilespmem:$0x1E6C0] =	vst v0  }
0x132: {  	v0 =	vld [tilespmem:s13+$0x13B60];
	_ =	sdelay $0x4  }
0x133: {  	v52 =	vand.u32 $0xFFFF, v0  }
0x134: {  	v0 =	vshrl.u32 v0, $0x10;
	[tilespmem:$0x1E4D0] =	vst v52  }
0x135: {  	[tilespmem:$0x1E6D0] =	vst v0  }
0x136: {  	v0 =	vld [tilespmem:s13+$0x13B70];
	_ =	sdelay $0x4  }
0x137: {  	v53 =	vand.u32 $0xFFFF, v0  }
0x138: {  	v0 =	vshrl.u32 v0, $0x10;
	[tilespmem:$0x1E4E0] =	vst v53  }
0x139: {  	[tilespmem:$0x1E6E0] =	vst v0  }
0x13a: {  	v0 =	vld [tilespmem:s13+$0x13B80];
	_ =	sdelay $0x4  }
0x13b: {  	v54 =	vand.u32 $0xFFFF, v0  }
0x13c: {  	v0 =	vshrl.u32 v0, $0x10;
	[tilespmem:$0x1E4F0] =	vst v54  }
0x13d: {  	[tilespmem:$0x1E6F0] =	vst v0  }
0x13e: {  	_ =	swait.ge [sflag:s30], $0x4000  }
0x13f: {  	[sflag:s30] =	ssyncset.done $0x0  }
0x140: {  	[sflag:s30] =	ssyncadd.s32 $0xFFFFC000  }
0x141: {  	[spmem:s3] =	stream.indirect.scatter.add.f32 [tilespmem:s25], [sflag:$0x5], $0x80, s2, s22, $0xb8;
	[tilespmem:$0x1E800] =	vst v63  }
0x142: {  	_ =	swait.ge [sflag:s19], $0x4000  }
0x143: {  	[sflag:s19] =	ssyncset.done $0x0  }
0x144: {  	[sflag:s19] =	ssyncadd.s32 $0xFFFFC000  }
0x145: {  	[tilespmem:s25], [sflag:$0x2] =	stream.indirect.gather [hbm4b:s5+s22], $0x80, s24, s22, $0xb8;
	[tilespmem:$0x1E800] =	vst v63  }
0x146: {  	v55 =	vld [tilespmem:s13+$0x13B90];
	_ =	sdelay $0x4  }
0x147: {  	v56 =	vand.u32 $0xFFFF, v55  }
0x148: {  	v0 =	vshrl.u32 v55, $0x10;
	[tilespmem:$0x1E580] =	vst v56  }
0x149: {  	[tilespmem:$0x1E780] =	vst v0  }
0x14a: {  	v0 =	vld [tilespmem:s13+$0x13BA0];
	_ =	sdelay $0x4  }
0x14b: {  	v57 =	vand.u32 $0xFFFF, v0  }
0x14c: {  	v0 =	vshrl.u32 v0, $0x10;
	[tilespmem:$0x1E590] =	vst v57  }
0x14d: {  	[tilespmem:$0x1E790] =	vst v0  }
0x14e: {  	v0 =	vld [tilespmem:s13+$0x13BB0];
	_ =	sdelay $0x4  }
0x14f: {  	v58 =	vand.u32 $0xFFFF, v0  }
0x150: {  	v0 =	vshrl.u32 v0, $0x10;
	[tilespmem:$0x1E5A0] =	vst v58  }
0x151: {  	[tilespmem:$0x1E7A0] =	vst v0  }
0x152: {  	v0 =	vld [tilespmem:s13+$0x13BC0];
	_ =	sdelay $0x4  }
0x153: {  	v59 =	vand.u32 $0xFFFF, v0  }
0x154: {  	v0 =	vshrl.u32 v0, $0x10;
	[tilespmem:$0x1E5B0] =	vst v59  }
0x155: {  	[tilespmem:$0x1E7B0] =	vst v0  }
0x156: {  	v0 =	vld [tilespmem:s13+$0x13BD0];
	_ =	sdelay $0x4  }
0x157: {  	v60 =	vand.u32 $0xFFFF, v0  }
0x158: {  	v0 =	vshrl.u32 v0, $0x10;
	[tilespmem:$0x1E5C0] =	vst v60  }
0x159: {  	[tilespmem:$0x1E7C0] =	vst v0  }
0x15a: {  	v0 =	vld [tilespmem:s13+$0x13BE0];
	_ =	sdelay $0x4  }
0x15b: {  	v61 =	vand.u32 $0xFFFF, v0  }
0x15c: {  	v0 =	vshrl.u32 v0, $0x10;
	[tilespmem:$0x1E5D0] =	vst v61  }
0x15d: {  	[tilespmem:$0x1E7D0] =	vst v0  }
0x15e: {  	v0 =	vld [tilespmem:s13+$0x13BF0];
	_ =	sdelay $0x4  }
0x15f: {  	v62 =	vand.u32 $0xFFFF, v0  }
0x160: {  	v0 =	vshrl.u32 v0, $0x10;
	[tilespmem:$0x1E5E0] =	vst v62  }
0x161: {  	[tilespmem:$0x1E7E0] =	vst v0  }
0x162: {  	v0 =	vld [tilespmem:s13+$0x13C00];
	_ =	sdelay $0x2  }
.Ltmp5:
0x163: {  	_ = 	snop;
	(pc) =	sbr.rel .LBB2_2-.Ltmp5, $4  }
0x164: {  	_ = 	snop  }
0x165: {  	v63 =	vand.u32 $0xFFFF, v0  }
0x166: {  	v0 =	vshrl.u32 v0, $0x10;
	[tilespmem:$0x1E5F0] =	vst v63  }
0x167: {  	s12 =	sadd.s32 $0x800, s12;
	[tilespmem:$0x1E7F0] =	vst v0  }
.LBB2_8:
0x168: {  	_ =	sfence.sel $0x180000  }
0x169: {  	[bflag:$0x0] =	sbarrier.arrive $0xFFFF  }
0x16a: {  	_ =	strace $0x9000004A  }
0x16b: {  	s0 =	stileid.u32;
	[bflag:$0x2] =	sbarrier.arrive $0xFFFF  }
0x16c: {  	p0 =	sne.s32 s0, $0x0;
	s0 =	rddreg [dreg:$0x3]  }
0x16d: {  	s0 =	sadd.s32 @!p0 $0x100000, s0  }
0x16e: {  	[sflag:s0] =	ssyncadd.tile.s32 @!p0 $0x1;
	_ =	shalt  }
.Lfunc_end2:
_tile_overlayer_lowered:
.L_overlay_start_2:
0x16f: {  	(tag) =	ssettag $0x2  }
0x170: {  	s0 =	rddreg [dreg:$0x0];
	s2 =	stileid.u32  }
0x171: {  	s1 =	rddreg [dreg:$0x1];
	p0 =	sne.s32 s2, $0x0  }
0x172: {  	s3 =	rddreg [dreg:$0x2];
	[bflag:$0x3] =	sbarrier.arrive $0xFFFF;
	s2 =	simm.s32 @!p0 $0x1C05  }
0x173: {  	[timem:s3], [sflag:s2] =	dma.local @!p0 [hbm:s0], s1  }
0x174: {  	s0 =	simm.s32 @!p0 $0x5  }
0x175: {  	_ =	swait.ge @!p0 [sflag:s0], s1  }
0x176: {  	s1 =	ssub.s32 @!p0 $0x0, s1;
	[sflag:s0] =	ssyncset.done @!p0 $0x0  }
0x177: {  	[sflag:s0] =	ssyncadd.s32 @!p0 s1  }
0x178: {  	[bflag:$0x3] =	sbarrier.arrive $0xFFFF  }
0x179: {  	_ =	shalt  }

// kernel: kernel.15.cloned.1.call-start
scs
__scs_entry_jumppad:
0x0: {  	(pc) =	sbr.rel $0x88, $3  }
0x1: {  	(tag) =	ssettag $0x0;
	lr =	simm.s32 $0x1  }
0x2: {  	[smem:$0x3F96] =	sst lr;
	_ =	strace $0xD0000000  }
0x3: {  	_ = 	snop  }
0x4: {  	_ = 	snop  }
0x5: {  	_ = 	snop  }
0x6: {  	_ = 	snop  }
0x7: {  	_ = 	snop  }
__scs_overlays_trampoline_lowered:
0x8: {  	[smem:$0x3FA5] =	sst s0  }
0x9: {  	[smem:$0x3FA6] =	sst s1  }
0xa: {  	[smem:$0x3FA7] =	sst s2  }
0xb: {  	[smem:$0x3FA8] =	sst s3  }
0xc: {  	[smem:$0x3FA9] =	sst s4  }
0xd: {  	[smem:$0x3FAA] =	sst s5  }
0xe: {  	[smem:$0x3FAB] =	sst s6  }
0xf: {  	[smem:$0x3FAC] =	sst s7  }
0x10: {  	[smem:$0x3FAD] =	sst s8  }
0x11: {  	[smem:$0x3FAE] =	sst s9;
	s0 =	simm.s32 @!p0 $0x0  }
0x12: {  	s1 =	sld [smem:$0x3F94];
	s0 =	simm.s32 @p0 $0x1  }
0x13: {  	[smem:$0x3FAF] =	sst s0;
	s0 =	simm.s32 @!p1 $0x0  }
0x14: {  	s2 =	sld [smem:$0x3F93];
	s0 =	simm.s32 @p1 $0x1  }
0x15: {  	[smem:$0x3FB0] =	sst s0;
	s0 =	simm.s32 @!p2 $0x0  }
0x16: {  	s3 =	sld [smem:$0x3FDB];
	s0 =	simm.s32 @p2 $0x1  }
0x17: {  	s4 =	simm.s32 $0x1BF5;
	[smem:$0x3FB2] =	sst s0  }
0x18: {  	s0 =	sld [smem:$0x3F95];
	_ =	swait.ge [sflag:s4], $0x0  }
0x19: {  	s7 =	sld [smem:$0x3F96]  }
0x1a: {  	s8 =	sadd.s32 $0xFFFFE003, lr  }
0x1b: {  	s9 =	sadd.s32 $0xFFFFFEF7, lr;
	s5 =	simm.s32 $0xFFFFFFFF;
	p2 =	slt.u32 s8, $0xFFFFF086  }
0x1c: {  	p1 =	slt.u32 s9, $0xF7A;
	s5 =	simm.s32 @!p2 $0x0  }
0x1d: {  	s5 =	simm.s32 @p1 $0x1;
	p0 =	seq.s32 s7, s2  }
0x1e: {  	s7 =	smul.u32 @!p0 $0xF7A, s2;
	p2 =	seq.s32 @!p0 s5, $0x0  }
0x1f: {  	s9 =	smul.u32 $0xF7A, s1;
	s8 =	simm.s32 @!p0 $0x1BF5;
	p2 =	por !p2, p0  }
0x20: {  	[sflag:s8] =	ssyncset.s32 @!p0 $0xFFFFF086;
	s6 =	sadd.s32 @!p0 s3, s7;
	s7 =	simm.s32 @!p0 $0x108  }
0x21: {  	s3 =	sadd.s32 s3, s9;
	s6 =	sadd.s32 @!p0 $0x88, s6;
	s7 =	simm.s32 @p2 $0x1082  }
0x22: {  	[simem:s7], [sflag:s8] =	dma.local @!p0 [hbm:s6], $0xF7A  }
0x23: {  	s9 =	sor.u32 $0xD0000000, s2;
	s6 =	simm.s32 $0x108;
	_ =	swait.ge @!p0 [sflag:s8], $0x0  }
0x24: {  	s3 =	sadd.s32 $0x88, s3;
	s6 =	simm.s32 @!p1 $0x1082;
	[sflag:s4] =	ssyncset.s32 $0xFFFFF086  }
0x25: {  	[simem:s6], [sflag:s4] =	dma.local [hbm:s3], $0xF7A  }
0x26: {  	[smem:$0x3F96] =	sst s1;
	(tag) =	ssettag s2;
	_ =	strace s9  }
0x27: {  	s1 =	sld [smem:$0x3FA6]  }
0x28: {  	s2 =	sld [smem:$0x3FA7]  }
0x29: {  	s4 =	sld [smem:$0x3FA9]  }
0x2a: {  	p0 =	seq.s32 s5, $0x0;
	s5 =	sld [smem:$0x3FAA]  }
0x2b: {  	s6 =	sld [smem:$0x3FAB]  }
0x2c: {  	s7 =	sld [smem:$0x3FAC]  }
0x2d: {  	s3 =	simm.s32 $0x108;
	s8 =	sld [smem:$0x3FAD]  }
0x2e: {  	s3 =	simm.s32 @!p0 $0x1082;
	s9 =	sld [smem:$0x3FAE]  }
0x2f: {  	lr =	sadd.s32 s0, s3;
	s0 =	sld [smem:$0x3FA5]  }
0x30: {  	s3 =	sld [smem:$0x3FA8]  }
0x31: {  	[smem:$0x3FB1] =	sst s10  }
0x32: {  	s10 =	sld [smem:$0x3FAF];
	_ =	sdelay $0x3  }
0x33: {  	p0 =	seq.s32 s10, $0x1;
	s10 =	sld [smem:$0x3FB1];
	_ =	sdelay $0x3  }
0x34: {  	[smem:$0x3FB1] =	sst s10  }
0x35: {  	s10 =	sld [smem:$0x3FB0];
	_ =	sdelay $0x3  }
0x36: {  	p1 =	seq.s32 s10, $0x1;
	s10 =	sld [smem:$0x3FB1];
	_ =	sdelay $0x3  }
0x37: {  	[smem:$0x3FB1] =	sst s10  }
0x38: {  	s10 =	sld [smem:$0x3FB2]  }
0x39: {  	_ = 	snop;
	(pc) =	sbr.ind lr, $3  }
0x3a: {  	_ = 	snop  }
0x3b: {  	_ = 	snop  }
0x3c: {  	p2 =	seq.s32 s10, $0x1;
	s10 =	sld [smem:$0x3FB1]  }
0x3d: {  	_ =	shalt  }
0x3e: {  	_ =	shalt  }
0x3f: {  	_ =	shalt  }
0x40: {  	_ =	shalt  }
0x41: {  	_ =	shalt  }
0x42: {  	_ =	shalt  }
0x43: {  	_ =	shalt  }
0x44: {  	_ =	shalt  }
0x45: {  	_ =	shalt  }
0x46: {  	_ =	shalt  }
0x47: {  	_ =	shalt  }
0x48: {  	_ =	shalt  }
0x49: {  	_ =	shalt  }
0x4a: {  	_ =	shalt  }
0x4b: {  	_ =	shalt  }
0x4c: {  	_ =	shalt  }
0x4d: {  	_ =	shalt  }
0x4e: {  	_ =	shalt  }
0x4f: {  	_ =	shalt  }
0x50: {  	_ =	shalt  }
0x51: {  	_ =	shalt  }
0x52: {  	_ =	shalt  }
0x53: {  	_ =	shalt  }
0x54: {  	_ =	shalt  }
0x55: {  	_ =	shalt  }
0x56: {  	_ =	shalt  }
0x57: {  	_ =	shalt  }
0x58: {  	_ =	shalt  }
0x59: {  	_ =	shalt  }
0x5a: {  	_ =	shalt  }
0x5b: {  	_ =	shalt  }
0x5c: {  	_ =	shalt  }
0x5d: {  	_ =	shalt  }
0x5e: {  	_ =	shalt  }
0x5f: {  	_ =	shalt  }
0x60: {  	_ =	shalt  }
0x61: {  	_ =	shalt  }
0x62: {  	_ =	shalt  }
0x63: {  	_ =	shalt  }
0x64: {  	_ =	shalt  }
0x65: {  	_ =	shalt  }
0x66: {  	_ =	shalt  }
0x67: {  	_ =	shalt  }
0x68: {  	_ =	shalt  }
0x69: {  	_ =	shalt  }
0x6a: {  	_ =	shalt  }
0x6b: {  	_ =	shalt  }
0x6c: {  	_ =	shalt  }
0x6d: {  	_ =	shalt  }
0x6e: {  	_ =	shalt  }
0x6f: {  	_ =	shalt  }
0x70: {  	_ =	shalt  }
0x71: {  	_ =	shalt  }
0x72: {  	_ =	shalt  }
0x73: {  	_ =	shalt  }
0x74: {  	_ =	shalt  }
0x75: {  	_ =	shalt  }
0x76: {  	_ =	shalt  }
0x77: {  	_ =	shalt  }
0x78: {  	_ =	shalt  }
0x79: {  	_ =	shalt  }
0x7a: {  	_ =	shalt  }
0x7b: {  	_ =	shalt  }
0x7c: {  	_ =	shalt  }
0x7d: {  	_ =	shalt  }
0x7e: {  	_ =	shalt  }
0x7f: {  	_ =	shalt  }
0x80: {  	_ =	shalt  }
0x81: {  	_ =	shalt  }
0x82: {  	_ =	shalt  }
0x83: {  	_ =	shalt  }
0x84: {  	_ =	shalt  }
0x85: {  	_ =	shalt  }
0x86: {  	_ =	shalt  }
0x87: {  	_ =	shalt  }
.Lfunc_end0:
.L_simem_size_0:
called_computation.2_lowered:
.L_overlay_start_0:
0x88: {  	s2 =	sld [smem:$0x3FD9]  }
0x89: {  	s3 =	sld [smem:$0x3FFE];
	_ =	sdelay $0x1  }
0x8a: {  	s1 =	srdreg.scid  }
0x8b: {  	s0 =	sand.u32 $0x1, s1  }
0x8c: {  	s17 =	sshll.u32 s0, $0xA;
	s2 =	sadd.s32 s3, s2  }
0x8d: {  	s2 =	sadd.s32 s2, s17  }
0x8e: {  	[smem:$0x3FBD] =	sst s2  }
0x8f: {  	_ = 	snop  }
0x90: {  	s2 =	sld [smem:$0x3FD0];
	(tm) =	ssettm $0x1  }
0x91: {  	s18 =	sld [smem:$0x3FFB];
	_ =	sdelay $0x3  }
0x92: {  	_ =	strace s18  }
0x93: {  	s3 =	sld [smem:$0x3FFC];
	_ =	sdelay $0x3  }
0x94: {  	_ =	strace s3  }
0x95: {  	s3 =	sld [smem:$0x3FFD];
	_ =	sdelay $0x3  }
0x96: {  	_ =	strace s3  }
0x97: {  	_ =	strace $0x8FFFFFFF  }
0x98: {  	s19 =	sld [smem:$0x3FDB];
	_ =	sdelay $0x1  }
0x99: {  	s4 =	simm.s32 $_scs_section_size  }
0x9a: {  	s5 =	simm.s32 $_size__tile_overlayer_lowered;
	s6 =	simm.s32 $_tile_overlayer_lowered  }
0x9b: {  	s22 =	simm.s32 $0x1BFF;
	s21 =	sshll.u32 s6, $0x1;
	s3 =	sadd.s32 s4, s19  }
0x9c: {  	s7 =	simm.s32 $0x0;
	s20 =	sshll.u32 s5, $0x1;
	s5 =	sadd.s32 s21, s3  }
0x9d: {  	[timem:s7], [sflag:s22] =	dma.local [hbm:s5], s20  }
0x9e: {  	_ =	swait.ge [sflag:s22], s20  }
0x9f: {  	s4 =	ssub.s32 $0x0, s20;
	[sflag:s22] =	ssyncset.done $0x0  }
0xa0: {  	[sflag:s22] =	ssyncadd.s32 s4;
	_ =	sdelay $0x1  }
0xa1: {  	s23 =	simm.s32 $0x1B8B  }
0xa2: {  	_ =	swait.ge [sflag:s23], $0x1  }
0xa3: {  	[sflag:s23] =	ssyncset.done $0x0  }
0xa4: {  	s25 =	simm.s32 $0x1B8E;
	s24 =	sld [smem:$0x3FFE];
	[sflag:s23] =	ssyncadd.s32 $0xFFFFFFFF  }
0xa5: {  	s26 =	simm.s32 $execute0_lowered;
	[smem:$0x3FD2] =	sst s25  }
0xa6: {  	s5 =	sshll.u32 s26, $0x1;
	_ =	strace $0x8000004C;
	[dreg:$0x1] =	wrdreg $0xFFFFFFFF  }
0xa7: {  	s28 =	simm.s32 $_size_execute0_lowered;
	s3 =	sadd.s32 s3, s5;
	[dreg:$0x0] =	wrdreg $0x0  }
0xa8: {  	s5 =	sshll.u32 s28, $0x1;
	[dreg:$0x2] =	wrdreg s3  }
0xa9: {  	[dreg:$0x3] =	wrdreg s5  }
0xaa: {  	[dreg:$0x4] =	wrdreg $0xC0  }
0xab: {  	_ =	task [dreg:s7], $0x5FFFF  }
0xac: {  	[dreg:$0x1] =	wrdreg $0xFFFFFFFF  }
0xad: {  	[dreg:$0x0] =	wrdreg $0x60  }
0xae: {  	[dreg:$0x2] =	wrdreg s24  }
0xaf: {  	[dreg:$0x3] =	wrdreg s2  }
0xb0: {  	[dreg:$0x4] =	wrdreg $0x0  }
0xb1: {  	[dreg:$0x5] =	wrdreg $0x9  }
0xb2: {  	_ =	task.clear_ibuf [dreg:s7], $0x6FFFF;
	_ =	strace $0x9000004C  }
0xb3: {  	s29 =	simm.s32 $0x9;
	_ =	strace $0x8000004E  }
0xb4: {  	_ =	swait.ge [sflag:s29], $0x1  }
0xb5: {  	[sflag:s29] =	ssyncadd.s32 $0xFFFFFFFF  }
0xb6: {  	_ =	strace $0x9000004E  }
0xb7: {  	_ =	sfence  }
0xb8: {  	s30 =	sld [smem:$0x0];
	_ =	sdelay $0x2  }
0xb9: {  	s31 =	sshll.u32 s1, $0xD;
	s1 =	sshrl.u32 s1, $0x2  }
0xba: {  	s3 =	sand.u32 $0x4000, s31;
	s1 =	sadd.s32 s1, s30  }
0xbb: {  	s0 =	sor.u32 s3, s0;
	s1 =	sshll.u32 s1, $0x11  }
0xbc: {  	s0 =	sor.u32 s1, s0  }
0xbd: {  	s0 =	sadd.s32 $0x8F2B, s0  }
0xbe: {  	[sflag:s0] =	ssyncadd.remote.s32 $0x1  }
0xbf: {  	_ =	sfence.sel $0xFFFF  }
0xc0: {  	[dreg:$0x0] =	wrdreg $0xFFFFFFFF;
	(pc) =	sbr.abs _section_cstart, $3  }
0xc1: {  	[dreg:$0x1] =	wrdreg $0xFFFFFFFF  }
0xc2: {  	_ =	task.clear_ibuf [dreg:s7], $0x2FFFF;
	_ =	strace $0x9FFFFFFF  }
0xc3: {  	(tm) =	ssettm $0x7FFFFFFF  }
tec
execute0_lowered:
.L_overlay_start_1:
0x0: {  	(tag) =	ssettag $0x1  }
0x1: {  	s0 =	srdreg.scid;
	s1 =	rddreg [dreg:$0x0]  }
0x2: {  	s7 =	stileid.u32;
	s3 =	rddreg [dreg:$0x2];
	s4 =	simm.s32 $0x0  }
0x3: {  	s18 =	simm.s32 $0x16400;
	s19 =	simm.s32 $0x5;
	s28 =	simm.s32 $0x1E600  }
0x4: {  	s29 =	simm.s32 $0x1E480;
	s30 =	simm.s32 $0x2;
	s31 =	simm.s32 $0x1E700  }
0x5: {  	s0 =	sand.u32 $0x1, s0;
	[smem:$0x7FF] =	sst s4;
	s6 =	smul.u32 $0x4F000, s7  }
0x6: {  	s5 =	sadd.s32 $0xD800, s1;
	s11 =	smul.u32 $0x13C00, s7;
	s2 =	sshll.u32 s0, $0x4  }
0x7: {  	_ =	strace $0x8000004D;
	s20 =	ssub.s32 $0x2, s0;
	s0 =	smul.u32 $0x13C000, s0  }
0x8: {  	s2 =	sor.u32 s7, s2;
	s8 =	sshrl.u32 s20, $0x1;
	s6 =	sshrl.u32 s6, $0x2  }
0x9: {  	s12 =	sadd.s32 $0x4000, s11;
	s14 =	sadd.s32 $0x8000, s11;
	s15 =	sadd.s32 $0xC000, s11  }
0xa: {  	s16 =	sadd.s32 $0x10000, s11;
	s2 =	smul.u32 $0x500, s2;
	s13 =	ssub.s32 s20, s8  }
0xb: {  	s6 =	sadd.s32 s6, s3;
	s7 =	sadd.s32 s12, s3;
	s8 =	sadd.s32 s14, s3  }
0xc: {  	s9 =	sadd.s32 s15, s3;
	s10 =	sadd.s32 s16, s3;
	s11 =	sadd.s32 s11, s0  }
0xd: {  	s12 =	sadd.s32 s0, s12;
	s24 =	sadd.s32 s0, s14;
	s25 =	sadd.s32 s0, s15  }
0xe: {  	s0 =	sadd.s32 s0, s16;
	s20 =	simm.s32 $0x4;
	s21 =	sshrl.u32 s11, $0x3  }
0xf: {  	s22 =	sshrl.u32 s12, $0x3;
	s26 =	sshrl.u32 s25, $0x3;
	s0 =	sshrl.u32 s0, $0x3  }
0x10: {  	s17 =	smax.u32 s13, $0x1;
	s25 =	simm.s32 $0x1A400;
	s2 =	sadd.s32 s2, s1  }
0x11: {  	s11 =	simm.s32 $0x0;
	s1 =	sadd.s32 $0x35000, s1;
	s2 =	sadd.s32 $0x3800, s2  }
0x12: {  	s23 =	sadd.s32 s1, s22;
	s15 =	sadd.s32 s1, s26;
	s16 =	sadd.s32 s1, s0  }
.Ltmp0:
0x13: {  	s22 =	simm.s32 $0x80;
	s26 =	simm.s32 $0x1;
	(pc) =	sbr.rel .LBB2_1-.Ltmp0, $4  }
0x14: {  	s0 =	simm.s32 $0x1E680;
	[dreg:$0x4] =	wrdreg s2;
	s2 =	sadd.s32 s1, s21  }
0x15: {  	[dreg:$0x6] =	wrdreg s23;
	s21 =	simm.s32 $0x3;
	s23 =	simm.s32 $0x1E400  }
0x16: {  	[dreg:$0x5] =	wrdreg s2;
	s2 =	sshrl.u32 s24, $0x3;
	s24 =	simm.s32 $0x1E500  }
0x17: {  	s14 =	sadd.s32 s1, s2;
	s1 =	simm.s32 $0x1E580;
	s2 =	simm.s32 $0x1E780  }
.LBB2_7:
0x18: {  	_ =	swait.ge [sflag:s30], $0x4000  }
0x19: {  	[sflag:s30] =	ssyncset.done $0x0  }
0x1a: {  	[sflag:s30] =	ssyncadd.s32 $0xFFFFC000  }
0x1b: {  	[spmem:s3] =	stream.indirect.scatter.add.f32 [tilespmem:s25], [sflag:$0x5], $0x80, s2, s22, $0xb8;
	[tilespmem:$0x1E800] =	vst v63  }
0x1c: {  	_ =	swait.ge [sflag:s19], $0x4000  }
0x1d: {  	[sflag:s19] =	ssyncset.done $0x0  }
0x1e: {  	[sflag:s19] =	ssyncadd.s32 $0xFFFFC000  }
0x1f: {  	[bflag:$0x0] =	sbarrier.arrive $0xFFFF  }
0x20: {  	[tilespmem:s18], [sflag:$0x5] =	stream.linear.gather [spmem:s6], $0x4000, $0x38;
	[tilespmem:$0x1E800] =	vst v63  }
0x21: {  	_ =	swait.ge [sflag:s19], $0x4000  }
0x22: {  	[sflag:s19] =	ssyncset.done $0x0  }
0x23: {  	s12 =	rddreg [dreg:$0x5];
	[sflag:s19] =	ssyncadd.s32 $0xFFFFC000  }
0x24: {  	[hbm4b:s12+s4] =	stream.linear.scatter [tilespmem:s18], [sflag:$0x3], $0x4000, $0x38;
	[tilespmem:$0x1E800] =	vst v63  }
0x25: {  	_ = 	snop  }
0x26: {  	[tilespmem:s25], [sflag:$0x5] =	stream.linear.gather [spmem:s7], $0x4000, $0x38;
	[tilespmem:$0x1E800] =	vst v63  }
0x27: {  	_ =	swait.ge [sflag:s19], $0x4000  }
0x28: {  	[sflag:s19] =	ssyncset.done $0x0  }
0x29: {  	s13 =	rddreg [dreg:$0x6];
	[sflag:s19] =	ssyncadd.s32 $0xFFFFC000  }
0x2a: {  	[hbm4b:s13+s4] =	stream.linear.scatter [tilespmem:s25], [sflag:$0x4], $0x4000, $0x38;
	[tilespmem:$0x1E800] =	vst v63  }
0x2b: {  	_ =	swait.ge [sflag:s21], $0x4000  }
0x2c: {  	[sflag:s21] =	ssyncset.done $0x0  }
0x2d: {  	[sflag:s21] =	ssyncadd.s32 $0xFFFFC000  }
0x2e: {  	[tilespmem:s18], [sflag:$0x5] =	stream.linear.gather [spmem:s8], $0x4000, $0x38;
	[tilespmem:$0x1E800] =	vst v63  }
0x2f: {  	_ =	swait.ge [sflag:s19], $0x4000  }
0x30: {  	[sflag:s19] =	ssyncset.done $0x0  }
0x31: {  	[sflag:s19] =	ssyncadd.s32 $0xFFFFC000  }
0x32: {  	[hbm4b:s14+s4] =	stream.linear.scatter [tilespmem:s18], [sflag:$0x3], $0x4000, $0x38;
	[tilespmem:$0x1E800] =	vst v63  }
0x33: {  	_ =	swait.ge [sflag:s20], $0x4000  }
0x34: {  	[sflag:s20] =	ssyncset.done $0x0  }
0x35: {  	[sflag:s20] =	ssyncadd.s32 $0xFFFFC000  }
0x36: {  	[tilespmem:s25], [sflag:$0x5] =	stream.linear.gather [spmem:s9], $0x4000, $0x38;
	[tilespmem:$0x1E800] =	vst v63  }
0x37: {  	_ =	swait.ge [sflag:s19], $0x4000  }
0x38: {  	[sflag:s19] =	ssyncset.done $0x0  }
0x39: {  	[sflag:s19] =	ssyncadd.s32 $0xFFFFC000  }
0x3a: {  	[hbm4b:s15+s4] =	stream.linear.scatter [tilespmem:s25], [sflag:$0x4], $0x4000, $0x38;
	[tilespmem:$0x1E800] =	vst v63  }
0x3b: {  	_ =	swait.ge [sflag:s21], $0x4000  }
0x3c: {  	[sflag:s21] =	ssyncset.done $0x0  }
0x3d: {  	[sflag:s21] =	ssyncadd.s32 $0xFFFFC000  }
0x3e: {  	[tilespmem:s18], [sflag:$0x5] =	stream.linear.gather [spmem:s10], $0x3C00, $0x38;
	[tilespmem:$0x1E800] =	vst v63  }
0x3f: {  	_ =	swait.ge [sflag:s19], $0x3C00  }
0x40: {  	[sflag:s19] =	ssyncset.done $0x0  }
0x41: {  	s11 =	sadd.s32 $0x1, s11;
	[sflag:s19] =	ssyncadd.s32 $0xFFFFC400  }
0x42: {  	[hbm4b:s16+s4] =	stream.linear.scatter [tilespmem:s18], [sflag:$0x3], $0x3C00, $0x38;
	[tilespmem:$0x1E800] =	vst v63  }
0x43: {  	p0 =	sne.s32 s11, s17;
	_ =	swait.ge [sflag:s20], $0x4000  }
.Ltmp1:
0x44: {  	[sflag:s20] =	ssyncset.done $0x0;
	(pc) =	sbr.rel @!p0 .LBB2_8-.Ltmp1, $4  }
0x45: {  	[sflag:s20] =	ssyncadd.s32 $0xFFFFC000  }
0x46: {  	_ =	swait.ge [sflag:s21], $0x3C00  }
0x47: {  	[sflag:s21] =	ssyncset.done $0x0  }
0x48: {  	[sflag:s21] =	ssyncadd.s32 $0xFFFFC400  }
.LBB2_1:
0x49: {  	s12 =	rddreg [dreg:$0x1]  }
0x4a: {  	[tilespmem:s18], [sflag:$0x5] =	stream.linear.gather [hbm4b:s12+s4], $0x4000, $0x38;
	[tilespmem:$0x1E800] =	vst v63  }
0x4b: {  	_ =	swait.ge [sflag:s19], $0x4000  }
0x4c: {  	[sflag:s19] =	ssyncset.done $0x0  }
0x4d: {  	[sflag:s19] =	ssyncadd.s32 $0xFFFFC000  }
0x4e: {  	[spmem:s6] =	stream.linear.scatter [tilespmem:s18], [sflag:$0x3], $0x4000, $0x38;
	[tilespmem:$0x1E800] =	vst v63  }
0x4f: {  	_ = 	snop  }
0x50: {  	[spmem:s7] =	stream.linear.scatter [tilespmem:s18], [sflag:$0x3], $0x4000, $0x38;
	[tilespmem:$0x1E800] =	vst v63  }
0x51: {  	_ = 	snop  }
0x52: {  	[spmem:s8] =	stream.linear.scatter [tilespmem:s18], [sflag:$0x3], $0x4000, $0x38;
	[tilespmem:$0x1E800] =	vst v63  }
0x53: {  	_ = 	snop  }
0x54: {  	[spmem:s9] =	stream.linear.scatter [tilespmem:s18], [sflag:$0x3], $0x4000, $0x38;
	[tilespmem:$0x1E800] =	vst v63  }
0x55: {  	_ = 	snop  }
0x56: {  	[spmem:s10] =	stream.linear.scatter [tilespmem:s18], [sflag:$0x3], $0x3C00, $0x38;
	[tilespmem:$0x1E800] =	vst v63  }
0x57: {  	s13 =	simm.s32 $0x13C00;
	s12 =	rddreg [dreg:$0x4]  }
0x58: {  	[tilespmem:s13], [sflag:$0x5] =	stream.linear.gather [hbm4b:s12+s4], $0x2800, $0x38;
	[tilespmem:$0x1E800] =	vst v63  }
0x59: {  	_ =	swait.ge [sflag:s19], $0x2800  }
0x5a: {  	[sflag:s19] =	ssyncset.done $0x0  }
0x5b: {  	[sflag:s19] =	ssyncadd.s32 $0xFFFFD800  }
0x5c: {  	_ =	swait.ge [sflag:s21], $0x4000  }
0x5d: {  	[sflag:s21] =	ssyncset.done $0x0  }
0x5e: {  	[sflag:s21] =	ssyncadd.s32 $0xFFFFC000  }
0x5f: {  	_ =	swait.ge [sflag:s21], $0x4000  }
0x60: {  	[sflag:s21] =	ssyncset.done $0x0  }
0x61: {  	[sflag:s21] =	ssyncadd.s32 $0xFFFFC000  }
0x62: {  	_ =	swait.ge [sflag:s21], $0x4000  }
0x63: {  	[sflag:s21] =	ssyncset.done $0x0  }
0x64: {  	[sflag:s21] =	ssyncadd.s32 $0xFFFFC000  }
0x65: {  	_ =	swait.ge [sflag:s21], $0x4000  }
0x66: {  	[sflag:s21] =	ssyncset.done $0x0  }
0x67: {  	[sflag:s21] =	ssyncadd.s32 $0xFFFFC000  }
0x68: {  	_ =	swait.ge [sflag:s21], $0x3C00  }
0x69: {  	[sflag:s21] =	ssyncset.done $0x0  }
0x6a: {  	[sflag:s21] =	ssyncadd.s32 $0xFFFFC400  }
0x6b: {  	[bflag:$0x0] =	sbarrier.arrive $0xFFFF  }
0x6c: {  	v0 =	vld [tilespmem:$0x13C00];
	_ =	sdelay $0x1  }
0x6d: {  	v1 =	vld [tilespmem:$0x13C10];
	_ =	sdelay $0x1  }
0x6e: {  	v2 =	vld [tilespmem:$0x13C20]  }
0x6f: {  	v3 =	vand.u32 $0xFFFF, v0  }
0x70: {  	v34 =	vld [tilespmem:$0x13C30];
	v0 =	vshrl.u32 v0, $0x10;
	[tilespmem:$0x1E400] =	vst v3  }
0x71: {  	v35 =	vand.u32 $0xFFFF, v1;
	[tilespmem:$0x1E600] =	vst v0  }
0x72: {  	v37 =	vld [tilespmem:$0x13C40];
	v36 =	vshrl.u32 v1, $0x10;
	[tilespmem:$0x1E410] =	vst v35  }
0x73: {  	v38 =	vand.u32 $0xFFFF, v2;
	[tilespmem:$0x1E610] =	vst v36  }
0x74: {  	v40 =	vld [tilespmem:$0x13C50];
	v39 =	vshrl.u32 v2, $0x10;
	[tilespmem:$0x1E420] =	vst v38  }
0x75: {  	v41 =	vand.u32 $0xFFFF, v34;
	[tilespmem:$0x1E620] =	vst v39  }
0x76: {  	v43 =	vld [tilespmem:$0x13C60];
	v42 =	vshrl.u32 v34, $0x10;
	[tilespmem:$0x1E430] =	vst v41  }
0x77: {  	v44 =	vand.u32 $0xFFFF, v37;
	[tilespmem:$0x1E630] =	vst v42  }
0x78: {  	v46 =	vld [tilespmem:$0x13C70];
	v45 =	vshrl.u32 v37, $0x10;
	[tilespmem:$0x1E440] =	vst v44  }
0x79: {  	v47 =	vand.u32 $0xFFFF, v40;
	[tilespmem:$0x1E640] =	vst v45  }
0x7a: {  	v48 =	vshrl.u32 v40, $0x10;
	[tilespmem:$0x1E450] =	vst v47  }
0x7b: {  	v49 =	vand.u32 $0xFFFF, v43;
	[tilespmem:$0x1E650] =	vst v48  }
0x7c: {  	v50 =	vshrl.u32 v43, $0x10;
	[tilespmem:$0x1E460] =	vst v49  }
0x7d: {  	v51 =	vand.u32 $0xFFFF, v46;
	[tilespmem:$0x1E660] =	vst v50  }
0x7e: {  	v52 =	vshrl.u32 v46, $0x10;
	[tilespmem:$0x1E470] =	vst v51  }
0x7f: {  	[tilespmem:$0x1E670] =	vst v52  }
0x80: {  	[tilespmem:s18], [sflag:$0x1] =	stream.indirect.gather [hbm4b:s5+s22], $0x80, s23, s22, $0xb8;
	[tilespmem:$0x1E800] =	vst v63  }
0x81: {  	v53 =	vld [tilespmem:$0x13C80];
	_ =	sdelay $0x1  }
0x82: {  	v54 =	vld [tilespmem:$0x13C90];
	_ =	sdelay $0x1  }
0x83: {  	v55 =	vld [tilespmem:$0x13CA0]  }
0x84: {  	v56 =	vand.u32 $0xFFFF, v53  }
0x85: {  	v57 =	vld [tilespmem:$0x13CB0];
	v0 =	vshrl.u32 v53, $0x10;
	[tilespmem:$0x1E500] =	vst v56  }
0x86: {  	v58 =	vand.u32 $0xFFFF, v54;
	[tilespmem:$0x1E700] =	vst v0  }
0x87: {  	v60 =	vld [tilespmem:$0x13CC0];
	v59 =	vshrl.u32 v54, $0x10;
	[tilespmem:$0x1E510] =	vst v58  }
0x88: {  	v61 =	vand.u32 $0xFFFF, v55;
	[tilespmem:$0x1E710] =	vst v59  }
0x89: {  	v63 =	vld [tilespmem:$0x13CD0];
	v62 =	vshrl.u32 v55, $0x10;
	[tilespmem:$0x1E520] =	vst v61  }
0x8a: {  	v5 =	vand.u32 $0xFFFF, v57;
	[tilespmem:$0x1E720] =	vst v62  }
0x8b: {  	v7 =	vld [tilespmem:$0x13CE0];
	v6 =	vshrl.u32 v57, $0x10;
	[tilespmem:$0x1E530] =	vst v5  }
0x8c: {  	v8 =	vand.u32 $0xFFFF, v60;
	[tilespmem:$0x1E730] =	vst v6  }
0x8d: {  	v10 =	vld [tilespmem:$0x13CF0];
	v9 =	vshrl.u32 v60, $0x10;
	[tilespmem:$0x1E540] =	vst v8  }
0x8e: {  	v11 =	vand.u32 $0xFFFF, v63;
	[tilespmem:$0x1E740] =	vst v9  }
0x8f: {  	v12 =	vshrl.u32 v63, $0x10;
	[tilespmem:$0x1E550] =	vst v11  }
0x90: {  	v13 =	vand.u32 $0xFFFF, v7;
	[tilespmem:$0x1E750] =	vst v12  }
0x91: {  	v14 =	vshrl.u32 v7, $0x10;
	[tilespmem:$0x1E560] =	vst v13  }
0x92: {  	v15 =	vand.u32 $0xFFFF, v10;
	[tilespmem:$0x1E760] =	vst v14  }
0x93: {  	v16 =	vshrl.u32 v10, $0x10;
	[tilespmem:$0x1E570] =	vst v15  }
0x94: {  	[tilespmem:$0x1E770] =	vst v16  }
0x95: {  	[tilespmem:s25], [sflag:$0x2] =	stream.indirect.gather [hbm4b:s5+s22], $0x80, s24, s22, $0xb8;
	[tilespmem:$0x1E800] =	vst v63  }
0x96: {  	v17 =	vld [tilespmem:$0x13D00];
	_ =	sdelay $0x1  }
0x97: {  	v18 =	vld [tilespmem:$0x13D10];
	_ =	sdelay $0x1  }
0x98: {  	v19 =	vld [tilespmem:$0x13D20]  }
0x99: {  	v20 =	vand.u32 $0xFFFF, v17  }
0x9a: {  	v21 =	vld [tilespmem:$0x13D30];
	v0 =	vshrl.u32 v17, $0x10;
	[tilespmem:$0x1E480] =	vst v20  }
0x9b: {  	v22 =	vand.u32 $0xFFFF, v18;
	[tilespmem:$0x1E680] =	vst v0  }
0x9c: {  	v24 =	vld [tilespmem:$0x13D40];
	v23 =	vshrl.u32 v18, $0x10;
	[tilespmem:$0x1E490] =	vst v22  }
0x9d: {  	v25 =	vand.u32 $0xFFFF, v19;
	[tilespmem:$0x1E690] =	vst v23  }
0x9e: {  	v27 =	vld [tilespmem:$0x13D50];
	v26 =	vshrl.u32 v19, $0x10;
	[tilespmem:$0x1E4A0] =	vst v25  }
0x9f: {  	v28 =	vand.u32 $0xFFFF, v21;
	[tilespmem:$0x1E6A0] =	vst v26  }
0xa0: {  	v30 =	vld [tilespmem:$0x13D60];
	v29 =	vshrl.u32 v21, $0x10;
	[tilespmem:$0x1E4B0] =	vst v28  }
0xa1: {  	v31 =	vand.u32 $0xFFFF, v24;
	[tilespmem:$0x1E6B0] =	vst v29  }
0xa2: {  	v33 =	vld [tilespmem:$0x13D70];
	v32 =	vshrl.u32 v24, $0x10;
	[tilespmem:$0x1E4C0] =	vst v31  }
0xa3: {  	v34 =	vand.u32 $0xFFFF, v27;
	[tilespmem:$0x1E6C0] =	vst v32  }
0xa4: {  	v36 =	vld [tilespmem:$0x13D80];
	v35 =	vshrl.u32 v27, $0x10;
	[tilespmem:$0x1E4D0] =	vst v34  }
0xa5: {  	v37 =	vand.u32 $0xFFFF, v30;
	[tilespmem:$0x1E6D0] =	vst v35  }
0xa6: {  	v39 =	vld [tilespmem:$0x13D90];
	v38 =	vshrl.u32 v30, $0x10;
	[tilespmem:$0x1E4E0] =	vst v37  }
0xa7: {  	v40 =	vand.u32 $0xFFFF, v33;
	[tilespmem:$0x1E6E0] =	vst v38  }
0xa8: {  	v42 =	vld [tilespmem:$0x13DA0];
	v41 =	vshrl.u32 v33, $0x10;
	[tilespmem:$0x1E4F0] =	vst v40  }
0xa9: {  	v43 =	vand.u32 $0xFFFF, v36;
	[tilespmem:$0x1E6F0] =	vst v41  }
0xaa: {  	v45 =	vld [tilespmem:$0x13DB0];
	v44 =	vshrl.u32 v36, $0x10;
	[tilespmem:$0x1E580] =	vst v43  }
0xab: {  	v46 =	vand.u32 $0xFFFF, v39;
	[tilespmem:$0x1E780] =	vst v44  }
0xac: {  	v48 =	vld [tilespmem:$0x13DC0];
	v47 =	vshrl.u32 v39, $0x10;
	[tilespmem:$0x1E590] =	vst v46  }
0xad: {  	v49 =	vand.u32 $0xFFFF, v42;
	[tilespmem:$0x1E790] =	vst v47  }
0xae: {  	v51 =	vld [tilespmem:$0x13DD0];
	v50 =	vshrl.u32 v42, $0x10;
	[tilespmem:$0x1E5A0] =	vst v49  }
0xaf: {  	v52 =	vand.u32 $0xFFFF, v45;
	[tilespmem:$0x1E7A0] =	vst v50  }
0xb0: {  	v54 =	vld [tilespmem:$0x13DE0];
	v53 =	vshrl.u32 v45, $0x10;
	[tilespmem:$0x1E5B0] =	vst v52  }
0xb1: {  	v55 =	vand.u32 $0xFFFF, v48;
	[tilespmem:$0x1E7B0] =	vst v53  }
0xb2: {  	v57 =	vld [tilespmem:$0x13DF0];
	v56 =	vshrl.u32 v48, $0x10;
	[tilespmem:$0x1E5C0] =	vst v55  }
0xb3: {  	v58 =	vand.u32 $0xFFFF, v51;
	[tilespmem:$0x1E7C0] =	vst v56  }
0xb4: {  	v59 =	vshrl.u32 v51, $0x10;
	[tilespmem:$0x1E5D0] =	vst v58  }
0xb5: {  	v60 =	vand.u32 $0xFFFF, v54;
	[tilespmem:$0x1E7D0] =	vst v59  }
0xb6: {  	v61 =	vshrl.u32 v54, $0x10;
	[tilespmem:$0x1E5E0] =	vst v60  }
0xb7: {  	v62 =	vand.u32 $0xFFFF, v57;
	[tilespmem:$0x1E7E0] =	vst v61  }
0xb8: {  	v63 =	vshrl.u32 v57, $0x10;
	[tilespmem:$0x1E5F0] =	vst v62  }
0xb9: {  	s12 =	simm.s32 $0xFC0;
	[tilespmem:$0x1E7F0] =	vst v63  }
.LBB2_2:
0xba: {  	_ =	swait.ge [sflag:s26], $0x4000  }
0xbb: {  	[sflag:s26] =	ssyncset.done $0x0  }
0xbc: {  	p0 =	seq.s32 s12, $0xA7C0;
	[sflag:s26] =	ssyncadd.s32 $0xFFFFC000  }
0xbd: {  	[spmem:s3] =	stream.indirect.scatter.add.f32 [tilespmem:s18], [sflag:$0x5], $0x80, s28, s22, $0xb8;
	[tilespmem:$0x1E800] =	vst v63  }
.Ltmp2:
0xbe: {  	_ = 	snop;
	(pc) =	sbr.rel @!p0 .LBB2_3-.Ltmp2, $4  }
0xbf: {  	_ =	swait.ge [sflag:s19], $0x4000  }
0xc0: {  	[sflag:s19] =	ssyncset.done $0x0  }
0xc1: {  	[sflag:s19] =	ssyncadd.s32 $0xFFFFC000  }
0xc2: {  	[tilespmem:s18], [sflag:$0x1] =	stream.indirect.gather [hbm4b:s5+s22], $0x80, s29, s22, $0xb8;
	[tilespmem:$0x1E800] =	vst v63  }
0xc3: {  	_ =	swait.ge [sflag:s30], $0x4000  }
0xc4: {  	[sflag:s30] =	ssyncset.done $0x0  }
0xc5: {  	[sflag:s30] =	ssyncadd.s32 $0xFFFFC000  }
0xc6: {  	[spmem:s3] =	stream.indirect.scatter.add.f32 [tilespmem:s25], [sflag:$0x5], $0x80, s31, s22, $0xb8;
	[tilespmem:$0x1E800] =	vst v63  }
.Ltmp3:
0xc7: {  	_ = 	snop;
	(pc) =	sbr.rel .LBB2_5-.Ltmp3, $4  }
0xc8: {  	_ =	swait.ge [sflag:s19], $0x4000  }
0xc9: {  	[sflag:s19] =	ssyncset.done $0x0  }
0xca: {  	[sflag:s19] =	ssyncadd.s32 $0xFFFFC000  }
0xcb: {  	[tilespmem:s25], [sflag:$0x2] =	stream.indirect.gather [hbm4b:s5+s22], $0x80, s1, s22, $0xb8;
	[tilespmem:$0x1E800] =	vst v63  }
.LBB2_3:
0xcc: {  	s13 =	sshra.s32 s12, $0x2  }
0xcd: {  	v0 =	vld [tilespmem:s13+$0x13A10];
	_ =	sdelay $0x4  }
0xce: {  	v1 =	vand.u32 $0xFFFF, v0  }
0xcf: {  	v0 =	vshrl.u32 v0, $0x10;
	[tilespmem:$0x1E400] =	vst v1  }
0xd0: {  	[tilespmem:$0x1E600] =	vst v0  }
0xd1: {  	v0 =	vld [tilespmem:s13+$0x13A20];
	_ =	sdelay $0x4  }
0xd2: {  	v48 =	vand.u32 $0xFFFF, v0  }
0xd3: {  	v0 =	vshrl.u32 v0, $0x10;
	[tilespmem:$0x1E410] =	vst v48  }
0xd4: {  	[tilespmem:$0x1E610] =	vst v0  }
0xd5: {  	v0 =	vld [tilespmem:s13+$0x13A30];
	_ =	sdelay $0x4  }
0xd6: {  	v49 =	vand.u32 $0xFFFF, v0  }
0xd7: {  	v0 =	vshrl.u32 v0, $0x10;
	[tilespmem:$0x1E420] =	vst v49  }
0xd8: {  	[tilespmem:$0x1E620] =	vst v0  }
0xd9: {  	v0 =	vld [tilespmem:s13+$0x13A40];
	_ =	sdelay $0x4  }
0xda: {  	v50 =	vand.u32 $0xFFFF, v0  }
0xdb: {  	v0 =	vshrl.u32 v0, $0x10;
	[tilespmem:$0x1E430] =	vst v50  }
0xdc: {  	[tilespmem:$0x1E630] =	vst v0  }
0xdd: {  	v0 =	vld [tilespmem:s13+$0x13A50];
	_ =	sdelay $0x4  }
0xde: {  	v51 =	vand.u32 $0xFFFF, v0  }
0xdf: {  	v0 =	vshrl.u32 v0, $0x10;
	[tilespmem:$0x1E440] =	vst v51  }
0xe0: {  	[tilespmem:$0x1E640] =	vst v0  }
0xe1: {  	v0 =	vld [tilespmem:s13+$0x13A60];
	_ =	sdelay $0x4  }
0xe2: {  	v52 =	vand.u32 $0xFFFF, v0  }
0xe3: {  	v0 =	vshrl.u32 v0, $0x10;
	[tilespmem:$0x1E450] =	vst v52  }
0xe4: {  	[tilespmem:$0x1E650] =	vst v0  }
0xe5: {  	v0 =	vld [tilespmem:s13+$0x13A70];
	_ =	sdelay $0x4  }
0xe6: {  	v53 =	vand.u32 $0xFFFF, v0  }
0xe7: {  	v0 =	vshrl.u32 v0, $0x10;
	[tilespmem:$0x1E460] =	vst v53  }
0xe8: {  	[tilespmem:$0x1E660] =	vst v0  }
0xe9: {  	v0 =	vld [tilespmem:s13+$0x13A80];
	_ =	sdelay $0x4  }
0xea: {  	v54 =	vand.u32 $0xFFFF, v0  }
0xeb: {  	v0 =	vshrl.u32 v0, $0x10;
	[tilespmem:$0x1E470] =	vst v54  }
0xec: {  	[tilespmem:$0x1E670] =	vst v0  }
0xed: {  	_ =	swait.ge [sflag:s30], $0x4000  }
0xee: {  	[sflag:s30] =	ssyncset.done $0x0  }
0xef: {  	[sflag:s30] =	ssyncadd.s32 $0xFFFFC000  }
0xf0: {  	[spmem:s3] =	stream.indirect.scatter.add.f32 [tilespmem:s25], [sflag:$0x5], $0x80, s31, s22, $0xb8;
	[tilespmem:$0x1E800] =	vst v63  }
0xf1: {  	_ =	swait.ge [sflag:s19], $0x4000  }
0xf2: {  	[sflag:s19] =	ssyncset.done $0x0  }
0xf3: {  	[sflag:s19] =	ssyncadd.s32 $0xFFFFC000  }
0xf4: {  	[tilespmem:s25], [sflag:$0x2] =	stream.indirect.gather [hbm4b:s5+s22], $0x80, s1, s22, $0xb8;
	[tilespmem:$0x1E800] =	vst v63  }
0xf5: {  	v55 =	vld [tilespmem:s13+$0x13A90];
	_ =	sdelay $0x4  }
0xf6: {  	v56 =	vand.u32 $0xFFFF, v55  }
0xf7: {  	v0 =	vshrl.u32 v55, $0x10;
	[tilespmem:$0x1E500] =	vst v56  }
0xf8: {  	[tilespmem:$0x1E700] =	vst v0  }
0xf9: {  	v0 =	vld [tilespmem:s13+$0x13AA0];
	_ =	sdelay $0x4  }
0xfa: {  	v57 =	vand.u32 $0xFFFF, v0  }
0xfb: {  	v0 =	vshrl.u32 v0, $0x10;
	[tilespmem:$0x1E510] =	vst v57  }
0xfc: {  	[tilespmem:$0x1E710] =	vst v0  }
0xfd: {  	v0 =	vld [tilespmem:s13+$0x13AB0];
	_ =	sdelay $0x4  }
0xfe: {  	v58 =	vand.u32 $0xFFFF, v0  }
0xff: {  	v0 =	vshrl.u32 v0, $0x10;
	[tilespmem:$0x1E520] =	vst v58  }
0x100: {  	[tilespmem:$0x1E720] =	vst v0  }
0x101: {  	v0 =	vld [tilespmem:s13+$0x13AC0];
	_ =	sdelay $0x4  }
0x102: {  	v59 =	vand.u32 $0xFFFF, v0  }
0x103: {  	v0 =	vshrl.u32 v0, $0x10;
	[tilespmem:$0x1E530] =	vst v59  }
0x104: {  	[tilespmem:$0x1E730] =	vst v0  }
0x105: {  	v0 =	vld [tilespmem:s13+$0x13AD0];
	_ =	sdelay $0x4  }
0x106: {  	v60 =	vand.u32 $0xFFFF, v0  }
0x107: {  	v0 =	vshrl.u32 v0, $0x10;
	[tilespmem:$0x1E540] =	vst v60  }
0x108: {  	[tilespmem:$0x1E740] =	vst v0  }
0x109: {  	v0 =	vld [tilespmem:s13+$0x13AE0];
	_ =	sdelay $0x4  }
0x10a: {  	v61 =	vand.u32 $0xFFFF, v0  }
0x10b: {  	v0 =	vshrl.u32 v0, $0x10;
	[tilespmem:$0x1E550] =	vst v61  }
0x10c: {  	[tilespmem:$0x1E750] =	vst v0  }
0x10d: {  	v0 =	vld [tilespmem:s13+$0x13AF0];
	_ =	sdelay $0x4  }
0x10e: {  	v62 =	vand.u32 $0xFFFF, v0  }
0x10f: {  	v0 =	vshrl.u32 v0, $0x10;
	[tilespmem:$0x1E560] =	vst v62  }
0x110: {  	[tilespmem:$0x1E760] =	vst v0  }
0x111: {  	v0 =	vld [tilespmem:s13+$0x13B00];
	_ =	sdelay $0x4  }
0x112: {  	v63 =	vand.u32 $0xFFFF, v0  }
0x113: {  	v0 =	vshrl.u32 v0, $0x10;
	[tilespmem:$0x1E570] =	vst v63  }
0x114: {  	[tilespmem:$0x1E770] =	vst v0  }
.LBB2_5:
0x115: {  	_ =	swait.ge [sflag:s26], $0x4000  }
0x116: {  	[sflag:s26] =	ssyncset.done $0x0  }
.Ltmp4:
0x117: {  	[sflag:s26] =	ssyncadd.s32 $0xFFFFC000;
	(pc) =	sbr.rel @p0 .LBB2_7-.Ltmp4, $4  }
0x118: {  	[spmem:s3] =	stream.indirect.scatter.add.f32 [tilespmem:s18], [sflag:$0x5], $0x80, s0, s22, $0xb8;
	[tilespmem:$0x1E800] =	vst v63  }
0x119: {  	_ =	swait.ge [sflag:s19], $0x4000  }
0x11a: {  	[sflag:s19] =	ssyncset.done $0x0  }
0x11b: {  	[sflag:s19] =	ssyncadd.s32 $0xFFFFC000  }
0x11c: {  	[tilespmem:s18], [sflag:$0x1] =	stream.indirect.gather [hbm4b:s5+s22], $0x80, s23, s22, $0xb8;
	[tilespmem:$0x1E800] =	vst v63  }
0x11d: {  	s13 =	sshra.s32 s12, $0x2  }
0x11e: {  	v0 =	vld [tilespmem:s13+$0x13B10];
	_ =	sdelay $0x4  }
0x11f: {  	v1 =	vand.u32 $0xFFFF, v0  }
0x120: {  	v0 =	vshrl.u32 v0, $0x10;
	[tilespmem:$0x1E480] =	vst v1  }
0x121: {  	[tilespmem:$0x1E680] =	vst v0  }
0x122: {  	v0 =	vld [tilespmem:s13+$0x13B20];
	_ =	sdelay $0x4  }
0x123: {  	v48 =	vand.u32 $0xFFFF, v0  }
0x124: {  	v0 =	vshrl.u32 v0, $0x10;
	[tilespmem:$0x1E490] =	vst v48  }
0x125: {  	[tilespmem:$0x1E690] =	vst v0  }
0x126: {  	v0 =	vld [tilespmem:s13+$0x13B30];
	_ =	sdelay $0x4  }
0x127: {  	v49 =	vand.u32 $0xFFFF, v0  }
0x128: {  	v0 =	vshrl.u32 v0, $0x10;
	[tilespmem:$0x1E4A0] =	vst v49  }
0x129: {  	[tilespmem:$0x1E6A0] =	vst v0  }
0x12a: {  	v0 =	vld [tilespmem:s13+$0x13B40];
	_ =	sdelay $0x4  }
0x12b: {  	v50 =	vand.u32 $0xFFFF, v0  }
0x12c: {  	v0 =	vshrl.u32 v0, $0x10;
	[tilespmem:$0x1E4B0] =	vst v50  }
0x12d: {  	[tilespmem:$0x1E6B0] =	vst v0  }
0x12e: {  	v0 =	vld [tilespmem:s13+$0x13B50];
	_ =	sdelay $0x4  }
0x12f: {  	v51 =	vand.u32 $0xFFFF, v0  }
0x130: {  	v0 =	vshrl.u32 v0, $0x10;
	[tilespmem:$0x1E4C0] =	vst v51  }
0x131: {  	[tilespmem:$0x1E6C0] =	vst v0  }
0x132: {  	v0 =	vld [tilespmem:s13+$0x13B60];
	_ =	sdelay $0x4  }
0x133: {  	v52 =	vand.u32 $0xFFFF, v0  }
0x134: {  	v0 =	vshrl.u32 v0, $0x10;
	[tilespmem:$0x1E4D0] =	vst v52  }
0x135: {  	[tilespmem:$0x1E6D0] =	vst v0  }
0x136: {  	v0 =	vld [tilespmem:s13+$0x13B70];
	_ =	sdelay $0x4  }
0x137: {  	v53 =	vand.u32 $0xFFFF, v0  }
0x138: {  	v0 =	vshrl.u32 v0, $0x10;
	[tilespmem:$0x1E4E0] =	vst v53  }
0x139: {  	[tilespmem:$0x1E6E0] =	vst v0  }
0x13a: {  	v0 =	vld [tilespmem:s13+$0x13B80];
	_ =	sdelay $0x4  }
0x13b: {  	v54 =	vand.u32 $0xFFFF, v0  }
0x13c: {  	v0 =	vshrl.u32 v0, $0x10;
	[tilespmem:$0x1E4F0] =	vst v54  }
0x13d: {  	[tilespmem:$0x1E6F0] =	vst v0  }
0x13e: {  	_ =	swait.ge [sflag:s30], $0x4000  }
0x13f: {  	[sflag:s30] =	ssyncset.done $0x0  }
0x140: {  	[sflag:s30] =	ssyncadd.s32 $0xFFFFC000  }
0x141: {  	[spmem:s3] =	stream.indirect.scatter.add.f32 [tilespmem:s25], [sflag:$0x5], $0x80, s2, s22, $0xb8;
	[tilespmem:$0x1E800] =	vst v63  }
0x142: {  	_ =	swait.ge [sflag:s19], $0x4000  }
0x143: {  	[sflag:s19] =	ssyncset.done $0x0  }
0x144: {  	[sflag:s19] =	ssyncadd.s32 $0xFFFFC000  }
0x145: {  	[tilespmem:s25], [sflag:$0x2] =	stream.indirect.gather [hbm4b:s5+s22], $0x80, s24, s22, $0xb8;
	[tilespmem:$0x1E800] =	vst v63  }
0x146: {  	v55 =	vld [tilespmem:s13+$0x13B90];
	_ =	sdelay $0x4  }
0x147: {  	v56 =	vand.u32 $0xFFFF, v55  }
0x148: {  	v0 =	vshrl.u32 v55, $0x10;
	[tilespmem:$0x1E580] =	vst v56  }
0x149: {  	[tilespmem:$0x1E780] =	vst v0  }
0x14a: {  	v0 =	vld [tilespmem:s13+$0x13BA0];
	_ =	sdelay $0x4  }
0x14b: {  	v57 =	vand.u32 $0xFFFF, v0  }
0x14c: {  	v0 =	vshrl.u32 v0, $0x10;
	[tilespmem:$0x1E590] =	vst v57  }
0x14d: {  	[tilespmem:$0x1E790] =	vst v0  }
0x14e: {  	v0 =	vld [tilespmem:s13+$0x13BB0];
	_ =	sdelay $0x4  }
0x14f: {  	v58 =	vand.u32 $0xFFFF, v0  }
0x150: {  	v0 =	vshrl.u32 v0, $0x10;
	[tilespmem:$0x1E5A0] =	vst v58  }
0x151: {  	[tilespmem:$0x1E7A0] =	vst v0  }
0x152: {  	v0 =	vld [tilespmem:s13+$0x13BC0];
	_ =	sdelay $0x4  }
0x153: {  	v59 =	vand.u32 $0xFFFF, v0  }
0x154: {  	v0 =	vshrl.u32 v0, $0x10;
	[tilespmem:$0x1E5B0] =	vst v59  }
0x155: {  	[tilespmem:$0x1E7B0] =	vst v0  }
0x156: {  	v0 =	vld [tilespmem:s13+$0x13BD0];
	_ =	sdelay $0x4  }
0x157: {  	v60 =	vand.u32 $0xFFFF, v0  }
0x158: {  	v0 =	vshrl.u32 v0, $0x10;
	[tilespmem:$0x1E5C0] =	vst v60  }
0x159: {  	[tilespmem:$0x1E7C0] =	vst v0  }
0x15a: {  	v0 =	vld [tilespmem:s13+$0x13BE0];
	_ =	sdelay $0x4  }
0x15b: {  	v61 =	vand.u32 $0xFFFF, v0  }
0x15c: {  	v0 =	vshrl.u32 v0, $0x10;
	[tilespmem:$0x1E5D0] =	vst v61  }
0x15d: {  	[tilespmem:$0x1E7D0] =	vst v0  }
0x15e: {  	v0 =	vld [tilespmem:s13+$0x13BF0];
	_ =	sdelay $0x4  }
0x15f: {  	v62 =	vand.u32 $0xFFFF, v0  }
0x160: {  	v0 =	vshrl.u32 v0, $0x10;
	[tilespmem:$0x1E5E0] =	vst v62  }
0x161: {  	[tilespmem:$0x1E7E0] =	vst v0  }
0x162: {  	v0 =	vld [tilespmem:s13+$0x13C00];
	_ =	sdelay $0x2  }
.Ltmp5:
0x163: {  	_ = 	snop;
	(pc) =	sbr.rel .LBB2_2-.Ltmp5, $4  }
0x164: {  	_ = 	snop  }
0x165: {  	v63 =	vand.u32 $0xFFFF, v0  }
0x166: {  	v0 =	vshrl.u32 v0, $0x10;
	[tilespmem:$0x1E5F0] =	vst v63  }
0x167: {  	s12 =	sadd.s32 $0x800, s12;
	[tilespmem:$0x1E7F0] =	vst v0  }
.LBB2_8:
0x168: {  	_ =	sfence.sel $0x180000  }
0x169: {  	[bflag:$0x0] =	sbarrier.arrive $0xFFFF  }
0x16a: {  	_ =	strace $0x9000004D  }
0x16b: {  	s0 =	stileid.u32;
	[bflag:$0x2] =	sbarrier.arrive $0xFFFF  }
0x16c: {  	p0 =	sne.s32 s0, $0x0;
	s0 =	rddreg [dreg:$0x3]  }
0x16d: {  	s0 =	sadd.s32 @!p0 $0x100000, s0  }
0x16e: {  	[sflag:s0] =	ssyncadd.tile.s32 @!p0 $0x1;
	_ =	shalt  }
.Lfunc_end2:
_tile_overlayer_lowered:
.L_overlay_start_2:
0x16f: {  	(tag) =	ssettag $0x2  }
0x170: {  	s0 =	rddreg [dreg:$0x0];
	s2 =	stileid.u32  }
0x171: {  	s1 =	rddreg [dreg:$0x1];
	p0 =	sne.s32 s2, $0x0  }
0x172: {  	s3 =	rddreg [dreg:$0x2];
	[bflag:$0x3] =	sbarrier.arrive $0xFFFF;
	s2 =	simm.s32 @!p0 $0x1C05  }
0x173: {  	[timem:s3], [sflag:s2] =	dma.local @!p0 [hbm:s0], s1  }
0x174: {  	s0 =	simm.s32 @!p0 $0x5  }
0x175: {  	_ =	swait.ge @!p0 [sflag:s0], s1  }
0x176: {  	s1 =	ssub.s32 @!p0 $0x0, s1;
	[sflag:s0] =	ssyncset.done @!p0 $0x0  }
0x177: {  	[sflag:s0] =	ssyncadd.s32 @!p0 s1  }
0x178: {  	[bflag:$0x3] =	sbarrier.arrive $0xFFFF  }
0x179: {  	_ =	shalt  }

// kernel: kernel.9.cloned.1.call-start
scs
__scs_entry_jumppad:
0x0: {  	(pc) =	sbr.rel $0x88, $3  }
0x1: {  	(tag) =	ssettag $0x0;
	lr =	simm.s32 $0x1  }
0x2: {  	[smem:$0x3F96] =	sst lr;
	_ =	strace $0xD0000000  }
0x3: {  	_ = 	snop  }
0x4: {  	_ = 	snop  }
0x5: {  	_ = 	snop  }
0x6: {  	_ = 	snop  }
0x7: {  	_ = 	snop  }
__scs_overlays_trampoline_lowered:
0x8: {  	[smem:$0x3FA5] =	sst s0  }
0x9: {  	[smem:$0x3FA6] =	sst s1  }
0xa: {  	[smem:$0x3FA7] =	sst s2  }
0xb: {  	[smem:$0x3FA8] =	sst s3  }
0xc: {  	[smem:$0x3FA9] =	sst s4  }
0xd: {  	[smem:$0x3FAA] =	sst s5  }
0xe: {  	[smem:$0x3FAB] =	sst s6  }
0xf: {  	[smem:$0x3FAC] =	sst s7  }
0x10: {  	[smem:$0x3FAD] =	sst s8  }
0x11: {  	[smem:$0x3FAE] =	sst s9;
	s0 =	simm.s32 @!p0 $0x0  }
0x12: {  	s1 =	sld [smem:$0x3F94];
	s0 =	simm.s32 @p0 $0x1  }
0x13: {  	[smem:$0x3FAF] =	sst s0;
	s0 =	simm.s32 @!p1 $0x0  }
0x14: {  	s2 =	sld [smem:$0x3F93];
	s0 =	simm.s32 @p1 $0x1  }
0x15: {  	[smem:$0x3FB0] =	sst s0;
	s0 =	simm.s32 @!p2 $0x0  }
0x16: {  	s3 =	sld [smem:$0x3FDB];
	s0 =	simm.s32 @p2 $0x1  }
0x17: {  	s4 =	simm.s32 $0x1BF5;
	[smem:$0x3FB2] =	sst s0  }
0x18: {  	s0 =	sld [smem:$0x3F95];
	_ =	swait.ge [sflag:s4], $0x0  }
0x19: {  	s7 =	sld [smem:$0x3F96]  }
0x1a: {  	s8 =	sadd.s32 $0xFFFFE003, lr  }
0x1b: {  	s9 =	sadd.s32 $0xFFFFFEF7, lr;
	s5 =	simm.s32 $0xFFFFFFFF;
	p2 =	slt.u32 s8, $0xFFFFF086  }
0x1c: {  	p1 =	slt.u32 s9, $0xF7A;
	s5 =	simm.s32 @!p2 $0x0  }
0x1d: {  	s5 =	simm.s32 @p1 $0x1;
	p0 =	seq.s32 s7, s2  }
0x1e: {  	s7 =	smul.u32 @!p0 $0xF7A, s2;
	p2 =	seq.s32 @!p0 s5, $0x0  }
0x1f: {  	s9 =	smul.u32 $0xF7A, s1;
	s8 =	simm.s32 @!p0 $0x1BF5;
	p2 =	por !p2, p0  }
0x20: {  	[sflag:s8] =	ssyncset.s32 @!p0 $0xFFFFF086;
	s6 =	sadd.s32 @!p0 s3, s7;
	s7 =	simm.s32 @!p0 $0x108  }
0x21: {  	s3 =	sadd.s32 s3, s9;
	s6 =	sadd.s32 @!p0 $0x88, s6;
	s7 =	simm.s32 @p2 $0x1082  }
0x22: {  	[simem:s7], [sflag:s8] =	dma.local @!p0 [hbm:s6], $0xF7A  }
0x23: {  	s9 =	sor.u32 $0xD0000000, s2;
	s6 =	simm.s32 $0x108;
	_ =	swait.ge @!p0 [sflag:s8], $0x0  }
0x24: {  	s3 =	sadd.s32 $0x88, s3;
	s6 =	simm.s32 @!p1 $0x1082;
	[sflag:s4] =	ssyncset.s32 $0xFFFFF086  }
0x25: {  	[simem:s6], [sflag:s4] =	dma.local [hbm:s3], $0xF7A  }
0x26: {  	[smem:$0x3F96] =	sst s1;
	(tag) =	ssettag s2;
	_ =	strace s9  }
0x27: {  	s1 =	sld [smem:$0x3FA6]  }
0x28: {  	s2 =	sld [smem:$0x3FA7]  }
0x29: {  	s4 =	sld [smem:$0x3FA9]  }
0x2a: {  	p0 =	seq.s32 s5, $0x0;
	s5 =	sld [smem:$0x3FAA]  }
0x2b: {  	s6 =	sld [smem:$0x3FAB]  }
0x2c: {  	s7 =	sld [smem:$0x3FAC]  }
0x2d: {  	s3 =	simm.s32 $0x108;
	s8 =	sld [smem:$0x3FAD]  }
0x2e: {  	s3 =	simm.s32 @!p0 $0x1082;
	s9 =	sld [smem:$0x3FAE]  }
0x2f: {  	lr =	sadd.s32 s0, s3;
	s0 =	sld [smem:$0x3FA5]  }
0x30: {  	s3 =	sld [smem:$0x3FA8]  }
0x31: {  	[smem:$0x3FB1] =	sst s10  }
0x32: {  	s10 =	sld [smem:$0x3FAF];
	_ =	sdelay $0x3  }
0x33: {  	p0 =	seq.s32 s10, $0x1;
	s10 =	sld [smem:$0x3FB1];
	_ =	sdelay $0x3  }
0x34: {  	[smem:$0x3FB1] =	sst s10  }
0x35: {  	s10 =	sld [smem:$0x3FB0];
	_ =	sdelay $0x3  }
0x36: {  	p1 =	seq.s32 s10, $0x1;
	s10 =	sld [smem:$0x3FB1];
	_ =	sdelay $0x3  }
0x37: {  	[smem:$0x3FB1] =	sst s10  }
0x38: {  	s10 =	sld [smem:$0x3FB2]  }
0x39: {  	_ = 	snop;
	(pc) =	sbr.ind lr, $3  }
0x3a: {  	_ = 	snop  }
0x3b: {  	_ = 	snop  }
0x3c: {  	p2 =	seq.s32 s10, $0x1;
	s10 =	sld [smem:$0x3FB1]  }
0x3d: {  	_ =	shalt  }
0x3e: {  	_ =	shalt  }
0x3f: {  	_ =	shalt  }
0x40: {  	_ =	shalt  }
0x41: {  	_ =	shalt  }
0x42: {  	_ =	shalt  }
0x43: {  	_ =	shalt  }
0x44: {  	_ =	shalt  }
0x45: {  	_ =	shalt  }
0x46: {  	_ =	shalt  }
0x47: {  	_ =	shalt  }
0x48: {  	_ =	shalt  }
0x49: {  	_ =	shalt  }
0x4a: {  	_ =	shalt  }
0x4b: {  	_ =	shalt  }
0x4c: {  	_ =	shalt  }
0x4d: {  	_ =	shalt  }
0x4e: {  	_ =	shalt  }
0x4f: {  	_ =	shalt  }
0x50: {  	_ =	shalt  }
0x51: {  	_ =	shalt  }
0x52: {  	_ =	shalt  }
0x53: {  	_ =	shalt  }
0x54: {  	_ =	shalt  }
0x55: {  	_ =	shalt  }
0x56: {  	_ =	shalt  }
0x57: {  	_ =	shalt  }
0x58: {  	_ =	shalt  }
0x59: {  	_ =	shalt  }
0x5a: {  	_ =	shalt  }
0x5b: {  	_ =	shalt  }
0x5c: {  	_ =	shalt  }
0x5d: {  	_ =	shalt  }
0x5e: {  	_ =	shalt  }
0x5f: {  	_ =	shalt  }
0x60: {  	_ =	shalt  }
0x61: {  	_ =	shalt  }
0x62: {  	_ =	shalt  }
0x63: {  	_ =	shalt  }
0x64: {  	_ =	shalt  }
0x65: {  	_ =	shalt  }
0x66: {  	_ =	shalt  }
0x67: {  	_ =	shalt  }
0x68: {  	_ =	shalt  }
0x69: {  	_ =	shalt  }
0x6a: {  	_ =	shalt  }
0x6b: {  	_ =	shalt  }
0x6c: {  	_ =	shalt  }
0x6d: {  	_ =	shalt  }
0x6e: {  	_ =	shalt  }
0x6f: {  	_ =	shalt  }
0x70: {  	_ =	shalt  }
0x71: {  	_ =	shalt  }
0x72: {  	_ =	shalt  }
0x73: {  	_ =	shalt  }
0x74: {  	_ =	shalt  }
0x75: {  	_ =	shalt  }
0x76: {  	_ =	shalt  }
0x77: {  	_ =	shalt  }
0x78: {  	_ =	shalt  }
0x79: {  	_ =	shalt  }
0x7a: {  	_ =	shalt  }
0x7b: {  	_ =	shalt  }
0x7c: {  	_ =	shalt  }
0x7d: {  	_ =	shalt  }
0x7e: {  	_ =	shalt  }
0x7f: {  	_ =	shalt  }
0x80: {  	_ =	shalt  }
0x81: {  	_ =	shalt  }
0x82: {  	_ =	shalt  }
0x83: {  	_ =	shalt  }
0x84: {  	_ =	shalt  }
0x85: {  	_ =	shalt  }
0x86: {  	_ =	shalt  }
0x87: {  	_ =	shalt  }
.Lfunc_end0:
.L_simem_size_0:
called_computation_lowered:
.L_overlay_start_0:
0x88: {  	s2 =	sld [smem:$0x3FD9]  }
0x89: {  	s3 =	sld [smem:$0x3FFE];
	_ =	sdelay $0x1  }
0x8a: {  	s1 =	srdreg.scid  }
0x8b: {  	s0 =	sand.u32 $0x1, s1  }
0x8c: {  	s17 =	sshll.u32 s0, $0xA;
	s2 =	sadd.s32 s3, s2  }
0x8d: {  	s2 =	sadd.s32 s2, s17  }
0x8e: {  	[smem:$0x3FBD] =	sst s2  }
0x8f: {  	_ = 	snop  }
0x90: {  	s2 =	sld [smem:$0x3FD0];
	(tm) =	ssettm $0x1  }
0x91: {  	s18 =	sld [smem:$0x3FFB];
	_ =	sdelay $0x3  }
0x92: {  	_ =	strace s18  }
0x93: {  	s3 =	sld [smem:$0x3FFC];
	_ =	sdelay $0x3  }
0x94: {  	_ =	strace s3  }
0x95: {  	s3 =	sld [smem:$0x3FFD];
	_ =	sdelay $0x3  }
0x96: {  	_ =	strace s3  }
0x97: {  	_ =	strace $0x8FFFFFFF  }
0x98: {  	s19 =	sld [smem:$0x3FDB];
	_ =	sdelay $0x1  }
0x99: {  	s4 =	simm.s32 $_scs_section_size  }
0x9a: {  	s5 =	simm.s32 $_size__tile_overlayer_lowered;
	s6 =	simm.s32 $_tile_overlayer_lowered  }
0x9b: {  	s22 =	simm.s32 $0x1BFF;
	s21 =	sshll.u32 s6, $0x1;
	s3 =	sadd.s32 s4, s19  }
0x9c: {  	s7 =	simm.s32 $0x0;
	s20 =	sshll.u32 s5, $0x1;
	s5 =	sadd.s32 s21, s3  }
0x9d: {  	[timem:s7], [sflag:s22] =	dma.local [hbm:s5], s20  }
0x9e: {  	_ =	swait.ge [sflag:s22], s20  }
0x9f: {  	s4 =	ssub.s32 $0x0, s20;
	[sflag:s22] =	ssyncset.done $0x0  }
0xa0: {  	[sflag:s22] =	ssyncadd.s32 s4;
	_ =	sdelay $0x1  }
0xa1: {  	s23 =	simm.s32 $0x1B8B  }
0xa2: {  	_ =	swait.ge [sflag:s23], $0x1  }
0xa3: {  	[sflag:s23] =	ssyncset.done $0x0  }
0xa4: {  	s25 =	simm.s32 $0x1B8E;
	s24 =	sld [smem:$0x3FFE];
	[sflag:s23] =	ssyncadd.s32 $0xFFFFFFFF  }
0xa5: {  	s26 =	simm.s32 $execute0_lowered;
	[smem:$0x3FD2] =	sst s25  }
0xa6: {  	s5 =	sshll.u32 s26, $0x1;
	_ =	strace $0x80000046;
	[dreg:$0x1] =	wrdreg $0xFFFFFFFF  }
0xa7: {  	s28 =	simm.s32 $_size_execute0_lowered;
	s3 =	sadd.s32 s3, s5;
	[dreg:$0x0] =	wrdreg $0x0  }
0xa8: {  	s5 =	sshll.u32 s28, $0x1;
	[dreg:$0x2] =	wrdreg s3  }
0xa9: {  	[dreg:$0x3] =	wrdreg s5  }
0xaa: {  	[dreg:$0x4] =	wrdreg $0xC0  }
0xab: {  	_ =	task [dreg:s7], $0x5FFFF  }
0xac: {  	[dreg:$0x1] =	wrdreg $0xFFFFFFFF  }
0xad: {  	[dreg:$0x0] =	wrdreg $0x60  }
0xae: {  	[dreg:$0x2] =	wrdreg s2  }
0xaf: {  	[dreg:$0x3] =	wrdreg s24  }
0xb0: {  	[dreg:$0x4] =	wrdreg $0x0  }
0xb1: {  	[dreg:$0x5] =	wrdreg $0x9  }
0xb2: {  	_ =	task.clear_ibuf [dreg:s7], $0x6FFFF;
	_ =	strace $0x90000046  }
0xb3: {  	s29 =	simm.s32 $0x9;
	_ =	strace $0x80000048  }
0xb4: {  	_ =	swait.ge [sflag:s29], $0x1  }
0xb5: {  	[sflag:s29] =	ssyncadd.s32 $0xFFFFFFFF  }
0xb6: {  	_ =	strace $0x90000048  }
0xb7: {  	_ =	sfence  }
0xb8: {  	s30 =	sld [smem:$0x0];
	_ =	sdelay $0x2  }
0xb9: {  	s31 =	sshll.u32 s1, $0xD;
	s1 =	sshrl.u32 s1, $0x2  }
0xba: {  	s3 =	sand.u32 $0x4000, s31;
	s1 =	sadd.s32 s1, s30  }
0xbb: {  	s0 =	sor.u32 s3, s0;
	s1 =	sshll.u32 s1, $0x11  }
0xbc: {  	s0 =	sor.u32 s1, s0  }
0xbd: {  	s0 =	sadd.s32 $0x8F2B, s0  }
0xbe: {  	[sflag:s0] =	ssyncadd.remote.s32 $0x1  }
0xbf: {  	_ =	sfence.sel $0xFFFF  }
0xc0: {  	[dreg:$0x0] =	wrdreg $0xFFFFFFFF;
	(pc) =	sbr.abs _section_cstart, $3  }
0xc1: {  	[dreg:$0x1] =	wrdreg $0xFFFFFFFF  }
0xc2: {  	_ =	task.clear_ibuf [dreg:s7], $0x2FFFF;
	_ =	strace $0x9FFFFFFF  }
0xc3: {  	(tm) =	ssettm $0x7FFFFFFF  }
tec
execute0_lowered:
.L_overlay_start_1:
0x0: {  	(tag) =	ssettag $0x1  }
0x1: {  	s7 =	rddreg [dreg:$0x0]  }
0x2: {  	s6 =	rddreg [dreg:$0x1]  }
0x3: {  	s2 =	rddreg [dreg:$0x2]  }
0x4: {  	s0 =	rddreg [dreg:$0x3]  }
0x5: {  	s4 =	srdreg.scid;
	s1 =	stileid.u32;
	s3 =	simm.s32 $0x0  }
0x6: {  	s12 =	simm.s32 $0x2A78;
	s13 =	simm.s32 $0x278;
	s14 =	simm.s32 $0x80  }
0x7: {  	s15 =	simm.s32 $0x1;
	s5 =	sand.u32 $0x1, s4;
	s8 =	smul.u32 $0x278, s1  }
0x8: {  	s16 =	simm.s32 $0x0;
	[smem:$0x7FF] =	sst s3;
	s9 =	smul.u32 $0x2780, s5  }
0x9: {  	s4 =	sadd.s32 $0xD800, s6;
	_ =	strace $0x80000047;
	s10 =	sshll.u32 s5, $0x4  }
0xa: {  	s11 =	ssub.s32 $0x2, s5;
	s10 =	sor.u32 s1, s10;
	s9 =	sadd.s32 s8, s9  }
0xb: {  	s31 =	sshrl.u32 s11, $0x1;
	s10 =	smul.u32 $0x500, s10;
	s9 =	sshrl.u32 s9, $0x3  }
0xc: {  	s5 =	sadd.s32 $0xDA00, s6;
	s11 =	ssub.s32 s11, s31;
	s9 =	sadd.s32 s9, s6  }
0xd: {  	s6 =	sadd.s32 s8, s2;
	s7 =	sadd.s32 s7, s10;
	s10 =	simm.s32 $0x2AF8  }
0xe: {  	s8 =	sadd.s32 $0xDC00, s9;
	s9 =	smax.u32 s11, $0x1;
	s11 =	simm.s32 $0x2  }
.LBB2_1:
0xf: {  	[tilespmem:s10], [sflag:$0x2] =	stream.linear.gather [hbm4b:s5+s3], $0x280, $0x38;
	[tilespmem:$0x2D78] =	vst v63  }
0x10: {  	_ =	swait.ge [sflag:s11], $0x280  }
0x11: {  	[sflag:s11] =	ssyncset.done $0x0  }
0x12: {  	[sflag:s11] =	ssyncadd.s32 $0xFFFFFD80  }
0x13: {  	[spmem:s6] =	stream.linear.scatter [tilespmem:s10], [sflag:$0x2], $0x278, $0x38;
	[tilespmem:$0x2D78] =	vst v63  }
0x14: {  	_ =	swait.ge [sflag:s11], $0x278  }
0x15: {  	[sflag:s11] =	ssyncset.done $0x0  }
0x16: {  	[sflag:s11] =	ssyncadd.s32 $0xFFFFFD88  }
0x17: {  	[tilespmem:s12], [sflag:$0x2] =	stream.linear.gather [hbm4b:s4+s3], $0x80, $0x38;
	[tilespmem:$0x2D78] =	vst v63  }
0x18: {  	_ =	swait.ge [sflag:s11], $0x80  }
0x19: {  	[sflag:s11] =	ssyncset.done $0x0  }
0x1a: {  	[sflag:s11] =	ssyncadd.s32 $0xFFFFFF80  }
0x1b: {  	[tilespmem:s13], [sflag:$0x2] =	stream.linear.gather [hbm4b:s7+s3], $0x2800, $0x38;
	[tilespmem:$0x2D78] =	vst v63  }
0x1c: {  	_ =	swait.ge [sflag:s11], $0x2800  }
0x1d: {  	[sflag:s11] =	ssyncset.done $0x0  }
0x1e: {  	[sflag:s11] =	ssyncadd.s32 $0xFFFFD800  }
0x1f: {  	s17 =	simm.s32 $0x0;
	[bflag:$0x0] =	sbarrier.arrive $0xFFFF  }
.LBB2_2:
0x20: {  	p0 =	sne.s32 s17, $0x9E00  }
.Ltmp0:
0x21: {  	_ = 	snop;
	(pc) =	sbr.rel @p0 .LBB2_2-.Ltmp0, $4  }
0x22: {  	_ = 	snop  }
0x23: {  	s18 =	sshra.s32 s17, $0x2  }
0x24: {  	s17 =	sadd.s32 $0x200, s17;
	s18 =	sadd.s32 $0x278, s18  }
0x25: {  	[spmem:s2] =	stream.indirect.scatter.add.f32 [tilespmem:s12], [sflag:$0x1], $0x1, s18, s14, $0xb8;
	[tilespmem:$0x2D78] =	vst v63  }
0x26: {  	_ =	swait.ge [sflag:s15], $0x80  }
0x27: {  	s17 =	simm.s32 $0x4F;
	[sflag:s15] =	ssyncset.done $0x0  }
.LBB2_4:
0x28: {  	p0 =	sne.s32 s17, $0x1;
	s17 =	sadd.s32 $0xFFFFFFFF, s17;
	[sflag:s15] =	ssyncadd.s32 $0xFFFFFF80  }
.Ltmp1:
0x29: {  	(pc) =	sbr.rel @p0 .LBB2_4-.Ltmp1, $3  }
0x2a: {  	_ =	sdelay $0x1  }
0x2b: {  	_ =	swait.ge [sflag:s15], $0x80  }
0x2c: {  	[sflag:s15] =	ssyncset.done $0x0  }
0x2d: {  	[sflag:s15] =	ssyncadd.s32 $0xFFFFFF80  }
0x2e: {  	[bflag:$0x0] =	sbarrier.arrive $0xFFFF  }
0x2f: {  	[tilespmem:s10], [sflag:$0x2] =	stream.linear.gather [spmem:s6], $0x278, $0x38;
	[tilespmem:$0x2D78] =	vst v63  }
0x30: {  	s16 =	sadd.s32 $0x1, s16;
	_ =	swait.ge [sflag:s11], $0x278  }
0x31: {  	p0 =	sne.s32 s16, s9;
	[sflag:s11] =	ssyncset.done $0x0  }
.Ltmp2:
0x32: {  	[sflag:s11] =	ssyncadd.s32 $0xFFFFFD88;
	(pc) =	sbr.rel @p0 .LBB2_1-.Ltmp2, $4  }
0x33: {  	[hbm4b:s8+s3] =	stream.linear.scatter [tilespmem:s10], [sflag:$0x2], $0x278, $0x38;
	[tilespmem:$0x2D78] =	vst v63  }
0x34: {  	_ =	swait.ge [sflag:s11], $0x278  }
0x35: {  	[sflag:s11] =	ssyncset.done $0x0  }
0x36: {  	[sflag:s11] =	ssyncadd.s32 $0xFFFFFD88  }
0x37: {  	_ =	sfence.sel $0x180000  }
0x38: {  	[bflag:$0x0] =	sbarrier.arrive $0xFFFF  }
0x39: {  	p0 =	sne.s32 s1, $0x0;
	_ =	strace $0x90000047  }
0x3a: {  	s0 =	sadd.s32 @!p0 $0x100000, s0;
	[bflag:$0x2] =	sbarrier.arrive $0xFFFF  }
0x3b: {  	[sflag:s0] =	ssyncadd.tile.s32 @!p0 $0x1;
	_ =	shalt  }
.Lfunc_end2:
_tile_overlayer_lowered:
.L_overlay_start_2:
0x3c: {  	(tag) =	ssettag $0x2  }
0x3d: {  	s0 =	rddreg [dreg:$0x0];
	s2 =	stileid.u32  }
0x3e: {  	s1 =	rddreg [dreg:$0x1];
	p0 =	sne.s32 s2, $0x0  }
0x3f: {  	s3 =	rddreg [dreg:$0x2];
	[bflag:$0x3] =	sbarrier.arrive $0xFFFF;
	s2 =	simm.s32 @!p0 $0x1C02  }
0x40: {  	[timem:s3], [sflag:s2] =	dma.local @!p0 [hbm:s0], s1  }
0x41: {  	s0 =	simm.s32 @!p0 $0x2  }
0x42: {  	_ =	swait.ge @!p0 [sflag:s0], s1  }
0x43: {  	s1 =	ssub.s32 @!p0 $0x0, s1;
	[sflag:s0] =	ssyncset.done @!p0 $0x0  }
0x44: {  	[sflag:s0] =	ssyncadd.s32 @!p0 s1  }
0x45: {  	[bflag:$0x3] =	sbarrier.arrive $0xFFFF  }
0x46: {  	_ =	shalt  }

</sc_bundles>
